<compile_context>
chip_gen: v7x
topology: tpu7x:2x2x1
jax: 0.10.2.dev20260603
libtpu: 0.0.44.dev20260713+nightly
codegen_flags: <defaults>
</compile_context>

<pallas_src>
import functools

import jax
import jax.numpy as jnp
from jax import lax
from jax.experimental import pallas as pl
from jax.experimental.pallas import tpu as pltpu
from jax.experimental.pallas import tpu_sc as plsc

N_NODES = 10000
N_SAMPLE = 32
D_FEAT = 128
LANES = 16

NW = 32
R = 312
TAIL = N_NODES - NW * R
HBM_CHUNKS = ((0, 128),)
SPM_CHUNKS = ((128, 128), (256, 56))
ROWS_PER_TILE = 624
STAGE_TAIL = N_NODES - 16 * ROWS_PER_TILE


def _make_kernel():
    mesh = plsc.VectorSubcoreMesh(core_axis_name="c", subcore_axis_name="s")

    @functools.partial(
        pl.kernel,
        mesh=mesh,
        out_type=jax.ShapeDtypeStruct((N_NODES, D_FEAT), jnp.float32),
        scratch_types=[
            pltpu.VMEM((N_SAMPLE * R,), jnp.int32),
            pltpu.VMEM((N_SAMPLE * TAIL,), jnp.int32),
            pltpu.VMEM((R, D_FEAT), jnp.float32),
            pltpu.VMEM_SHARED((N_NODES, D_FEAT), jnp.float32),
            pltpu.SemaphoreType.DMA,
            pltpu.SemaphoreType.DMA,
            pltpu.SemaphoreType.DMA,
            pltpu.SemaphoreType.DMA,
            pltpu.SemaphoreType.DMA,
            pltpu.SemaphoreType.DMA,
            pltpu.SemaphoreType.DMA,
        ],
    )
    def run(feat_hbm, nlw_hbm, nlt_hbm, out_hbm, idx_v, idxt_v, acc_v,
            table_s, sem_t, sem_i, sem_c0, sem_c1, sem_c2, sem_tl, sem_o):
        num_cores = 2
        sid = lax.axis_index("s")
        wid = sid * num_cores + lax.axis_index("c")
        base = wid * R
        csem = (sem_c0, sem_c1, sem_c2)
        is_tail = wid == NW - 1

        pltpu.async_copy(
            feat_hbm.at[pl.ds(sid * ROWS_PER_TILE, ROWS_PER_TILE)],
            table_s.at[pl.ds(sid * ROWS_PER_TILE, ROWS_PER_TILE)],
            sem_t,
        )

        @pl.when(sid == 15)
        def _():
            pltpu.async_copy(
                feat_hbm.at[pl.ds(16 * ROWS_PER_TILE, STAGE_TAIL)],
                table_s.at[pl.ds(16 * ROWS_PER_TILE, STAGE_TAIL)],
                sem_t,
            )

        pltpu.async_copy(
            nlw_hbm.at[pl.ds(wid * (N_SAMPLE * R), N_SAMPLE * R)], idx_v, sem_i
        )

        @pl.when(is_tail)
        def _():
            pltpu.async_copy(nlt_hbm, idxt_v, sem_i)

        zeros = jnp.zeros((LANES,), jnp.float32)

        def zero_body(r, carry):
            for k in range(D_FEAT // LANES):
                acc_v[r, pl.ds(k * LANES, LANES)] = zeros
            return carry

        lax.fori_loop(0, R, zero_body, 0)

        pltpu.make_async_copy(
            nlw_hbm.at[pl.ds(wid * (N_SAMPLE * R), N_SAMPLE * R)], idx_v, sem_i
        ).wait()

        @pl.when(is_tail)
        def _():
            pltpu.make_async_copy(nlt_hbm, idxt_v, sem_i).wait()

        for ci, (c0, ln) in enumerate(HBM_CHUNKS):
            for j in range(N_SAMPLE):
                pltpu.async_copy(
                    feat_hbm.at[idx_v.at[pl.ds(j * R + c0, ln)]],
                    acc_v.at[pl.ds(c0, ln)],
                    csem[ci],
                    add=True,
                )

        pltpu.make_async_copy(
            feat_hbm.at[pl.ds(sid * ROWS_PER_TILE, ROWS_PER_TILE)],
            table_s.at[pl.ds(sid * ROWS_PER_TILE, ROWS_PER_TILE)],
            sem_t,
        ).wait()

        @pl.when(sid == 15)
        def _():
            pltpu.make_async_copy(
                feat_hbm.at[pl.ds(16 * ROWS_PER_TILE, STAGE_TAIL)],
                table_s.at[pl.ds(16 * ROWS_PER_TILE, STAGE_TAIL)],
                sem_t,
            ).wait()

        plsc.subcore_barrier()

        for ci, (c0, ln) in enumerate(SPM_CHUNKS):
            for j in range(N_SAMPLE):
                pltpu.async_copy(
                    table_s.at[idx_v.at[pl.ds(j * R + c0, ln)]],
                    acc_v.at[pl.ds(c0, ln)],
                    csem[1 + ci],
                    add=True,
                )

        all_chunks = tuple(
            (c0, ln, feat_hbm, csem[ci])
            for ci, (c0, ln) in enumerate(HBM_CHUNKS)
        ) + tuple(
            (c0, ln, table_s, csem[1 + ci])
            for ci, (c0, ln) in enumerate(SPM_CHUNKS)
        )
        for c0, ln, src_ref, sem in all_chunks:
            for j in range(N_SAMPLE):
                pltpu.make_async_copy(
                    src_ref.at[idx_v.at[pl.ds(j * R + c0, ln)]],
                    acc_v.at[pl.ds(c0, ln)],
                    sem,
                ).wait()

            def scale_body(r, carry, c0=c0):
                for k in range(D_FEAT // LANES):
                    acc_v[c0 + r, pl.ds(k * LANES, LANES)] = acc_v[
                        c0 + r, pl.ds(k * LANES, LANES)
                    ] * (1.0 / N_SAMPLE)
                return carry

            lax.fori_loop(0, ln, scale_body, 0)
            pltpu.async_copy(
                acc_v.at[pl.ds(c0, ln)], out_hbm.at[pl.ds(base + c0, ln)], sem_o
            )

        for c0, ln, src_ref, sem in all_chunks:
            pltpu.make_async_copy(
                acc_v.at[pl.ds(c0, ln)], out_hbm.at[pl.ds(base + c0, ln)], sem_o
            ).wait()

        @pl.when(is_tail)
        def _():
            def tz_body(r, carry):
                for k in range(D_FEAT // LANES):
                    acc_v[r, pl.ds(k * LANES, LANES)] = zeros
                return carry

            lax.fori_loop(0, TAIL, tz_body, 0)
            for j in range(N_SAMPLE):
                pltpu.async_copy(
                    feat_hbm.at[idxt_v.at[pl.ds(j * TAIL, TAIL)]],
                    acc_v.at[pl.ds(0, TAIL)],
                    sem_tl,
                    add=True,
                )
            for j in range(N_SAMPLE):
                pltpu.make_async_copy(
                    feat_hbm.at[idxt_v.at[pl.ds(j * TAIL, TAIL)]],
                    acc_v.at[pl.ds(0, TAIL)],
                    sem_tl,
                ).wait()

            def tail_scale(r, carry):
                for k in range(D_FEAT // LANES):
                    acc_v[r, pl.ds(k * LANES, LANES)] = acc_v[
                        r, pl.ds(k * LANES, LANES)
                    ] * (1.0 / N_SAMPLE)
                return carry

            lax.fori_loop(0, TAIL, tail_scale, 0)
            pltpu.sync_copy(
                acc_v.at[pl.ds(0, TAIL)], out_hbm.at[pl.ds(NW * R, TAIL)]
            )

    return run


_kernel = _make_kernel()


def kernel(feature, neighbor_list):
    main = neighbor_list[: NW * R].reshape(NW, R, N_SAMPLE)
    main = main.transpose(0, 2, 1).reshape(-1)
    tail = neighbor_list[NW * R :].T.reshape(-1)
    return _kernel(feature, main, tail)

# --- scband reference (transcript-rebuilt; emitter-appended) ---
"""Pipeline reference for scband-mean-aggregator-13108240187691 (READ-ONLY COPY).

The authoritative reference and input builder live on the scoring server;
editing this copy changes nothing except your own understanding.
"""

import jax, jax.numpy as jnp
import numpy as np


def setup_inputs(seed: int = 0) -> dict:
    key = jax.random.key(seed)
    k1, k2 = jax.random.split(key)
    n_nodes = 10000
    n_sample = 32
    d_feat = 128
    feature = jax.random.normal(k1, (n_nodes, d_feat), dtype=jnp.float32)
    # Tensorized neighbor_list: each node has exactly n_sample sampled neighbor ids.
    # This corresponds to the post-sampling state of the original module
    # (random.sample draws without replacement -> unique neighbors per row).
    neighbor_list = jax.random.randint(k2, (n_nodes, n_sample), 0, n_nodes, dtype=jnp.int32)
    return {"feature": feature, "neighbor_list": neighbor_list}


def reference(feature, neighbor_list):
    # Original: builds a row-normalized sparse mask over the union of sampled
    # neighbors and computes spmm(mask, feature[unique_nodes]).
    # Since every row of mask has value 1/|neighbors(i)| at each sampled
    # neighbor column, this is exactly the mean of the gathered neighbor
    # features per destination node.
    gathered = jnp.take(feature, neighbor_list, axis=0)  # [N, n_sample, d]
    agg_feature = jnp.mean(gathered, axis=1)             # [N, d]
    return agg_feature

if __name__ == "__main__":
    import jax
    _d = setup_inputs()
    print(jax.jit(kernel)(*tuple(_d.values())))

</pallas_src>

<mosaic_0001>
#map = affine_map<(d0, d1) -> (0, 0)>
#map1 = affine_map<(d0, d1) -> (0)>
module attributes {stable_mosaic.version = 14 : i64} {
  func.func @run(%arg0: i32, %arg1: i32, %arg2: memref<10000x128xf32, #tpu.memory_space<hbm>>, %arg3: memref<319488xi32, #tpu.memory_space<hbm>>, %arg4: memref<512xi32, #tpu.memory_space<hbm>>, %arg5: memref<10000x128xf32, #tpu.memory_space<hbm>>, %arg6: memref<9984xi32, #tpu.memory_space<vmem>>, %arg7: memref<512xi32, #tpu.memory_space<vmem>>, %arg8: memref<312x128xf32, #tpu.memory_space<vmem>>, %arg9: memref<10000x128xf32, #tpu.memory_space<vmem_shared>>, %arg10: memref<!tpu.dma_semaphore, #tpu.memory_space<semaphore_mem>>, %arg11: memref<!tpu.dma_semaphore, #tpu.memory_space<semaphore_mem>>, %arg12: memref<!tpu.dma_semaphore, #tpu.memory_space<semaphore_mem>>, %arg13: memref<!tpu.dma_semaphore, #tpu.memory_space<semaphore_mem>>, %arg14: memref<!tpu.dma_semaphore, #tpu.memory_space<semaphore_mem>>, %arg15: memref<!tpu.dma_semaphore, #tpu.memory_space<semaphore_mem>>, %arg16: memref<!tpu.dma_semaphore, #tpu.memory_space<semaphore_mem>>) attributes {dimension_semantics = [#tpu.dimension_semantics<core_parallel>, #tpu.dimension_semantics<subcore_parallel>], iteration_bounds = array<i64: 2, 16>, scalar_prefetch = 0 : i64, scratch_operands = 11 : i64, tpu.core_type = #tpu.core_type<sc_vector_subcore>, window_params = [{transform_indices = #map}, {transform_indices = #map1}, {transform_indices = #map1}, {transform_indices = #map}]} {
    %mul3A = arith.constant 2 : i32
    %mul3A_0 = arith.muli %arg1, %mul3A : i32
    %add3A = arith.addi %mul3A_0, %arg0 : i32
    %mul3A_1 = arith.constant 312 : i32
    %mul3A_2 = arith.muli %add3A, %mul3A_1 : i32
    %eq3A = arith.constant 31 : i32
    %eq3A_3 = arith.cmpi eq, %add3A, %eq3A : i32
    %mul3A_4 = arith.constant 624 : i32
    %mul3A_5 = arith.muli %arg1, %mul3A_4 : i32
    %mul3A_6 = arith.constant 624 : i32
    %mul3A_7 = arith.muli %arg1, %mul3A_6 : i32
    %dma_start3A = arith.constant 0 : i32
    %dma_start3A_8 = tpu.memref_slice %arg9[%mul3A_7, %dma_start3A] : memref<10000x128xf32, #tpu.memory_space<vmem_shared>> -> memref<624x128xf32, #tpu.memory_space<vmem_shared>>
    %dma_start3A_9 = arith.constant 0 : i32
    %dma_start3A_10 = tpu.memref_slice %arg2[%mul3A_5, %dma_start3A_9] : memref<10000x128xf32, #tpu.memory_space<hbm>> -> memref<624x128xf32, #tpu.memory_space<hbm>>
    tpu.enqueue_dma source(%dma_start3A_10 : memref<624x128xf32, #tpu.memory_space<hbm>>) target(%dma_start3A_8 : memref<624x128xf32, #tpu.memory_space<vmem_shared>>) target_semaphore(%arg10 : memref<!tpu.dma_semaphore, #tpu.memory_space<semaphore_mem>>)
    %eq3A_11 = arith.constant 15 : i32
    %eq3A_12 = arith.cmpi eq, %arg1, %eq3A_11 : i32
    %convert_element_type3A = arith.extui %eq3A_12 : i1 to i32
    %cond3A = arith.constant 0 : i32
    %cond3A_13 = arith.cmpi ne, %convert_element_type3A, %cond3A : i32
    scf.if %cond3A_13 {
      %dma_start3A_1675 = arith.constant 9984 : i32
      %dma_start3A_1676 = arith.constant 0 : i32
      %dma_start3A_1677 = tpu.memref_slice %arg9[%dma_start3A_1675, %dma_start3A_1676] : memref<10000x128xf32, #tpu.memory_space<vmem_shared>> -> memref<16x128xf32, #tpu.memory_space<vmem_shared>>
      %dma_start3A_1678 = arith.constant 9984 : i32
      %dma_start3A_1679 = arith.constant 0 : i32
      %dma_start3A_1680 = tpu.memref_slice %arg2[%dma_start3A_1678, %dma_start3A_1679] : memref<10000x128xf32, #tpu.memory_space<hbm>> -> memref<16x128xf32, #tpu.memory_space<hbm>>
      tpu.enqueue_dma source(%dma_start3A_1680 : memref<16x128xf32, #tpu.memory_space<hbm>>) target(%dma_start3A_1677 : memref<16x128xf32, #tpu.memory_space<vmem_shared>>) target_semaphore(%arg10 : memref<!tpu.dma_semaphore, #tpu.memory_space<semaphore_mem>>)
    } else {
    }
    %mul3A_14 = arith.constant 9984 : i32
    %mul3A_15 = arith.muli %add3A, %mul3A_14 : i32
    %dma_start3A_16 = tpu.memref_slice %arg3[%mul3A_15] : memref<319488xi32, #tpu.memory_space<hbm>> -> memref<9984xi32, #tpu.memory_space<hbm>>
    %dma_start3A_17 = tpu.memref_slice %arg3[%mul3A_15] : memref<319488xi32, #tpu.memory_space<hbm>> -> memref<9984xi32, #tpu.memory_space<hbm>>
    tpu.enqueue_dma source(%dma_start3A_17 : memref<9984xi32, #tpu.memory_space<hbm>>) target(%arg6 : memref<9984xi32, #tpu.memory_space<vmem>>) target_semaphore(%arg11 : memref<!tpu.dma_semaphore, #tpu.memory_space<semaphore_mem>>)
    %convert_element_type3A_18 = arith.extui %eq3A_3 : i1 to i32
    %cond3A_19 = arith.constant 0 : i32
    %cond3A_20 = arith.cmpi ne, %convert_element_type3A_18, %cond3A_19 : i32
    scf.if %cond3A_20 {
      tpu.enqueue_dma source(%arg4 : memref<512xi32, #tpu.memory_space<hbm>>) target(%arg7 : memref<512xi32, #tpu.memory_space<vmem>>) target_semaphore(%arg11 : memref<!tpu.dma_semaphore, #tpu.memory_space<semaphore_mem>>)
    } else {
    }
    %broadcast_in_dim3A = arith.constant 0.000000e+00 : f32
    %broadcast_in_dim3A_21 = vector.broadcast %broadcast_in_dim3A : f32 to vector<16xf32>
    %scan3A = arith.constant 0 : i32
    %scan3A_22 = arith.constant 0 : i32
    %scan3A_23 = arith.constant 312 : i32
    %scan3A_24 = arith.addi %scan3A_22, %scan3A_23 : i32
    %scan3A_25 = arith.constant 1 : i32
    scf.for %scan3A_1675 = %scan3A_22 to %scan3A_24 step %scan3A_25  : i32 {
      %swap3A = arith.index_cast %scan3A_1675 : i32 to index
      %swap3A_1676 = arith.constant 0 : index
      %swap3A_1677 = tpu.vector_load %arg8[%swap3A, %swap3A_1676] {strides = array<i32>} : memref<312x128xf32, #tpu.memory_space<vmem>>, vector<1x16xf32>,
      %swap3A_1678 = vector.shape_cast %swap3A_1677 : vector<1x16xf32> to vector<16xf32>
      %swap3A_1679 = vector.shape_cast %broadcast_in_dim3A_21 : vector<16xf32> to vector<1x16xf32>
      tpu.vector_store %arg8[%swap3A, %swap3A_1676], %swap3A_1679 {strides = array<i32>} : memref<312x128xf32, #tpu.memory_space<vmem>>, vector<1x16xf32>,
      %swap3A_1680 = arith.index_cast %scan3A_1675 : i32 to index
      %swap3A_1681 = arith.constant 16 : index
      %swap3A_1682 = tpu.vector_load %arg8[%swap3A_1680, %swap3A_1681] {strides = array<i32>} : memref<312x128xf32, #tpu.memory_space<vmem>>, vector<1x16xf32>,
      %swap3A_1683 = vector.shape_cast %swap3A_1682 : vector<1x16xf32> to vector<16xf32>
      %swap3A_1684 = vector.shape_cast %broadcast_in_dim3A_21 : vector<16xf32> to vector<1x16xf32>
      tpu.vector_store %arg8[%swap3A_1680, %swap3A_1681], %swap3A_1684 {strides = array<i32>} : memref<312x128xf32, #tpu.memory_space<vmem>>, vector<1x16xf32>,
      %swap3A_1685 = arith.index_cast %scan3A_1675 : i32 to index
      %swap3A_1686 = arith.constant 32 : index
      %swap3A_1687 = tpu.vector_load %arg8[%swap3A_1685, %swap3A_1686] {strides = array<i32>} : memref<312x128xf32, #tpu.memory_space<vmem>>, vector<1x16xf32>,
      %swap3A_1688 = vector.shape_cast %swap3A_1687 : vector<1x16xf32> to vector<16xf32>
      %swap3A_1689 = vector.shape_cast %broadcast_in_dim3A_21 : vector<16xf32> to vector<1x16xf32>
      tpu.vector_store %arg8[%swap3A_1685, %swap3A_1686], %swap3A_1689 {strides = array<i32>} : memref<312x128xf32, #tpu.memory_space<vmem>>, vector<1x16xf32>,
      %swap3A_1690 = arith.index_cast %scan3A_1675 : i32 to index
      %swap3A_1691 = arith.constant 48 : index
      %swap3A_1692 = tpu.vector_load %arg8[%swap3A_1690, %swap3A_1691] {strides = array<i32>} : memref<312x128xf32, #tpu.memory_space<vmem>>, vector<1x16xf32>,
      %swap3A_1693 = vector.shape_cast %swap3A_1692 : vector<1x16xf32> to vector<16xf32>
      %swap3A_1694 = vector.shape_cast %broadcast_in_dim3A_21 : vector<16xf32> to vector<1x16xf32>
      tpu.vector_store %arg8[%swap3A_1690, %swap3A_1691], %swap3A_1694 {strides = array<i32>} : memref<312x128xf32, #tpu.memory_space<vmem>>, vector<1x16xf32>,
      %swap3A_1695 = arith.index_cast %scan3A_1675 : i32 to index
      %swap3A_1696 = arith.constant 64 : index
      %swap3A_1697 = tpu.vector_load %arg8[%swap3A_1695, %swap3A_1696] {strides = array<i32>} : memref<312x128xf32, #tpu.memory_space<vmem>>, vector<1x16xf32>,
      %swap3A_1698 = vector.shape_cast %swap3A_1697 : vector<1x16xf32> to vector<16xf32>
      %swap3A_1699 = vector.shape_cast %broadcast_in_dim3A_21 : vector<16xf32> to vector<1x16xf32>
      tpu.vector_store %arg8[%swap3A_1695, %swap3A_1696], %swap3A_1699 {strides = array<i32>} : memref<312x128xf32, #tpu.memory_space<vmem>>, vector<1x16xf32>,
      %swap3A_1700 = arith.index_cast %scan3A_1675 : i32 to index
      %swap3A_1701 = arith.constant 80 : index
      %swap3A_1702 = tpu.vector_load %arg8[%swap3A_1700, %swap3A_1701] {strides = array<i32>} : memref<312x128xf32, #tpu.memory_space<vmem>>, vector<1x16xf32>,
      %swap3A_1703 = vector.shape_cast %swap3A_1702 : vector<1x16xf32> to vector<16xf32>
      %swap3A_1704 = vector.shape_cast %broadcast_in_dim3A_21 : vector<16xf32> to vector<1x16xf32>
      tpu.vector_store %arg8[%swap3A_1700, %swap3A_1701], %swap3A_1704 {strides = array<i32>} : memref<312x128xf32, #tpu.memory_space<vmem>>, vector<1x16xf32>,
      %swap3A_1705 = arith.index_cast %scan3A_1675 : i32 to index
      %swap3A_1706 = arith.constant 96 : index
      %swap3A_1707 = tpu.vector_load %arg8[%swap3A_1705, %swap3A_1706] {strides = array<i32>} : memref<312x128xf32, #tpu.memory_space<vmem>>, vector<1x16xf32>,
      %swap3A_1708 = vector.shape_cast %swap3A_1707 : vector<1x16xf32> to vector<16xf32>
      %swap3A_1709 = vector.shape_cast %broadcast_in_dim3A_21 : vector<16xf32> to vector<1x16xf32>
      tpu.vector_store %arg8[%swap3A_1705, %swap3A_1706], %swap3A_1709 {strides = array<i32>} : memref<312x128xf32, #tpu.memory_space<vmem>>, vector<1x16xf32>,
      %swap3A_1710 = arith.index_cast %scan3A_1675 : i32 to index
      %swap3A_1711 = arith.constant 112 : index
      %swap3A_1712 = tpu.vector_load %arg8[%swap3A_1710, %swap3A_1711] {strides = array<i32>} : memref<312x128xf32, #tpu.memory_space<vmem>>, vector<1x16xf32>,
      %swap3A_1713 = vector.shape_cast %swap3A_1712 : vector<1x16xf32> to vector<16xf32>
      %swap3A_1714 = vector.shape_cast %broadcast_in_dim3A_21 : vector<16xf32> to vector<1x16xf32>
      tpu.vector_store %arg8[%swap3A_1710, %swap3A_1711], %swap3A_1714 {strides = array<i32>} : memref<312x128xf32, #tpu.memory_space<vmem>>, vector<1x16xf32>,
    }
    %scan3A_26 = arith.constant 312 : i32
    %mul3A_27 = arith.constant 9984 : i32
    %mul3A_28 = arith.muli %add3A, %mul3A_27 : i32
    %dma_wait3A = tpu.memref_slice %arg3[%mul3A_28] : memref<319488xi32, #tpu.memory_space<hbm>> -> memref<9984xi32, #tpu.memory_space<hbm>>
    %dma_wait3A_29 = tpu.memref_slice %arg3[%mul3A_28] : memref<319488xi32, #tpu.memory_space<hbm>> -> memref<9984xi32, #tpu.memory_space<hbm>>
    tpu.wait_dma2 semaphore(%arg11 : memref<!tpu.dma_semaphore, #tpu.memory_space<semaphore_mem>>) src(%dma_wait3A_29 : memref<9984xi32, #tpu.memory_space<hbm>>) dst(%arg6 : memref<9984xi32, #tpu.memory_space<vmem>>)
    %convert_element_type3A_30 = arith.extui %eq3A_3 : i1 to i32
    %cond3A_31 = arith.constant 0 : i32
    %cond3A_32 = arith.cmpi ne, %convert_element_type3A_30, %cond3A_31 : i32
    scf.if %cond3A_32 {
      tpu.wait_dma2 semaphore(%arg11 : memref<!tpu.dma_semaphore, #tpu.memory_space<semaphore_mem>>) src(%arg4 : memref<512xi32, #tpu.memory_space<hbm>>) dst(%arg7 : memref<512xi32, #tpu.memory_space<vmem>>)
    } else {
    }
    %dma_start3A_33 = arith.constant 0 : i32
    %dma_start3A_34 = arith.constant 0 : i32
    %dma_start3A_35 = tpu.memref_slice %arg8[%dma_start3A_33, %dma_start3A_34] : memref<312x128xf32, #tpu.memory_space<vmem>> -> memref<128x128xf32, #tpu.memory_space<vmem>>
    %dma_start3A_36 = arith.constant 0 : i32
    %dma_start3A_37 = tpu.memref_slice %arg6[%dma_start3A_36] : memref<9984xi32, #tpu.memory_space<vmem>> -> memref<128xi32, #tpu.memory_space<vmem>>
    %dma_start3A_38 = arith.constant 0 : i32
    %dma_start3A_39 = arith.constant 0 : i32
    %dma_start3A_40 = tpu.memref_slice %arg2[%dma_start3A_38, %dma_start3A_39] : memref<10000x128xf32, #tpu.memory_space<hbm>> -> memref<10000x128xf32, #tpu.memory_space<hbm>>
    tpu.enqueue_indirect_dma source(%dma_start3A_40 : memref<10000x128xf32, #tpu.memory_space<hbm>>) target(%dma_start3A_35 : memref<128x128xf32, #tpu.memory_space<vmem>>) offsets(%dma_start3A_37 : memref<128xi32, #tpu.memory_space<vmem>>) semaphore(%arg12 : memref<!tpu.dma_semaphore, #tpu.memory_space<semaphore_mem>>) {add = true}
    %dma_start3A_41 = arith.constant 0 : i32
    %dma_start3A_42 = arith.constant 0 : i32
    %dma_start3A_43 = tpu.memref_slice %arg8[%dma_start3A_41, %dma_start3A_42] : memref<312x128xf32, #tpu.memory_space<vmem>> -> memref<128x128xf32, #tpu.memory_space<vmem>>
    %dma_start3A_44 = arith.constant 312 : i32
    %dma_start3A_45 = tpu.memref_slice %arg6[%dma_start3A_44] : memref<9984xi32, #tpu.memory_space<vmem>> -> memref<128xi32, #tpu.memory_space<vmem>>
    %dma_start3A_46 = arith.constant 0 : i32
    %dma_start3A_47 = arith.constant 0 : i32
    %dma_start3A_48 = tpu.memref_slice %arg2[%dma_start3A_46, %dma_start3A_47] : memref<10000x128xf32, #tpu.memory_space<hbm>> -> memref<10000x128xf32, #tpu.memory_space<hbm>>
    tpu.enqueue_indirect_dma source(%dma_start3A_48 : memref<10000x128xf32, #tpu.memory_space<hbm>>) target(%dma_start3A_43 : memref<128x128xf32, #tpu.memory_space<vmem>>) offsets(%dma_start3A_45 : memref<128xi32, #tpu.memory_space<vmem>>) semaphore(%arg12 : memref<!tpu.dma_semaphore, #tpu.memory_space<semaphore_mem>>) {add = true}
    %dma_start3A_49 = arith.constant 0 : i32
    %dma_start3A_50 = arith.constant 0 : i32
    %dma_start3A_51 = tpu.memref_slice %arg8[%dma_start3A_49, %dma_start3A_50] : memref<312x128xf32, #tpu.memory_space<vmem>> -> memref<128x128xf32, #tpu.memory_space<vmem>>
    %dma_start3A_52 = arith.constant 624 : i32
    %dma_start3A_53 = tpu.memref_slice %arg6[%dma_start3A_52] : memref<9984xi32, #tpu.memory_space<vmem>> -> memref<128xi32, #tpu.memory_space<vmem>>
    %dma_start3A_54 = arith.constant 0 : i32
    %dma_start3A_55 = arith.constant 0 : i32
    %dma_start3A_56 = tpu.memref_slice %arg2[%dma_start3A_54, %dma_start3A_55] : memref<10000x128xf32, #tpu.memory_space<hbm>> -> memref<10000x128xf32, #tpu.memory_space<hbm>>
    tpu.enqueue_indirect_dma source(%dma_start3A_56 : memref<10000x128xf32, #tpu.memory_space<hbm>>) target(%dma_start3A_51 : memref<128x128xf32, #tpu.memory_space<vmem>>) offsets(%dma_start3A_53 : memref<128xi32, #tpu.memory_space<vmem>>) semaphore(%arg12 : memref<!tpu.dma_semaphore, #tpu.memory_space<semaphore_mem>>) {add = true}
    %dma_start3A_57 = arith.constant 0 : i32
    %dma_start3A_58 = arith.constant 0 : i32
    %dma_start3A_59 = tpu.memref_slice %arg8[%dma_start3A_57, %dma_start3A_58] : memref<312x128xf32, #tpu.memory_space<vmem>> -> memref<128x128xf32, #tpu.memory_space<vmem>>
    %dma_start3A_60 = arith.constant 936 : i32
    %dma_start3A_61 = tpu.memref_slice %arg6[%dma_start3A_60] : memref<9984xi32, #tpu.memory_space<vmem>> -> memref<128xi32, #tpu.memory_space<vmem>>
    %dma_start3A_62 = arith.constant 0 : i32
    %dma_start3A_63 = arith.constant 0 : i32
    %dma_start3A_64 = tpu.memref_slice %arg2[%dma_start3A_62, %dma_start3A_63] : memref<10000x128xf32, #tpu.memory_space<hbm>> -> memref<10000x128xf32, #tpu.memory_space<hbm>>
    tpu.enqueue_indirect_dma source(%dma_start3A_64 : memref<10000x128xf32, #tpu.memory_space<hbm>>) target(%dma_start3A_59 : memref<128x128xf32, #tpu.memory_space<vmem>>) offsets(%dma_start3A_61 : memref<128xi32, #tpu.memory_space<vmem>>) semaphore(%arg12 : memref<!tpu.dma_semaphore, #tpu.memory_space<semaphore_mem>>) {add = true}
    %dma_start3A_65 = arith.constant 0 : i32
    %dma_start3A_66 = arith.constant 0 : i32
    %dma_start3A_67 = tpu.memref_slice %arg8[%dma_start3A_65, %dma_start3A_66] : memref<312x128xf32, #tpu.memory_space<vmem>> -> memref<128x128xf32, #tpu.memory_space<vmem>>
    %dma_start3A_68 = arith.constant 1248 : i32
    %dma_start3A_69 = tpu.memref_slice %arg6[%dma_start3A_68] : memref<9984xi32, #tpu.memory_space<vmem>> -> memref<128xi32, #tpu.memory_space<vmem>>
    %dma_start3A_70 = arith.constant 0 : i32
    %dma_start3A_71 = arith.constant 0 : i32
    %dma_start3A_72 = tpu.memref_slice %arg2[%dma_start3A_70, %dma_start3A_71] : memref<10000x128xf32, #tpu.memory_space<hbm>> -> memref<10000x128xf32, #tpu.memory_space<hbm>>
    tpu.enqueue_indirect_dma source(%dma_start3A_72 : memref<10000x128xf32, #tpu.memory_space<hbm>>) target(%dma_start3A_67 : memref<128x128xf32, #tpu.memory_space<vmem>>) offsets(%dma_start3A_69 : memref<128xi32, #tpu.memory_space<vmem>>) semaphore(%arg12 : memref<!tpu.dma_semaphore, #tpu.memory_space<semaphore_mem>>) {add = true}
    %dma_start3A_73 = arith.constant 0 : i32
    %dma_start3A_74 = arith.constant 0 : i32
    %dma_start3A_75 = tpu.memref_slice %arg8[%dma_start3A_73, %dma_start3A_74] : memref<312x128xf32, #tpu.memory_space<vmem>> -> memref<128x128xf32, #tpu.memory_space<vmem>>
    %dma_start3A_76 = arith.constant 1560 : i32
    %dma_start3A_77 = tpu.memref_slice %arg6[%dma_start3A_76] : memref<9984xi32, #tpu.memory_space<vmem>> -> memref<128xi32, #tpu.memory_space<vmem>>
    %dma_start3A_78 = arith.constant 0 : i32
    %dma_start3A_79 = arith.constant 0 : i32
    %dma_start3A_80 = tpu.memref_slice %arg2[%dma_start3A_78, %dma_start3A_79] : memref<10000x128xf32, #tpu.memory_space<hbm>> -> memref<10000x128xf32, #tpu.memory_space<hbm>>
    tpu.enqueue_indirect_dma source(%dma_start3A_80 : memref<10000x128xf32, #tpu.memory_space<hbm>>) target(%dma_start3A_75 : memref<128x128xf32, #tpu.memory_space<vmem>>) offsets(%dma_start3A_77 : memref<128xi32, #tpu.memory_space<vmem>>) semaphore(%arg12 : memref<!tpu.dma_semaphore, #tpu.memory_space<semaphore_mem>>) {add = true}
    %dma_start3A_81 = arith.constant 0 : i32
    %dma_start3A_82 = arith.constant 0 : i32
    %dma_start3A_83 = tpu.memref_slice %arg8[%dma_start3A_81, %dma_start3A_82] : memref<312x128xf32, #tpu.memory_space<vmem>> -> memref<128x128xf32, #tpu.memory_space<vmem>>
    %dma_start3A_84 = arith.constant 1872 : i32
    %dma_start3A_85 = tpu.memref_slice %arg6[%dma_start3A_84] : memref<9984xi32, #tpu.memory_space<vmem>> -> memref<128xi32, #tpu.memory_space<vmem>>
    %dma_start3A_86 = arith.constant 0 : i32
    %dma_start3A_87 = arith.constant 0 : i32
    %dma_start3A_88 = tpu.memref_slice %arg2[%dma_start3A_86, %dma_start3A_87] : memref<10000x128xf32, #tpu.memory_space<hbm>> -> memref<10000x128xf32, #tpu.memory_space<hbm>>
    tpu.enqueue_indirect_dma source(%dma_start3A_88 : memref<10000x128xf32, #tpu.memory_space<hbm>>) target(%dma_start3A_83 : memref<128x128xf32, #tpu.memory_space<vmem>>) offsets(%dma_start3A_85 : memref<128xi32, #tpu.memory_space<vmem>>) semaphore(%arg12 : memref<!tpu.dma_semaphore, #tpu.memory_space<semaphore_mem>>) {add = true}
    %dma_start3A_89 = arith.constant 0 : i32
    %dma_start3A_90 = arith.constant 0 : i32
    %dma_start3A_91 = tpu.memref_slice %arg8[%dma_start3A_89, %dma_start3A_90] : memref<312x128xf32, #tpu.memory_space<vmem>> -> memref<128x128xf32, #tpu.memory_space<vmem>>
    %dma_start3A_92 = arith.constant 2184 : i32
    %dma_start3A_93 = tpu.memref_slice %arg6[%dma_start3A_92] : memref<9984xi32, #tpu.memory_space<vmem>> -> memref<128xi32, #tpu.memory_space<vmem>>
    %dma_start3A_94 = arith.constant 0 : i32
    %dma_start3A_95 = arith.constant 0 : i32
    %dma_start3A_96 = tpu.memref_slice %arg2[%dma_start3A_94, %dma_start3A_95] : memref<10000x128xf32, #tpu.memory_space<hbm>> -> memref<10000x128xf32, #tpu.memory_space<hbm>>
    tpu.enqueue_indirect_dma source(%dma_start3A_96 : memref<10000x128xf32, #tpu.memory_space<hbm>>) target(%dma_start3A_91 : memref<128x128xf32, #tpu.memory_space<vmem>>) offsets(%dma_start3A_93 : memref<128xi32, #tpu.memory_space<vmem>>) semaphore(%arg12 : memref<!tpu.dma_semaphore, #tpu.memory_space<semaphore_mem>>) {add = true}
    %dma_start3A_97 = arith.constant 0 : i32
    %dma_start3A_98 = arith.constant 0 : i32
    %dma_start3A_99 = tpu.memref_slice %arg8[%dma_start3A_97, %dma_start3A_98] : memref<312x128xf32, #tpu.memory_space<vmem>> -> memref<128x128xf32, #tpu.memory_space<vmem>>
    %dma_start3A_100 = arith.constant 2496 : i32
    %dma_start3A_101 = tpu.memref_slice %arg6[%dma_start3A_100] : memref<9984xi32, #tpu.memory_space<vmem>> -> memref<128xi32, #tpu.memory_space<vmem>>
    %dma_start3A_102 = arith.constant 0 : i32
    %dma_start3A_103 = arith.constant 0 : i32
    %dma_start3A_104 = tpu.memref_slice %arg2[%dma_start3A_102, %dma_start3A_103] : memref<10000x128xf32, #tpu.memory_space<hbm>> -> memref<10000x128xf32, #tpu.memory_space<hbm>>
    tpu.enqueue_indirect_dma source(%dma_start3A_104 : memref<10000x128xf32, #tpu.memory_space<hbm>>) target(%dma_start3A_99 : memref<128x128xf32, #tpu.memory_space<vmem>>) offsets(%dma_start3A_101 : memref<128xi32, #tpu.memory_space<vmem>>) semaphore(%arg12 : memref<!tpu.dma_semaphore, #tpu.memory_space<semaphore_mem>>) {add = true}
    %dma_start3A_105 = arith.constant 0 : i32
    %dma_start3A_106 = arith.constant 0 : i32
    %dma_start3A_107 = tpu.memref_slice %arg8[%dma_start3A_105, %dma_start3A_106] : memref<312x128xf32, #tpu.memory_space<vmem>> -> memref<128x128xf32, #tpu.memory_space<vmem>>
    %dma_start3A_108 = arith.constant 2808 : i32
    %dma_start3A_109 = tpu.memref_slice %arg6[%dma_start3A_108] : memref<9984xi32, #tpu.memory_space<vmem>> -> memref<128xi32, #tpu.memory_space<vmem>>
    %dma_start3A_110 = arith.constant 0 : i32
    %dma_start3A_111 = arith.constant 0 : i32
    %dma_start3A_112 = tpu.memref_slice %arg2[%dma_start3A_110, %dma_start3A_111] : memref<10000x128xf32, #tpu.memory_space<hbm>> -> memref<10000x128xf32, #tpu.memory_space<hbm>>
    tpu.enqueue_indirect_dma source(%dma_start3A_112 : memref<10000x128xf32, #tpu.memory_space<hbm>>) target(%dma_start3A_107 : memref<128x128xf32, #tpu.memory_space<vmem>>) offsets(%dma_start3A_109 : memref<128xi32, #tpu.memory_space<vmem>>) semaphore(%arg12 : memref<!tpu.dma_semaphore, #tpu.memory_space<semaphore_mem>>) {add = true}
    %dma_start3A_113 = arith.constant 0 : i32
    %dma_start3A_114 = arith.constant 0 : i32
    %dma_start3A_115 = tpu.memref_slice %arg8[%dma_start3A_113, %dma_start3A_114] : memref<312x128xf32, #tpu.memory_space<vmem>> -> memref<128x128xf32, #tpu.memory_space<vmem>>
    %dma_start3A_116 = arith.constant 3120 : i32
    %dma_start3A_117 = tpu.memref_slice %arg6[%dma_start3A_116] : memref<9984xi32, #tpu.memory_space<vmem>> -> memref<128xi32, #tpu.memory_space<vmem>>
    %dma_start3A_118 = arith.constant 0 : i32
    %dma_start3A_119 = arith.constant 0 : i32
    %dma_start3A_120 = tpu.memref_slice %arg2[%dma_start3A_118, %dma_start3A_119] : memref<10000x128xf32, #tpu.memory_space<hbm>> -> memref<10000x128xf32, #tpu.memory_space<hbm>>
    tpu.enqueue_indirect_dma source(%dma_start3A_120 : memref<10000x128xf32, #tpu.memory_space<hbm>>) target(%dma_start3A_115 : memref<128x128xf32, #tpu.memory_space<vmem>>) offsets(%dma_start3A_117 : memref<128xi32, #tpu.memory_space<vmem>>) semaphore(%arg12 : memref<!tpu.dma_semaphore, #tpu.memory_space<semaphore_mem>>) {add = true}
    %dma_start3A_121 = arith.constant 0 : i32
    %dma_start3A_122 = arith.constant 0 : i32
    %dma_start3A_123 = tpu.memref_slice %arg8[%dma_start3A_121, %dma_start3A_122] : memref<312x128xf32, #tpu.memory_space<vmem>> -> memref<128x128xf32, #tpu.memory_space<vmem>>
    %dma_start3A_124 = arith.constant 3432 : i32
    %dma_start3A_125 = tpu.memref_slice %arg6[%dma_start3A_124] : memref<9984xi32, #tpu.memory_space<vmem>> -> memref<128xi32, #tpu.memory_space<vmem>>
    %dma_start3A_126 = arith.constant 0 : i32
    %dma_start3A_127 = arith.constant 0 : i32
    %dma_start3A_128 = tpu.memref_slice %arg2[%dma_start3A_126, %dma_start3A_127] : memref<10000x128xf32, #tpu.memory_space<hbm>> -> memref<10000x128xf32, #tpu.memory_space<hbm>>
    tpu.enqueue_indirect_dma source(%dma_start3A_128 : memref<10000x128xf32, #tpu.memory_space<hbm>>) target(%dma_start3A_123 : memref<128x128xf32, #tpu.memory_space<vmem>>) offsets(%dma_start3A_125 : memref<128xi32, #tpu.memory_space<vmem>>) semaphore(%arg12 : memref<!tpu.dma_semaphore, #tpu.memory_space<semaphore_mem>>) {add = true}
    %dma_start3A_129 = arith.constant 0 : i32
    %dma_start3A_130 = arith.constant 0 : i32
    %dma_start3A_131 = tpu.memref_slice %arg8[%dma_start3A_129, %dma_start3A_130] : memref<312x128xf32, #tpu.memory_space<vmem>> -> memref<128x128xf32, #tpu.memory_space<vmem>>
    %dma_start3A_132 = arith.constant 3744 : i32
    %dma_start3A_133 = tpu.memref_slice %arg6[%dma_start3A_132] : memref<9984xi32, #tpu.memory_space<vmem>> -> memref<128xi32, #tpu.memory_space<vmem>>
    %dma_start3A_134 = arith.constant 0 : i32
    %dma_start3A_135 = arith.constant 0 : i32
    %dma_start3A_136 = tpu.memref_slice %arg2[%dma_start3A_134, %dma_start3A_135] : memref<10000x128xf32, #tpu.memory_space<hbm>> -> memref<10000x128xf32, #tpu.memory_space<hbm>>
    tpu.enqueue_indirect_dma source(%dma_start3A_136 : memref<10000x128xf32, #tpu.memory_space<hbm>>) target(%dma_start3A_131 : memref<128x128xf32, #tpu.memory_space<vmem>>) offsets(%dma_start3A_133 : memref<128xi32, #tpu.memory_space<vmem>>) semaphore(%arg12 : memref<!tpu.dma_semaphore, #tpu.memory_space<semaphore_mem>>) {add = true}
    %dma_start3A_137 = arith.constant 0 : i32
    %dma_start3A_138 = arith.constant 0 : i32
    %dma_start3A_139 = tpu.memref_slice %arg8[%dma_start3A_137, %dma_start3A_138] : memref<312x128xf32, #tpu.memory_space<vmem>> -> memref<128x128xf32, #tpu.memory_space<vmem>>
    %dma_start3A_140 = arith.constant 4056 : i32
    %dma_start3A_141 = tpu.memref_slice %arg6[%dma_start3A_140] : memref<9984xi32, #tpu.memory_space<vmem>> -> memref<128xi32, #tpu.memory_space<vmem>>
    %dma_start3A_142 = arith.constant 0 : i32
    %dma_start3A_143 = arith.constant 0 : i32
    %dma_start3A_144 = tpu.memref_slice %arg2[%dma_start3A_142, %dma_start3A_143] : memref<10000x128xf32, #tpu.memory_space<hbm>> -> memref<10000x128xf32, #tpu.memory_space<hbm>>
    tpu.enqueue_indirect_dma source(%dma_start3A_144 : memref<10000x128xf32, #tpu.memory_space<hbm>>) target(%dma_start3A_139 : memref<128x128xf32, #tpu.memory_space<vmem>>) offsets(%dma_start3A_141 : memref<128xi32, #tpu.memory_space<vmem>>) semaphore(%arg12 : memref<!tpu.dma_semaphore, #tpu.memory_space<semaphore_mem>>) {add = true}
    %dma_start3A_145 = arith.constant 0 : i32
    %dma_start3A_146 = arith.constant 0 : i32
    %dma_start3A_147 = tpu.memref_slice %arg8[%dma_start3A_145, %dma_start3A_146] : memref<312x128xf32, #tpu.memory_space<vmem>> -> memref<128x128xf32, #tpu.memory_space<vmem>>
    %dma_start3A_148 = arith.constant 4368 : i32
    %dma_start3A_149 = tpu.memref_slice %arg6[%dma_start3A_148] : memref<9984xi32, #tpu.memory_space<vmem>> -> memref<128xi32, #tpu.memory_space<vmem>>
    %dma_start3A_150 = arith.constant 0 : i32
    %dma_start3A_151 = arith.constant 0 : i32
    %dma_start3A_152 = tpu.memref_slice %arg2[%dma_start3A_150, %dma_start3A_151] : memref<10000x128xf32, #tpu.memory_space<hbm>> -> memref<10000x128xf32, #tpu.memory_space<hbm>>
    tpu.enqueue_indirect_dma source(%dma_start3A_152 : memref<10000x128xf32, #tpu.memory_space<hbm>>) target(%dma_start3A_147 : memref<128x128xf32, #tpu.memory_space<vmem>>) offsets(%dma_start3A_149 : memref<128xi32, #tpu.memory_space<vmem>>) semaphore(%arg12 : memref<!tpu.dma_semaphore, #tpu.memory_space<semaphore_mem>>) {add = true}
    %dma_start3A_153 = arith.constant 0 : i32
    %dma_start3A_154 = arith.constant 0 : i32
    %dma_start3A_155 = tpu.memref_slice %arg8[%dma_start3A_153, %dma_start3A_154] : memref<312x128xf32, #tpu.memory_space<vmem>> -> memref<128x128xf32, #tpu.memory_space<vmem>>
    %dma_start3A_156 = arith.constant 4680 : i32
    %dma_start3A_157 = tpu.memref_slice %arg6[%dma_start3A_156] : memref<9984xi32, #tpu.memory_space<vmem>> -> memref<128xi32, #tpu.memory_space<vmem>>
    %dma_start3A_158 = arith.constant 0 : i32
    %dma_start3A_159 = arith.constant 0 : i32
    %dma_start3A_160 = tpu.memref_slice %arg2[%dma_start3A_158, %dma_start3A_159] : memref<10000x128xf32, #tpu.memory_space<hbm>> -> memref<10000x128xf32, #tpu.memory_space<hbm>>
    tpu.enqueue_indirect_dma source(%dma_start3A_160 : memref<10000x128xf32, #tpu.memory_space<hbm>>) target(%dma_start3A_155 : memref<128x128xf32, #tpu.memory_space<vmem>>) offsets(%dma_start3A_157 : memref<128xi32, #tpu.memory_space<vmem>>) semaphore(%arg12 : memref<!tpu.dma_semaphore, #tpu.memory_space<semaphore_mem>>) {add = true}
    %dma_start3A_161 = arith.constant 0 : i32
    %dma_start3A_162 = arith.constant 0 : i32
    %dma_start3A_163 = tpu.memref_slice %arg8[%dma_start3A_161, %dma_start3A_162] : memref<312x128xf32, #tpu.memory_space<vmem>> -> memref<128x128xf32, #tpu.memory_space<vmem>>
    %dma_start3A_164 = arith.constant 4992 : i32
    %dma_start3A_165 = tpu.memref_slice %arg6[%dma_start3A_164] : memref<9984xi32, #tpu.memory_space<vmem>> -> memref<128xi32, #tpu.memory_space<vmem>>
    %dma_start3A_166 = arith.constant 0 : i32
    %dma_start3A_167 = arith.constant 0 : i32
    %dma_start3A_168 = tpu.memref_slice %arg2[%dma_start3A_166, %dma_start3A_167] : memref<10000x128xf32, #tpu.memory_space<hbm>> -> memref<10000x128xf32, #tpu.memory_space<hbm>>
    tpu.enqueue_indirect_dma source(%dma_start3A_168 : memref<10000x128xf32, #tpu.memory_space<hbm>>) target(%dma_start3A_163 : memref<128x128xf32, #tpu.memory_space<vmem>>) offsets(%dma_start3A_165 : memref<128xi32, #tpu.memory_space<vmem>>) semaphore(%arg12 : memref<!tpu.dma_semaphore, #tpu.memory_space<semaphore_mem>>) {add = true}
    %dma_start3A_169 = arith.constant 0 : i32
    %dma_start3A_170 = arith.constant 0 : i32
    %dma_start3A_171 = tpu.memref_slice %arg8[%dma_start3A_169, %dma_start3A_170] : memref<312x128xf32, #tpu.memory_space<vmem>> -> memref<128x128xf32, #tpu.memory_space<vmem>>
    %dma_start3A_172 = arith.constant 5304 : i32
    %dma_start3A_173 = tpu.memref_slice %arg6[%dma_start3A_172] : memref<9984xi32, #tpu.memory_space<vmem>> -> memref<128xi32, #tpu.memory_space<vmem>>
    %dma_start3A_174 = arith.constant 0 : i32
    %dma_start3A_175 = arith.constant 0 : i32
    %dma_start3A_176 = tpu.memref_slice %arg2[%dma_start3A_174, %dma_start3A_175] : memref<10000x128xf32, #tpu.memory_space<hbm>> -> memref<10000x128xf32, #tpu.memory_space<hbm>>
    tpu.enqueue_indirect_dma source(%dma_start3A_176 : memref<10000x128xf32, #tpu.memory_space<hbm>>) target(%dma_start3A_171 : memref<128x128xf32, #tpu.memory_space<vmem>>) offsets(%dma_start3A_173 : memref<128xi32, #tpu.memory_space<vmem>>) semaphore(%arg12 : memref<!tpu.dma_semaphore, #tpu.memory_space<semaphore_mem>>) {add = true}
    %dma_start3A_177 = arith.constant 0 : i32
    %dma_start3A_178 = arith.constant 0 : i32
    %dma_start3A_179 = tpu.memref_slice %arg8[%dma_start3A_177, %dma_start3A_178] : memref<312x128xf32, #tpu.memory_space<vmem>> -> memref<128x128xf32, #tpu.memory_space<vmem>>
    %dma_start3A_180 = arith.constant 5616 : i32
    %dma_start3A_181 = tpu.memref_slice %arg6[%dma_start3A_180] : memref<9984xi32, #tpu.memory_space<vmem>> -> memref<128xi32, #tpu.memory_space<vmem>>
    %dma_start3A_182 = arith.constant 0 : i32
    %dma_start3A_183 = arith.constant 0 : i32
    %dma_start3A_184 = tpu.memref_slice %arg2[%dma_start3A_182, %dma_start3A_183] : memref<10000x128xf32, #tpu.memory_space<hbm>> -> memref<10000x128xf32, #tpu.memory_space<hbm>>
    tpu.enqueue_indirect_dma source(%dma_start3A_184 : memref<10000x128xf32, #tpu.memory_space<hbm>>) target(%dma_start3A_179 : memref<128x128xf32, #tpu.memory_space<vmem>>) offsets(%dma_start3A_181 : memref<128xi32, #tpu.memory_space<vmem>>) semaphore(%arg12 : memref<!tpu.dma_semaphore, #tpu.memory_space<semaphore_mem>>) {add = true}
    %dma_start3A_185 = arith.constant 0 : i32
    %dma_start3A_186 = arith.constant 0 : i32
    %dma_start3A_187 = tpu.memref_slice %arg8[%dma_start3A_185, %dma_start3A_186] : memref<312x128xf32, #tpu.memory_space<vmem>> -> memref<128x128xf32, #tpu.memory_space<vmem>>
    %dma_start3A_188 = arith.constant 5928 : i32
    %dma_start3A_189 = tpu.memref_slice %arg6[%dma_start3A_188] : memref<9984xi32, #tpu.memory_space<vmem>> -> memref<128xi32, #tpu.memory_space<vmem>>
    %dma_start3A_190 = arith.constant 0 : i32
    %dma_start3A_191 = arith.constant 0 : i32
    %dma_start3A_192 = tpu.memref_slice %arg2[%dma_start3A_190, %dma_start3A_191] : memref<10000x128xf32, #tpu.memory_space<hbm>> -> memref<10000x128xf32, #tpu.memory_space<hbm>>
    tpu.enqueue_indirect_dma source(%dma_start3A_192 : memref<10000x128xf32, #tpu.memory_space<hbm>>) target(%dma_start3A_187 : memref<128x128xf32, #tpu.memory_space<vmem>>) offsets(%dma_start3A_189 : memref<128xi32, #tpu.memory_space<vmem>>) semaphore(%arg12 : memref<!tpu.dma_semaphore, #tpu.memory_space<semaphore_mem>>) {add = true}
    %dma_start3A_193 = arith.constant 0 : i32
    %dma_start3A_194 = arith.constant 0 : i32
    %dma_start3A_195 = tpu.memref_slice %arg8[%dma_start3A_193, %dma_start3A_194] : memref<312x128xf32, #tpu.memory_space<vmem>> -> memref<128x128xf32, #tpu.memory_space<vmem>>
    %dma_start3A_196 = arith.constant 6240 : i32
    %dma_start3A_197 = tpu.memref_slice %arg6[%dma_start3A_196] : memref<9984xi32, #tpu.memory_space<vmem>> -> memref<128xi32, #tpu.memory_space<vmem>>
    %dma_start3A_198 = arith.constant 0 : i32
    %dma_start3A_199 = arith.constant 0 : i32
    %dma_start3A_200 = tpu.memref_slice %arg2[%dma_start3A_198, %dma_start3A_199] : memref<10000x128xf32, #tpu.memory_space<hbm>> -> memref<10000x128xf32, #tpu.memory_space<hbm>>
    tpu.enqueue_indirect_dma source(%dma_start3A_200 : memref<10000x128xf32, #tpu.memory_space<hbm>>) target(%dma_start3A_195 : memref<128x128xf32, #tpu.memory_space<vmem>>) offsets(%dma_start3A_197 : memref<128xi32, #tpu.memory_space<vmem>>) semaphore(%arg12 : memref<!tpu.dma_semaphore, #tpu.memory_space<semaphore_mem>>) {add = true}
    %dma_start3A_201 = arith.constant 0 : i32
    %dma_start3A_202 = arith.constant 0 : i32
    %dma_start3A_203 = tpu.memref_slice %arg8[%dma_start3A_201, %dma_start3A_202] : memref<312x128xf32, #tpu.memory_space<vmem>> -> memref<128x128xf32, #tpu.memory_space<vmem>>
    %dma_start3A_204 = arith.constant 6552 : i32
    %dma_start3A_205 = tpu.memref_slice %arg6[%dma_start3A_204] : memref<9984xi32, #tpu.memory_space<vmem>> -> memref<128xi32, #tpu.memory_space<vmem>>
    %dma_start3A_206 = arith.constant 0 : i32
    %dma_start3A_207 = arith.constant 0 : i32
    %dma_start3A_208 = tpu.memref_slice %arg2[%dma_start3A_206, %dma_start3A_207] : memref<10000x128xf32, #tpu.memory_space<hbm>> -> memref<10000x128xf32, #tpu.memory_space<hbm>>
    tpu.enqueue_indirect_dma source(%dma_start3A_208 : memref<10000x128xf32, #tpu.memory_space<hbm>>) target(%dma_start3A_203 : memref<128x128xf32, #tpu.memory_space<vmem>>) offsets(%dma_start3A_205 : memref<128xi32, #tpu.memory_space<vmem>>) semaphore(%arg12 : memref<!tpu.dma_semaphore, #tpu.memory_space<semaphore_mem>>) {add = true}
    %dma_start3A_209 = arith.constant 0 : i32
    %dma_start3A_210 = arith.constant 0 : i32
    %dma_start3A_211 = tpu.memref_slice %arg8[%dma_start3A_209, %dma_start3A_210] : memref<312x128xf32, #tpu.memory_space<vmem>> -> memref<128x128xf32, #tpu.memory_space<vmem>>
    %dma_start3A_212 = arith.constant 6864 : i32
    %dma_start3A_213 = tpu.memref_slice %arg6[%dma_start3A_212] : memref<9984xi32, #tpu.memory_space<vmem>> -> memref<128xi32, #tpu.memory_space<vmem>>
    %dma_start3A_214 = arith.constant 0 : i32
    %dma_start3A_215 = arith.constant 0 : i32
    %dma_start3A_216 = tpu.memref_slice %arg2[%dma_start3A_214, %dma_start3A_215] : memref<10000x128xf32, #tpu.memory_space<hbm>> -> memref<10000x128xf32, #tpu.memory_space<hbm>>
    tpu.enqueue_indirect_dma source(%dma_start3A_216 : memref<10000x128xf32, #tpu.memory_space<hbm>>) target(%dma_start3A_211 : memref<128x128xf32, #tpu.memory_space<vmem>>) offsets(%dma_start3A_213 : memref<128xi32, #tpu.memory_space<vmem>>) semaphore(%arg12 : memref<!tpu.dma_semaphore, #tpu.memory_space<semaphore_mem>>) {add = true}
    %dma_start3A_217 = arith.constant 0 : i32
    %dma_start3A_218 = arith.constant 0 : i32
    %dma_start3A_219 = tpu.memref_slice %arg8[%dma_start3A_217, %dma_start3A_218] : memref<312x128xf32, #tpu.memory_space<vmem>> -> memref<128x128xf32, #tpu.memory_space<vmem>>
    %dma_start3A_220 = arith.constant 7176 : i32
    %dma_start3A_221 = tpu.memref_slice %arg6[%dma_start3A_220] : memref<9984xi32, #tpu.memory_space<vmem>> -> memref<128xi32, #tpu.memory_space<vmem>>
    %dma_start3A_222 = arith.constant 0 : i32
    %dma_start3A_223 = arith.constant 0 : i32
    %dma_start3A_224 = tpu.memref_slice %arg2[%dma_start3A_222, %dma_start3A_223] : memref<10000x128xf32, #tpu.memory_space<hbm>> -> memref<10000x128xf32, #tpu.memory_space<hbm>>
    tpu.enqueue_indirect_dma source(%dma_start3A_224 : memref<10000x128xf32, #tpu.memory_space<hbm>>) target(%dma_start3A_219 : memref<128x128xf32, #tpu.memory_space<vmem>>) offsets(%dma_start3A_221 : memref<128xi32, #tpu.memory_space<vmem>>) semaphore(%arg12 : memref<!tpu.dma_semaphore, #tpu.memory_space<semaphore_mem>>) {add = true}
    %dma_start3A_225 = arith.constant 0 : i32
    %dma_start3A_226 = arith.constant 0 : i32
    %dma_start3A_227 = tpu.memref_slice %arg8[%dma_start3A_225, %dma_start3A_226] : memref<312x128xf32, #tpu.memory_space<vmem>> -> memref<128x128xf32, #tpu.memory_space<vmem>>
    %dma_start3A_228 = arith.constant 7488 : i32
    %dma_start3A_229 = tpu.memref_slice %arg6[%dma_start3A_228] : memref<9984xi32, #tpu.memory_space<vmem>> -> memref<128xi32, #tpu.memory_space<vmem>>
    %dma_start3A_230 = arith.constant 0 : i32
    %dma_start3A_231 = arith.constant 0 : i32
    %dma_start3A_232 = tpu.memref_slice %arg2[%dma_start3A_230, %dma_start3A_231] : memref<10000x128xf32, #tpu.memory_space<hbm>> -> memref<10000x128xf32, #tpu.memory_space<hbm>>
    tpu.enqueue_indirect_dma source(%dma_start3A_232 : memref<10000x128xf32, #tpu.memory_space<hbm>>) target(%dma_start3A_227 : memref<128x128xf32, #tpu.memory_space<vmem>>) offsets(%dma_start3A_229 : memref<128xi32, #tpu.memory_space<vmem>>) semaphore(%arg12 : memref<!tpu.dma_semaphore, #tpu.memory_space<semaphore_mem>>) {add = true}
    %dma_start3A_233 = arith.constant 0 : i32
    %dma_start3A_234 = arith.constant 0 : i32
    %dma_start3A_235 = tpu.memref_slice %arg8[%dma_start3A_233, %dma_start3A_234] : memref<312x128xf32, #tpu.memory_space<vmem>> -> memref<128x128xf32, #tpu.memory_space<vmem>>
    %dma_start3A_236 = arith.constant 7800 : i32
    %dma_start3A_237 = tpu.memref_slice %arg6[%dma_start3A_236] : memref<9984xi32, #tpu.memory_space<vmem>> -> memref<128xi32, #tpu.memory_space<vmem>>
    %dma_start3A_238 = arith.constant 0 : i32
    %dma_start3A_239 = arith.constant 0 : i32
    %dma_start3A_240 = tpu.memref_slice %arg2[%dma_start3A_238, %dma_start3A_239] : memref<10000x128xf32, #tpu.memory_space<hbm>> -> memref<10000x128xf32, #tpu.memory_space<hbm>>
    tpu.enqueue_indirect_dma source(%dma_start3A_240 : memref<10000x128xf32, #tpu.memory_space<hbm>>) target(%dma_start3A_235 : memref<128x128xf32, #tpu.memory_space<vmem>>) offsets(%dma_start3A_237 : memref<128xi32, #tpu.memory_space<vmem>>) semaphore(%arg12 : memref<!tpu.dma_semaphore, #tpu.memory_space<semaphore_mem>>) {add = true}
    %dma_start3A_241 = arith.constant 0 : i32
    %dma_start3A_242 = arith.constant 0 : i32
    %dma_start3A_243 = tpu.memref_slice %arg8[%dma_start3A_241, %dma_start3A_242] : memref<312x128xf32, #tpu.memory_space<vmem>> -> memref<128x128xf32, #tpu.memory_space<vmem>>
    %dma_start3A_244 = arith.constant 8112 : i32
    %dma_start3A_245 = tpu.memref_slice %arg6[%dma_start3A_244] : memref<9984xi32, #tpu.memory_space<vmem>> -> memref<128xi32, #tpu.memory_space<vmem>>
    %dma_start3A_246 = arith.constant 0 : i32
    %dma_start3A_247 = arith.constant 0 : i32
    %dma_start3A_248 = tpu.memref_slice %arg2[%dma_start3A_246, %dma_start3A_247] : memref<10000x128xf32, #tpu.memory_space<hbm>> -> memref<10000x128xf32, #tpu.memory_space<hbm>>
    tpu.enqueue_indirect_dma source(%dma_start3A_248 : memref<10000x128xf32, #tpu.memory_space<hbm>>) target(%dma_start3A_243 : memref<128x128xf32, #tpu.memory_space<vmem>>) offsets(%dma_start3A_245 : memref<128xi32, #tpu.memory_space<vmem>>) semaphore(%arg12 : memref<!tpu.dma_semaphore, #tpu.memory_space<semaphore_mem>>) {add = true}
    %dma_start3A_249 = arith.constant 0 : i32
    %dma_start3A_250 = arith.constant 0 : i32
    %dma_start3A_251 = tpu.memref_slice %arg8[%dma_start3A_249, %dma_start3A_250] : memref<312x128xf32, #tpu.memory_space<vmem>> -> memref<128x128xf32, #tpu.memory_space<vmem>>
    %dma_start3A_252 = arith.constant 8424 : i32
    %dma_start3A_253 = tpu.memref_slice %arg6[%dma_start3A_252] : memref<9984xi32, #tpu.memory_space<vmem>> -> memref<128xi32, #tpu.memory_space<vmem>>
    %dma_start3A_254 = arith.constant 0 : i32
    %dma_start3A_255 = arith.constant 0 : i32
    %dma_start3A_256 = tpu.memref_slice %arg2[%dma_start3A_254, %dma_start3A_255] : memref<10000x128xf32, #tpu.memory_space<hbm>> -> memref<10000x128xf32, #tpu.memory_space<hbm>>
    tpu.enqueue_indirect_dma source(%dma_start3A_256 : memref<10000x128xf32, #tpu.memory_space<hbm>>) target(%dma_start3A_251 : memref<128x128xf32, #tpu.memory_space<vmem>>) offsets(%dma_start3A_253 : memref<128xi32, #tpu.memory_space<vmem>>) semaphore(%arg12 : memref<!tpu.dma_semaphore, #tpu.memory_space<semaphore_mem>>) {add = true}
    %dma_start3A_257 = arith.constant 0 : i32
    %dma_start3A_258 = arith.constant 0 : i32
    %dma_start3A_259 = tpu.memref_slice %arg8[%dma_start3A_257, %dma_start3A_258] : memref<312x128xf32, #tpu.memory_space<vmem>> -> memref<128x128xf32, #tpu.memory_space<vmem>>
    %dma_start3A_260 = arith.constant 8736 : i32
    %dma_start3A_261 = tpu.memref_slice %arg6[%dma_start3A_260] : memref<9984xi32, #tpu.memory_space<vmem>> -> memref<128xi32, #tpu.memory_space<vmem>>
    %dma_start3A_262 = arith.constant 0 : i32
    %dma_start3A_263 = arith.constant 0 : i32
    %dma_start3A_264 = tpu.memref_slice %arg2[%dma_start3A_262, %dma_start3A_263] : memref<10000x128xf32, #tpu.memory_space<hbm>> -> memref<10000x128xf32, #tpu.memory_space<hbm>>
    tpu.enqueue_indirect_dma source(%dma_start3A_264 : memref<10000x128xf32, #tpu.memory_space<hbm>>) target(%dma_start3A_259 : memref<128x128xf32, #tpu.memory_space<vmem>>) offsets(%dma_start3A_261 : memref<128xi32, #tpu.memory_space<vmem>>) semaphore(%arg12 : memref<!tpu.dma_semaphore, #tpu.memory_space<semaphore_mem>>) {add = true}
    %dma_start3A_265 = arith.constant 0 : i32
    %dma_start3A_266 = arith.constant 0 : i32
    %dma_start3A_267 = tpu.memref_slice %arg8[%dma_start3A_265, %dma_start3A_266] : memref<312x128xf32, #tpu.memory_space<vmem>> -> memref<128x128xf32, #tpu.memory_space<vmem>>
    %dma_start3A_268 = arith.constant 9048 : i32
    %dma_start3A_269 = tpu.memref_slice %arg6[%dma_start3A_268] : memref<9984xi32, #tpu.memory_space<vmem>> -> memref<128xi32, #tpu.memory_space<vmem>>
    %dma_start3A_270 = arith.constant 0 : i32
    %dma_start3A_271 = arith.constant 0 : i32
    %dma_start3A_272 = tpu.memref_slice %arg2[%dma_start3A_270, %dma_start3A_271] : memref<10000x128xf32, #tpu.memory_space<hbm>> -> memref<10000x128xf32, #tpu.memory_space<hbm>>
    tpu.enqueue_indirect_dma source(%dma_start3A_272 : memref<10000x128xf32, #tpu.memory_space<hbm>>) target(%dma_start3A_267 : memref<128x128xf32, #tpu.memory_space<vmem>>) offsets(%dma_start3A_269 : memref<128xi32, #tpu.memory_space<vmem>>) semaphore(%arg12 : memref<!tpu.dma_semaphore, #tpu.memory_space<semaphore_mem>>) {add = true}
    %dma_start3A_273 = arith.constant 0 : i32
    %dma_start3A_274 = arith.constant 0 : i32
    %dma_start3A_275 = tpu.memref_slice %arg8[%dma_start3A_273, %dma_start3A_274] : memref<312x128xf32, #tpu.memory_space<vmem>> -> memref<128x128xf32, #tpu.memory_space<vmem>>
    %dma_start3A_276 = arith.constant 9360 : i32
    %dma_start3A_277 = tpu.memref_slice %arg6[%dma_start3A_276] : memref<9984xi32, #tpu.memory_space<vmem>> -> memref<128xi32, #tpu.memory_space<vmem>>
    %dma_start3A_278 = arith.constant 0 : i32
    %dma_start3A_279 = arith.constant 0 : i32
    %dma_start3A_280 = tpu.memref_slice %arg2[%dma_start3A_278, %dma_start3A_279] : memref<10000x128xf32, #tpu.memory_space<hbm>> -> memref<10000x128xf32, #tpu.memory_space<hbm>>
    tpu.enqueue_indirect_dma source(%dma_start3A_280 : memref<10000x128xf32, #tpu.memory_space<hbm>>) target(%dma_start3A_275 : memref<128x128xf32, #tpu.memory_space<vmem>>) offsets(%dma_start3A_277 : memref<128xi32, #tpu.memory_space<vmem>>) semaphore(%arg12 : memref<!tpu.dma_semaphore, #tpu.memory_space<semaphore_mem>>) {add = true}
    %dma_start3A_281 = arith.constant 0 : i32
    %dma_start3A_282 = arith.constant 0 : i32
    %dma_start3A_283 = tpu.memref_slice %arg8[%dma_start3A_281, %dma_start3A_282] : memref<312x128xf32, #tpu.memory_space<vmem>> -> memref<128x128xf32, #tpu.memory_space<vmem>>
    %dma_start3A_284 = arith.constant 9672 : i32
    %dma_start3A_285 = tpu.memref_slice %arg6[%dma_start3A_284] : memref<9984xi32, #tpu.memory_space<vmem>> -> memref<128xi32, #tpu.memory_space<vmem>>
    %dma_start3A_286 = arith.constant 0 : i32
    %dma_start3A_287 = arith.constant 0 : i32
    %dma_start3A_288 = tpu.memref_slice %arg2[%dma_start3A_286, %dma_start3A_287] : memref<10000x128xf32, #tpu.memory_space<hbm>> -> memref<10000x128xf32, #tpu.memory_space<hbm>>
    tpu.enqueue_indirect_dma source(%dma_start3A_288 : memref<10000x128xf32, #tpu.memory_space<hbm>>) target(%dma_start3A_283 : memref<128x128xf32, #tpu.memory_space<vmem>>) offsets(%dma_start3A_285 : memref<128xi32, #tpu.memory_space<vmem>>) semaphore(%arg12 : memref<!tpu.dma_semaphore, #tpu.memory_space<semaphore_mem>>) {add = true}
    %mul3A_289 = arith.constant 624 : i32
    %mul3A_290 = arith.muli %arg1, %mul3A_289 : i32
    %mul3A_291 = arith.constant 624 : i32
    %mul3A_292 = arith.muli %arg1, %mul3A_291 : i32
    %dma_wait3A_293 = arith.constant 0 : i32
    %dma_wait3A_294 = tpu.memref_slice %arg9[%mul3A_292, %dma_wait3A_293] : memref<10000x128xf32, #tpu.memory_space<vmem_shared>> -> memref<624x128xf32, #tpu.memory_space<vmem_shared>>
    %dma_wait3A_295 = arith.constant 0 : i32
    %dma_wait3A_296 = tpu.memref_slice %arg2[%mul3A_290, %dma_wait3A_295] : memref<10000x128xf32, #tpu.memory_space<hbm>> -> memref<624x128xf32, #tpu.memory_space<hbm>>
    tpu.wait_dma2 semaphore(%arg10 : memref<!tpu.dma_semaphore, #tpu.memory_space<semaphore_mem>>) src(%dma_wait3A_296 : memref<624x128xf32, #tpu.memory_space<hbm>>) dst(%dma_wait3A_294 : memref<624x128xf32, #tpu.memory_space<vmem_shared>>)
    %eq3A_297 = arith.constant 15 : i32
    %eq3A_298 = arith.cmpi eq, %arg1, %eq3A_297 : i32
    %convert_element_type3A_299 = arith.extui %eq3A_298 : i1 to i32
    %cond3A_300 = arith.constant 0 : i32
    %cond3A_301 = arith.cmpi ne, %convert_element_type3A_299, %cond3A_300 : i32
    scf.if %cond3A_301 {
      %dma_wait3A_1675 = arith.constant 9984 : i32
      %dma_wait3A_1676 = arith.constant 0 : i32
      %dma_wait3A_1677 = tpu.memref_slice %arg9[%dma_wait3A_1675, %dma_wait3A_1676] : memref<10000x128xf32, #tpu.memory_space<vmem_shared>> -> memref<16x128xf32, #tpu.memory_space<vmem_shared>>
      %dma_wait3A_1678 = arith.constant 9984 : i32
      %dma_wait3A_1679 = arith.constant 0 : i32
      %dma_wait3A_1680 = tpu.memref_slice %arg2[%dma_wait3A_1678, %dma_wait3A_1679] : memref<10000x128xf32, #tpu.memory_space<hbm>> -> memref<16x128xf32, #tpu.memory_space<hbm>>
      tpu.wait_dma2 semaphore(%arg10 : memref<!tpu.dma_semaphore, #tpu.memory_space<semaphore_mem>>) src(%dma_wait3A_1680 : memref<16x128xf32, #tpu.memory_space<hbm>>) dst(%dma_wait3A_1677 : memref<16x128xf32, #tpu.memory_space<vmem_shared>>)
    } else {
    }
    %barrier3A = arith.constant 0 : index
    tpu.barrier barrier_id(%barrier3A)
    %dma_start3A_302 = arith.constant 128 : i32
    %dma_start3A_303 = arith.constant 0 : i32
    %dma_start3A_304 = tpu.memref_slice %arg8[%dma_start3A_302, %dma_start3A_303] : memref<312x128xf32, #tpu.memory_space<vmem>> -> memref<128x128xf32, #tpu.memory_space<vmem>>
    %dma_start3A_305 = arith.constant 128 : i32
    %dma_start3A_306 = tpu.memref_slice %arg6[%dma_start3A_305] : memref<9984xi32, #tpu.memory_space<vmem>> -> memref<128xi32, #tpu.memory_space<vmem>>
    %dma_start3A_307 = arith.constant 0 : i32
    %dma_start3A_308 = arith.constant 0 : i32
    %dma_start3A_309 = tpu.memref_slice %arg9[%dma_start3A_307, %dma_start3A_308] : memref<10000x128xf32, #tpu.memory_space<vmem_shared>> -> memref<10000x128xf32, #tpu.memory_space<vmem_shared>>
    tpu.enqueue_indirect_dma source(%dma_start3A_309 : memref<10000x128xf32, #tpu.memory_space<vmem_shared>>) target(%dma_start3A_304 : memref<128x128xf32, #tpu.memory_space<vmem>>) offsets(%dma_start3A_306 : memref<128xi32, #tpu.memory_space<vmem>>) semaphore(%arg13 : memref<!tpu.dma_semaphore, #tpu.memory_space<semaphore_mem>>) {add = true}
    %dma_start3A_310 = arith.constant 128 : i32
    %dma_start3A_311 = arith.constant 0 : i32
    %dma_start3A_312 = tpu.memref_slice %arg8[%dma_start3A_310, %dma_start3A_311] : memref<312x128xf32, #tpu.memory_space<vmem>> -> memref<128x128xf32, #tpu.memory_space<vmem>>
    %dma_start3A_313 = arith.constant 440 : i32
    %dma_start3A_314 = tpu.memref_slice %arg6[%dma_start3A_313] : memref<9984xi32, #tpu.memory_space<vmem>> -> memref<128xi32, #tpu.memory_space<vmem>>
    %dma_start3A_315 = arith.constant 0 : i32
    %dma_start3A_316 = arith.constant 0 : i32
    %dma_start3A_317 = tpu.memref_slice %arg9[%dma_start3A_315, %dma_start3A_316] : memref<10000x128xf32, #tpu.memory_space<vmem_shared>> -> memref<10000x128xf32, #tpu.memory_space<vmem_shared>>
    tpu.enqueue_indirect_dma source(%dma_start3A_317 : memref<10000x128xf32, #tpu.memory_space<vmem_shared>>) target(%dma_start3A_312 : memref<128x128xf32, #tpu.memory_space<vmem>>) offsets(%dma_start3A_314 : memref<128xi32, #tpu.memory_space<vmem>>) semaphore(%arg13 : memref<!tpu.dma_semaphore, #tpu.memory_space<semaphore_mem>>) {add = true}
    %dma_start3A_318 = arith.constant 128 : i32
    %dma_start3A_319 = arith.constant 0 : i32
    %dma_start3A_320 = tpu.memref_slice %arg8[%dma_start3A_318, %dma_start3A_319] : memref<312x128xf32, #tpu.memory_space<vmem>> -> memref<128x128xf32, #tpu.memory_space<vmem>>
    %dma_start3A_321 = arith.constant 752 : i32
    %dma_start3A_322 = tpu.memref_slice %arg6[%dma_start3A_321] : memref<9984xi32, #tpu.memory_space<vmem>> -> memref<128xi32, #tpu.memory_space<vmem>>
    %dma_start3A_323 = arith.constant 0 : i32
    %dma_start3A_324 = arith.constant 0 : i32
    %dma_start3A_325 = tpu.memref_slice %arg9[%dma_start3A_323, %dma_start3A_324] : memref<10000x128xf32, #tpu.memory_space<vmem_shared>> -> memref<10000x128xf32, #tpu.memory_space<vmem_shared>>
    tpu.enqueue_indirect_dma source(%dma_start3A_325 : memref<10000x128xf32, #tpu.memory_space<vmem_shared>>) target(%dma_start3A_320 : memref<128x128xf32, #tpu.memory_space<vmem>>) offsets(%dma_start3A_322 : memref<128xi32, #tpu.memory_space<vmem>>) semaphore(%arg13 : memref<!tpu.dma_semaphore, #tpu.memory_space<semaphore_mem>>) {add = true}
    %dma_start3A_326 = arith.constant 128 : i32
    %dma_start3A_327 = arith.constant 0 : i32
    %dma_start3A_328 = tpu.memref_slice %arg8[%dma_start3A_326, %dma_start3A_327] : memref<312x128xf32, #tpu.memory_space<vmem>> -> memref<128x128xf32, #tpu.memory_space<vmem>>
    %dma_start3A_329 = arith.constant 1064 : i32
    %dma_start3A_330 = tpu.memref_slice %arg6[%dma_start3A_329] : memref<9984xi32, #tpu.memory_space<vmem>> -> memref<128xi32, #tpu.memory_space<vmem>>
    %dma_start3A_331 = arith.constant 0 : i32
    %dma_start3A_332 = arith.constant 0 : i32
    %dma_start3A_333 = tpu.memref_slice %arg9[%dma_start3A_331, %dma_start3A_332] : memref<10000x128xf32, #tpu.memory_space<vmem_shared>> -> memref<10000x128xf32, #tpu.memory_space<vmem_shared>>
    tpu.enqueue_indirect_dma source(%dma_start3A_333 : memref<10000x128xf32, #tpu.memory_space<vmem_shared>>) target(%dma_start3A_328 : memref<128x128xf32, #tpu.memory_space<vmem>>) offsets(%dma_start3A_330 : memref<128xi32, #tpu.memory_space<vmem>>) semaphore(%arg13 : memref<!tpu.dma_semaphore, #tpu.memory_space<semaphore_mem>>) {add = true}
    %dma_start3A_334 = arith.constant 128 : i32
    %dma_start3A_335 = arith.constant 0 : i32
    %dma_start3A_336 = tpu.memref_slice %arg8[%dma_start3A_334, %dma_start3A_335] : memref<312x128xf32, #tpu.memory_space<vmem>> -> memref<128x128xf32, #tpu.memory_space<vmem>>
    %dma_start3A_337 = arith.constant 1376 : i32
    %dma_start3A_338 = tpu.memref_slice %arg6[%dma_start3A_337] : memref<9984xi32, #tpu.memory_space<vmem>> -> memref<128xi32, #tpu.memory_space<vmem>>
    %dma_start3A_339 = arith.constant 0 : i32
    %dma_start3A_340 = arith.constant 0 : i32
    %dma_start3A_341 = tpu.memref_slice %arg9[%dma_start3A_339, %dma_start3A_340] : memref<10000x128xf32, #tpu.memory_space<vmem_shared>> -> memref<10000x128xf32, #tpu.memory_space<vmem_shared>>
    tpu.enqueue_indirect_dma source(%dma_start3A_341 : memref<10000x128xf32, #tpu.memory_space<vmem_shared>>) target(%dma_start3A_336 : memref<128x128xf32, #tpu.memory_space<vmem>>) offsets(%dma_start3A_338 : memref<128xi32, #tpu.memory_space<vmem>>) semaphore(%arg13 : memref<!tpu.dma_semaphore, #tpu.memory_space<semaphore_mem>>) {add = true}
    %dma_start3A_342 = arith.constant 128 : i32
    %dma_start3A_343 = arith.constant 0 : i32
    %dma_start3A_344 = tpu.memref_slice %arg8[%dma_start3A_342, %dma_start3A_343] : memref<312x128xf32, #tpu.memory_space<vmem>> -> memref<128x128xf32, #tpu.memory_space<vmem>>
    %dma_start3A_345 = arith.constant 1688 : i32
    %dma_start3A_346 = tpu.memref_slice %arg6[%dma_start3A_345] : memref<9984xi32, #tpu.memory_space<vmem>> -> memref<128xi32, #tpu.memory_space<vmem>>
    %dma_start3A_347 = arith.constant 0 : i32
    %dma_start3A_348 = arith.constant 0 : i32
    %dma_start3A_349 = tpu.memref_slice %arg9[%dma_start3A_347, %dma_start3A_348] : memref<10000x128xf32, #tpu.memory_space<vmem_shared>> -> memref<10000x128xf32, #tpu.memory_space<vmem_shared>>
    tpu.enqueue_indirect_dma source(%dma_start3A_349 : memref<10000x128xf32, #tpu.memory_space<vmem_shared>>) target(%dma_start3A_344 : memref<128x128xf32, #tpu.memory_space<vmem>>) offsets(%dma_start3A_346 : memref<128xi32, #tpu.memory_space<vmem>>) semaphore(%arg13 : memref<!tpu.dma_semaphore, #tpu.memory_space<semaphore_mem>>) {add = true}
    %dma_start3A_350 = arith.constant 128 : i32
    %dma_start3A_351 = arith.constant 0 : i32
    %dma_start3A_352 = tpu.memref_slice %arg8[%dma_start3A_350, %dma_start3A_351] : memref<312x128xf32, #tpu.memory_space<vmem>> -> memref<128x128xf32, #tpu.memory_space<vmem>>
    %dma_start3A_353 = arith.constant 2000 : i32
    %dma_start3A_354 = tpu.memref_slice %arg6[%dma_start3A_353] : memref<9984xi32, #tpu.memory_space<vmem>> -> memref<128xi32, #tpu.memory_space<vmem>>
    %dma_start3A_355 = arith.constant 0 : i32
    %dma_start3A_356 = arith.constant 0 : i32
    %dma_start3A_357 = tpu.memref_slice %arg9[%dma_start3A_355, %dma_start3A_356] : memref<10000x128xf32, #tpu.memory_space<vmem_shared>> -> memref<10000x128xf32, #tpu.memory_space<vmem_shared>>
    tpu.enqueue_indirect_dma source(%dma_start3A_357 : memref<10000x128xf32, #tpu.memory_space<vmem_shared>>) target(%dma_start3A_352 : memref<128x128xf32, #tpu.memory_space<vmem>>) offsets(%dma_start3A_354 : memref<128xi32, #tpu.memory_space<vmem>>) semaphore(%arg13 : memref<!tpu.dma_semaphore, #tpu.memory_space<semaphore_mem>>) {add = true}
    %dma_start3A_358 = arith.constant 128 : i32
    %dma_start3A_359 = arith.constant 0 : i32
    %dma_start3A_360 = tpu.memref_slice %arg8[%dma_start3A_358, %dma_start3A_359] : memref<312x128xf32, #tpu.memory_space<vmem>> -> memref<128x128xf32, #tpu.memory_space<vmem>>
    %dma_start3A_361 = arith.constant 2312 : i32
    %dma_start3A_362 = tpu.memref_slice %arg6[%dma_start3A_361] : memref<9984xi32, #tpu.memory_space<vmem>> -> memref<128xi32, #tpu.memory_space<vmem>>
    %dma_start3A_363 = arith.constant 0 : i32
    %dma_start3A_364 = arith.constant 0 : i32
    %dma_start3A_365 = tpu.memref_slice %arg9[%dma_start3A_363, %dma_start3A_364] : memref<10000x128xf32, #tpu.memory_space<vmem_shared>> -> memref<10000x128xf32, #tpu.memory_space<vmem_shared>>
    tpu.enqueue_indirect_dma source(%dma_start3A_365 : memref<10000x128xf32, #tpu.memory_space<vmem_shared>>) target(%dma_start3A_360 : memref<128x128xf32, #tpu.memory_space<vmem>>) offsets(%dma_start3A_362 : memref<128xi32, #tpu.memory_space<vmem>>) semaphore(%arg13 : memref<!tpu.dma_semaphore, #tpu.memory_space<semaphore_mem>>) {add = true}
    %dma_start3A_366 = arith.constant 128 : i32
    %dma_start3A_367 = arith.constant 0 : i32
    %dma_start3A_368 = tpu.memref_slice %arg8[%dma_start3A_366, %dma_start3A_367] : memref<312x128xf32, #tpu.memory_space<vmem>> -> memref<128x128xf32, #tpu.memory_space<vmem>>
    %dma_start3A_369 = arith.constant 2624 : i32
    %dma_start3A_370 = tpu.memref_slice %arg6[%dma_start3A_369] : memref<9984xi32, #tpu.memory_space<vmem>> -> memref<128xi32, #tpu.memory_space<vmem>>
    %dma_start3A_371 = arith.constant 0 : i32
    %dma_start3A_372 = arith.constant 0 : i32
    %dma_start3A_373 = tpu.memref_slice %arg9[%dma_start3A_371, %dma_start3A_372] : memref<10000x128xf32, #tpu.memory_space<vmem_shared>> -> memref<10000x128xf32, #tpu.memory_space<vmem_shared>>
    tpu.enqueue_indirect_dma source(%dma_start3A_373 : memref<10000x128xf32, #tpu.memory_space<vmem_shared>>) target(%dma_start3A_368 : memref<128x128xf32, #tpu.memory_space<vmem>>) offsets(%dma_start3A_370 : memref<128xi32, #tpu.memory_space<vmem>>) semaphore(%arg13 : memref<!tpu.dma_semaphore, #tpu.memory_space<semaphore_mem>>) {add = true}
    %dma_start3A_374 = arith.constant 128 : i32
    %dma_start3A_375 = arith.constant 0 : i32
    %dma_start3A_376 = tpu.memref_slice %arg8[%dma_start3A_374, %dma_start3A_375] : memref<312x128xf32, #tpu.memory_space<vmem>> -> memref<128x128xf32, #tpu.memory_space<vmem>>
    %dma_start3A_377 = arith.constant 2936 : i32
    %dma_start3A_378 = tpu.memref_slice %arg6[%dma_start3A_377] : memref<9984xi32, #tpu.memory_space<vmem>> -> memref<128xi32, #tpu.memory_space<vmem>>
    %dma_start3A_379 = arith.constant 0 : i32
    %dma_start3A_380 = arith.constant 0 : i32
    %dma_start3A_381 = tpu.memref_slice %arg9[%dma_start3A_379, %dma_start3A_380] : memref<10000x128xf32, #tpu.memory_space<vmem_shared>> -> memref<10000x128xf32, #tpu.memory_space<vmem_shared>>
    tpu.enqueue_indirect_dma source(%dma_start3A_381 : memref<10000x128xf32, #tpu.memory_space<vmem_shared>>) target(%dma_start3A_376 : memref<128x128xf32, #tpu.memory_space<vmem>>) offsets(%dma_start3A_378 : memref<128xi32, #tpu.memory_space<vmem>>) semaphore(%arg13 : memref<!tpu.dma_semaphore, #tpu.memory_space<semaphore_mem>>) {add = true}
    %dma_start3A_382 = arith.constant 128 : i32
    %dma_start3A_383 = arith.constant 0 : i32
    %dma_start3A_384 = tpu.memref_slice %arg8[%dma_start3A_382, %dma_start3A_383] : memref<312x128xf32, #tpu.memory_space<vmem>> -> memref<128x128xf32, #tpu.memory_space<vmem>>
    %dma_start3A_385 = arith.constant 3248 : i32
    %dma_start3A_386 = tpu.memref_slice %arg6[%dma_start3A_385] : memref<9984xi32, #tpu.memory_space<vmem>> -> memref<128xi32, #tpu.memory_space<vmem>>
    %dma_start3A_387 = arith.constant 0 : i32
    %dma_start3A_388 = arith.constant 0 : i32
    %dma_start3A_389 = tpu.memref_slice %arg9[%dma_start3A_387, %dma_start3A_388] : memref<10000x128xf32, #tpu.memory_space<vmem_shared>> -> memref<10000x128xf32, #tpu.memory_space<vmem_shared>>
    tpu.enqueue_indirect_dma source(%dma_start3A_389 : memref<10000x128xf32, #tpu.memory_space<vmem_shared>>) target(%dma_start3A_384 : memref<128x128xf32, #tpu.memory_space<vmem>>) offsets(%dma_start3A_386 : memref<128xi32, #tpu.memory_space<vmem>>) semaphore(%arg13 : memref<!tpu.dma_semaphore, #tpu.memory_space<semaphore_mem>>) {add = true}
    %dma_start3A_390 = arith.constant 128 : i32
    %dma_start3A_391 = arith.constant 0 : i32
    %dma_start3A_392 = tpu.memref_slice %arg8[%dma_start3A_390, %dma_start3A_391] : memref<312x128xf32, #tpu.memory_space<vmem>> -> memref<128x128xf32, #tpu.memory_space<vmem>>
    %dma_start3A_393 = arith.constant 3560 : i32
    %dma_start3A_394 = tpu.memref_slice %arg6[%dma_start3A_393] : memref<9984xi32, #tpu.memory_space<vmem>> -> memref<128xi32, #tpu.memory_space<vmem>>
    %dma_start3A_395 = arith.constant 0 : i32
    %dma_start3A_396 = arith.constant 0 : i32
    %dma_start3A_397 = tpu.memref_slice %arg9[%dma_start3A_395, %dma_start3A_396] : memref<10000x128xf32, #tpu.memory_space<vmem_shared>> -> memref<10000x128xf32, #tpu.memory_space<vmem_shared>>
    tpu.enqueue_indirect_dma source(%dma_start3A_397 : memref<10000x128xf32, #tpu.memory_space<vmem_shared>>) target(%dma_start3A_392 : memref<128x128xf32, #tpu.memory_space<vmem>>) offsets(%dma_start3A_394 : memref<128xi32, #tpu.memory_space<vmem>>) semaphore(%arg13 : memref<!tpu.dma_semaphore, #tpu.memory_space<semaphore_mem>>) {add = true}
    %dma_start3A_398 = arith.constant 128 : i32
    %dma_start3A_399 = arith.constant 0 : i32
    %dma_start3A_400 = tpu.memref_slice %arg8[%dma_start3A_398, %dma_start3A_399] : memref<312x128xf32, #tpu.memory_space<vmem>> -> memref<128x128xf32, #tpu.memory_space<vmem>>
    %dma_start3A_401 = arith.constant 3872 : i32
    %dma_start3A_402 = tpu.memref_slice %arg6[%dma_start3A_401] : memref<9984xi32, #tpu.memory_space<vmem>> -> memref<128xi32, #tpu.memory_space<vmem>>
    %dma_start3A_403 = arith.constant 0 : i32
    %dma_start3A_404 = arith.constant 0 : i32
    %dma_start3A_405 = tpu.memref_slice %arg9[%dma_start3A_403, %dma_start3A_404] : memref<10000x128xf32, #tpu.memory_space<vmem_shared>> -> memref<10000x128xf32, #tpu.memory_space<vmem_shared>>
    tpu.enqueue_indirect_dma source(%dma_start3A_405 : memref<10000x128xf32, #tpu.memory_space<vmem_shared>>) target(%dma_start3A_400 : memref<128x128xf32, #tpu.memory_space<vmem>>) offsets(%dma_start3A_402 : memref<128xi32, #tpu.memory_space<vmem>>) semaphore(%arg13 : memref<!tpu.dma_semaphore, #tpu.memory_space<semaphore_mem>>) {add = true}
    %dma_start3A_406 = arith.constant 128 : i32
    %dma_start3A_407 = arith.constant 0 : i32
    %dma_start3A_408 = tpu.memref_slice %arg8[%dma_start3A_406, %dma_start3A_407] : memref<312x128xf32, #tpu.memory_space<vmem>> -> memref<128x128xf32, #tpu.memory_space<vmem>>
    %dma_start3A_409 = arith.constant 4184 : i32
    %dma_start3A_410 = tpu.memref_slice %arg6[%dma_start3A_409] : memref<9984xi32, #tpu.memory_space<vmem>> -> memref<128xi32, #tpu.memory_space<vmem>>
    %dma_start3A_411 = arith.constant 0 : i32
    %dma_start3A_412 = arith.constant 0 : i32
    %dma_start3A_413 = tpu.memref_slice %arg9[%dma_start3A_411, %dma_start3A_412] : memref<10000x128xf32, #tpu.memory_space<vmem_shared>> -> memref<10000x128xf32, #tpu.memory_space<vmem_shared>>
    tpu.enqueue_indirect_dma source(%dma_start3A_413 : memref<10000x128xf32, #tpu.memory_space<vmem_shared>>) target(%dma_start3A_408 : memref<128x128xf32, #tpu.memory_space<vmem>>) offsets(%dma_start3A_410 : memref<128xi32, #tpu.memory_space<vmem>>) semaphore(%arg13 : memref<!tpu.dma_semaphore, #tpu.memory_space<semaphore_mem>>) {add = true}
    %dma_start3A_414 = arith.constant 128 : i32
    %dma_start3A_415 = arith.constant 0 : i32
    %dma_start3A_416 = tpu.memref_slice %arg8[%dma_start3A_414, %dma_start3A_415] : memref<312x128xf32, #tpu.memory_space<vmem>> -> memref<128x128xf32, #tpu.memory_space<vmem>>
    %dma_start3A_417 = arith.constant 4496 : i32
    %dma_start3A_418 = tpu.memref_slice %arg6[%dma_start3A_417] : memref<9984xi32, #tpu.memory_space<vmem>> -> memref<128xi32, #tpu.memory_space<vmem>>
    %dma_start3A_419 = arith.constant 0 : i32
    %dma_start3A_420 = arith.constant 0 : i32
    %dma_start3A_421 = tpu.memref_slice %arg9[%dma_start3A_419, %dma_start3A_420] : memref<10000x128xf32, #tpu.memory_space<vmem_shared>> -> memref<10000x128xf32, #tpu.memory_space<vmem_shared>>
    tpu.enqueue_indirect_dma source(%dma_start3A_421 : memref<10000x128xf32, #tpu.memory_space<vmem_shared>>) target(%dma_start3A_416 : memref<128x128xf32, #tpu.memory_space<vmem>>) offsets(%dma_start3A_418 : memref<128xi32, #tpu.memory_space<vmem>>) semaphore(%arg13 : memref<!tpu.dma_semaphore, #tpu.memory_space<semaphore_mem>>) {add = true}
    %dma_start3A_422 = arith.constant 128 : i32
    %dma_start3A_423 = arith.constant 0 : i32
    %dma_start3A_424 = tpu.memref_slice %arg8[%dma_start3A_422, %dma_start3A_423] : memref<312x128xf32, #tpu.memory_space<vmem>> -> memref<128x128xf32, #tpu.memory_space<vmem>>
    %dma_start3A_425 = arith.constant 4808 : i32
    %dma_start3A_426 = tpu.memref_slice %arg6[%dma_start3A_425] : memref<9984xi32, #tpu.memory_space<vmem>> -> memref<128xi32, #tpu.memory_space<vmem>>
    %dma_start3A_427 = arith.constant 0 : i32
    %dma_start3A_428 = arith.constant 0 : i32
    %dma_start3A_429 = tpu.memref_slice %arg9[%dma_start3A_427, %dma_start3A_428] : memref<10000x128xf32, #tpu.memory_space<vmem_shared>> -> memref<10000x128xf32, #tpu.memory_space<vmem_shared>>
    tpu.enqueue_indirect_dma source(%dma_start3A_429 : memref<10000x128xf32, #tpu.memory_space<vmem_shared>>) target(%dma_start3A_424 : memref<128x128xf32, #tpu.memory_space<vmem>>) offsets(%dma_start3A_426 : memref<128xi32, #tpu.memory_space<vmem>>) semaphore(%arg13 : memref<!tpu.dma_semaphore, #tpu.memory_space<semaphore_mem>>) {add = true}
    %dma_start3A_430 = arith.constant 128 : i32
    %dma_start3A_431 = arith.constant 0 : i32
    %dma_start3A_432 = tpu.memref_slice %arg8[%dma_start3A_430, %dma_start3A_431] : memref<312x128xf32, #tpu.memory_space<vmem>> -> memref<128x128xf32, #tpu.memory_space<vmem>>
    %dma_start3A_433 = arith.constant 5120 : i32
    %dma_start3A_434 = tpu.memref_slice %arg6[%dma_start3A_433] : memref<9984xi32, #tpu.memory_space<vmem>> -> memref<128xi32, #tpu.memory_space<vmem>>
    %dma_start3A_435 = arith.constant 0 : i32
    %dma_start3A_436 = arith.constant 0 : i32
    %dma_start3A_437 = tpu.memref_slice %arg9[%dma_start3A_435, %dma_start3A_436] : memref<10000x128xf32, #tpu.memory_space<vmem_shared>> -> memref<10000x128xf32, #tpu.memory_space<vmem_shared>>
    tpu.enqueue_indirect_dma source(%dma_start3A_437 : memref<10000x128xf32, #tpu.memory_space<vmem_shared>>) target(%dma_start3A_432 : memref<128x128xf32, #tpu.memory_space<vmem>>) offsets(%dma_start3A_434 : memref<128xi32, #tpu.memory_space<vmem>>) semaphore(%arg13 : memref<!tpu.dma_semaphore, #tpu.memory_space<semaphore_mem>>) {add = true}
    %dma_start3A_438 = arith.constant 128 : i32
    %dma_start3A_439 = arith.constant 0 : i32
    %dma_start3A_440 = tpu.memref_slice %arg8[%dma_start3A_438, %dma_start3A_439] : memref<312x128xf32, #tpu.memory_space<vmem>> -> memref<128x128xf32, #tpu.memory_space<vmem>>
    %dma_start3A_441 = arith.constant 5432 : i32
    %dma_start3A_442 = tpu.memref_slice %arg6[%dma_start3A_441] : memref<9984xi32, #tpu.memory_space<vmem>> -> memref<128xi32, #tpu.memory_space<vmem>>
    %dma_start3A_443 = arith.constant 0 : i32
    %dma_start3A_444 = arith.constant 0 : i32
    %dma_start3A_445 = tpu.memref_slice %arg9[%dma_start3A_443, %dma_start3A_444] : memref<10000x128xf32, #tpu.memory_space<vmem_shared>> -> memref<10000x128xf32, #tpu.memory_space<vmem_shared>>
    tpu.enqueue_indirect_dma source(%dma_start3A_445 : memref<10000x128xf32, #tpu.memory_space<vmem_shared>>) target(%dma_start3A_440 : memref<128x128xf32, #tpu.memory_space<vmem>>) offsets(%dma_start3A_442 : memref<128xi32, #tpu.memory_space<vmem>>) semaphore(%arg13 : memref<!tpu.dma_semaphore, #tpu.memory_space<semaphore_mem>>) {add = true}
    %dma_start3A_446 = arith.constant 128 : i32
    %dma_start3A_447 = arith.constant 0 : i32
    %dma_start3A_448 = tpu.memref_slice %arg8[%dma_start3A_446, %dma_start3A_447] : memref<312x128xf32, #tpu.memory_space<vmem>> -> memref<128x128xf32, #tpu.memory_space<vmem>>
    %dma_start3A_449 = arith.constant 5744 : i32
    %dma_start3A_450 = tpu.memref_slice %arg6[%dma_start3A_449] : memref<9984xi32, #tpu.memory_space<vmem>> -> memref<128xi32, #tpu.memory_space<vmem>>
    %dma_start3A_451 = arith.constant 0 : i32
    %dma_start3A_452 = arith.constant 0 : i32
    %dma_start3A_453 = tpu.memref_slice %arg9[%dma_start3A_451, %dma_start3A_452] : memref<10000x128xf32, #tpu.memory_space<vmem_shared>> -> memref<10000x128xf32, #tpu.memory_space<vmem_shared>>
    tpu.enqueue_indirect_dma source(%dma_start3A_453 : memref<10000x128xf32, #tpu.memory_space<vmem_shared>>) target(%dma_start3A_448 : memref<128x128xf32, #tpu.memory_space<vmem>>) offsets(%dma_start3A_450 : memref<128xi32, #tpu.memory_space<vmem>>) semaphore(%arg13 : memref<!tpu.dma_semaphore, #tpu.memory_space<semaphore_mem>>) {add = true}
    %dma_start3A_454 = arith.constant 128 : i32
    %dma_start3A_455 = arith.constant 0 : i32
    %dma_start3A_456 = tpu.memref_slice %arg8[%dma_start3A_454, %dma_start3A_455] : memref<312x128xf32, #tpu.memory_space<vmem>> -> memref<128x128xf32, #tpu.memory_space<vmem>>
    %dma_start3A_457 = arith.constant 6056 : i32
    %dma_start3A_458 = tpu.memref_slice %arg6[%dma_start3A_457] : memref<9984xi32, #tpu.memory_space<vmem>> -> memref<128xi32, #tpu.memory_space<vmem>>
    %dma_start3A_459 = arith.constant 0 : i32
    %dma_start3A_460 = arith.constant 0 : i32
    %dma_start3A_461 = tpu.memref_slice %arg9[%dma_start3A_459, %dma_start3A_460] : memref<10000x128xf32, #tpu.memory_space<vmem_shared>> -> memref<10000x128xf32, #tpu.memory_space<vmem_shared>>
    tpu.enqueue_indirect_dma source(%dma_start3A_461 : memref<10000x128xf32, #tpu.memory_space<vmem_shared>>) target(%dma_start3A_456 : memref<128x128xf32, #tpu.memory_space<vmem>>) offsets(%dma_start3A_458 : memref<128xi32, #tpu.memory_space<vmem>>) semaphore(%arg13 : memref<!tpu.dma_semaphore, #tpu.memory_space<semaphore_mem>>) {add = true}
    %dma_start3A_462 = arith.constant 128 : i32
    %dma_start3A_463 = arith.constant 0 : i32
    %dma_start3A_464 = tpu.memref_slice %arg8[%dma_start3A_462, %dma_start3A_463] : memref<312x128xf32, #tpu.memory_space<vmem>> -> memref<128x128xf32, #tpu.memory_space<vmem>>
    %dma_start3A_465 = arith.constant 6368 : i32
    %dma_start3A_466 = tpu.memref_slice %arg6[%dma_start3A_465] : memref<9984xi32, #tpu.memory_space<vmem>> -> memref<128xi32, #tpu.memory_space<vmem>>
    %dma_start3A_467 = arith.constant 0 : i32
    %dma_start3A_468 = arith.constant 0 : i32
    %dma_start3A_469 = tpu.memref_slice %arg9[%dma_start3A_467, %dma_start3A_468] : memref<10000x128xf32, #tpu.memory_space<vmem_shared>> -> memref<10000x128xf32, #tpu.memory_space<vmem_shared>>
    tpu.enqueue_indirect_dma source(%dma_start3A_469 : memref<10000x128xf32, #tpu.memory_space<vmem_shared>>) target(%dma_start3A_464 : memref<128x128xf32, #tpu.memory_space<vmem>>) offsets(%dma_start3A_466 : memref<128xi32, #tpu.memory_space<vmem>>) semaphore(%arg13 : memref<!tpu.dma_semaphore, #tpu.memory_space<semaphore_mem>>) {add = true}
    %dma_start3A_470 = arith.constant 128 : i32
    %dma_start3A_471 = arith.constant 0 : i32
    %dma_start3A_472 = tpu.memref_slice %arg8[%dma_start3A_470, %dma_start3A_471] : memref<312x128xf32, #tpu.memory_space<vmem>> -> memref<128x128xf32, #tpu.memory_space<vmem>>
    %dma_start3A_473 = arith.constant 6680 : i32
    %dma_start3A_474 = tpu.memref_slice %arg6[%dma_start3A_473] : memref<9984xi32, #tpu.memory_space<vmem>> -> memref<128xi32, #tpu.memory_space<vmem>>
    %dma_start3A_475 = arith.constant 0 : i32
    %dma_start3A_476 = arith.constant 0 : i32
    %dma_start3A_477 = tpu.memref_slice %arg9[%dma_start3A_475, %dma_start3A_476] : memref<10000x128xf32, #tpu.memory_space<vmem_shared>> -> memref<10000x128xf32, #tpu.memory_space<vmem_shared>>
    tpu.enqueue_indirect_dma source(%dma_start3A_477 : memref<10000x128xf32, #tpu.memory_space<vmem_shared>>) target(%dma_start3A_472 : memref<128x128xf32, #tpu.memory_space<vmem>>) offsets(%dma_start3A_474 : memref<128xi32, #tpu.memory_space<vmem>>) semaphore(%arg13 : memref<!tpu.dma_semaphore, #tpu.memory_space<semaphore_mem>>) {add = true}
    %dma_start3A_478 = arith.constant 128 : i32
    %dma_start3A_479 = arith.constant 0 : i32
    %dma_start3A_480 = tpu.memref_slice %arg8[%dma_start3A_478, %dma_start3A_479] : memref<312x128xf32, #tpu.memory_space<vmem>> -> memref<128x128xf32, #tpu.memory_space<vmem>>
    %dma_start3A_481 = arith.constant 6992 : i32
    %dma_start3A_482 = tpu.memref_slice %arg6[%dma_start3A_481] : memref<9984xi32, #tpu.memory_space<vmem>> -> memref<128xi32, #tpu.memory_space<vmem>>
    %dma_start3A_483 = arith.constant 0 : i32
    %dma_start3A_484 = arith.constant 0 : i32
    %dma_start3A_485 = tpu.memref_slice %arg9[%dma_start3A_483, %dma_start3A_484] : memref<10000x128xf32, #tpu.memory_space<vmem_shared>> -> memref<10000x128xf32, #tpu.memory_space<vmem_shared>>
    tpu.enqueue_indirect_dma source(%dma_start3A_485 : memref<10000x128xf32, #tpu.memory_space<vmem_shared>>) target(%dma_start3A_480 : memref<128x128xf32, #tpu.memory_space<vmem>>) offsets(%dma_start3A_482 : memref<128xi32, #tpu.memory_space<vmem>>) semaphore(%arg13 : memref<!tpu.dma_semaphore, #tpu.memory_space<semaphore_mem>>) {add = true}
    %dma_start3A_486 = arith.constant 128 : i32
    %dma_start3A_487 = arith.constant 0 : i32
    %dma_start3A_488 = tpu.memref_slice %arg8[%dma_start3A_486, %dma_start3A_487] : memref<312x128xf32, #tpu.memory_space<vmem>> -> memref<128x128xf32, #tpu.memory_space<vmem>>
    %dma_start3A_489 = arith.constant 7304 : i32
    %dma_start3A_490 = tpu.memref_slice %arg6[%dma_start3A_489] : memref<9984xi32, #tpu.memory_space<vmem>> -> memref<128xi32, #tpu.memory_space<vmem>>
    %dma_start3A_491 = arith.constant 0 : i32
    %dma_start3A_492 = arith.constant 0 : i32
    %dma_start3A_493 = tpu.memref_slice %arg9[%dma_start3A_491, %dma_start3A_492] : memref<10000x128xf32, #tpu.memory_space<vmem_shared>> -> memref<10000x128xf32, #tpu.memory_space<vmem_shared>>
    tpu.enqueue_indirect_dma source(%dma_start3A_493 : memref<10000x128xf32, #tpu.memory_space<vmem_shared>>) target(%dma_start3A_488 : memref<128x128xf32, #tpu.memory_space<vmem>>) offsets(%dma_start3A_490 : memref<128xi32, #tpu.memory_space<vmem>>) semaphore(%arg13 : memref<!tpu.dma_semaphore, #tpu.memory_space<semaphore_mem>>) {add = true}
    %dma_start3A_494 = arith.constant 128 : i32
    %dma_start3A_495 = arith.constant 0 : i32
    %dma_start3A_496 = tpu.memref_slice %arg8[%dma_start3A_494, %dma_start3A_495] : memref<312x128xf32, #tpu.memory_space<vmem>> -> memref<128x128xf32, #tpu.memory_space<vmem>>
    %dma_start3A_497 = arith.constant 7616 : i32
    %dma_start3A_498 = tpu.memref_slice %arg6[%dma_start3A_497] : memref<9984xi32, #tpu.memory_space<vmem>> -> memref<128xi32, #tpu.memory_space<vmem>>
    %dma_start3A_499 = arith.constant 0 : i32
    %dma_start3A_500 = arith.constant 0 : i32
    %dma_start3A_501 = tpu.memref_slice %arg9[%dma_start3A_499, %dma_start3A_500] : memref<10000x128xf32, #tpu.memory_space<vmem_shared>> -> memref<10000x128xf32, #tpu.memory_space<vmem_shared>>
    tpu.enqueue_indirect_dma source(%dma_start3A_501 : memref<10000x128xf32, #tpu.memory_space<vmem_shared>>) target(%dma_start3A_496 : memref<128x128xf32, #tpu.memory_space<vmem>>) offsets(%dma_start3A_498 : memref<128xi32, #tpu.memory_space<vmem>>) semaphore(%arg13 : memref<!tpu.dma_semaphore, #tpu.memory_space<semaphore_mem>>) {add = true}
    %dma_start3A_502 = arith.constant 128 : i32
    %dma_start3A_503 = arith.constant 0 : i32
    %dma_start3A_504 = tpu.memref_slice %arg8[%dma_start3A_502, %dma_start3A_503] : memref<312x128xf32, #tpu.memory_space<vmem>> -> memref<128x128xf32, #tpu.memory_space<vmem>>
    %dma_start3A_505 = arith.constant 7928 : i32
    %dma_start3A_506 = tpu.memref_slice %arg6[%dma_start3A_505] : memref<9984xi32, #tpu.memory_space<vmem>> -> memref<128xi32, #tpu.memory_space<vmem>>
    %dma_start3A_507 = arith.constant 0 : i32
    %dma_start3A_508 = arith.constant 0 : i32
    %dma_start3A_509 = tpu.memref_slice %arg9[%dma_start3A_507, %dma_start3A_508] : memref<10000x128xf32, #tpu.memory_space<vmem_shared>> -> memref<10000x128xf32, #tpu.memory_space<vmem_shared>>
    tpu.enqueue_indirect_dma source(%dma_start3A_509 : memref<10000x128xf32, #tpu.memory_space<vmem_shared>>) target(%dma_start3A_504 : memref<128x128xf32, #tpu.memory_space<vmem>>) offsets(%dma_start3A_506 : memref<128xi32, #tpu.memory_space<vmem>>) semaphore(%arg13 : memref<!tpu.dma_semaphore, #tpu.memory_space<semaphore_mem>>) {add = true}
    %dma_start3A_510 = arith.constant 128 : i32
    %dma_start3A_511 = arith.constant 0 : i32
    %dma_start3A_512 = tpu.memref_slice %arg8[%dma_start3A_510, %dma_start3A_511] : memref<312x128xf32, #tpu.memory_space<vmem>> -> memref<128x128xf32, #tpu.memory_space<vmem>>
    %dma_start3A_513 = arith.constant 8240 : i32
    %dma_start3A_514 = tpu.memref_slice %arg6[%dma_start3A_513] : memref<9984xi32, #tpu.memory_space<vmem>> -> memref<128xi32, #tpu.memory_space<vmem>>
    %dma_start3A_515 = arith.constant 0 : i32
    %dma_start3A_516 = arith.constant 0 : i32
    %dma_start3A_517 = tpu.memref_slice %arg9[%dma_start3A_515, %dma_start3A_516] : memref<10000x128xf32, #tpu.memory_space<vmem_shared>> -> memref<10000x128xf32, #tpu.memory_space<vmem_shared>>
    tpu.enqueue_indirect_dma source(%dma_start3A_517 : memref<10000x128xf32, #tpu.memory_space<vmem_shared>>) target(%dma_start3A_512 : memref<128x128xf32, #tpu.memory_space<vmem>>) offsets(%dma_start3A_514 : memref<128xi32, #tpu.memory_space<vmem>>) semaphore(%arg13 : memref<!tpu.dma_semaphore, #tpu.memory_space<semaphore_mem>>) {add = true}
    %dma_start3A_518 = arith.constant 128 : i32
    %dma_start3A_519 = arith.constant 0 : i32
    %dma_start3A_520 = tpu.memref_slice %arg8[%dma_start3A_518, %dma_start3A_519] : memref<312x128xf32, #tpu.memory_space<vmem>> -> memref<128x128xf32, #tpu.memory_space<vmem>>
    %dma_start3A_521 = arith.constant 8552 : i32
    %dma_start3A_522 = tpu.memref_slice %arg6[%dma_start3A_521] : memref<9984xi32, #tpu.memory_space<vmem>> -> memref<128xi32, #tpu.memory_space<vmem>>
    %dma_start3A_523 = arith.constant 0 : i32
    %dma_start3A_524 = arith.constant 0 : i32
    %dma_start3A_525 = tpu.memref_slice %arg9[%dma_start3A_523, %dma_start3A_524] : memref<10000x128xf32, #tpu.memory_space<vmem_shared>> -> memref<10000x128xf32, #tpu.memory_space<vmem_shared>>
    tpu.enqueue_indirect_dma source(%dma_start3A_525 : memref<10000x128xf32, #tpu.memory_space<vmem_shared>>) target(%dma_start3A_520 : memref<128x128xf32, #tpu.memory_space<vmem>>) offsets(%dma_start3A_522 : memref<128xi32, #tpu.memory_space<vmem>>) semaphore(%arg13 : memref<!tpu.dma_semaphore, #tpu.memory_space<semaphore_mem>>) {add = true}
    %dma_start3A_526 = arith.constant 128 : i32
    %dma_start3A_527 = arith.constant 0 : i32
    %dma_start3A_528 = tpu.memref_slice %arg8[%dma_start3A_526, %dma_start3A_527] : memref<312x128xf32, #tpu.memory_space<vmem>> -> memref<128x128xf32, #tpu.memory_space<vmem>>
    %dma_start3A_529 = arith.constant 8864 : i32
    %dma_start3A_530 = tpu.memref_slice %arg6[%dma_start3A_529] : memref<9984xi32, #tpu.memory_space<vmem>> -> memref<128xi32, #tpu.memory_space<vmem>>
    %dma_start3A_531 = arith.constant 0 : i32
    %dma_start3A_532 = arith.constant 0 : i32
    %dma_start3A_533 = tpu.memref_slice %arg9[%dma_start3A_531, %dma_start3A_532] : memref<10000x128xf32, #tpu.memory_space<vmem_shared>> -> memref<10000x128xf32, #tpu.memory_space<vmem_shared>>
    tpu.enqueue_indirect_dma source(%dma_start3A_533 : memref<10000x128xf32, #tpu.memory_space<vmem_shared>>) target(%dma_start3A_528 : memref<128x128xf32, #tpu.memory_space<vmem>>) offsets(%dma_start3A_530 : memref<128xi32, #tpu.memory_space<vmem>>) semaphore(%arg13 : memref<!tpu.dma_semaphore, #tpu.memory_space<semaphore_mem>>) {add = true}
    %dma_start3A_534 = arith.constant 128 : i32
    %dma_start3A_535 = arith.constant 0 : i32
    %dma_start3A_536 = tpu.memref_slice %arg8[%dma_start3A_534, %dma_start3A_535] : memref<312x128xf32, #tpu.memory_space<vmem>> -> memref<128x128xf32, #tpu.memory_space<vmem>>
    %dma_start3A_537 = arith.constant 9176 : i32
    %dma_start3A_538 = tpu.memref_slice %arg6[%dma_start3A_537] : memref<9984xi32, #tpu.memory_space<vmem>> -> memref<128xi32, #tpu.memory_space<vmem>>
    %dma_start3A_539 = arith.constant 0 : i32
    %dma_start3A_540 = arith.constant 0 : i32
    %dma_start3A_541 = tpu.memref_slice %arg9[%dma_start3A_539, %dma_start3A_540] : memref<10000x128xf32, #tpu.memory_space<vmem_shared>> -> memref<10000x128xf32, #tpu.memory_space<vmem_shared>>
    tpu.enqueue_indirect_dma source(%dma_start3A_541 : memref<10000x128xf32, #tpu.memory_space<vmem_shared>>) target(%dma_start3A_536 : memref<128x128xf32, #tpu.memory_space<vmem>>) offsets(%dma_start3A_538 : memref<128xi32, #tpu.memory_space<vmem>>) semaphore(%arg13 : memref<!tpu.dma_semaphore, #tpu.memory_space<semaphore_mem>>) {add = true}
    %dma_start3A_542 = arith.constant 128 : i32
    %dma_start3A_543 = arith.constant 0 : i32
    %dma_start3A_544 = tpu.memref_slice %arg8[%dma_start3A_542, %dma_start3A_543] : memref<312x128xf32, #tpu.memory_space<vmem>> -> memref<128x128xf32, #tpu.memory_space<vmem>>
    %dma_start3A_545 = arith.constant 9488 : i32
    %dma_start3A_546 = tpu.memref_slice %arg6[%dma_start3A_545] : memref<9984xi32, #tpu.memory_space<vmem>> -> memref<128xi32, #tpu.memory_space<vmem>>
    %dma_start3A_547 = arith.constant 0 : i32
    %dma_start3A_548 = arith.constant 0 : i32
    %dma_start3A_549 = tpu.memref_slice %arg9[%dma_start3A_547, %dma_start3A_548] : memref<10000x128xf32, #tpu.memory_space<vmem_shared>> -> memref<10000x128xf32, #tpu.memory_space<vmem_shared>>
    tpu.enqueue_indirect_dma source(%dma_start3A_549 : memref<10000x128xf32, #tpu.memory_space<vmem_shared>>) target(%dma_start3A_544 : memref<128x128xf32, #tpu.memory_space<vmem>>) offsets(%dma_start3A_546 : memref<128xi32, #tpu.memory_space<vmem>>) semaphore(%arg13 : memref<!tpu.dma_semaphore, #tpu.memory_space<semaphore_mem>>) {add = true}
    %dma_start3A_550 = arith.constant 128 : i32
    %dma_start3A_551 = arith.constant 0 : i32
    %dma_start3A_552 = tpu.memref_slice %arg8[%dma_start3A_550, %dma_start3A_551] : memref<312x128xf32, #tpu.memory_space<vmem>> -> memref<128x128xf32, #tpu.memory_space<vmem>>
    %dma_start3A_553 = arith.constant 9800 : i32
    %dma_start3A_554 = tpu.memref_slice %arg6[%dma_start3A_553] : memref<9984xi32, #tpu.memory_space<vmem>> -> memref<128xi32, #tpu.memory_space<vmem>>
    %dma_start3A_555 = arith.constant 0 : i32
    %dma_start3A_556 = arith.constant 0 : i32
    %dma_start3A_557 = tpu.memref_slice %arg9[%dma_start3A_555, %dma_start3A_556] : memref<10000x128xf32, #tpu.memory_space<vmem_shared>> -> memref<10000x128xf32, #tpu.memory_space<vmem_shared>>
    tpu.enqueue_indirect_dma source(%dma_start3A_557 : memref<10000x128xf32, #tpu.memory_space<vmem_shared>>) target(%dma_start3A_552 : memref<128x128xf32, #tpu.memory_space<vmem>>) offsets(%dma_start3A_554 : memref<128xi32, #tpu.memory_space<vmem>>) semaphore(%arg13 : memref<!tpu.dma_semaphore, #tpu.memory_space<semaphore_mem>>) {add = true}
    %dma_start3A_558 = arith.constant 256 : i32
    %dma_start3A_559 = arith.constant 0 : i32
    %dma_start3A_560 = tpu.memref_slice %arg8[%dma_start3A_558, %dma_start3A_559] : memref<312x128xf32, #tpu.memory_space<vmem>> -> memref<56x128xf32, #tpu.memory_space<vmem>>
    %dma_start3A_561 = arith.constant 256 : i32
    %dma_start3A_562 = tpu.memref_slice %arg6[%dma_start3A_561] : memref<9984xi32, #tpu.memory_space<vmem>> -> memref<56xi32, #tpu.memory_space<vmem>>
    %dma_start3A_563 = arith.constant 0 : i32
    %dma_start3A_564 = arith.constant 0 : i32
    %dma_start3A_565 = tpu.memref_slice %arg9[%dma_start3A_563, %dma_start3A_564] : memref<10000x128xf32, #tpu.memory_space<vmem_shared>> -> memref<10000x128xf32, #tpu.memory_space<vmem_shared>>
    tpu.enqueue_indirect_dma source(%dma_start3A_565 : memref<10000x128xf32, #tpu.memory_space<vmem_shared>>) target(%dma_start3A_560 : memref<56x128xf32, #tpu.memory_space<vmem>>) offsets(%dma_start3A_562 : memref<56xi32, #tpu.memory_space<vmem>>) semaphore(%arg14 : memref<!tpu.dma_semaphore, #tpu.memory_space<semaphore_mem>>) {add = true}
    %dma_start3A_566 = arith.constant 256 : i32
    %dma_start3A_567 = arith.constant 0 : i32
    %dma_start3A_568 = tpu.memref_slice %arg8[%dma_start3A_566, %dma_start3A_567] : memref<312x128xf32, #tpu.memory_space<vmem>> -> memref<56x128xf32, #tpu.memory_space<vmem>>
    %dma_start3A_569 = arith.constant 568 : i32
    %dma_start3A_570 = tpu.memref_slice %arg6[%dma_start3A_569] : memref<9984xi32, #tpu.memory_space<vmem>> -> memref<56xi32, #tpu.memory_space<vmem>>
    %dma_start3A_571 = arith.constant 0 : i32
    %dma_start3A_572 = arith.constant 0 : i32
    %dma_start3A_573 = tpu.memref_slice %arg9[%dma_start3A_571, %dma_start3A_572] : memref<10000x128xf32, #tpu.memory_space<vmem_shared>> -> memref<10000x128xf32, #tpu.memory_space<vmem_shared>>
    tpu.enqueue_indirect_dma source(%dma_start3A_573 : memref<10000x128xf32, #tpu.memory_space<vmem_shared>>) target(%dma_start3A_568 : memref<56x128xf32, #tpu.memory_space<vmem>>) offsets(%dma_start3A_570 : memref<56xi32, #tpu.memory_space<vmem>>) semaphore(%arg14 : memref<!tpu.dma_semaphore, #tpu.memory_space<semaphore_mem>>) {add = true}
    %dma_start3A_574 = arith.constant 256 : i32
    %dma_start3A_575 = arith.constant 0 : i32
    %dma_start3A_576 = tpu.memref_slice %arg8[%dma_start3A_574, %dma_start3A_575] : memref<312x128xf32, #tpu.memory_space<vmem>> -> memref<56x128xf32, #tpu.memory_space<vmem>>
    %dma_start3A_577 = arith.constant 880 : i32
    %dma_start3A_578 = tpu.memref_slice %arg6[%dma_start3A_577] : memref<9984xi32, #tpu.memory_space<vmem>> -> memref<56xi32, #tpu.memory_space<vmem>>
    %dma_start3A_579 = arith.constant 0 : i32
    %dma_start3A_580 = arith.constant 0 : i32
    %dma_start3A_581 = tpu.memref_slice %arg9[%dma_start3A_579, %dma_start3A_580] : memref<10000x128xf32, #tpu.memory_space<vmem_shared>> -> memref<10000x128xf32, #tpu.memory_space<vmem_shared>>
    tpu.enqueue_indirect_dma source(%dma_start3A_581 : memref<10000x128xf32, #tpu.memory_space<vmem_shared>>) target(%dma_start3A_576 : memref<56x128xf32, #tpu.memory_space<vmem>>) offsets(%dma_start3A_578 : memref<56xi32, #tpu.memory_space<vmem>>) semaphore(%arg14 : memref<!tpu.dma_semaphore, #tpu.memory_space<semaphore_mem>>) {add = true}
    %dma_start3A_582 = arith.constant 256 : i32
    %dma_start3A_583 = arith.constant 0 : i32
    %dma_start3A_584 = tpu.memref_slice %arg8[%dma_start3A_582, %dma_start3A_583] : memref<312x128xf32, #tpu.memory_space<vmem>> -> memref<56x128xf32, #tpu.memory_space<vmem>>
    %dma_start3A_585 = arith.constant 1192 : i32
    %dma_start3A_586 = tpu.memref_slice %arg6[%dma_start3A_585] : memref<9984xi32, #tpu.memory_space<vmem>> -> memref<56xi32, #tpu.memory_space<vmem>>
    %dma_start3A_587 = arith.constant 0 : i32
    %dma_start3A_588 = arith.constant 0 : i32
    %dma_start3A_589 = tpu.memref_slice %arg9[%dma_start3A_587, %dma_start3A_588] : memref<10000x128xf32, #tpu.memory_space<vmem_shared>> -> memref<10000x128xf32, #tpu.memory_space<vmem_shared>>
    tpu.enqueue_indirect_dma source(%dma_start3A_589 : memref<10000x128xf32, #tpu.memory_space<vmem_shared>>) target(%dma_start3A_584 : memref<56x128xf32, #tpu.memory_space<vmem>>) offsets(%dma_start3A_586 : memref<56xi32, #tpu.memory_space<vmem>>) semaphore(%arg14 : memref<!tpu.dma_semaphore, #tpu.memory_space<semaphore_mem>>) {add = true}
    %dma_start3A_590 = arith.constant 256 : i32
    %dma_start3A_591 = arith.constant 0 : i32
    %dma_start3A_592 = tpu.memref_slice %arg8[%dma_start3A_590, %dma_start3A_591] : memref<312x128xf32, #tpu.memory_space<vmem>> -> memref<56x128xf32, #tpu.memory_space<vmem>>
    %dma_start3A_593 = arith.constant 1504 : i32
    %dma_start3A_594 = tpu.memref_slice %arg6[%dma_start3A_593] : memref<9984xi32, #tpu.memory_space<vmem>> -> memref<56xi32, #tpu.memory_space<vmem>>
    %dma_start3A_595 = arith.constant 0 : i32
    %dma_start3A_596 = arith.constant 0 : i32
    %dma_start3A_597 = tpu.memref_slice %arg9[%dma_start3A_595, %dma_start3A_596] : memref<10000x128xf32, #tpu.memory_space<vmem_shared>> -> memref<10000x128xf32, #tpu.memory_space<vmem_shared>>
    tpu.enqueue_indirect_dma source(%dma_start3A_597 : memref<10000x128xf32, #tpu.memory_space<vmem_shared>>) target(%dma_start3A_592 : memref<56x128xf32, #tpu.memory_space<vmem>>) offsets(%dma_start3A_594 : memref<56xi32, #tpu.memory_space<vmem>>) semaphore(%arg14 : memref<!tpu.dma_semaphore, #tpu.memory_space<semaphore_mem>>) {add = true}
    %dma_start3A_598 = arith.constant 256 : i32
    %dma_start3A_599 = arith.constant 0 : i32
    %dma_start3A_600 = tpu.memref_slice %arg8[%dma_start3A_598, %dma_start3A_599] : memref<312x128xf32, #tpu.memory_space<vmem>> -> memref<56x128xf32, #tpu.memory_space<vmem>>
    %dma_start3A_601 = arith.constant 1816 : i32
    %dma_start3A_602 = tpu.memref_slice %arg6[%dma_start3A_601] : memref<9984xi32, #tpu.memory_space<vmem>> -> memref<56xi32, #tpu.memory_space<vmem>>
    %dma_start3A_603 = arith.constant 0 : i32
    %dma_start3A_604 = arith.constant 0 : i32
    %dma_start3A_605 = tpu.memref_slice %arg9[%dma_start3A_603, %dma_start3A_604] : memref<10000x128xf32, #tpu.memory_space<vmem_shared>> -> memref<10000x128xf32, #tpu.memory_space<vmem_shared>>
    tpu.enqueue_indirect_dma source(%dma_start3A_605 : memref<10000x128xf32, #tpu.memory_space<vmem_shared>>) target(%dma_start3A_600 : memref<56x128xf32, #tpu.memory_space<vmem>>) offsets(%dma_start3A_602 : memref<56xi32, #tpu.memory_space<vmem>>) semaphore(%arg14 : memref<!tpu.dma_semaphore, #tpu.memory_space<semaphore_mem>>) {add = true}
    %dma_start3A_606 = arith.constant 256 : i32
    %dma_start3A_607 = arith.constant 0 : i32
    %dma_start3A_608 = tpu.memref_slice %arg8[%dma_start3A_606, %dma_start3A_607] : memref<312x128xf32, #tpu.memory_space<vmem>> -> memref<56x128xf32, #tpu.memory_space<vmem>>
    %dma_start3A_609 = arith.constant 2128 : i32
    %dma_start3A_610 = tpu.memref_slice %arg6[%dma_start3A_609] : memref<9984xi32, #tpu.memory_space<vmem>> -> memref<56xi32, #tpu.memory_space<vmem>>
    %dma_start3A_611 = arith.constant 0 : i32
    %dma_start3A_612 = arith.constant 0 : i32
    %dma_start3A_613 = tpu.memref_slice %arg9[%dma_start3A_611, %dma_start3A_612] : memref<10000x128xf32, #tpu.memory_space<vmem_shared>> -> memref<10000x128xf32, #tpu.memory_space<vmem_shared>>
    tpu.enqueue_indirect_dma source(%dma_start3A_613 : memref<10000x128xf32, #tpu.memory_space<vmem_shared>>) target(%dma_start3A_608 : memref<56x128xf32, #tpu.memory_space<vmem>>) offsets(%dma_start3A_610 : memref<56xi32, #tpu.memory_space<vmem>>) semaphore(%arg14 : memref<!tpu.dma_semaphore, #tpu.memory_space<semaphore_mem>>) {add = true}
    %dma_start3A_614 = arith.constant 256 : i32
    %dma_start3A_615 = arith.constant 0 : i32
    %dma_start3A_616 = tpu.memref_slice %arg8[%dma_start3A_614, %dma_start3A_615] : memref<312x128xf32, #tpu.memory_space<vmem>> -> memref<56x128xf32, #tpu.memory_space<vmem>>
    %dma_start3A_617 = arith.constant 2440 : i32
    %dma_start3A_618 = tpu.memref_slice %arg6[%dma_start3A_617] : memref<9984xi32, #tpu.memory_space<vmem>> -> memref<56xi32, #tpu.memory_space<vmem>>
    %dma_start3A_619 = arith.constant 0 : i32
    %dma_start3A_620 = arith.constant 0 : i32
    %dma_start3A_621 = tpu.memref_slice %arg9[%dma_start3A_619, %dma_start3A_620] : memref<10000x128xf32, #tpu.memory_space<vmem_shared>> -> memref<10000x128xf32, #tpu.memory_space<vmem_shared>>
    tpu.enqueue_indirect_dma source(%dma_start3A_621 : memref<10000x128xf32, #tpu.memory_space<vmem_shared>>) target(%dma_start3A_616 : memref<56x128xf32, #tpu.memory_space<vmem>>) offsets(%dma_start3A_618 : memref<56xi32, #tpu.memory_space<vmem>>) semaphore(%arg14 : memref<!tpu.dma_semaphore, #tpu.memory_space<semaphore_mem>>) {add = true}
    %dma_start3A_622 = arith.constant 256 : i32
    %dma_start3A_623 = arith.constant 0 : i32
    %dma_start3A_624 = tpu.memref_slice %arg8[%dma_start3A_622, %dma_start3A_623] : memref<312x128xf32, #tpu.memory_space<vmem>> -> memref<56x128xf32, #tpu.memory_space<vmem>>
    %dma_start3A_625 = arith.constant 2752 : i32
    %dma_start3A_626 = tpu.memref_slice %arg6[%dma_start3A_625] : memref<9984xi32, #tpu.memory_space<vmem>> -> memref<56xi32, #tpu.memory_space<vmem>>
    %dma_start3A_627 = arith.constant 0 : i32
    %dma_start3A_628 = arith.constant 0 : i32
    %dma_start3A_629 = tpu.memref_slice %arg9[%dma_start3A_627, %dma_start3A_628] : memref<10000x128xf32, #tpu.memory_space<vmem_shared>> -> memref<10000x128xf32, #tpu.memory_space<vmem_shared>>
    tpu.enqueue_indirect_dma source(%dma_start3A_629 : memref<10000x128xf32, #tpu.memory_space<vmem_shared>>) target(%dma_start3A_624 : memref<56x128xf32, #tpu.memory_space<vmem>>) offsets(%dma_start3A_626 : memref<56xi32, #tpu.memory_space<vmem>>) semaphore(%arg14 : memref<!tpu.dma_semaphore, #tpu.memory_space<semaphore_mem>>) {add = true}
    %dma_start3A_630 = arith.constant 256 : i32
    %dma_start3A_631 = arith.constant 0 : i32
    %dma_start3A_632 = tpu.memref_slice %arg8[%dma_start3A_630, %dma_start3A_631] : memref<312x128xf32, #tpu.memory_space<vmem>> -> memref<56x128xf32, #tpu.memory_space<vmem>>
    %dma_start3A_633 = arith.constant 3064 : i32
    %dma_start3A_634 = tpu.memref_slice %arg6[%dma_start3A_633] : memref<9984xi32, #tpu.memory_space<vmem>> -> memref<56xi32, #tpu.memory_space<vmem>>
    %dma_start3A_635 = arith.constant 0 : i32
    %dma_start3A_636 = arith.constant 0 : i32
    %dma_start3A_637 = tpu.memref_slice %arg9[%dma_start3A_635, %dma_start3A_636] : memref<10000x128xf32, #tpu.memory_space<vmem_shared>> -> memref<10000x128xf32, #tpu.memory_space<vmem_shared>>
    tpu.enqueue_indirect_dma source(%dma_start3A_637 : memref<10000x128xf32, #tpu.memory_space<vmem_shared>>) target(%dma_start3A_632 : memref<56x128xf32, #tpu.memory_space<vmem>>) offsets(%dma_start3A_634 : memref<56xi32, #tpu.memory_space<vmem>>) semaphore(%arg14 : memref<!tpu.dma_semaphore, #tpu.memory_space<semaphore_mem>>) {add = true}
    %dma_start3A_638 = arith.constant 256 : i32
    %dma_start3A_639 = arith.constant 0 : i32
    %dma_start3A_640 = tpu.memref_slice %arg8[%dma_start3A_638, %dma_start3A_639] : memref<312x128xf32, #tpu.memory_space<vmem>> -> memref<56x128xf32, #tpu.memory_space<vmem>>
    %dma_start3A_641 = arith.constant 3376 : i32
    %dma_start3A_642 = tpu.memref_slice %arg6[%dma_start3A_641] : memref<9984xi32, #tpu.memory_space<vmem>> -> memref<56xi32, #tpu.memory_space<vmem>>
    %dma_start3A_643 = arith.constant 0 : i32
    %dma_start3A_644 = arith.constant 0 : i32
    %dma_start3A_645 = tpu.memref_slice %arg9[%dma_start3A_643, %dma_start3A_644] : memref<10000x128xf32, #tpu.memory_space<vmem_shared>> -> memref<10000x128xf32, #tpu.memory_space<vmem_shared>>
    tpu.enqueue_indirect_dma source(%dma_start3A_645 : memref<10000x128xf32, #tpu.memory_space<vmem_shared>>) target(%dma_start3A_640 : memref<56x128xf32, #tpu.memory_space<vmem>>) offsets(%dma_start3A_642 : memref<56xi32, #tpu.memory_space<vmem>>) semaphore(%arg14 : memref<!tpu.dma_semaphore, #tpu.memory_space<semaphore_mem>>) {add = true}
    %dma_start3A_646 = arith.constant 256 : i32
    %dma_start3A_647 = arith.constant 0 : i32
    %dma_start3A_648 = tpu.memref_slice %arg8[%dma_start3A_646, %dma_start3A_647] : memref<312x128xf32, #tpu.memory_space<vmem>> -> memref<56x128xf32, #tpu.memory_space<vmem>>
    %dma_start3A_649 = arith.constant 3688 : i32
    %dma_start3A_650 = tpu.memref_slice %arg6[%dma_start3A_649] : memref<9984xi32, #tpu.memory_space<vmem>> -> memref<56xi32, #tpu.memory_space<vmem>>
    %dma_start3A_651 = arith.constant 0 : i32
    %dma_start3A_652 = arith.constant 0 : i32
    %dma_start3A_653 = tpu.memref_slice %arg9[%dma_start3A_651, %dma_start3A_652] : memref<10000x128xf32, #tpu.memory_space<vmem_shared>> -> memref<10000x128xf32, #tpu.memory_space<vmem_shared>>
    tpu.enqueue_indirect_dma source(%dma_start3A_653 : memref<10000x128xf32, #tpu.memory_space<vmem_shared>>) target(%dma_start3A_648 : memref<56x128xf32, #tpu.memory_space<vmem>>) offsets(%dma_start3A_650 : memref<56xi32, #tpu.memory_space<vmem>>) semaphore(%arg14 : memref<!tpu.dma_semaphore, #tpu.memory_space<semaphore_mem>>) {add = true}
    %dma_start3A_654 = arith.constant 256 : i32
    %dma_start3A_655 = arith.constant 0 : i32
    %dma_start3A_656 = tpu.memref_slice %arg8[%dma_start3A_654, %dma_start3A_655] : memref<312x128xf32, #tpu.memory_space<vmem>> -> memref<56x128xf32, #tpu.memory_space<vmem>>
    %dma_start3A_657 = arith.constant 4000 : i32
    %dma_start3A_658 = tpu.memref_slice %arg6[%dma_start3A_657] : memref<9984xi32, #tpu.memory_space<vmem>> -> memref<56xi32, #tpu.memory_space<vmem>>
    %dma_start3A_659 = arith.constant 0 : i32
    %dma_start3A_660 = arith.constant 0 : i32
    %dma_start3A_661 = tpu.memref_slice %arg9[%dma_start3A_659, %dma_start3A_660] : memref<10000x128xf32, #tpu.memory_space<vmem_shared>> -> memref<10000x128xf32, #tpu.memory_space<vmem_shared>>
    tpu.enqueue_indirect_dma source(%dma_start3A_661 : memref<10000x128xf32, #tpu.memory_space<vmem_shared>>) target(%dma_start3A_656 : memref<56x128xf32, #tpu.memory_space<vmem>>) offsets(%dma_start3A_658 : memref<56xi32, #tpu.memory_space<vmem>>) semaphore(%arg14 : memref<!tpu.dma_semaphore, #tpu.memory_space<semaphore_mem>>) {add = true}
    %dma_start3A_662 = arith.constant 256 : i32
    %dma_start3A_663 = arith.constant 0 : i32
    %dma_start3A_664 = tpu.memref_slice %arg8[%dma_start3A_662, %dma_start3A_663] : memref<312x128xf32, #tpu.memory_space<vmem>> -> memref<56x128xf32, #tpu.memory_space<vmem>>
    %dma_start3A_665 = arith.constant 4312 : i32
    %dma_start3A_666 = tpu.memref_slice %arg6[%dma_start3A_665] : memref<9984xi32, #tpu.memory_space<vmem>> -> memref<56xi32, #tpu.memory_space<vmem>>
    %dma_start3A_667 = arith.constant 0 : i32
    %dma_start3A_668 = arith.constant 0 : i32
    %dma_start3A_669 = tpu.memref_slice %arg9[%dma_start3A_667, %dma_start3A_668] : memref<10000x128xf32, #tpu.memory_space<vmem_shared>> -> memref<10000x128xf32, #tpu.memory_space<vmem_shared>>
    tpu.enqueue_indirect_dma source(%dma_start3A_669 : memref<10000x128xf32, #tpu.memory_space<vmem_shared>>) target(%dma_start3A_664 : memref<56x128xf32, #tpu.memory_space<vmem>>) offsets(%dma_start3A_666 : memref<56xi32, #tpu.memory_space<vmem>>) semaphore(%arg14 : memref<!tpu.dma_semaphore, #tpu.memory_space<semaphore_mem>>) {add = true}
    %dma_start3A_670 = arith.constant 256 : i32
    %dma_start3A_671 = arith.constant 0 : i32
    %dma_start3A_672 = tpu.memref_slice %arg8[%dma_start3A_670, %dma_start3A_671] : memref<312x128xf32, #tpu.memory_space<vmem>> -> memref<56x128xf32, #tpu.memory_space<vmem>>
    %dma_start3A_673 = arith.constant 4624 : i32
    %dma_start3A_674 = tpu.memref_slice %arg6[%dma_start3A_673] : memref<9984xi32, #tpu.memory_space<vmem>> -> memref<56xi32, #tpu.memory_space<vmem>>
    %dma_start3A_675 = arith.constant 0 : i32
    %dma_start3A_676 = arith.constant 0 : i32
    %dma_start3A_677 = tpu.memref_slice %arg9[%dma_start3A_675, %dma_start3A_676] : memref<10000x128xf32, #tpu.memory_space<vmem_shared>> -> memref<10000x128xf32, #tpu.memory_space<vmem_shared>>
    tpu.enqueue_indirect_dma source(%dma_start3A_677 : memref<10000x128xf32, #tpu.memory_space<vmem_shared>>) target(%dma_start3A_672 : memref<56x128xf32, #tpu.memory_space<vmem>>) offsets(%dma_start3A_674 : memref<56xi32, #tpu.memory_space<vmem>>) semaphore(%arg14 : memref<!tpu.dma_semaphore, #tpu.memory_space<semaphore_mem>>) {add = true}
    %dma_start3A_678 = arith.constant 256 : i32
    %dma_start3A_679 = arith.constant 0 : i32
    %dma_start3A_680 = tpu.memref_slice %arg8[%dma_start3A_678, %dma_start3A_679] : memref<312x128xf32, #tpu.memory_space<vmem>> -> memref<56x128xf32, #tpu.memory_space<vmem>>
    %dma_start3A_681 = arith.constant 4936 : i32
    %dma_start3A_682 = tpu.memref_slice %arg6[%dma_start3A_681] : memref<9984xi32, #tpu.memory_space<vmem>> -> memref<56xi32, #tpu.memory_space<vmem>>
    %dma_start3A_683 = arith.constant 0 : i32
    %dma_start3A_684 = arith.constant 0 : i32
    %dma_start3A_685 = tpu.memref_slice %arg9[%dma_start3A_683, %dma_start3A_684] : memref<10000x128xf32, #tpu.memory_space<vmem_shared>> -> memref<10000x128xf32, #tpu.memory_space<vmem_shared>>
    tpu.enqueue_indirect_dma source(%dma_start3A_685 : memref<10000x128xf32, #tpu.memory_space<vmem_shared>>) target(%dma_start3A_680 : memref<56x128xf32, #tpu.memory_space<vmem>>) offsets(%dma_start3A_682 : memref<56xi32, #tpu.memory_space<vmem>>) semaphore(%arg14 : memref<!tpu.dma_semaphore, #tpu.memory_space<semaphore_mem>>) {add = true}
    %dma_start3A_686 = arith.constant 256 : i32
    %dma_start3A_687 = arith.constant 0 : i32
    %dma_start3A_688 = tpu.memref_slice %arg8[%dma_start3A_686, %dma_start3A_687] : memref<312x128xf32, #tpu.memory_space<vmem>> -> memref<56x128xf32, #tpu.memory_space<vmem>>
    %dma_start3A_689 = arith.constant 5248 : i32
    %dma_start3A_690 = tpu.memref_slice %arg6[%dma_start3A_689] : memref<9984xi32, #tpu.memory_space<vmem>> -> memref<56xi32, #tpu.memory_space<vmem>>
    %dma_start3A_691 = arith.constant 0 : i32
    %dma_start3A_692 = arith.constant 0 : i32
    %dma_start3A_693 = tpu.memref_slice %arg9[%dma_start3A_691, %dma_start3A_692] : memref<10000x128xf32, #tpu.memory_space<vmem_shared>> -> memref<10000x128xf32, #tpu.memory_space<vmem_shared>>
    tpu.enqueue_indirect_dma source(%dma_start3A_693 : memref<10000x128xf32, #tpu.memory_space<vmem_shared>>) target(%dma_start3A_688 : memref<56x128xf32, #tpu.memory_space<vmem>>) offsets(%dma_start3A_690 : memref<56xi32, #tpu.memory_space<vmem>>) semaphore(%arg14 : memref<!tpu.dma_semaphore, #tpu.memory_space<semaphore_mem>>) {add = true}
    %dma_start3A_694 = arith.constant 256 : i32
    %dma_start3A_695 = arith.constant 0 : i32
    %dma_start3A_696 = tpu.memref_slice %arg8[%dma_start3A_694, %dma_start3A_695] : memref<312x128xf32, #tpu.memory_space<vmem>> -> memref<56x128xf32, #tpu.memory_space<vmem>>
    %dma_start3A_697 = arith.constant 5560 : i32
    %dma_start3A_698 = tpu.memref_slice %arg6[%dma_start3A_697] : memref<9984xi32, #tpu.memory_space<vmem>> -> memref<56xi32, #tpu.memory_space<vmem>>
    %dma_start3A_699 = arith.constant 0 : i32
    %dma_start3A_700 = arith.constant 0 : i32
    %dma_start3A_701 = tpu.memref_slice %arg9[%dma_start3A_699, %dma_start3A_700] : memref<10000x128xf32, #tpu.memory_space<vmem_shared>> -> memref<10000x128xf32, #tpu.memory_space<vmem_shared>>
    tpu.enqueue_indirect_dma source(%dma_start3A_701 : memref<10000x128xf32, #tpu.memory_space<vmem_shared>>) target(%dma_start3A_696 : memref<56x128xf32, #tpu.memory_space<vmem>>) offsets(%dma_start3A_698 : memref<56xi32, #tpu.memory_space<vmem>>) semaphore(%arg14 : memref<!tpu.dma_semaphore, #tpu.memory_space<semaphore_mem>>) {add = true}
    %dma_start3A_702 = arith.constant 256 : i32
    %dma_start3A_703 = arith.constant 0 : i32
    %dma_start3A_704 = tpu.memref_slice %arg8[%dma_start3A_702, %dma_start3A_703] : memref<312x128xf32, #tpu.memory_space<vmem>> -> memref<56x128xf32, #tpu.memory_space<vmem>>
    %dma_start3A_705 = arith.constant 5872 : i32
    %dma_start3A_706 = tpu.memref_slice %arg6[%dma_start3A_705] : memref<9984xi32, #tpu.memory_space<vmem>> -> memref<56xi32, #tpu.memory_space<vmem>>
    %dma_start3A_707 = arith.constant 0 : i32
    %dma_start3A_708 = arith.constant 0 : i32
    %dma_start3A_709 = tpu.memref_slice %arg9[%dma_start3A_707, %dma_start3A_708] : memref<10000x128xf32, #tpu.memory_space<vmem_shared>> -> memref<10000x128xf32, #tpu.memory_space<vmem_shared>>
    tpu.enqueue_indirect_dma source(%dma_start3A_709 : memref<10000x128xf32, #tpu.memory_space<vmem_shared>>) target(%dma_start3A_704 : memref<56x128xf32, #tpu.memory_space<vmem>>) offsets(%dma_start3A_706 : memref<56xi32, #tpu.memory_space<vmem>>) semaphore(%arg14 : memref<!tpu.dma_semaphore, #tpu.memory_space<semaphore_mem>>) {add = true}
    %dma_start3A_710 = arith.constant 256 : i32
    %dma_start3A_711 = arith.constant 0 : i32
    %dma_start3A_712 = tpu.memref_slice %arg8[%dma_start3A_710, %dma_start3A_711] : memref<312x128xf32, #tpu.memory_space<vmem>> -> memref<56x128xf32, #tpu.memory_space<vmem>>
    %dma_start3A_713 = arith.constant 6184 : i32
    %dma_start3A_714 = tpu.memref_slice %arg6[%dma_start3A_713] : memref<9984xi32, #tpu.memory_space<vmem>> -> memref<56xi32, #tpu.memory_space<vmem>>
    %dma_start3A_715 = arith.constant 0 : i32
    %dma_start3A_716 = arith.constant 0 : i32
    %dma_start3A_717 = tpu.memref_slice %arg9[%dma_start3A_715, %dma_start3A_716] : memref<10000x128xf32, #tpu.memory_space<vmem_shared>> -> memref<10000x128xf32, #tpu.memory_space<vmem_shared>>
    tpu.enqueue_indirect_dma source(%dma_start3A_717 : memref<10000x128xf32, #tpu.memory_space<vmem_shared>>) target(%dma_start3A_712 : memref<56x128xf32, #tpu.memory_space<vmem>>) offsets(%dma_start3A_714 : memref<56xi32, #tpu.memory_space<vmem>>) semaphore(%arg14 : memref<!tpu.dma_semaphore, #tpu.memory_space<semaphore_mem>>) {add = true}
    %dma_start3A_718 = arith.constant 256 : i32
    %dma_start3A_719 = arith.constant 0 : i32
    %dma_start3A_720 = tpu.memref_slice %arg8[%dma_start3A_718, %dma_start3A_719] : memref<312x128xf32, #tpu.memory_space<vmem>> -> memref<56x128xf32, #tpu.memory_space<vmem>>
    %dma_start3A_721 = arith.constant 6496 : i32
    %dma_start3A_722 = tpu.memref_slice %arg6[%dma_start3A_721] : memref<9984xi32, #tpu.memory_space<vmem>> -> memref<56xi32, #tpu.memory_space<vmem>>
    %dma_start3A_723 = arith.constant 0 : i32
    %dma_start3A_724 = arith.constant 0 : i32
    %dma_start3A_725 = tpu.memref_slice %arg9[%dma_start3A_723, %dma_start3A_724] : memref<10000x128xf32, #tpu.memory_space<vmem_shared>> -> memref<10000x128xf32, #tpu.memory_space<vmem_shared>>
    tpu.enqueue_indirect_dma source(%dma_start3A_725 : memref<10000x128xf32, #tpu.memory_space<vmem_shared>>) target(%dma_start3A_720 : memref<56x128xf32, #tpu.memory_space<vmem>>) offsets(%dma_start3A_722 : memref<56xi32, #tpu.memory_space<vmem>>) semaphore(%arg14 : memref<!tpu.dma_semaphore, #tpu.memory_space<semaphore_mem>>) {add = true}
    %dma_start3A_726 = arith.constant 256 : i32
    %dma_start3A_727 = arith.constant 0 : i32
    %dma_start3A_728 = tpu.memref_slice %arg8[%dma_start3A_726, %dma_start3A_727] : memref<312x128xf32, #tpu.memory_space<vmem>> -> memref<56x128xf32, #tpu.memory_space<vmem>>
    %dma_start3A_729 = arith.constant 6808 : i32
    %dma_start3A_730 = tpu.memref_slice %arg6[%dma_start3A_729] : memref<9984xi32, #tpu.memory_space<vmem>> -> memref<56xi32, #tpu.memory_space<vmem>>
    %dma_start3A_731 = arith.constant 0 : i32
    %dma_start3A_732 = arith.constant 0 : i32
    %dma_start3A_733 = tpu.memref_slice %arg9[%dma_start3A_731, %dma_start3A_732] : memref<10000x128xf32, #tpu.memory_space<vmem_shared>> -> memref<10000x128xf32, #tpu.memory_space<vmem_shared>>
    tpu.enqueue_indirect_dma source(%dma_start3A_733 : memref<10000x128xf32, #tpu.memory_space<vmem_shared>>) target(%dma_start3A_728 : memref<56x128xf32, #tpu.memory_space<vmem>>) offsets(%dma_start3A_730 : memref<56xi32, #tpu.memory_space<vmem>>) semaphore(%arg14 : memref<!tpu.dma_semaphore, #tpu.memory_space<semaphore_mem>>) {add = true}
    %dma_start3A_734 = arith.constant 256 : i32
    %dma_start3A_735 = arith.constant 0 : i32
    %dma_start3A_736 = tpu.memref_slice %arg8[%dma_start3A_734, %dma_start3A_735] : memref<312x128xf32, #tpu.memory_space<vmem>> -> memref<56x128xf32, #tpu.memory_space<vmem>>
    %dma_start3A_737 = arith.constant 7120 : i32
    %dma_start3A_738 = tpu.memref_slice %arg6[%dma_start3A_737] : memref<9984xi32, #tpu.memory_space<vmem>> -> memref<56xi32, #tpu.memory_space<vmem>>
    %dma_start3A_739 = arith.constant 0 : i32
    %dma_start3A_740 = arith.constant 0 : i32
    %dma_start3A_741 = tpu.memref_slice %arg9[%dma_start3A_739, %dma_start3A_740] : memref<10000x128xf32, #tpu.memory_space<vmem_shared>> -> memref<10000x128xf32, #tpu.memory_space<vmem_shared>>
    tpu.enqueue_indirect_dma source(%dma_start3A_741 : memref<10000x128xf32, #tpu.memory_space<vmem_shared>>) target(%dma_start3A_736 : memref<56x128xf32, #tpu.memory_space<vmem>>) offsets(%dma_start3A_738 : memref<56xi32, #tpu.memory_space<vmem>>) semaphore(%arg14 : memref<!tpu.dma_semaphore, #tpu.memory_space<semaphore_mem>>) {add = true}
    %dma_start3A_742 = arith.constant 256 : i32
    %dma_start3A_743 = arith.constant 0 : i32
    %dma_start3A_744 = tpu.memref_slice %arg8[%dma_start3A_742, %dma_start3A_743] : memref<312x128xf32, #tpu.memory_space<vmem>> -> memref<56x128xf32, #tpu.memory_space<vmem>>
    %dma_start3A_745 = arith.constant 7432 : i32
    %dma_start3A_746 = tpu.memref_slice %arg6[%dma_start3A_745] : memref<9984xi32, #tpu.memory_space<vmem>> -> memref<56xi32, #tpu.memory_space<vmem>>
    %dma_start3A_747 = arith.constant 0 : i32
    %dma_start3A_748 = arith.constant 0 : i32
    %dma_start3A_749 = tpu.memref_slice %arg9[%dma_start3A_747, %dma_start3A_748] : memref<10000x128xf32, #tpu.memory_space<vmem_shared>> -> memref<10000x128xf32, #tpu.memory_space<vmem_shared>>
    tpu.enqueue_indirect_dma source(%dma_start3A_749 : memref<10000x128xf32, #tpu.memory_space<vmem_shared>>) target(%dma_start3A_744 : memref<56x128xf32, #tpu.memory_space<vmem>>) offsets(%dma_start3A_746 : memref<56xi32, #tpu.memory_space<vmem>>) semaphore(%arg14 : memref<!tpu.dma_semaphore, #tpu.memory_space<semaphore_mem>>) {add = true}
    %dma_start3A_750 = arith.constant 256 : i32
    %dma_start3A_751 = arith.constant 0 : i32
    %dma_start3A_752 = tpu.memref_slice %arg8[%dma_start3A_750, %dma_start3A_751] : memref<312x128xf32, #tpu.memory_space<vmem>> -> memref<56x128xf32, #tpu.memory_space<vmem>>
    %dma_start3A_753 = arith.constant 7744 : i32
    %dma_start3A_754 = tpu.memref_slice %arg6[%dma_start3A_753] : memref<9984xi32, #tpu.memory_space<vmem>> -> memref<56xi32, #tpu.memory_space<vmem>>
    %dma_start3A_755 = arith.constant 0 : i32
    %dma_start3A_756 = arith.constant 0 : i32
    %dma_start3A_757 = tpu.memref_slice %arg9[%dma_start3A_755, %dma_start3A_756] : memref<10000x128xf32, #tpu.memory_space<vmem_shared>> -> memref<10000x128xf32, #tpu.memory_space<vmem_shared>>
    tpu.enqueue_indirect_dma source(%dma_start3A_757 : memref<10000x128xf32, #tpu.memory_space<vmem_shared>>) target(%dma_start3A_752 : memref<56x128xf32, #tpu.memory_space<vmem>>) offsets(%dma_start3A_754 : memref<56xi32, #tpu.memory_space<vmem>>) semaphore(%arg14 : memref<!tpu.dma_semaphore, #tpu.memory_space<semaphore_mem>>) {add = true}
    %dma_start3A_758 = arith.constant 256 : i32
    %dma_start3A_759 = arith.constant 0 : i32
    %dma_start3A_760 = tpu.memref_slice %arg8[%dma_start3A_758, %dma_start3A_759] : memref<312x128xf32, #tpu.memory_space<vmem>> -> memref<56x128xf32, #tpu.memory_space<vmem>>
    %dma_start3A_761 = arith.constant 8056 : i32
    %dma_start3A_762 = tpu.memref_slice %arg6[%dma_start3A_761] : memref<9984xi32, #tpu.memory_space<vmem>> -> memref<56xi32, #tpu.memory_space<vmem>>
    %dma_start3A_763 = arith.constant 0 : i32
    %dma_start3A_764 = arith.constant 0 : i32
    %dma_start3A_765 = tpu.memref_slice %arg9[%dma_start3A_763, %dma_start3A_764] : memref<10000x128xf32, #tpu.memory_space<vmem_shared>> -> memref<10000x128xf32, #tpu.memory_space<vmem_shared>>
    tpu.enqueue_indirect_dma source(%dma_start3A_765 : memref<10000x128xf32, #tpu.memory_space<vmem_shared>>) target(%dma_start3A_760 : memref<56x128xf32, #tpu.memory_space<vmem>>) offsets(%dma_start3A_762 : memref<56xi32, #tpu.memory_space<vmem>>) semaphore(%arg14 : memref<!tpu.dma_semaphore, #tpu.memory_space<semaphore_mem>>) {add = true}
    %dma_start3A_766 = arith.constant 256 : i32
    %dma_start3A_767 = arith.constant 0 : i32
    %dma_start3A_768 = tpu.memref_slice %arg8[%dma_start3A_766, %dma_start3A_767] : memref<312x128xf32, #tpu.memory_space<vmem>> -> memref<56x128xf32, #tpu.memory_space<vmem>>
    %dma_start3A_769 = arith.constant 8368 : i32
    %dma_start3A_770 = tpu.memref_slice %arg6[%dma_start3A_769] : memref<9984xi32, #tpu.memory_space<vmem>> -> memref<56xi32, #tpu.memory_space<vmem>>
    %dma_start3A_771 = arith.constant 0 : i32
    %dma_start3A_772 = arith.constant 0 : i32
    %dma_start3A_773 = tpu.memref_slice %arg9[%dma_start3A_771, %dma_start3A_772] : memref<10000x128xf32, #tpu.memory_space<vmem_shared>> -> memref<10000x128xf32, #tpu.memory_space<vmem_shared>>
    tpu.enqueue_indirect_dma source(%dma_start3A_773 : memref<10000x128xf32, #tpu.memory_space<vmem_shared>>) target(%dma_start3A_768 : memref<56x128xf32, #tpu.memory_space<vmem>>) offsets(%dma_start3A_770 : memref<56xi32, #tpu.memory_space<vmem>>) semaphore(%arg14 : memref<!tpu.dma_semaphore, #tpu.memory_space<semaphore_mem>>) {add = true}
    %dma_start3A_774 = arith.constant 256 : i32
    %dma_start3A_775 = arith.constant 0 : i32
    %dma_start3A_776 = tpu.memref_slice %arg8[%dma_start3A_774, %dma_start3A_775] : memref<312x128xf32, #tpu.memory_space<vmem>> -> memref<56x128xf32, #tpu.memory_space<vmem>>
    %dma_start3A_777 = arith.constant 8680 : i32
    %dma_start3A_778 = tpu.memref_slice %arg6[%dma_start3A_777] : memref<9984xi32, #tpu.memory_space<vmem>> -> memref<56xi32, #tpu.memory_space<vmem>>
    %dma_start3A_779 = arith.constant 0 : i32
    %dma_start3A_780 = arith.constant 0 : i32
    %dma_start3A_781 = tpu.memref_slice %arg9[%dma_start3A_779, %dma_start3A_780] : memref<10000x128xf32, #tpu.memory_space<vmem_shared>> -> memref<10000x128xf32, #tpu.memory_space<vmem_shared>>
    tpu.enqueue_indirect_dma source(%dma_start3A_781 : memref<10000x128xf32, #tpu.memory_space<vmem_shared>>) target(%dma_start3A_776 : memref<56x128xf32, #tpu.memory_space<vmem>>) offsets(%dma_start3A_778 : memref<56xi32, #tpu.memory_space<vmem>>) semaphore(%arg14 : memref<!tpu.dma_semaphore, #tpu.memory_space<semaphore_mem>>) {add = true}
    %dma_start3A_782 = arith.constant 256 : i32
    %dma_start3A_783 = arith.constant 0 : i32
    %dma_start3A_784 = tpu.memref_slice %arg8[%dma_start3A_782, %dma_start3A_783] : memref<312x128xf32, #tpu.memory_space<vmem>> -> memref<56x128xf32, #tpu.memory_space<vmem>>
    %dma_start3A_785 = arith.constant 8992 : i32
    %dma_start3A_786 = tpu.memref_slice %arg6[%dma_start3A_785] : memref<9984xi32, #tpu.memory_space<vmem>> -> memref<56xi32, #tpu.memory_space<vmem>>
    %dma_start3A_787 = arith.constant 0 : i32
    %dma_start3A_788 = arith.constant 0 : i32
    %dma_start3A_789 = tpu.memref_slice %arg9[%dma_start3A_787, %dma_start3A_788] : memref<10000x128xf32, #tpu.memory_space<vmem_shared>> -> memref<10000x128xf32, #tpu.memory_space<vmem_shared>>
    tpu.enqueue_indirect_dma source(%dma_start3A_789 : memref<10000x128xf32, #tpu.memory_space<vmem_shared>>) target(%dma_start3A_784 : memref<56x128xf32, #tpu.memory_space<vmem>>) offsets(%dma_start3A_786 : memref<56xi32, #tpu.memory_space<vmem>>) semaphore(%arg14 : memref<!tpu.dma_semaphore, #tpu.memory_space<semaphore_mem>>) {add = true}
    %dma_start3A_790 = arith.constant 256 : i32
    %dma_start3A_791 = arith.constant 0 : i32
    %dma_start3A_792 = tpu.memref_slice %arg8[%dma_start3A_790, %dma_start3A_791] : memref<312x128xf32, #tpu.memory_space<vmem>> -> memref<56x128xf32, #tpu.memory_space<vmem>>
    %dma_start3A_793 = arith.constant 9304 : i32
    %dma_start3A_794 = tpu.memref_slice %arg6[%dma_start3A_793] : memref<9984xi32, #tpu.memory_space<vmem>> -> memref<56xi32, #tpu.memory_space<vmem>>
    %dma_start3A_795 = arith.constant 0 : i32
    %dma_start3A_796 = arith.constant 0 : i32
    %dma_start3A_797 = tpu.memref_slice %arg9[%dma_start3A_795, %dma_start3A_796] : memref<10000x128xf32, #tpu.memory_space<vmem_shared>> -> memref<10000x128xf32, #tpu.memory_space<vmem_shared>>
    tpu.enqueue_indirect_dma source(%dma_start3A_797 : memref<10000x128xf32, #tpu.memory_space<vmem_shared>>) target(%dma_start3A_792 : memref<56x128xf32, #tpu.memory_space<vmem>>) offsets(%dma_start3A_794 : memref<56xi32, #tpu.memory_space<vmem>>) semaphore(%arg14 : memref<!tpu.dma_semaphore, #tpu.memory_space<semaphore_mem>>) {add = true}
    %dma_start3A_798 = arith.constant 256 : i32
    %dma_start3A_799 = arith.constant 0 : i32
    %dma_start3A_800 = tpu.memref_slice %arg8[%dma_start3A_798, %dma_start3A_799] : memref<312x128xf32, #tpu.memory_space<vmem>> -> memref<56x128xf32, #tpu.memory_space<vmem>>
    %dma_start3A_801 = arith.constant 9616 : i32
    %dma_start3A_802 = tpu.memref_slice %arg6[%dma_start3A_801] : memref<9984xi32, #tpu.memory_space<vmem>> -> memref<56xi32, #tpu.memory_space<vmem>>
    %dma_start3A_803 = arith.constant 0 : i32
    %dma_start3A_804 = arith.constant 0 : i32
    %dma_start3A_805 = tpu.memref_slice %arg9[%dma_start3A_803, %dma_start3A_804] : memref<10000x128xf32, #tpu.memory_space<vmem_shared>> -> memref<10000x128xf32, #tpu.memory_space<vmem_shared>>
    tpu.enqueue_indirect_dma source(%dma_start3A_805 : memref<10000x128xf32, #tpu.memory_space<vmem_shared>>) target(%dma_start3A_800 : memref<56x128xf32, #tpu.memory_space<vmem>>) offsets(%dma_start3A_802 : memref<56xi32, #tpu.memory_space<vmem>>) semaphore(%arg14 : memref<!tpu.dma_semaphore, #tpu.memory_space<semaphore_mem>>) {add = true}
    %dma_start3A_806 = arith.constant 256 : i32
    %dma_start3A_807 = arith.constant 0 : i32
    %dma_start3A_808 = tpu.memref_slice %arg8[%dma_start3A_806, %dma_start3A_807] : memref<312x128xf32, #tpu.memory_space<vmem>> -> memref<56x128xf32, #tpu.memory_space<vmem>>
    %dma_start3A_809 = arith.constant 9928 : i32
    %dma_start3A_810 = tpu.memref_slice %arg6[%dma_start3A_809] : memref<9984xi32, #tpu.memory_space<vmem>> -> memref<56xi32, #tpu.memory_space<vmem>>
    %dma_start3A_811 = arith.constant 0 : i32
    %dma_start3A_812 = arith.constant 0 : i32
    %dma_start3A_813 = tpu.memref_slice %arg9[%dma_start3A_811, %dma_start3A_812] : memref<10000x128xf32, #tpu.memory_space<vmem_shared>> -> memref<10000x128xf32, #tpu.memory_space<vmem_shared>>
    tpu.enqueue_indirect_dma source(%dma_start3A_813 : memref<10000x128xf32, #tpu.memory_space<vmem_shared>>) target(%dma_start3A_808 : memref<56x128xf32, #tpu.memory_space<vmem>>) offsets(%dma_start3A_810 : memref<56xi32, #tpu.memory_space<vmem>>) semaphore(%arg14 : memref<!tpu.dma_semaphore, #tpu.memory_space<semaphore_mem>>) {add = true}
    %dma_wait3A_814 = arith.constant 0 : i32
    %dma_wait3A_815 = arith.constant 0 : i32
    %dma_wait3A_816 = tpu.memref_slice %arg8[%dma_wait3A_814, %dma_wait3A_815] : memref<312x128xf32, #tpu.memory_space<vmem>> -> memref<128x128xf32, #tpu.memory_space<vmem>>
    %dma_wait3A_817 = arith.constant 0 : i32
    %dma_wait3A_818 = tpu.memref_slice %arg6[%dma_wait3A_817] : memref<9984xi32, #tpu.memory_space<vmem>> -> memref<128xi32, #tpu.memory_space<vmem>>
    %dma_wait3A_819 = arith.constant 0 : i32
    %dma_wait3A_820 = arith.constant 0 : i32
    %dma_wait3A_821 = tpu.memref_slice %arg2[%dma_wait3A_819, %dma_wait3A_820] : memref<10000x128xf32, #tpu.memory_space<hbm>> -> memref<10000x128xf32, #tpu.memory_space<hbm>>
    tpu.wait_indirect_dma semaphore(%arg12 : memref<!tpu.dma_semaphore, #tpu.memory_space<semaphore_mem>>) src(%dma_wait3A_821 : memref<10000x128xf32, #tpu.memory_space<hbm>>) dst(%dma_wait3A_816 : memref<128x128xf32, #tpu.memory_space<vmem>>)
    %dma_wait3A_822 = arith.constant 0 : i32
    %dma_wait3A_823 = arith.constant 0 : i32
    %dma_wait3A_824 = tpu.memref_slice %arg8[%dma_wait3A_822, %dma_wait3A_823] : memref<312x128xf32, #tpu.memory_space<vmem>> -> memref<128x128xf32, #tpu.memory_space<vmem>>
    %dma_wait3A_825 = arith.constant 312 : i32
    %dma_wait3A_826 = tpu.memref_slice %arg6[%dma_wait3A_825] : memref<9984xi32, #tpu.memory_space<vmem>> -> memref<128xi32, #tpu.memory_space<vmem>>
    %dma_wait3A_827 = arith.constant 0 : i32
    %dma_wait3A_828 = arith.constant 0 : i32
    %dma_wait3A_829 = tpu.memref_slice %arg2[%dma_wait3A_827, %dma_wait3A_828] : memref<10000x128xf32, #tpu.memory_space<hbm>> -> memref<10000x128xf32, #tpu.memory_space<hbm>>
    tpu.wait_indirect_dma semaphore(%arg12 : memref<!tpu.dma_semaphore, #tpu.memory_space<semaphore_mem>>) src(%dma_wait3A_829 : memref<10000x128xf32, #tpu.memory_space<hbm>>) dst(%dma_wait3A_824 : memref<128x128xf32, #tpu.memory_space<vmem>>)
    %dma_wait3A_830 = arith.constant 0 : i32
    %dma_wait3A_831 = arith.constant 0 : i32
    %dma_wait3A_832 = tpu.memref_slice %arg8[%dma_wait3A_830, %dma_wait3A_831] : memref<312x128xf32, #tpu.memory_space<vmem>> -> memref<128x128xf32, #tpu.memory_space<vmem>>
    %dma_wait3A_833 = arith.constant 624 : i32
    %dma_wait3A_834 = tpu.memref_slice %arg6[%dma_wait3A_833] : memref<9984xi32, #tpu.memory_space<vmem>> -> memref<128xi32, #tpu.memory_space<vmem>>
    %dma_wait3A_835 = arith.constant 0 : i32
    %dma_wait3A_836 = arith.constant 0 : i32
    %dma_wait3A_837 = tpu.memref_slice %arg2[%dma_wait3A_835, %dma_wait3A_836] : memref<10000x128xf32, #tpu.memory_space<hbm>> -> memref<10000x128xf32, #tpu.memory_space<hbm>>
    tpu.wait_indirect_dma semaphore(%arg12 : memref<!tpu.dma_semaphore, #tpu.memory_space<semaphore_mem>>) src(%dma_wait3A_837 : memref<10000x128xf32, #tpu.memory_space<hbm>>) dst(%dma_wait3A_832 : memref<128x128xf32, #tpu.memory_space<vmem>>)
    %dma_wait3A_838 = arith.constant 0 : i32
    %dma_wait3A_839 = arith.constant 0 : i32
    %dma_wait3A_840 = tpu.memref_slice %arg8[%dma_wait3A_838, %dma_wait3A_839] : memref<312x128xf32, #tpu.memory_space<vmem>> -> memref<128x128xf32, #tpu.memory_space<vmem>>
    %dma_wait3A_841 = arith.constant 936 : i32
    %dma_wait3A_842 = tpu.memref_slice %arg6[%dma_wait3A_841] : memref<9984xi32, #tpu.memory_space<vmem>> -> memref<128xi32, #tpu.memory_space<vmem>>
    %dma_wait3A_843 = arith.constant 0 : i32
    %dma_wait3A_844 = arith.constant 0 : i32
    %dma_wait3A_845 = tpu.memref_slice %arg2[%dma_wait3A_843, %dma_wait3A_844] : memref<10000x128xf32, #tpu.memory_space<hbm>> -> memref<10000x128xf32, #tpu.memory_space<hbm>>
    tpu.wait_indirect_dma semaphore(%arg12 : memref<!tpu.dma_semaphore, #tpu.memory_space<semaphore_mem>>) src(%dma_wait3A_845 : memref<10000x128xf32, #tpu.memory_space<hbm>>) dst(%dma_wait3A_840 : memref<128x128xf32, #tpu.memory_space<vmem>>)
    %dma_wait3A_846 = arith.constant 0 : i32
    %dma_wait3A_847 = arith.constant 0 : i32
    %dma_wait3A_848 = tpu.memref_slice %arg8[%dma_wait3A_846, %dma_wait3A_847] : memref<312x128xf32, #tpu.memory_space<vmem>> -> memref<128x128xf32, #tpu.memory_space<vmem>>
    %dma_wait3A_849 = arith.constant 1248 : i32
    %dma_wait3A_850 = tpu.memref_slice %arg6[%dma_wait3A_849] : memref<9984xi32, #tpu.memory_space<vmem>> -> memref<128xi32, #tpu.memory_space<vmem>>
    %dma_wait3A_851 = arith.constant 0 : i32
    %dma_wait3A_852 = arith.constant 0 : i32
    %dma_wait3A_853 = tpu.memref_slice %arg2[%dma_wait3A_851, %dma_wait3A_852] : memref<10000x128xf32, #tpu.memory_space<hbm>> -> memref<10000x128xf32, #tpu.memory_space<hbm>>
    tpu.wait_indirect_dma semaphore(%arg12 : memref<!tpu.dma_semaphore, #tpu.memory_space<semaphore_mem>>) src(%dma_wait3A_853 : memref<10000x128xf32, #tpu.memory_space<hbm>>) dst(%dma_wait3A_848 : memref<128x128xf32, #tpu.memory_space<vmem>>)
    %dma_wait3A_854 = arith.constant 0 : i32
    %dma_wait3A_855 = arith.constant 0 : i32
    %dma_wait3A_856 = tpu.memref_slice %arg8[%dma_wait3A_854, %dma_wait3A_855] : memref<312x128xf32, #tpu.memory_space<vmem>> -> memref<128x128xf32, #tpu.memory_space<vmem>>
    %dma_wait3A_857 = arith.constant 1560 : i32
    %dma_wait3A_858 = tpu.memref_slice %arg6[%dma_wait3A_857] : memref<9984xi32, #tpu.memory_space<vmem>> -> memref<128xi32, #tpu.memory_space<vmem>>
    %dma_wait3A_859 = arith.constant 0 : i32
    %dma_wait3A_860 = arith.constant 0 : i32
    %dma_wait3A_861 = tpu.memref_slice %arg2[%dma_wait3A_859, %dma_wait3A_860] : memref<10000x128xf32, #tpu.memory_space<hbm>> -> memref<10000x128xf32, #tpu.memory_space<hbm>>
    tpu.wait_indirect_dma semaphore(%arg12 : memref<!tpu.dma_semaphore, #tpu.memory_space<semaphore_mem>>) src(%dma_wait3A_861 : memref<10000x128xf32, #tpu.memory_space<hbm>>) dst(%dma_wait3A_856 : memref<128x128xf32, #tpu.memory_space<vmem>>)
    %dma_wait3A_862 = arith.constant 0 : i32
    %dma_wait3A_863 = arith.constant 0 : i32
    %dma_wait3A_864 = tpu.memref_slice %arg8[%dma_wait3A_862, %dma_wait3A_863] : memref<312x128xf32, #tpu.memory_space<vmem>> -> memref<128x128xf32, #tpu.memory_space<vmem>>
    %dma_wait3A_865 = arith.constant 1872 : i32
    %dma_wait3A_866 = tpu.memref_slice %arg6[%dma_wait3A_865] : memref<9984xi32, #tpu.memory_space<vmem>> -> memref<128xi32, #tpu.memory_space<vmem>>
    %dma_wait3A_867 = arith.constant 0 : i32
    %dma_wait3A_868 = arith.constant 0 : i32
    %dma_wait3A_869 = tpu.memref_slice %arg2[%dma_wait3A_867, %dma_wait3A_868] : memref<10000x128xf32, #tpu.memory_space<hbm>> -> memref<10000x128xf32, #tpu.memory_space<hbm>>
    tpu.wait_indirect_dma semaphore(%arg12 : memref<!tpu.dma_semaphore, #tpu.memory_space<semaphore_mem>>) src(%dma_wait3A_869 : memref<10000x128xf32, #tpu.memory_space<hbm>>) dst(%dma_wait3A_864 : memref<128x128xf32, #tpu.memory_space<vmem>>)
    %dma_wait3A_870 = arith.constant 0 : i32
    %dma_wait3A_871 = arith.constant 0 : i32
    %dma_wait3A_872 = tpu.memref_slice %arg8[%dma_wait3A_870, %dma_wait3A_871] : memref<312x128xf32, #tpu.memory_space<vmem>> -> memref<128x128xf32, #tpu.memory_space<vmem>>
    %dma_wait3A_873 = arith.constant 2184 : i32
    %dma_wait3A_874 = tpu.memref_slice %arg6[%dma_wait3A_873] : memref<9984xi32, #tpu.memory_space<vmem>> -> memref<128xi32, #tpu.memory_space<vmem>>
    %dma_wait3A_875 = arith.constant 0 : i32
    %dma_wait3A_876 = arith.constant 0 : i32
    %dma_wait3A_877 = tpu.memref_slice %arg2[%dma_wait3A_875, %dma_wait3A_876] : memref<10000x128xf32, #tpu.memory_space<hbm>> -> memref<10000x128xf32, #tpu.memory_space<hbm>>
    tpu.wait_indirect_dma semaphore(%arg12 : memref<!tpu.dma_semaphore, #tpu.memory_space<semaphore_mem>>) src(%dma_wait3A_877 : memref<10000x128xf32, #tpu.memory_space<hbm>>) dst(%dma_wait3A_872 : memref<128x128xf32, #tpu.memory_space<vmem>>)
    %dma_wait3A_878 = arith.constant 0 : i32
    %dma_wait3A_879 = arith.constant 0 : i32
    %dma_wait3A_880 = tpu.memref_slice %arg8[%dma_wait3A_878, %dma_wait3A_879] : memref<312x128xf32, #tpu.memory_space<vmem>> -> memref<128x128xf32, #tpu.memory_space<vmem>>
    %dma_wait3A_881 = arith.constant 2496 : i32
    %dma_wait3A_882 = tpu.memref_slice %arg6[%dma_wait3A_881] : memref<9984xi32, #tpu.memory_space<vmem>> -> memref<128xi32, #tpu.memory_space<vmem>>
    %dma_wait3A_883 = arith.constant 0 : i32
    %dma_wait3A_884 = arith.constant 0 : i32
    %dma_wait3A_885 = tpu.memref_slice %arg2[%dma_wait3A_883, %dma_wait3A_884] : memref<10000x128xf32, #tpu.memory_space<hbm>> -> memref<10000x128xf32, #tpu.memory_space<hbm>>
    tpu.wait_indirect_dma semaphore(%arg12 : memref<!tpu.dma_semaphore, #tpu.memory_space<semaphore_mem>>) src(%dma_wait3A_885 : memref<10000x128xf32, #tpu.memory_space<hbm>>) dst(%dma_wait3A_880 : memref<128x128xf32, #tpu.memory_space<vmem>>)
    %dma_wait3A_886 = arith.constant 0 : i32
    %dma_wait3A_887 = arith.constant 0 : i32
    %dma_wait3A_888 = tpu.memref_slice %arg8[%dma_wait3A_886, %dma_wait3A_887] : memref<312x128xf32, #tpu.memory_space<vmem>> -> memref<128x128xf32, #tpu.memory_space<vmem>>
    %dma_wait3A_889 = arith.constant 2808 : i32
    %dma_wait3A_890 = tpu.memref_slice %arg6[%dma_wait3A_889] : memref<9984xi32, #tpu.memory_space<vmem>> -> memref<128xi32, #tpu.memory_space<vmem>>
    %dma_wait3A_891 = arith.constant 0 : i32
    %dma_wait3A_892 = arith.constant 0 : i32
    %dma_wait3A_893 = tpu.memref_slice %arg2[%dma_wait3A_891, %dma_wait3A_892] : memref<10000x128xf32, #tpu.memory_space<hbm>> -> memref<10000x128xf32, #tpu.memory_space<hbm>>
    tpu.wait_indirect_dma semaphore(%arg12 : memref<!tpu.dma_semaphore, #tpu.memory_space<semaphore_mem>>) src(%dma_wait3A_893 : memref<10000x128xf32, #tpu.memory_space<hbm>>) dst(%dma_wait3A_888 : memref<128x128xf32, #tpu.memory_space<vmem>>)
    %dma_wait3A_894 = arith.constant 0 : i32
    %dma_wait3A_895 = arith.constant 0 : i32
    %dma_wait3A_896 = tpu.memref_slice %arg8[%dma_wait3A_894, %dma_wait3A_895] : memref<312x128xf32, #tpu.memory_space<vmem>> -> memref<128x128xf32, #tpu.memory_space<vmem>>
    %dma_wait3A_897 = arith.constant 3120 : i32
    %dma_wait3A_898 = tpu.memref_slice %arg6[%dma_wait3A_897] : memref<9984xi32, #tpu.memory_space<vmem>> -> memref<128xi32, #tpu.memory_space<vmem>>
    %dma_wait3A_899 = arith.constant 0 : i32
    %dma_wait3A_900 = arith.constant 0 : i32
    %dma_wait3A_901 = tpu.memref_slice %arg2[%dma_wait3A_899, %dma_wait3A_900] : memref<10000x128xf32, #tpu.memory_space<hbm>> -> memref<10000x128xf32, #tpu.memory_space<hbm>>
    tpu.wait_indirect_dma semaphore(%arg12 : memref<!tpu.dma_semaphore, #tpu.memory_space<semaphore_mem>>) src(%dma_wait3A_901 : memref<10000x128xf32, #tpu.memory_space<hbm>>) dst(%dma_wait3A_896 : memref<128x128xf32, #tpu.memory_space<vmem>>)
    %dma_wait3A_902 = arith.constant 0 : i32
    %dma_wait3A_903 = arith.constant 0 : i32
    %dma_wait3A_904 = tpu.memref_slice %arg8[%dma_wait3A_902, %dma_wait3A_903] : memref<312x128xf32, #tpu.memory_space<vmem>> -> memref<128x128xf32, #tpu.memory_space<vmem>>
    %dma_wait3A_905 = arith.constant 3432 : i32
    %dma_wait3A_906 = tpu.memref_slice %arg6[%dma_wait3A_905] : memref<9984xi32, #tpu.memory_space<vmem>> -> memref<128xi32, #tpu.memory_space<vmem>>
    %dma_wait3A_907 = arith.constant 0 : i32
    %dma_wait3A_908 = arith.constant 0 : i32
    %dma_wait3A_909 = tpu.memref_slice %arg2[%dma_wait3A_907, %dma_wait3A_908] : memref<10000x128xf32, #tpu.memory_space<hbm>> -> memref<10000x128xf32, #tpu.memory_space<hbm>>
    tpu.wait_indirect_dma semaphore(%arg12 : memref<!tpu.dma_semaphore, #tpu.memory_space<semaphore_mem>>) src(%dma_wait3A_909 : memref<10000x128xf32, #tpu.memory_space<hbm>>) dst(%dma_wait3A_904 : memref<128x128xf32, #tpu.memory_space<vmem>>)
    %dma_wait3A_910 = arith.constant 0 : i32
    %dma_wait3A_911 = arith.constant 0 : i32
    %dma_wait3A_912 = tpu.memref_slice %arg8[%dma_wait3A_910, %dma_wait3A_911] : memref<312x128xf32, #tpu.memory_space<vmem>> -> memref<128x128xf32, #tpu.memory_space<vmem>>
    %dma_wait3A_913 = arith.constant 3744 : i32
    %dma_wait3A_914 = tpu.memref_slice %arg6[%dma_wait3A_913] : memref<9984xi32, #tpu.memory_space<vmem>> -> memref<128xi32, #tpu.memory_space<vmem>>
    %dma_wait3A_915 = arith.constant 0 : i32
    %dma_wait3A_916 = arith.constant 0 : i32
    %dma_wait3A_917 = tpu.memref_slice %arg2[%dma_wait3A_915, %dma_wait3A_916] : memref<10000x128xf32, #tpu.memory_space<hbm>> -> memref<10000x128xf32, #tpu.memory_space<hbm>>
    tpu.wait_indirect_dma semaphore(%arg12 : memref<!tpu.dma_semaphore, #tpu.memory_space<semaphore_mem>>) src(%dma_wait3A_917 : memref<10000x128xf32, #tpu.memory_space<hbm>>) dst(%dma_wait3A_912 : memref<128x128xf32, #tpu.memory_space<vmem>>)
    %dma_wait3A_918 = arith.constant 0 : i32
    %dma_wait3A_919 = arith.constant 0 : i32
    %dma_wait3A_920 = tpu.memref_slice %arg8[%dma_wait3A_918, %dma_wait3A_919] : memref<312x128xf32, #tpu.memory_space<vmem>> -> memref<128x128xf32, #tpu.memory_space<vmem>>
    %dma_wait3A_921 = arith.constant 4056 : i32
    %dma_wait3A_922 = tpu.memref_slice %arg6[%dma_wait3A_921] : memref<9984xi32, #tpu.memory_space<vmem>> -> memref<128xi32, #tpu.memory_space<vmem>>
    %dma_wait3A_923 = arith.constant 0 : i32
    %dma_wait3A_924 = arith.constant 0 : i32
    %dma_wait3A_925 = tpu.memref_slice %arg2[%dma_wait3A_923, %dma_wait3A_924] : memref<10000x128xf32, #tpu.memory_space<hbm>> -> memref<10000x128xf32, #tpu.memory_space<hbm>>
    tpu.wait_indirect_dma semaphore(%arg12 : memref<!tpu.dma_semaphore, #tpu.memory_space<semaphore_mem>>) src(%dma_wait3A_925 : memref<10000x128xf32, #tpu.memory_space<hbm>>) dst(%dma_wait3A_920 : memref<128x128xf32, #tpu.memory_space<vmem>>)
    %dma_wait3A_926 = arith.constant 0 : i32
    %dma_wait3A_927 = arith.constant 0 : i32
    %dma_wait3A_928 = tpu.memref_slice %arg8[%dma_wait3A_926, %dma_wait3A_927] : memref<312x128xf32, #tpu.memory_space<vmem>> -> memref<128x128xf32, #tpu.memory_space<vmem>>
    %dma_wait3A_929 = arith.constant 4368 : i32
    %dma_wait3A_930 = tpu.memref_slice %arg6[%dma_wait3A_929] : memref<9984xi32, #tpu.memory_space<vmem>> -> memref<128xi32, #tpu.memory_space<vmem>>
    %dma_wait3A_931 = arith.constant 0 : i32
    %dma_wait3A_932 = arith.constant 0 : i32
    %dma_wait3A_933 = tpu.memref_slice %arg2[%dma_wait3A_931, %dma_wait3A_932] : memref<10000x128xf32, #tpu.memory_space<hbm>> -> memref<10000x128xf32, #tpu.memory_space<hbm>>
    tpu.wait_indirect_dma semaphore(%arg12 : memref<!tpu.dma_semaphore, #tpu.memory_space<semaphore_mem>>) src(%dma_wait3A_933 : memref<10000x128xf32, #tpu.memory_space<hbm>>) dst(%dma_wait3A_928 : memref<128x128xf32, #tpu.memory_space<vmem>>)
    %dma_wait3A_934 = arith.constant 0 : i32
    %dma_wait3A_935 = arith.constant 0 : i32
    %dma_wait3A_936 = tpu.memref_slice %arg8[%dma_wait3A_934, %dma_wait3A_935] : memref<312x128xf32, #tpu.memory_space<vmem>> -> memref<128x128xf32, #tpu.memory_space<vmem>>
    %dma_wait3A_937 = arith.constant 4680 : i32
    %dma_wait3A_938 = tpu.memref_slice %arg6[%dma_wait3A_937] : memref<9984xi32, #tpu.memory_space<vmem>> -> memref<128xi32, #tpu.memory_space<vmem>>
    %dma_wait3A_939 = arith.constant 0 : i32
    %dma_wait3A_940 = arith.constant 0 : i32
    %dma_wait3A_941 = tpu.memref_slice %arg2[%dma_wait3A_939, %dma_wait3A_940] : memref<10000x128xf32, #tpu.memory_space<hbm>> -> memref<10000x128xf32, #tpu.memory_space<hbm>>
    tpu.wait_indirect_dma semaphore(%arg12 : memref<!tpu.dma_semaphore, #tpu.memory_space<semaphore_mem>>) src(%dma_wait3A_941 : memref<10000x128xf32, #tpu.memory_space<hbm>>) dst(%dma_wait3A_936 : memref<128x128xf32, #tpu.memory_space<vmem>>)
    %dma_wait3A_942 = arith.constant 0 : i32
    %dma_wait3A_943 = arith.constant 0 : i32
    %dma_wait3A_944 = tpu.memref_slice %arg8[%dma_wait3A_942, %dma_wait3A_943] : memref<312x128xf32, #tpu.memory_space<vmem>> -> memref<128x128xf32, #tpu.memory_space<vmem>>
    %dma_wait3A_945 = arith.constant 4992 : i32
    %dma_wait3A_946 = tpu.memref_slice %arg6[%dma_wait3A_945] : memref<9984xi32, #tpu.memory_space<vmem>> -> memref<128xi32, #tpu.memory_space<vmem>>
    %dma_wait3A_947 = arith.constant 0 : i32
    %dma_wait3A_948 = arith.constant 0 : i32
    %dma_wait3A_949 = tpu.memref_slice %arg2[%dma_wait3A_947, %dma_wait3A_948] : memref<10000x128xf32, #tpu.memory_space<hbm>> -> memref<10000x128xf32, #tpu.memory_space<hbm>>
    tpu.wait_indirect_dma semaphore(%arg12 : memref<!tpu.dma_semaphore, #tpu.memory_space<semaphore_mem>>) src(%dma_wait3A_949 : memref<10000x128xf32, #tpu.memory_space<hbm>>) dst(%dma_wait3A_944 : memref<128x128xf32, #tpu.memory_space<vmem>>)
    %dma_wait3A_950 = arith.constant 0 : i32
    %dma_wait3A_951 = arith.constant 0 : i32
    %dma_wait3A_952 = tpu.memref_slice %arg8[%dma_wait3A_950, %dma_wait3A_951] : memref<312x128xf32, #tpu.memory_space<vmem>> -> memref<128x128xf32, #tpu.memory_space<vmem>>
    %dma_wait3A_953 = arith.constant 5304 : i32
    %dma_wait3A_954 = tpu.memref_slice %arg6[%dma_wait3A_953] : memref<9984xi32, #tpu.memory_space<vmem>> -> memref<128xi32, #tpu.memory_space<vmem>>
    %dma_wait3A_955 = arith.constant 0 : i32
    %dma_wait3A_956 = arith.constant 0 : i32
    %dma_wait3A_957 = tpu.memref_slice %arg2[%dma_wait3A_955, %dma_wait3A_956] : memref<10000x128xf32, #tpu.memory_space<hbm>> -> memref<10000x128xf32, #tpu.memory_space<hbm>>
    tpu.wait_indirect_dma semaphore(%arg12 : memref<!tpu.dma_semaphore, #tpu.memory_space<semaphore_mem>>) src(%dma_wait3A_957 : memref<10000x128xf32, #tpu.memory_space<hbm>>) dst(%dma_wait3A_952 : memref<128x128xf32, #tpu.memory_space<vmem>>)
    %dma_wait3A_958 = arith.constant 0 : i32
    %dma_wait3A_959 = arith.constant 0 : i32
    %dma_wait3A_960 = tpu.memref_slice %arg8[%dma_wait3A_958, %dma_wait3A_959] : memref<312x128xf32, #tpu.memory_space<vmem>> -> memref<128x128xf32, #tpu.memory_space<vmem>>
    %dma_wait3A_961 = arith.constant 5616 : i32
    %dma_wait3A_962 = tpu.memref_slice %arg6[%dma_wait3A_961] : memref<9984xi32, #tpu.memory_space<vmem>> -> memref<128xi32, #tpu.memory_space<vmem>>
    %dma_wait3A_963 = arith.constant 0 : i32
    %dma_wait3A_964 = arith.constant 0 : i32
    %dma_wait3A_965 = tpu.memref_slice %arg2[%dma_wait3A_963, %dma_wait3A_964] : memref<10000x128xf32, #tpu.memory_space<hbm>> -> memref<10000x128xf32, #tpu.memory_space<hbm>>
    tpu.wait_indirect_dma semaphore(%arg12 : memref<!tpu.dma_semaphore, #tpu.memory_space<semaphore_mem>>) src(%dma_wait3A_965 : memref<10000x128xf32, #tpu.memory_space<hbm>>) dst(%dma_wait3A_960 : memref<128x128xf32, #tpu.memory_space<vmem>>)
    %dma_wait3A_966 = arith.constant 0 : i32
    %dma_wait3A_967 = arith.constant 0 : i32
    %dma_wait3A_968 = tpu.memref_slice %arg8[%dma_wait3A_966, %dma_wait3A_967] : memref<312x128xf32, #tpu.memory_space<vmem>> -> memref<128x128xf32, #tpu.memory_space<vmem>>
    %dma_wait3A_969 = arith.constant 5928 : i32
    %dma_wait3A_970 = tpu.memref_slice %arg6[%dma_wait3A_969] : memref<9984xi32, #tpu.memory_space<vmem>> -> memref<128xi32, #tpu.memory_space<vmem>>
    %dma_wait3A_971 = arith.constant 0 : i32
    %dma_wait3A_972 = arith.constant 0 : i32
    %dma_wait3A_973 = tpu.memref_slice %arg2[%dma_wait3A_971, %dma_wait3A_972] : memref<10000x128xf32, #tpu.memory_space<hbm>> -> memref<10000x128xf32, #tpu.memory_space<hbm>>
    tpu.wait_indirect_dma semaphore(%arg12 : memref<!tpu.dma_semaphore, #tpu.memory_space<semaphore_mem>>) src(%dma_wait3A_973 : memref<10000x128xf32, #tpu.memory_space<hbm>>) dst(%dma_wait3A_968 : memref<128x128xf32, #tpu.memory_space<vmem>>)
    %dma_wait3A_974 = arith.constant 0 : i32
    %dma_wait3A_975 = arith.constant 0 : i32
    %dma_wait3A_976 = tpu.memref_slice %arg8[%dma_wait3A_974, %dma_wait3A_975] : memref<312x128xf32, #tpu.memory_space<vmem>> -> memref<128x128xf32, #tpu.memory_space<vmem>>
    %dma_wait3A_977 = arith.constant 6240 : i32
    %dma_wait3A_978 = tpu.memref_slice %arg6[%dma_wait3A_977] : memref<9984xi32, #tpu.memory_space<vmem>> -> memref<128xi32, #tpu.memory_space<vmem>>
    %dma_wait3A_979 = arith.constant 0 : i32
    %dma_wait3A_980 = arith.constant 0 : i32
    %dma_wait3A_981 = tpu.memref_slice %arg2[%dma_wait3A_979, %dma_wait3A_980] : memref<10000x128xf32, #tpu.memory_space<hbm>> -> memref<10000x128xf32, #tpu.memory_space<hbm>>
    tpu.wait_indirect_dma semaphore(%arg12 : memref<!tpu.dma_semaphore, #tpu.memory_space<semaphore_mem>>) src(%dma_wait3A_981 : memref<10000x128xf32, #tpu.memory_space<hbm>>) dst(%dma_wait3A_976 : memref<128x128xf32, #tpu.memory_space<vmem>>)
    %dma_wait3A_982 = arith.constant 0 : i32
    %dma_wait3A_983 = arith.constant 0 : i32
    %dma_wait3A_984 = tpu.memref_slice %arg8[%dma_wait3A_982, %dma_wait3A_983] : memref<312x128xf32, #tpu.memory_space<vmem>> -> memref<128x128xf32, #tpu.memory_space<vmem>>
    %dma_wait3A_985 = arith.constant 6552 : i32
    %dma_wait3A_986 = tpu.memref_slice %arg6[%dma_wait3A_985] : memref<9984xi32, #tpu.memory_space<vmem>> -> memref<128xi32, #tpu.memory_space<vmem>>
    %dma_wait3A_987 = arith.constant 0 : i32
    %dma_wait3A_988 = arith.constant 0 : i32
    %dma_wait3A_989 = tpu.memref_slice %arg2[%dma_wait3A_987, %dma_wait3A_988] : memref<10000x128xf32, #tpu.memory_space<hbm>> -> memref<10000x128xf32, #tpu.memory_space<hbm>>
    tpu.wait_indirect_dma semaphore(%arg12 : memref<!tpu.dma_semaphore, #tpu.memory_space<semaphore_mem>>) src(%dma_wait3A_989 : memref<10000x128xf32, #tpu.memory_space<hbm>>) dst(%dma_wait3A_984 : memref<128x128xf32, #tpu.memory_space<vmem>>)
    %dma_wait3A_990 = arith.constant 0 : i32
    %dma_wait3A_991 = arith.constant 0 : i32
    %dma_wait3A_992 = tpu.memref_slice %arg8[%dma_wait3A_990, %dma_wait3A_991] : memref<312x128xf32, #tpu.memory_space<vmem>> -> memref<128x128xf32, #tpu.memory_space<vmem>>
    %dma_wait3A_993 = arith.constant 6864 : i32
    %dma_wait3A_994 = tpu.memref_slice %arg6[%dma_wait3A_993] : memref<9984xi32, #tpu.memory_space<vmem>> -> memref<128xi32, #tpu.memory_space<vmem>>
    %dma_wait3A_995 = arith.constant 0 : i32
    %dma_wait3A_996 = arith.constant 0 : i32
    %dma_wait3A_997 = tpu.memref_slice %arg2[%dma_wait3A_995, %dma_wait3A_996] : memref<10000x128xf32, #tpu.memory_space<hbm>> -> memref<10000x128xf32, #tpu.memory_space<hbm>>
    tpu.wait_indirect_dma semaphore(%arg12 : memref<!tpu.dma_semaphore, #tpu.memory_space<semaphore_mem>>) src(%dma_wait3A_997 : memref<10000x128xf32, #tpu.memory_space<hbm>>) dst(%dma_wait3A_992 : memref<128x128xf32, #tpu.memory_space<vmem>>)
    %dma_wait3A_998 = arith.constant 0 : i32
    %dma_wait3A_999 = arith.constant 0 : i32
    %dma_wait3A_1000 = tpu.memref_slice %arg8[%dma_wait3A_998, %dma_wait3A_999] : memref<312x128xf32, #tpu.memory_space<vmem>> -> memref<128x128xf32, #tpu.memory_space<vmem>>
    %dma_wait3A_1001 = arith.constant 7176 : i32
    %dma_wait3A_1002 = tpu.memref_slice %arg6[%dma_wait3A_1001] : memref<9984xi32, #tpu.memory_space<vmem>> -> memref<128xi32, #tpu.memory_space<vmem>>
    %dma_wait3A_1003 = arith.constant 0 : i32
    %dma_wait3A_1004 = arith.constant 0 : i32
    %dma_wait3A_1005 = tpu.memref_slice %arg2[%dma_wait3A_1003, %dma_wait3A_1004] : memref<10000x128xf32, #tpu.memory_space<hbm>> -> memref<10000x128xf32, #tpu.memory_space<hbm>>
    tpu.wait_indirect_dma semaphore(%arg12 : memref<!tpu.dma_semaphore, #tpu.memory_space<semaphore_mem>>) src(%dma_wait3A_1005 : memref<10000x128xf32, #tpu.memory_space<hbm>>) dst(%dma_wait3A_1000 : memref<128x128xf32, #tpu.memory_space<vmem>>)
    %dma_wait3A_1006 = arith.constant 0 : i32
    %dma_wait3A_1007 = arith.constant 0 : i32
    %dma_wait3A_1008 = tpu.memref_slice %arg8[%dma_wait3A_1006, %dma_wait3A_1007] : memref<312x128xf32, #tpu.memory_space<vmem>> -> memref<128x128xf32, #tpu.memory_space<vmem>>
    %dma_wait3A_1009 = arith.constant 7488 : i32
    %dma_wait3A_1010 = tpu.memref_slice %arg6[%dma_wait3A_1009] : memref<9984xi32, #tpu.memory_space<vmem>> -> memref<128xi32, #tpu.memory_space<vmem>>
    %dma_wait3A_1011 = arith.constant 0 : i32
    %dma_wait3A_1012 = arith.constant 0 : i32
    %dma_wait3A_1013 = tpu.memref_slice %arg2[%dma_wait3A_1011, %dma_wait3A_1012] : memref<10000x128xf32, #tpu.memory_space<hbm>> -> memref<10000x128xf32, #tpu.memory_space<hbm>>
    tpu.wait_indirect_dma semaphore(%arg12 : memref<!tpu.dma_semaphore, #tpu.memory_space<semaphore_mem>>) src(%dma_wait3A_1013 : memref<10000x128xf32, #tpu.memory_space<hbm>>) dst(%dma_wait3A_1008 : memref<128x128xf32, #tpu.memory_space<vmem>>)
    %dma_wait3A_1014 = arith.constant 0 : i32
    %dma_wait3A_1015 = arith.constant 0 : i32
    %dma_wait3A_1016 = tpu.memref_slice %arg8[%dma_wait3A_1014, %dma_wait3A_1015] : memref<312x128xf32, #tpu.memory_space<vmem>> -> memref<128x128xf32, #tpu.memory_space<vmem>>
    %dma_wait3A_1017 = arith.constant 7800 : i32
    %dma_wait3A_1018 = tpu.memref_slice %arg6[%dma_wait3A_1017] : memref<9984xi32, #tpu.memory_space<vmem>> -> memref<128xi32, #tpu.memory_space<vmem>>
    %dma_wait3A_1019 = arith.constant 0 : i32
    %dma_wait3A_1020 = arith.constant 0 : i32
    %dma_wait3A_1021 = tpu.memref_slice %arg2[%dma_wait3A_1019, %dma_wait3A_1020] : memref<10000x128xf32, #tpu.memory_space<hbm>> -> memref<10000x128xf32, #tpu.memory_space<hbm>>
    tpu.wait_indirect_dma semaphore(%arg12 : memref<!tpu.dma_semaphore, #tpu.memory_space<semaphore_mem>>) src(%dma_wait3A_1021 : memref<10000x128xf32, #tpu.memory_space<hbm>>) dst(%dma_wait3A_1016 : memref<128x128xf32, #tpu.memory_space<vmem>>)
    %dma_wait3A_1022 = arith.constant 0 : i32
    %dma_wait3A_1023 = arith.constant 0 : i32
    %dma_wait3A_1024 = tpu.memref_slice %arg8[%dma_wait3A_1022, %dma_wait3A_1023] : memref<312x128xf32, #tpu.memory_space<vmem>> -> memref<128x128xf32, #tpu.memory_space<vmem>>
    %dma_wait3A_1025 = arith.constant 8112 : i32
    %dma_wait3A_1026 = tpu.memref_slice %arg6[%dma_wait3A_1025] : memref<9984xi32, #tpu.memory_space<vmem>> -> memref<128xi32, #tpu.memory_space<vmem>>
    %dma_wait3A_1027 = arith.constant 0 : i32
    %dma_wait3A_1028 = arith.constant 0 : i32
    %dma_wait3A_1029 = tpu.memref_slice %arg2[%dma_wait3A_1027, %dma_wait3A_1028] : memref<10000x128xf32, #tpu.memory_space<hbm>> -> memref<10000x128xf32, #tpu.memory_space<hbm>>
    tpu.wait_indirect_dma semaphore(%arg12 : memref<!tpu.dma_semaphore, #tpu.memory_space<semaphore_mem>>) src(%dma_wait3A_1029 : memref<10000x128xf32, #tpu.memory_space<hbm>>) dst(%dma_wait3A_1024 : memref<128x128xf32, #tpu.memory_space<vmem>>)
    %dma_wait3A_1030 = arith.constant 0 : i32
    %dma_wait3A_1031 = arith.constant 0 : i32
    %dma_wait3A_1032 = tpu.memref_slice %arg8[%dma_wait3A_1030, %dma_wait3A_1031] : memref<312x128xf32, #tpu.memory_space<vmem>> -> memref<128x128xf32, #tpu.memory_space<vmem>>
    %dma_wait3A_1033 = arith.constant 8424 : i32
    %dma_wait3A_1034 = tpu.memref_slice %arg6[%dma_wait3A_1033] : memref<9984xi32, #tpu.memory_space<vmem>> -> memref<128xi32, #tpu.memory_space<vmem>>
    %dma_wait3A_1035 = arith.constant 0 : i32
    %dma_wait3A_1036 = arith.constant 0 : i32
    %dma_wait3A_1037 = tpu.memref_slice %arg2[%dma_wait3A_1035, %dma_wait3A_1036] : memref<10000x128xf32, #tpu.memory_space<hbm>> -> memref<10000x128xf32, #tpu.memory_space<hbm>>
    tpu.wait_indirect_dma semaphore(%arg12 : memref<!tpu.dma_semaphore, #tpu.memory_space<semaphore_mem>>) src(%dma_wait3A_1037 : memref<10000x128xf32, #tpu.memory_space<hbm>>) dst(%dma_wait3A_1032 : memref<128x128xf32, #tpu.memory_space<vmem>>)
    %dma_wait3A_1038 = arith.constant 0 : i32
    %dma_wait3A_1039 = arith.constant 0 : i32
    %dma_wait3A_1040 = tpu.memref_slice %arg8[%dma_wait3A_1038, %dma_wait3A_1039] : memref<312x128xf32, #tpu.memory_space<vmem>> -> memref<128x128xf32, #tpu.memory_space<vmem>>
    %dma_wait3A_1041 = arith.constant 8736 : i32
    %dma_wait3A_1042 = tpu.memref_slice %arg6[%dma_wait3A_1041] : memref<9984xi32, #tpu.memory_space<vmem>> -> memref<128xi32, #tpu.memory_space<vmem>>
    %dma_wait3A_1043 = arith.constant 0 : i32
    %dma_wait3A_1044 = arith.constant 0 : i32
    %dma_wait3A_1045 = tpu.memref_slice %arg2[%dma_wait3A_1043, %dma_wait3A_1044] : memref<10000x128xf32, #tpu.memory_space<hbm>> -> memref<10000x128xf32, #tpu.memory_space<hbm>>
    tpu.wait_indirect_dma semaphore(%arg12 : memref<!tpu.dma_semaphore, #tpu.memory_space<semaphore_mem>>) src(%dma_wait3A_1045 : memref<10000x128xf32, #tpu.memory_space<hbm>>) dst(%dma_wait3A_1040 : memref<128x128xf32, #tpu.memory_space<vmem>>)
    %dma_wait3A_1046 = arith.constant 0 : i32
    %dma_wait3A_1047 = arith.constant 0 : i32
    %dma_wait3A_1048 = tpu.memref_slice %arg8[%dma_wait3A_1046, %dma_wait3A_1047] : memref<312x128xf32, #tpu.memory_space<vmem>> -> memref<128x128xf32, #tpu.memory_space<vmem>>
    %dma_wait3A_1049 = arith.constant 9048 : i32
    %dma_wait3A_1050 = tpu.memref_slice %arg6[%dma_wait3A_1049] : memref<9984xi32, #tpu.memory_space<vmem>> -> memref<128xi32, #tpu.memory_space<vmem>>
    %dma_wait3A_1051 = arith.constant 0 : i32
    %dma_wait3A_1052 = arith.constant 0 : i32
    %dma_wait3A_1053 = tpu.memref_slice %arg2[%dma_wait3A_1051, %dma_wait3A_1052] : memref<10000x128xf32, #tpu.memory_space<hbm>> -> memref<10000x128xf32, #tpu.memory_space<hbm>>
    tpu.wait_indirect_dma semaphore(%arg12 : memref<!tpu.dma_semaphore, #tpu.memory_space<semaphore_mem>>) src(%dma_wait3A_1053 : memref<10000x128xf32, #tpu.memory_space<hbm>>) dst(%dma_wait3A_1048 : memref<128x128xf32, #tpu.memory_space<vmem>>)
    %dma_wait3A_1054 = arith.constant 0 : i32
    %dma_wait3A_1055 = arith.constant 0 : i32
    %dma_wait3A_1056 = tpu.memref_slice %arg8[%dma_wait3A_1054, %dma_wait3A_1055] : memref<312x128xf32, #tpu.memory_space<vmem>> -> memref<128x128xf32, #tpu.memory_space<vmem>>
    %dma_wait3A_1057 = arith.constant 9360 : i32
    %dma_wait3A_1058 = tpu.memref_slice %arg6[%dma_wait3A_1057] : memref<9984xi32, #tpu.memory_space<vmem>> -> memref<128xi32, #tpu.memory_space<vmem>>
    %dma_wait3A_1059 = arith.constant 0 : i32
    %dma_wait3A_1060 = arith.constant 0 : i32
    %dma_wait3A_1061 = tpu.memref_slice %arg2[%dma_wait3A_1059, %dma_wait3A_1060] : memref<10000x128xf32, #tpu.memory_space<hbm>> -> memref<10000x128xf32, #tpu.memory_space<hbm>>
    tpu.wait_indirect_dma semaphore(%arg12 : memref<!tpu.dma_semaphore, #tpu.memory_space<semaphore_mem>>) src(%dma_wait3A_1061 : memref<10000x128xf32, #tpu.memory_space<hbm>>) dst(%dma_wait3A_1056 : memref<128x128xf32, #tpu.memory_space<vmem>>)
    %dma_wait3A_1062 = arith.constant 0 : i32
    %dma_wait3A_1063 = arith.constant 0 : i32
    %dma_wait3A_1064 = tpu.memref_slice %arg8[%dma_wait3A_1062, %dma_wait3A_1063] : memref<312x128xf32, #tpu.memory_space<vmem>> -> memref<128x128xf32, #tpu.memory_space<vmem>>
    %dma_wait3A_1065 = arith.constant 9672 : i32
    %dma_wait3A_1066 = tpu.memref_slice %arg6[%dma_wait3A_1065] : memref<9984xi32, #tpu.memory_space<vmem>> -> memref<128xi32, #tpu.memory_space<vmem>>
    %dma_wait3A_1067 = arith.constant 0 : i32
    %dma_wait3A_1068 = arith.constant 0 : i32
    %dma_wait3A_1069 = tpu.memref_slice %arg2[%dma_wait3A_1067, %dma_wait3A_1068] : memref<10000x128xf32, #tpu.memory_space<hbm>> -> memref<10000x128xf32, #tpu.memory_space<hbm>>
    tpu.wait_indirect_dma semaphore(%arg12 : memref<!tpu.dma_semaphore, #tpu.memory_space<semaphore_mem>>) src(%dma_wait3A_1069 : memref<10000x128xf32, #tpu.memory_space<hbm>>) dst(%dma_wait3A_1064 : memref<128x128xf32, #tpu.memory_space<vmem>>)
    %scan3A_1070 = arith.constant 0 : i32
    %scan3A_1071 = arith.constant 0 : i32
    %scan3A_1072 = arith.constant 128 : i32
    %scan3A_1073 = arith.addi %scan3A_1071, %scan3A_1072 : i32
    %scan3A_1074 = arith.constant 1 : i32
    scf.for %scan3A_1675 = %scan3A_1071 to %scan3A_1073 step %scan3A_1074  : i32 {
      %add3A_1676 = arith.constant 0 : i32
      %add3A_1677 = arith.addi %add3A_1676, %scan3A_1675 : i32
      %get3A = arith.index_cast %add3A_1677 : i32 to index
      %get3A_1678 = arith.constant 0 : index
      %get3A_1679 = tpu.vector_load %arg8[%get3A, %get3A_1678] {strides = array<i32>} : memref<312x128xf32, #tpu.memory_space<vmem>>, vector<1x16xf32>,
      %get3A_1680 = vector.shape_cast %get3A_1679 : vector<1x16xf32> to vector<16xf32>
      %mul3A_1681 = arith.constant 3.125000e-02 : f32
      %mul3A_1682 = vector.broadcast %mul3A_1681 : f32 to vector<16xf32>
      %mul3A_1683 = arith.mulf %get3A_1680, %mul3A_1682 : vector<16xf32>
      %add3A_1684 = arith.constant 0 : i32
      %add3A_1685 = arith.addi %add3A_1684, %scan3A_1675 : i32
      %swap3A = arith.index_cast %add3A_1685 : i32 to index
      %swap3A_1686 = arith.constant 0 : index
      %swap3A_1687 = tpu.vector_load %arg8[%swap3A, %swap3A_1686] {strides = array<i32>} : memref<312x128xf32, #tpu.memory_space<vmem>>, vector<1x16xf32>,
      %swap3A_1688 = vector.shape_cast %swap3A_1687 : vector<1x16xf32> to vector<16xf32>
      %swap3A_1689 = vector.shape_cast %mul3A_1683 : vector<16xf32> to vector<1x16xf32>
      tpu.vector_store %arg8[%swap3A, %swap3A_1686], %swap3A_1689 {strides = array<i32>} : memref<312x128xf32, #tpu.memory_space<vmem>>, vector<1x16xf32>,
      %add3A_1690 = arith.constant 0 : i32
      %add3A_1691 = arith.addi %add3A_1690, %scan3A_1675 : i32
      %get3A_1692 = arith.index_cast %add3A_1691 : i32 to index
      %get3A_1693 = arith.constant 16 : index
      %get3A_1694 = tpu.vector_load %arg8[%get3A_1692, %get3A_1693] {strides = array<i32>} : memref<312x128xf32, #tpu.memory_space<vmem>>, vector<1x16xf32>,
      %get3A_1695 = vector.shape_cast %get3A_1694 : vector<1x16xf32> to vector<16xf32>
      %mul3A_1696 = arith.constant 3.125000e-02 : f32
      %mul3A_1697 = vector.broadcast %mul3A_1696 : f32 to vector<16xf32>
      %mul3A_1698 = arith.mulf %get3A_1695, %mul3A_1697 : vector<16xf32>
      %add3A_1699 = arith.constant 0 : i32
      %add3A_1700 = arith.addi %add3A_1699, %scan3A_1675 : i32
      %swap3A_1701 = arith.index_cast %add3A_1700 : i32 to index
      %swap3A_1702 = arith.constant 16 : index
      %swap3A_1703 = tpu.vector_load %arg8[%swap3A_1701, %swap3A_1702] {strides = array<i32>} : memref<312x128xf32, #tpu.memory_space<vmem>>, vector<1x16xf32>,
      %swap3A_1704 = vector.shape_cast %swap3A_1703 : vector<1x16xf32> to vector<16xf32>
      %swap3A_1705 = vector.shape_cast %mul3A_1698 : vector<16xf32> to vector<1x16xf32>
      tpu.vector_store %arg8[%swap3A_1701, %swap3A_1702], %swap3A_1705 {strides = array<i32>} : memref<312x128xf32, #tpu.memory_space<vmem>>, vector<1x16xf32>,
      %add3A_1706 = arith.constant 0 : i32
      %add3A_1707 = arith.addi %add3A_1706, %scan3A_1675 : i32
      %get3A_1708 = arith.index_cast %add3A_1707 : i32 to index
      %get3A_1709 = arith.constant 32 : index
      %get3A_1710 = tpu.vector_load %arg8[%get3A_1708, %get3A_1709] {strides = array<i32>} : memref<312x128xf32, #tpu.memory_space<vmem>>, vector<1x16xf32>,
      %get3A_1711 = vector.shape_cast %get3A_1710 : vector<1x16xf32> to vector<16xf32>
      %mul3A_1712 = arith.constant 3.125000e-02 : f32
      %mul3A_1713 = vector.broadcast %mul3A_1712 : f32 to vector<16xf32>
      %mul3A_1714 = arith.mulf %get3A_1711, %mul3A_1713 : vector<16xf32>
      %add3A_1715 = arith.constant 0 : i32
      %add3A_1716 = arith.addi %add3A_1715, %scan3A_1675 : i32
      %swap3A_1717 = arith.index_cast %add3A_1716 : i32 to index
      %swap3A_1718 = arith.constant 32 : index
      %swap3A_1719 = tpu.vector_load %arg8[%swap3A_1717, %swap3A_1718] {strides = array<i32>} : memref<312x128xf32, #tpu.memory_space<vmem>>, vector<1x16xf32>,
      %swap3A_1720 = vector.shape_cast %swap3A_1719 : vector<1x16xf32> to vector<16xf32>
      %swap3A_1721 = vector.shape_cast %mul3A_1714 : vector<16xf32> to vector<1x16xf32>
      tpu.vector_store %arg8[%swap3A_1717, %swap3A_1718], %swap3A_1721 {strides = array<i32>} : memref<312x128xf32, #tpu.memory_space<vmem>>, vector<1x16xf32>,
      %add3A_1722 = arith.constant 0 : i32
      %add3A_1723 = arith.addi %add3A_1722, %scan3A_1675 : i32
      %get3A_1724 = arith.index_cast %add3A_1723 : i32 to index
      %get3A_1725 = arith.constant 48 : index
      %get3A_1726 = tpu.vector_load %arg8[%get3A_1724, %get3A_1725] {strides = array<i32>} : memref<312x128xf32, #tpu.memory_space<vmem>>, vector<1x16xf32>,
      %get3A_1727 = vector.shape_cast %get3A_1726 : vector<1x16xf32> to vector<16xf32>
      %mul3A_1728 = arith.constant 3.125000e-02 : f32
      %mul3A_1729 = vector.broadcast %mul3A_1728 : f32 to vector<16xf32>
      %mul3A_1730 = arith.mulf %get3A_1727, %mul3A_1729 : vector<16xf32>
      %add3A_1731 = arith.constant 0 : i32
      %add3A_1732 = arith.addi %add3A_1731, %scan3A_1675 : i32
      %swap3A_1733 = arith.index_cast %add3A_1732 : i32 to index
      %swap3A_1734 = arith.constant 48 : index
      %swap3A_1735 = tpu.vector_load %arg8[%swap3A_1733, %swap3A_1734] {strides = array<i32>} : memref<312x128xf32, #tpu.memory_space<vmem>>, vector<1x16xf32>,
      %swap3A_1736 = vector.shape_cast %swap3A_1735 : vector<1x16xf32> to vector<16xf32>
      %swap3A_1737 = vector.shape_cast %mul3A_1730 : vector<16xf32> to vector<1x16xf32>
      tpu.vector_store %arg8[%swap3A_1733, %swap3A_1734], %swap3A_1737 {strides = array<i32>} : memref<312x128xf32, #tpu.memory_space<vmem>>, vector<1x16xf32>,
      %add3A_1738 = arith.constant 0 : i32
      %add3A_1739 = arith.addi %add3A_1738, %scan3A_1675 : i32
      %get3A_1740 = arith.index_cast %add3A_1739 : i32 to index
      %get3A_1741 = arith.constant 64 : index
      %get3A_1742 = tpu.vector_load %arg8[%get3A_1740, %get3A_1741] {strides = array<i32>} : memref<312x128xf32, #tpu.memory_space<vmem>>, vector<1x16xf32>,
      %get3A_1743 = vector.shape_cast %get3A_1742 : vector<1x16xf32> to vector<16xf32>
      %mul3A_1744 = arith.constant 3.125000e-02 : f32
      %mul3A_1745 = vector.broadcast %mul3A_1744 : f32 to vector<16xf32>
      %mul3A_1746 = arith.mulf %get3A_1743, %mul3A_1745 : vector<16xf32>
      %add3A_1747 = arith.constant 0 : i32
      %add3A_1748 = arith.addi %add3A_1747, %scan3A_1675 : i32
      %swap3A_1749 = arith.index_cast %add3A_1748 : i32 to index
      %swap3A_1750 = arith.constant 64 : index
      %swap3A_1751 = tpu.vector_load %arg8[%swap3A_1749, %swap3A_1750] {strides = array<i32>} : memref<312x128xf32, #tpu.memory_space<vmem>>, vector<1x16xf32>,
      %swap3A_1752 = vector.shape_cast %swap3A_1751 : vector<1x16xf32> to vector<16xf32>
      %swap3A_1753 = vector.shape_cast %mul3A_1746 : vector<16xf32> to vector<1x16xf32>
      tpu.vector_store %arg8[%swap3A_1749, %swap3A_1750], %swap3A_1753 {strides = array<i32>} : memref<312x128xf32, #tpu.memory_space<vmem>>, vector<1x16xf32>,
      %add3A_1754 = arith.constant 0 : i32
      %add3A_1755 = arith.addi %add3A_1754, %scan3A_1675 : i32
      %get3A_1756 = arith.index_cast %add3A_1755 : i32 to index
      %get3A_1757 = arith.constant 80 : index
      %get3A_1758 = tpu.vector_load %arg8[%get3A_1756, %get3A_1757] {strides = array<i32>} : memref<312x128xf32, #tpu.memory_space<vmem>>, vector<1x16xf32>,
      %get3A_1759 = vector.shape_cast %get3A_1758 : vector<1x16xf32> to vector<16xf32>
      %mul3A_1760 = arith.constant 3.125000e-02 : f32
      %mul3A_1761 = vector.broadcast %mul3A_1760 : f32 to vector<16xf32>
      %mul3A_1762 = arith.mulf %get3A_1759, %mul3A_1761 : vector<16xf32>
      %add3A_1763 = arith.constant 0 : i32
      %add3A_1764 = arith.addi %add3A_1763, %scan3A_1675 : i32
      %swap3A_1765 = arith.index_cast %add3A_1764 : i32 to index
      %swap3A_1766 = arith.constant 80 : index
      %swap3A_1767 = tpu.vector_load %arg8[%swap3A_1765, %swap3A_1766] {strides = array<i32>} : memref<312x128xf32, #tpu.memory_space<vmem>>, vector<1x16xf32>,
      %swap3A_1768 = vector.shape_cast %swap3A_1767 : vector<1x16xf32> to vector<16xf32>
      %swap3A_1769 = vector.shape_cast %mul3A_1762 : vector<16xf32> to vector<1x16xf32>
      tpu.vector_store %arg8[%swap3A_1765, %swap3A_1766], %swap3A_1769 {strides = array<i32>} : memref<312x128xf32, #tpu.memory_space<vmem>>, vector<1x16xf32>,
      %add3A_1770 = arith.constant 0 : i32
      %add3A_1771 = arith.addi %add3A_1770, %scan3A_1675 : i32
      %get3A_1772 = arith.index_cast %add3A_1771 : i32 to index
      %get3A_1773 = arith.constant 96 : index
      %get3A_1774 = tpu.vector_load %arg8[%get3A_1772, %get3A_1773] {strides = array<i32>} : memref<312x128xf32, #tpu.memory_space<vmem>>, vector<1x16xf32>,
      %get3A_1775 = vector.shape_cast %get3A_1774 : vector<1x16xf32> to vector<16xf32>
      %mul3A_1776 = arith.constant 3.125000e-02 : f32
      %mul3A_1777 = vector.broadcast %mul3A_1776 : f32 to vector<16xf32>
      %mul3A_1778 = arith.mulf %get3A_1775, %mul3A_1777 : vector<16xf32>
      %add3A_1779 = arith.constant 0 : i32
      %add3A_1780 = arith.addi %add3A_1779, %scan3A_1675 : i32
      %swap3A_1781 = arith.index_cast %add3A_1780 : i32 to index
      %swap3A_1782 = arith.constant 96 : index
      %swap3A_1783 = tpu.vector_load %arg8[%swap3A_1781, %swap3A_1782] {strides = array<i32>} : memref<312x128xf32, #tpu.memory_space<vmem>>, vector<1x16xf32>,
      %swap3A_1784 = vector.shape_cast %swap3A_1783 : vector<1x16xf32> to vector<16xf32>
      %swap3A_1785 = vector.shape_cast %mul3A_1778 : vector<16xf32> to vector<1x16xf32>
      tpu.vector_store %arg8[%swap3A_1781, %swap3A_1782], %swap3A_1785 {strides = array<i32>} : memref<312x128xf32, #tpu.memory_space<vmem>>, vector<1x16xf32>,
      %add3A_1786 = arith.constant 0 : i32
      %add3A_1787 = arith.addi %add3A_1786, %scan3A_1675 : i32
      %get3A_1788 = arith.index_cast %add3A_1787 : i32 to index
      %get3A_1789 = arith.constant 112 : index
      %get3A_1790 = tpu.vector_load %arg8[%get3A_1788, %get3A_1789] {strides = array<i32>} : memref<312x128xf32, #tpu.memory_space<vmem>>, vector<1x16xf32>,
      %get3A_1791 = vector.shape_cast %get3A_1790 : vector<1x16xf32> to vector<16xf32>
      %mul3A_1792 = arith.constant 3.125000e-02 : f32
      %mul3A_1793 = vector.broadcast %mul3A_1792 : f32 to vector<16xf32>
      %mul3A_1794 = arith.mulf %get3A_1791, %mul3A_1793 : vector<16xf32>
      %add3A_1795 = arith.constant 0 : i32
      %add3A_1796 = arith.addi %add3A_1795, %scan3A_1675 : i32
      %swap3A_1797 = arith.index_cast %add3A_1796 : i32 to index
      %swap3A_1798 = arith.constant 112 : index
      %swap3A_1799 = tpu.vector_load %arg8[%swap3A_1797, %swap3A_1798] {strides = array<i32>} : memref<312x128xf32, #tpu.memory_space<vmem>>, vector<1x16xf32>,
      %swap3A_1800 = vector.shape_cast %swap3A_1799 : vector<1x16xf32> to vector<16xf32>
      %swap3A_1801 = vector.shape_cast %mul3A_1794 : vector<16xf32> to vector<1x16xf32>
      tpu.vector_store %arg8[%swap3A_1797, %swap3A_1798], %swap3A_1801 {strides = array<i32>} : memref<312x128xf32, #tpu.memory_space<vmem>>, vector<1x16xf32>,
    }
    %scan3A_1075 = arith.constant 128 : i32
    %add3A_1076 = arith.constant 0 : i32
    %add3A_1077 = arith.addi %mul3A_2, %add3A_1076 : i32
    %dma_start3A_1078 = arith.constant 0 : i32
    %dma_start3A_1079 = arith.constant 0 : i32
    %dma_start3A_1080 = tpu.memref_slice %arg8[%dma_start3A_1078, %dma_start3A_1079] : memref<312x128xf32, #tpu.memory_space<vmem>> -> memref<128x128xf32, #tpu.memory_space<vmem>>
    %dma_start3A_1081 = arith.constant 0 : i32
    %dma_start3A_1082 = tpu.memref_slice %arg5[%add3A_1077, %dma_start3A_1081] : memref<10000x128xf32, #tpu.memory_space<hbm>> -> memref<128x128xf32, #tpu.memory_space<hbm>>
    %dma_start3A_1083 = arith.constant 0 : i32
    %dma_start3A_1084 = tpu.memref_slice %arg5[%add3A_1077, %dma_start3A_1083] : memref<10000x128xf32, #tpu.memory_space<hbm>> -> memref<128x128xf32, #tpu.memory_space<hbm>>
    %dma_start3A_1085 = arith.constant 0 : i32
    %dma_start3A_1086 = arith.constant 0 : i32
    %dma_start3A_1087 = tpu.memref_slice %arg8[%dma_start3A_1085, %dma_start3A_1086] : memref<312x128xf32, #tpu.memory_space<vmem>> -> memref<128x128xf32, #tpu.memory_space<vmem>>
    tpu.enqueue_dma source(%dma_start3A_1087 : memref<128x128xf32, #tpu.memory_space<vmem>>) target(%dma_start3A_1084 : memref<128x128xf32, #tpu.memory_space<hbm>>) target_semaphore(%arg16 : memref<!tpu.dma_semaphore, #tpu.memory_space<semaphore_mem>>)
    %dma_wait3A_1088 = arith.constant 128 : i32
    %dma_wait3A_1089 = arith.constant 0 : i32
    %dma_wait3A_1090 = tpu.memref_slice %arg8[%dma_wait3A_1088, %dma_wait3A_1089] : memref<312x128xf32, #tpu.memory_space<vmem>> -> memref<128x128xf32, #tpu.memory_space<vmem>>
    %dma_wait3A_1091 = arith.constant 128 : i32
    %dma_wait3A_1092 = tpu.memref_slice %arg6[%dma_wait3A_1091] : memref<9984xi32, #tpu.memory_space<vmem>> -> memref<128xi32, #tpu.memory_space<vmem>>
    %dma_wait3A_1093 = arith.constant 0 : i32
    %dma_wait3A_1094 = arith.constant 0 : i32
    %dma_wait3A_1095 = tpu.memref_slice %arg9[%dma_wait3A_1093, %dma_wait3A_1094] : memref<10000x128xf32, #tpu.memory_space<vmem_shared>> -> memref<10000x128xf32, #tpu.memory_space<vmem_shared>>
    tpu.wait_indirect_dma semaphore(%arg13 : memref<!tpu.dma_semaphore, #tpu.memory_space<semaphore_mem>>) src(%dma_wait3A_1095 : memref<10000x128xf32, #tpu.memory_space<vmem_shared>>) dst(%dma_wait3A_1090 : memref<128x128xf32, #tpu.memory_space<vmem>>)
    %dma_wait3A_1096 = arith.constant 128 : i32
    %dma_wait3A_1097 = arith.constant 0 : i32
    %dma_wait3A_1098 = tpu.memref_slice %arg8[%dma_wait3A_1096, %dma_wait3A_1097] : memref<312x128xf32, #tpu.memory_space<vmem>> -> memref<128x128xf32, #tpu.memory_space<vmem>>
    %dma_wait3A_1099 = arith.constant 440 : i32
    %dma_wait3A_1100 = tpu.memref_slice %arg6[%dma_wait3A_1099] : memref<9984xi32, #tpu.memory_space<vmem>> -> memref<128xi32, #tpu.memory_space<vmem>>
    %dma_wait3A_1101 = arith.constant 0 : i32
    %dma_wait3A_1102 = arith.constant 0 : i32
    %dma_wait3A_1103 = tpu.memref_slice %arg9[%dma_wait3A_1101, %dma_wait3A_1102] : memref<10000x128xf32, #tpu.memory_space<vmem_shared>> -> memref<10000x128xf32, #tpu.memory_space<vmem_shared>>
    tpu.wait_indirect_dma semaphore(%arg13 : memref<!tpu.dma_semaphore, #tpu.memory_space<semaphore_mem>>) src(%dma_wait3A_1103 : memref<10000x128xf32, #tpu.memory_space<vmem_shared>>) dst(%dma_wait3A_1098 : memref<128x128xf32, #tpu.memory_space<vmem>>)
    %dma_wait3A_1104 = arith.constant 128 : i32
    %dma_wait3A_1105 = arith.constant 0 : i32
    %dma_wait3A_1106 = tpu.memref_slice %arg8[%dma_wait3A_1104, %dma_wait3A_1105] : memref<312x128xf32, #tpu.memory_space<vmem>> -> memref<128x128xf32, #tpu.memory_space<vmem>>
    %dma_wait3A_1107 = arith.constant 752 : i32
    %dma_wait3A_1108 = tpu.memref_slice %arg6[%dma_wait3A_1107] : memref<9984xi32, #tpu.memory_space<vmem>> -> memref<128xi32, #tpu.memory_space<vmem>>
    %dma_wait3A_1109 = arith.constant 0 : i32
    %dma_wait3A_1110 = arith.constant 0 : i32
    %dma_wait3A_1111 = tpu.memref_slice %arg9[%dma_wait3A_1109, %dma_wait3A_1110] : memref<10000x128xf32, #tpu.memory_space<vmem_shared>> -> memref<10000x128xf32, #tpu.memory_space<vmem_shared>>
    tpu.wait_indirect_dma semaphore(%arg13 : memref<!tpu.dma_semaphore, #tpu.memory_space<semaphore_mem>>) src(%dma_wait3A_1111 : memref<10000x128xf32, #tpu.memory_space<vmem_shared>>) dst(%dma_wait3A_1106 : memref<128x128xf32, #tpu.memory_space<vmem>>)
    %dma_wait3A_1112 = arith.constant 128 : i32
    %dma_wait3A_1113 = arith.constant 0 : i32
    %dma_wait3A_1114 = tpu.memref_slice %arg8[%dma_wait3A_1112, %dma_wait3A_1113] : memref<312x128xf32, #tpu.memory_space<vmem>> -> memref<128x128xf32, #tpu.memory_space<vmem>>
    %dma_wait3A_1115 = arith.constant 1064 : i32
    %dma_wait3A_1116 = tpu.memref_slice %arg6[%dma_wait3A_1115] : memref<9984xi32, #tpu.memory_space<vmem>> -> memref<128xi32, #tpu.memory_space<vmem>>
    %dma_wait3A_1117 = arith.constant 0 : i32
    %dma_wait3A_1118 = arith.constant 0 : i32
    %dma_wait3A_1119 = tpu.memref_slice %arg9[%dma_wait3A_1117, %dma_wait3A_1118] : memref<10000x128xf32, #tpu.memory_space<vmem_shared>> -> memref<10000x128xf32, #tpu.memory_space<vmem_shared>>
    tpu.wait_indirect_dma semaphore(%arg13 : memref<!tpu.dma_semaphore, #tpu.memory_space<semaphore_mem>>) src(%dma_wait3A_1119 : memref<10000x128xf32, #tpu.memory_space<vmem_shared>>) dst(%dma_wait3A_1114 : memref<128x128xf32, #tpu.memory_space<vmem>>)
    %dma_wait3A_1120 = arith.constant 128 : i32
    %dma_wait3A_1121 = arith.constant 0 : i32
    %dma_wait3A_1122 = tpu.memref_slice %arg8[%dma_wait3A_1120, %dma_wait3A_1121] : memref<312x128xf32, #tpu.memory_space<vmem>> -> memref<128x128xf32, #tpu.memory_space<vmem>>
    %dma_wait3A_1123 = arith.constant 1376 : i32
    %dma_wait3A_1124 = tpu.memref_slice %arg6[%dma_wait3A_1123] : memref<9984xi32, #tpu.memory_space<vmem>> -> memref<128xi32, #tpu.memory_space<vmem>>
    %dma_wait3A_1125 = arith.constant 0 : i32
    %dma_wait3A_1126 = arith.constant 0 : i32
    %dma_wait3A_1127 = tpu.memref_slice %arg9[%dma_wait3A_1125, %dma_wait3A_1126] : memref<10000x128xf32, #tpu.memory_space<vmem_shared>> -> memref<10000x128xf32, #tpu.memory_space<vmem_shared>>
    tpu.wait_indirect_dma semaphore(%arg13 : memref<!tpu.dma_semaphore, #tpu.memory_space<semaphore_mem>>) src(%dma_wait3A_1127 : memref<10000x128xf32, #tpu.memory_space<vmem_shared>>) dst(%dma_wait3A_1122 : memref<128x128xf32, #tpu.memory_space<vmem>>)
    %dma_wait3A_1128 = arith.constant 128 : i32
    %dma_wait3A_1129 = arith.constant 0 : i32
    %dma_wait3A_1130 = tpu.memref_slice %arg8[%dma_wait3A_1128, %dma_wait3A_1129] : memref<312x128xf32, #tpu.memory_space<vmem>> -> memref<128x128xf32, #tpu.memory_space<vmem>>
    %dma_wait3A_1131 = arith.constant 1688 : i32
    %dma_wait3A_1132 = tpu.memref_slice %arg6[%dma_wait3A_1131] : memref<9984xi32, #tpu.memory_space<vmem>> -> memref<128xi32, #tpu.memory_space<vmem>>
    %dma_wait3A_1133 = arith.constant 0 : i32
    %dma_wait3A_1134 = arith.constant 0 : i32
    %dma_wait3A_1135 = tpu.memref_slice %arg9[%dma_wait3A_1133, %dma_wait3A_1134] : memref<10000x128xf32, #tpu.memory_space<vmem_shared>> -> memref<10000x128xf32, #tpu.memory_space<vmem_shared>>
    tpu.wait_indirect_dma semaphore(%arg13 : memref<!tpu.dma_semaphore, #tpu.memory_space<semaphore_mem>>) src(%dma_wait3A_1135 : memref<10000x128xf32, #tpu.memory_space<vmem_shared>>) dst(%dma_wait3A_1130 : memref<128x128xf32, #tpu.memory_space<vmem>>)
    %dma_wait3A_1136 = arith.constant 128 : i32
    %dma_wait3A_1137 = arith.constant 0 : i32
    %dma_wait3A_1138 = tpu.memref_slice %arg8[%dma_wait3A_1136, %dma_wait3A_1137] : memref<312x128xf32, #tpu.memory_space<vmem>> -> memref<128x128xf32, #tpu.memory_space<vmem>>
    %dma_wait3A_1139 = arith.constant 2000 : i32
    %dma_wait3A_1140 = tpu.memref_slice %arg6[%dma_wait3A_1139] : memref<9984xi32, #tpu.memory_space<vmem>> -> memref<128xi32, #tpu.memory_space<vmem>>
    %dma_wait3A_1141 = arith.constant 0 : i32
    %dma_wait3A_1142 = arith.constant 0 : i32
    %dma_wait3A_1143 = tpu.memref_slice %arg9[%dma_wait3A_1141, %dma_wait3A_1142] : memref<10000x128xf32, #tpu.memory_space<vmem_shared>> -> memref<10000x128xf32, #tpu.memory_space<vmem_shared>>
    tpu.wait_indirect_dma semaphore(%arg13 : memref<!tpu.dma_semaphore, #tpu.memory_space<semaphore_mem>>) src(%dma_wait3A_1143 : memref<10000x128xf32, #tpu.memory_space<vmem_shared>>) dst(%dma_wait3A_1138 : memref<128x128xf32, #tpu.memory_space<vmem>>)
    %dma_wait3A_1144 = arith.constant 128 : i32
    %dma_wait3A_1145 = arith.constant 0 : i32
    %dma_wait3A_1146 = tpu.memref_slice %arg8[%dma_wait3A_1144, %dma_wait3A_1145] : memref<312x128xf32, #tpu.memory_space<vmem>> -> memref<128x128xf32, #tpu.memory_space<vmem>>
    %dma_wait3A_1147 = arith.constant 2312 : i32
    %dma_wait3A_1148 = tpu.memref_slice %arg6[%dma_wait3A_1147] : memref<9984xi32, #tpu.memory_space<vmem>> -> memref<128xi32, #tpu.memory_space<vmem>>
    %dma_wait3A_1149 = arith.constant 0 : i32
    %dma_wait3A_1150 = arith.constant 0 : i32
    %dma_wait3A_1151 = tpu.memref_slice %arg9[%dma_wait3A_1149, %dma_wait3A_1150] : memref<10000x128xf32, #tpu.memory_space<vmem_shared>> -> memref<10000x128xf32, #tpu.memory_space<vmem_shared>>
    tpu.wait_indirect_dma semaphore(%arg13 : memref<!tpu.dma_semaphore, #tpu.memory_space<semaphore_mem>>) src(%dma_wait3A_1151 : memref<10000x128xf32, #tpu.memory_space<vmem_shared>>) dst(%dma_wait3A_1146 : memref<128x128xf32, #tpu.memory_space<vmem>>)
    %dma_wait3A_1152 = arith.constant 128 : i32
    %dma_wait3A_1153 = arith.constant 0 : i32
    %dma_wait3A_1154 = tpu.memref_slice %arg8[%dma_wait3A_1152, %dma_wait3A_1153] : memref<312x128xf32, #tpu.memory_space<vmem>> -> memref<128x128xf32, #tpu.memory_space<vmem>>
    %dma_wait3A_1155 = arith.constant 2624 : i32
    %dma_wait3A_1156 = tpu.memref_slice %arg6[%dma_wait3A_1155] : memref<9984xi32, #tpu.memory_space<vmem>> -> memref<128xi32, #tpu.memory_space<vmem>>
    %dma_wait3A_1157 = arith.constant 0 : i32
    %dma_wait3A_1158 = arith.constant 0 : i32
    %dma_wait3A_1159 = tpu.memref_slice %arg9[%dma_wait3A_1157, %dma_wait3A_1158] : memref<10000x128xf32, #tpu.memory_space<vmem_shared>> -> memref<10000x128xf32, #tpu.memory_space<vmem_shared>>
    tpu.wait_indirect_dma semaphore(%arg13 : memref<!tpu.dma_semaphore, #tpu.memory_space<semaphore_mem>>) src(%dma_wait3A_1159 : memref<10000x128xf32, #tpu.memory_space<vmem_shared>>) dst(%dma_wait3A_1154 : memref<128x128xf32, #tpu.memory_space<vmem>>)
    %dma_wait3A_1160 = arith.constant 128 : i32
    %dma_wait3A_1161 = arith.constant 0 : i32
    %dma_wait3A_1162 = tpu.memref_slice %arg8[%dma_wait3A_1160, %dma_wait3A_1161] : memref<312x128xf32, #tpu.memory_space<vmem>> -> memref<128x128xf32, #tpu.memory_space<vmem>>
    %dma_wait3A_1163 = arith.constant 2936 : i32
    %dma_wait3A_1164 = tpu.memref_slice %arg6[%dma_wait3A_1163] : memref<9984xi32, #tpu.memory_space<vmem>> -> memref<128xi32, #tpu.memory_space<vmem>>
    %dma_wait3A_1165 = arith.constant 0 : i32
    %dma_wait3A_1166 = arith.constant 0 : i32
    %dma_wait3A_1167 = tpu.memref_slice %arg9[%dma_wait3A_1165, %dma_wait3A_1166] : memref<10000x128xf32, #tpu.memory_space<vmem_shared>> -> memref<10000x128xf32, #tpu.memory_space<vmem_shared>>
    tpu.wait_indirect_dma semaphore(%arg13 : memref<!tpu.dma_semaphore, #tpu.memory_space<semaphore_mem>>) src(%dma_wait3A_1167 : memref<10000x128xf32, #tpu.memory_space<vmem_shared>>) dst(%dma_wait3A_1162 : memref<128x128xf32, #tpu.memory_space<vmem>>)
    %dma_wait3A_1168 = arith.constant 128 : i32
    %dma_wait3A_1169 = arith.constant 0 : i32
    %dma_wait3A_1170 = tpu.memref_slice %arg8[%dma_wait3A_1168, %dma_wait3A_1169] : memref<312x128xf32, #tpu.memory_space<vmem>> -> memref<128x128xf32, #tpu.memory_space<vmem>>
    %dma_wait3A_1171 = arith.constant 3248 : i32
    %dma_wait3A_1172 = tpu.memref_slice %arg6[%dma_wait3A_1171] : memref<9984xi32, #tpu.memory_space<vmem>> -> memref<128xi32, #tpu.memory_space<vmem>>
    %dma_wait3A_1173 = arith.constant 0 : i32
    %dma_wait3A_1174 = arith.constant 0 : i32
    %dma_wait3A_1175 = tpu.memref_slice %arg9[%dma_wait3A_1173, %dma_wait3A_1174] : memref<10000x128xf32, #tpu.memory_space<vmem_shared>> -> memref<10000x128xf32, #tpu.memory_space<vmem_shared>>
    tpu.wait_indirect_dma semaphore(%arg13 : memref<!tpu.dma_semaphore, #tpu.memory_space<semaphore_mem>>) src(%dma_wait3A_1175 : memref<10000x128xf32, #tpu.memory_space<vmem_shared>>) dst(%dma_wait3A_1170 : memref<128x128xf32, #tpu.memory_space<vmem>>)
    %dma_wait3A_1176 = arith.constant 128 : i32
    %dma_wait3A_1177 = arith.constant 0 : i32
    %dma_wait3A_1178 = tpu.memref_slice %arg8[%dma_wait3A_1176, %dma_wait3A_1177] : memref<312x128xf32, #tpu.memory_space<vmem>> -> memref<128x128xf32, #tpu.memory_space<vmem>>
    %dma_wait3A_1179 = arith.constant 3560 : i32
    %dma_wait3A_1180 = tpu.memref_slice %arg6[%dma_wait3A_1179] : memref<9984xi32, #tpu.memory_space<vmem>> -> memref<128xi32, #tpu.memory_space<vmem>>
    %dma_wait3A_1181 = arith.constant 0 : i32
    %dma_wait3A_1182 = arith.constant 0 : i32
    %dma_wait3A_1183 = tpu.memref_slice %arg9[%dma_wait3A_1181, %dma_wait3A_1182] : memref<10000x128xf32, #tpu.memory_space<vmem_shared>> -> memref<10000x128xf32, #tpu.memory_space<vmem_shared>>
    tpu.wait_indirect_dma semaphore(%arg13 : memref<!tpu.dma_semaphore, #tpu.memory_space<semaphore_mem>>) src(%dma_wait3A_1183 : memref<10000x128xf32, #tpu.memory_space<vmem_shared>>) dst(%dma_wait3A_1178 : memref<128x128xf32, #tpu.memory_space<vmem>>)
    %dma_wait3A_1184 = arith.constant 128 : i32
    %dma_wait3A_1185 = arith.constant 0 : i32
    %dma_wait3A_1186 = tpu.memref_slice %arg8[%dma_wait3A_1184, %dma_wait3A_1185] : memref<312x128xf32, #tpu.memory_space<vmem>> -> memref<128x128xf32, #tpu.memory_space<vmem>>
    %dma_wait3A_1187 = arith.constant 3872 : i32
    %dma_wait3A_1188 = tpu.memref_slice %arg6[%dma_wait3A_1187] : memref<9984xi32, #tpu.memory_space<vmem>> -> memref<128xi32, #tpu.memory_space<vmem>>
    %dma_wait3A_1189 = arith.constant 0 : i32
    %dma_wait3A_1190 = arith.constant 0 : i32
    %dma_wait3A_1191 = tpu.memref_slice %arg9[%dma_wait3A_1189, %dma_wait3A_1190] : memref<10000x128xf32, #tpu.memory_space<vmem_shared>> -> memref<10000x128xf32, #tpu.memory_space<vmem_shared>>
    tpu.wait_indirect_dma semaphore(%arg13 : memref<!tpu.dma_semaphore, #tpu.memory_space<semaphore_mem>>) src(%dma_wait3A_1191 : memref<10000x128xf32, #tpu.memory_space<vmem_shared>>) dst(%dma_wait3A_1186 : memref<128x128xf32, #tpu.memory_space<vmem>>)
    %dma_wait3A_1192 = arith.constant 128 : i32
    %dma_wait3A_1193 = arith.constant 0 : i32
    %dma_wait3A_1194 = tpu.memref_slice %arg8[%dma_wait3A_1192, %dma_wait3A_1193] : memref<312x128xf32, #tpu.memory_space<vmem>> -> memref<128x128xf32, #tpu.memory_space<vmem>>
    %dma_wait3A_1195 = arith.constant 4184 : i32
    %dma_wait3A_1196 = tpu.memref_slice %arg6[%dma_wait3A_1195] : memref<9984xi32, #tpu.memory_space<vmem>> -> memref<128xi32, #tpu.memory_space<vmem>>
    %dma_wait3A_1197 = arith.constant 0 : i32
    %dma_wait3A_1198 = arith.constant 0 : i32
    %dma_wait3A_1199 = tpu.memref_slice %arg9[%dma_wait3A_1197, %dma_wait3A_1198] : memref<10000x128xf32, #tpu.memory_space<vmem_shared>> -> memref<10000x128xf32, #tpu.memory_space<vmem_shared>>
    tpu.wait_indirect_dma semaphore(%arg13 : memref<!tpu.dma_semaphore, #tpu.memory_space<semaphore_mem>>) src(%dma_wait3A_1199 : memref<10000x128xf32, #tpu.memory_space<vmem_shared>>) dst(%dma_wait3A_1194 : memref<128x128xf32, #tpu.memory_space<vmem>>)
    %dma_wait3A_1200 = arith.constant 128 : i32
    %dma_wait3A_1201 = arith.constant 0 : i32
    %dma_wait3A_1202 = tpu.memref_slice %arg8[%dma_wait3A_1200, %dma_wait3A_1201] : memref<312x128xf32, #tpu.memory_space<vmem>> -> memref<128x128xf32, #tpu.memory_space<vmem>>
    %dma_wait3A_1203 = arith.constant 4496 : i32
    %dma_wait3A_1204 = tpu.memref_slice %arg6[%dma_wait3A_1203] : memref<9984xi32, #tpu.memory_space<vmem>> -> memref<128xi32, #tpu.memory_space<vmem>>
    %dma_wait3A_1205 = arith.constant 0 : i32
    %dma_wait3A_1206 = arith.constant 0 : i32
    %dma_wait3A_1207 = tpu.memref_slice %arg9[%dma_wait3A_1205, %dma_wait3A_1206] : memref<10000x128xf32, #tpu.memory_space<vmem_shared>> -> memref<10000x128xf32, #tpu.memory_space<vmem_shared>>
    tpu.wait_indirect_dma semaphore(%arg13 : memref<!tpu.dma_semaphore, #tpu.memory_space<semaphore_mem>>) src(%dma_wait3A_1207 : memref<10000x128xf32, #tpu.memory_space<vmem_shared>>) dst(%dma_wait3A_1202 : memref<128x128xf32, #tpu.memory_space<vmem>>)
    %dma_wait3A_1208 = arith.constant 128 : i32
    %dma_wait3A_1209 = arith.constant 0 : i32
    %dma_wait3A_1210 = tpu.memref_slice %arg8[%dma_wait3A_1208, %dma_wait3A_1209] : memref<312x128xf32, #tpu.memory_space<vmem>> -> memref<128x128xf32, #tpu.memory_space<vmem>>
    %dma_wait3A_1211 = arith.constant 4808 : i32
    %dma_wait3A_1212 = tpu.memref_slice %arg6[%dma_wait3A_1211] : memref<9984xi32, #tpu.memory_space<vmem>> -> memref<128xi32, #tpu.memory_space<vmem>>
    %dma_wait3A_1213 = arith.constant 0 : i32
    %dma_wait3A_1214 = arith.constant 0 : i32
    %dma_wait3A_1215 = tpu.memref_slice %arg9[%dma_wait3A_1213, %dma_wait3A_1214] : memref<10000x128xf32, #tpu.memory_space<vmem_shared>> -> memref<10000x128xf32, #tpu.memory_space<vmem_shared>>
    tpu.wait_indirect_dma semaphore(%arg13 : memref<!tpu.dma_semaphore, #tpu.memory_space<semaphore_mem>>) src(%dma_wait3A_1215 : memref<10000x128xf32, #tpu.memory_space<vmem_shared>>) dst(%dma_wait3A_1210 : memref<128x128xf32, #tpu.memory_space<vmem>>)
    %dma_wait3A_1216 = arith.constant 128 : i32
    %dma_wait3A_1217 = arith.constant 0 : i32
    %dma_wait3A_1218 = tpu.memref_slice %arg8[%dma_wait3A_1216, %dma_wait3A_1217] : memref<312x128xf32, #tpu.memory_space<vmem>> -> memref<128x128xf32, #tpu.memory_space<vmem>>
    %dma_wait3A_1219 = arith.constant 5120 : i32
    %dma_wait3A_1220 = tpu.memref_slice %arg6[%dma_wait3A_1219] : memref<9984xi32, #tpu.memory_space<vmem>> -> memref<128xi32, #tpu.memory_space<vmem>>
    %dma_wait3A_1221 = arith.constant 0 : i32
    %dma_wait3A_1222 = arith.constant 0 : i32
    %dma_wait3A_1223 = tpu.memref_slice %arg9[%dma_wait3A_1221, %dma_wait3A_1222] : memref<10000x128xf32, #tpu.memory_space<vmem_shared>> -> memref<10000x128xf32, #tpu.memory_space<vmem_shared>>
    tpu.wait_indirect_dma semaphore(%arg13 : memref<!tpu.dma_semaphore, #tpu.memory_space<semaphore_mem>>) src(%dma_wait3A_1223 : memref<10000x128xf32, #tpu.memory_space<vmem_shared>>) dst(%dma_wait3A_1218 : memref<128x128xf32, #tpu.memory_space<vmem>>)
    %dma_wait3A_1224 = arith.constant 128 : i32
    %dma_wait3A_1225 = arith.constant 0 : i32
    %dma_wait3A_1226 = tpu.memref_slice %arg8[%dma_wait3A_1224, %dma_wait3A_1225] : memref<312x128xf32, #tpu.memory_space<vmem>> -> memref<128x128xf32, #tpu.memory_space<vmem>>
    %dma_wait3A_1227 = arith.constant 5432 : i32
    %dma_wait3A_1228 = tpu.memref_slice %arg6[%dma_wait3A_1227] : memref<9984xi32, #tpu.memory_space<vmem>> -> memref<128xi32, #tpu.memory_space<vmem>>
    %dma_wait3A_1229 = arith.constant 0 : i32
    %dma_wait3A_1230 = arith.constant 0 : i32
    %dma_wait3A_1231 = tpu.memref_slice %arg9[%dma_wait3A_1229, %dma_wait3A_1230] : memref<10000x128xf32, #tpu.memory_space<vmem_shared>> -> memref<10000x128xf32, #tpu.memory_space<vmem_shared>>
    tpu.wait_indirect_dma semaphore(%arg13 : memref<!tpu.dma_semaphore, #tpu.memory_space<semaphore_mem>>) src(%dma_wait3A_1231 : memref<10000x128xf32, #tpu.memory_space<vmem_shared>>) dst(%dma_wait3A_1226 : memref<128x128xf32, #tpu.memory_space<vmem>>)
    %dma_wait3A_1232 = arith.constant 128 : i32
    %dma_wait3A_1233 = arith.constant 0 : i32
    %dma_wait3A_1234 = tpu.memref_slice %arg8[%dma_wait3A_1232, %dma_wait3A_1233] : memref<312x128xf32, #tpu.memory_space<vmem>> -> memref<128x128xf32, #tpu.memory_space<vmem>>
    %dma_wait3A_1235 = arith.constant 5744 : i32
    %dma_wait3A_1236 = tpu.memref_slice %arg6[%dma_wait3A_1235] : memref<9984xi32, #tpu.memory_space<vmem>> -> memref<128xi32, #tpu.memory_space<vmem>>
    %dma_wait3A_1237 = arith.constant 0 : i32
    %dma_wait3A_1238 = arith.constant 0 : i32
    %dma_wait3A_1239 = tpu.memref_slice %arg9[%dma_wait3A_1237, %dma_wait3A_1238] : memref<10000x128xf32, #tpu.memory_space<vmem_shared>> -> memref<10000x128xf32, #tpu.memory_space<vmem_shared>>
    tpu.wait_indirect_dma semaphore(%arg13 : memref<!tpu.dma_semaphore, #tpu.memory_space<semaphore_mem>>) src(%dma_wait3A_1239 : memref<10000x128xf32, #tpu.memory_space<vmem_shared>>) dst(%dma_wait3A_1234 : memref<128x128xf32, #tpu.memory_space<vmem>>)
    %dma_wait3A_1240 = arith.constant 128 : i32
    %dma_wait3A_1241 = arith.constant 0 : i32
    %dma_wait3A_1242 = tpu.memref_slice %arg8[%dma_wait3A_1240, %dma_wait3A_1241] : memref<312x128xf32, #tpu.memory_space<vmem>> -> memref<128x128xf32, #tpu.memory_space<vmem>>
    %dma_wait3A_1243 = arith.constant 6056 : i32
    %dma_wait3A_1244 = tpu.memref_slice %arg6[%dma_wait3A_1243] : memref<9984xi32, #tpu.memory_space<vmem>> -> memref<128xi32, #tpu.memory_space<vmem>>
    %dma_wait3A_1245 = arith.constant 0 : i32
    %dma_wait3A_1246 = arith.constant 0 : i32
    %dma_wait3A_1247 = tpu.memref_slice %arg9[%dma_wait3A_1245, %dma_wait3A_1246] : memref<10000x128xf32, #tpu.memory_space<vmem_shared>> -> memref<10000x128xf32, #tpu.memory_space<vmem_shared>>
    tpu.wait_indirect_dma semaphore(%arg13 : memref<!tpu.dma_semaphore, #tpu.memory_space<semaphore_mem>>) src(%dma_wait3A_1247 : memref<10000x128xf32, #tpu.memory_space<vmem_shared>>) dst(%dma_wait3A_1242 : memref<128x128xf32, #tpu.memory_space<vmem>>)
    %dma_wait3A_1248 = arith.constant 128 : i32
    %dma_wait3A_1249 = arith.constant 0 : i32
    %dma_wait3A_1250 = tpu.memref_slice %arg8[%dma_wait3A_1248, %dma_wait3A_1249] : memref<312x128xf32, #tpu.memory_space<vmem>> -> memref<128x128xf32, #tpu.memory_space<vmem>>
    %dma_wait3A_1251 = arith.constant 6368 : i32
    %dma_wait3A_1252 = tpu.memref_slice %arg6[%dma_wait3A_1251] : memref<9984xi32, #tpu.memory_space<vmem>> -> memref<128xi32, #tpu.memory_space<vmem>>
    %dma_wait3A_1253 = arith.constant 0 : i32
    %dma_wait3A_1254 = arith.constant 0 : i32
    %dma_wait3A_1255 = tpu.memref_slice %arg9[%dma_wait3A_1253, %dma_wait3A_1254] : memref<10000x128xf32, #tpu.memory_space<vmem_shared>> -> memref<10000x128xf32, #tpu.memory_space<vmem_shared>>
    tpu.wait_indirect_dma semaphore(%arg13 : memref<!tpu.dma_semaphore, #tpu.memory_space<semaphore_mem>>) src(%dma_wait3A_1255 : memref<10000x128xf32, #tpu.memory_space<vmem_shared>>) dst(%dma_wait3A_1250 : memref<128x128xf32, #tpu.memory_space<vmem>>)
    %dma_wait3A_1256 = arith.constant 128 : i32
    %dma_wait3A_1257 = arith.constant 0 : i32
    %dma_wait3A_1258 = tpu.memref_slice %arg8[%dma_wait3A_1256, %dma_wait3A_1257] : memref<312x128xf32, #tpu.memory_space<vmem>> -> memref<128x128xf32, #tpu.memory_space<vmem>>
    %dma_wait3A_1259 = arith.constant 6680 : i32
    %dma_wait3A_1260 = tpu.memref_slice %arg6[%dma_wait3A_1259] : memref<9984xi32, #tpu.memory_space<vmem>> -> memref<128xi32, #tpu.memory_space<vmem>>
    %dma_wait3A_1261 = arith.constant 0 : i32
    %dma_wait3A_1262 = arith.constant 0 : i32
    %dma_wait3A_1263 = tpu.memref_slice %arg9[%dma_wait3A_1261, %dma_wait3A_1262] : memref<10000x128xf32, #tpu.memory_space<vmem_shared>> -> memref<10000x128xf32, #tpu.memory_space<vmem_shared>>
    tpu.wait_indirect_dma semaphore(%arg13 : memref<!tpu.dma_semaphore, #tpu.memory_space<semaphore_mem>>) src(%dma_wait3A_1263 : memref<10000x128xf32, #tpu.memory_space<vmem_shared>>) dst(%dma_wait3A_1258 : memref<128x128xf32, #tpu.memory_space<vmem>>)
    %dma_wait3A_1264 = arith.constant 128 : i32
    %dma_wait3A_1265 = arith.constant 0 : i32
    %dma_wait3A_1266 = tpu.memref_slice %arg8[%dma_wait3A_1264, %dma_wait3A_1265] : memref<312x128xf32, #tpu.memory_space<vmem>> -> memref<128x128xf32, #tpu.memory_space<vmem>>
    %dma_wait3A_1267 = arith.constant 6992 : i32
    %dma_wait3A_1268 = tpu.memref_slice %arg6[%dma_wait3A_1267] : memref<9984xi32, #tpu.memory_space<vmem>> -> memref<128xi32, #tpu.memory_space<vmem>>
    %dma_wait3A_1269 = arith.constant 0 : i32
    %dma_wait3A_1270 = arith.constant 0 : i32
    %dma_wait3A_1271 = tpu.memref_slice %arg9[%dma_wait3A_1269, %dma_wait3A_1270] : memref<10000x128xf32, #tpu.memory_space<vmem_shared>> -> memref<10000x128xf32, #tpu.memory_space<vmem_shared>>
    tpu.wait_indirect_dma semaphore(%arg13 : memref<!tpu.dma_semaphore, #tpu.memory_space<semaphore_mem>>) src(%dma_wait3A_1271 : memref<10000x128xf32, #tpu.memory_space<vmem_shared>>) dst(%dma_wait3A_1266 : memref<128x128xf32, #tpu.memory_space<vmem>>)
    %dma_wait3A_1272 = arith.constant 128 : i32
    %dma_wait3A_1273 = arith.constant 0 : i32
    %dma_wait3A_1274 = tpu.memref_slice %arg8[%dma_wait3A_1272, %dma_wait3A_1273] : memref<312x128xf32, #tpu.memory_space<vmem>> -> memref<128x128xf32, #tpu.memory_space<vmem>>
    %dma_wait3A_1275 = arith.constant 7304 : i32
    %dma_wait3A_1276 = tpu.memref_slice %arg6[%dma_wait3A_1275] : memref<9984xi32, #tpu.memory_space<vmem>> -> memref<128xi32, #tpu.memory_space<vmem>>
    %dma_wait3A_1277 = arith.constant 0 : i32
    %dma_wait3A_1278 = arith.constant 0 : i32
    %dma_wait3A_1279 = tpu.memref_slice %arg9[%dma_wait3A_1277, %dma_wait3A_1278] : memref<10000x128xf32, #tpu.memory_space<vmem_shared>> -> memref<10000x128xf32, #tpu.memory_space<vmem_shared>>
    tpu.wait_indirect_dma semaphore(%arg13 : memref<!tpu.dma_semaphore, #tpu.memory_space<semaphore_mem>>) src(%dma_wait3A_1279 : memref<10000x128xf32, #tpu.memory_space<vmem_shared>>) dst(%dma_wait3A_1274 : memref<128x128xf32, #tpu.memory_space<vmem>>)
    %dma_wait3A_1280 = arith.constant 128 : i32
    %dma_wait3A_1281 = arith.constant 0 : i32
    %dma_wait3A_1282 = tpu.memref_slice %arg8[%dma_wait3A_1280, %dma_wait3A_1281] : memref<312x128xf32, #tpu.memory_space<vmem>> -> memref<128x128xf32, #tpu.memory_space<vmem>>
    %dma_wait3A_1283 = arith.constant 7616 : i32
    %dma_wait3A_1284 = tpu.memref_slice %arg6[%dma_wait3A_1283] : memref<9984xi32, #tpu.memory_space<vmem>> -> memref<128xi32, #tpu.memory_space<vmem>>
    %dma_wait3A_1285 = arith.constant 0 : i32
    %dma_wait3A_1286 = arith.constant 0 : i32
    %dma_wait3A_1287 = tpu.memref_slice %arg9[%dma_wait3A_1285, %dma_wait3A_1286] : memref<10000x128xf32, #tpu.memory_space<vmem_shared>> -> memref<10000x128xf32, #tpu.memory_space<vmem_shared>>
    tpu.wait_indirect_dma semaphore(%arg13 : memref<!tpu.dma_semaphore, #tpu.memory_space<semaphore_mem>>) src(%dma_wait3A_1287 : memref<10000x128xf32, #tpu.memory_space<vmem_shared>>) dst(%dma_wait3A_1282 : memref<128x128xf32, #tpu.memory_space<vmem>>)
    %dma_wait3A_1288 = arith.constant 128 : i32
    %dma_wait3A_1289 = arith.constant 0 : i32
    %dma_wait3A_1290 = tpu.memref_slice %arg8[%dma_wait3A_1288, %dma_wait3A_1289] : memref<312x128xf32, #tpu.memory_space<vmem>> -> memref<128x128xf32, #tpu.memory_space<vmem>>
    %dma_wait3A_1291 = arith.constant 7928 : i32
    %dma_wait3A_1292 = tpu.memref_slice %arg6[%dma_wait3A_1291] : memref<9984xi32, #tpu.memory_space<vmem>> -> memref<128xi32, #tpu.memory_space<vmem>>
    %dma_wait3A_1293 = arith.constant 0 : i32
    %dma_wait3A_1294 = arith.constant 0 : i32
    %dma_wait3A_1295 = tpu.memref_slice %arg9[%dma_wait3A_1293, %dma_wait3A_1294] : memref<10000x128xf32, #tpu.memory_space<vmem_shared>> -> memref<10000x128xf32, #tpu.memory_space<vmem_shared>>
    tpu.wait_indirect_dma semaphore(%arg13 : memref<!tpu.dma_semaphore, #tpu.memory_space<semaphore_mem>>) src(%dma_wait3A_1295 : memref<10000x128xf32, #tpu.memory_space<vmem_shared>>) dst(%dma_wait3A_1290 : memref<128x128xf32, #tpu.memory_space<vmem>>)
    %dma_wait3A_1296 = arith.constant 128 : i32
    %dma_wait3A_1297 = arith.constant 0 : i32
    %dma_wait3A_1298 = tpu.memref_slice %arg8[%dma_wait3A_1296, %dma_wait3A_1297] : memref<312x128xf32, #tpu.memory_space<vmem>> -> memref<128x128xf32, #tpu.memory_space<vmem>>
    %dma_wait3A_1299 = arith.constant 8240 : i32
    %dma_wait3A_1300 = tpu.memref_slice %arg6[%dma_wait3A_1299] : memref<9984xi32, #tpu.memory_space<vmem>> -> memref<128xi32, #tpu.memory_space<vmem>>
    %dma_wait3A_1301 = arith.constant 0 : i32
    %dma_wait3A_1302 = arith.constant 0 : i32
    %dma_wait3A_1303 = tpu.memref_slice %arg9[%dma_wait3A_1301, %dma_wait3A_1302] : memref<10000x128xf32, #tpu.memory_space<vmem_shared>> -> memref<10000x128xf32, #tpu.memory_space<vmem_shared>>
    tpu.wait_indirect_dma semaphore(%arg13 : memref<!tpu.dma_semaphore, #tpu.memory_space<semaphore_mem>>) src(%dma_wait3A_1303 : memref<10000x128xf32, #tpu.memory_space<vmem_shared>>) dst(%dma_wait3A_1298 : memref<128x128xf32, #tpu.memory_space<vmem>>)
    %dma_wait3A_1304 = arith.constant 128 : i32
    %dma_wait3A_1305 = arith.constant 0 : i32
    %dma_wait3A_1306 = tpu.memref_slice %arg8[%dma_wait3A_1304, %dma_wait3A_1305] : memref<312x128xf32, #tpu.memory_space<vmem>> -> memref<128x128xf32, #tpu.memory_space<vmem>>
    %dma_wait3A_1307 = arith.constant 8552 : i32
    %dma_wait3A_1308 = tpu.memref_slice %arg6[%dma_wait3A_1307] : memref<9984xi32, #tpu.memory_space<vmem>> -> memref<128xi32, #tpu.memory_space<vmem>>
    %dma_wait3A_1309 = arith.constant 0 : i32
    %dma_wait3A_1310 = arith.constant 0 : i32
    %dma_wait3A_1311 = tpu.memref_slice %arg9[%dma_wait3A_1309, %dma_wait3A_1310] : memref<10000x128xf32, #tpu.memory_space<vmem_shared>> -> memref<10000x128xf32, #tpu.memory_space<vmem_shared>>
    tpu.wait_indirect_dma semaphore(%arg13 : memref<!tpu.dma_semaphore, #tpu.memory_space<semaphore_mem>>) src(%dma_wait3A_1311 : memref<10000x128xf32, #tpu.memory_space<vmem_shared>>) dst(%dma_wait3A_1306 : memref<128x128xf32, #tpu.memory_space<vmem>>)
    %dma_wait3A_1312 = arith.constant 128 : i32
    %dma_wait3A_1313 = arith.constant 0 : i32
    %dma_wait3A_1314 = tpu.memref_slice %arg8[%dma_wait3A_1312, %dma_wait3A_1313] : memref<312x128xf32, #tpu.memory_space<vmem>> -> memref<128x128xf32, #tpu.memory_space<vmem>>
    %dma_wait3A_1315 = arith.constant 8864 : i32
    %dma_wait3A_1316 = tpu.memref_slice %arg6[%dma_wait3A_1315] : memref<9984xi32, #tpu.memory_space<vmem>> -> memref<128xi32, #tpu.memory_space<vmem>>
    %dma_wait3A_1317 = arith.constant 0 : i32
    %dma_wait3A_1318 = arith.constant 0 : i32
    %dma_wait3A_1319 = tpu.memref_slice %arg9[%dma_wait3A_1317, %dma_wait3A_1318] : memref<10000x128xf32, #tpu.memory_space<vmem_shared>> -> memref<10000x128xf32, #tpu.memory_space<vmem_shared>>
    tpu.wait_indirect_dma semaphore(%arg13 : memref<!tpu.dma_semaphore, #tpu.memory_space<semaphore_mem>>) src(%dma_wait3A_1319 : memref<10000x128xf32, #tpu.memory_space<vmem_shared>>) dst(%dma_wait3A_1314 : memref<128x128xf32, #tpu.memory_space<vmem>>)
    %dma_wait3A_1320 = arith.constant 128 : i32
    %dma_wait3A_1321 = arith.constant 0 : i32
    %dma_wait3A_1322 = tpu.memref_slice %arg8[%dma_wait3A_1320, %dma_wait3A_1321] : memref<312x128xf32, #tpu.memory_space<vmem>> -> memref<128x128xf32, #tpu.memory_space<vmem>>
    %dma_wait3A_1323 = arith.constant 9176 : i32
    %dma_wait3A_1324 = tpu.memref_slice %arg6[%dma_wait3A_1323] : memref<9984xi32, #tpu.memory_space<vmem>> -> memref<128xi32, #tpu.memory_space<vmem>>
    %dma_wait3A_1325 = arith.constant 0 : i32
    %dma_wait3A_1326 = arith.constant 0 : i32
    %dma_wait3A_1327 = tpu.memref_slice %arg9[%dma_wait3A_1325, %dma_wait3A_1326] : memref<10000x128xf32, #tpu.memory_space<vmem_shared>> -> memref<10000x128xf32, #tpu.memory_space<vmem_shared>>
    tpu.wait_indirect_dma semaphore(%arg13 : memref<!tpu.dma_semaphore, #tpu.memory_space<semaphore_mem>>) src(%dma_wait3A_1327 : memref<10000x128xf32, #tpu.memory_space<vmem_shared>>) dst(%dma_wait3A_1322 : memref<128x128xf32, #tpu.memory_space<vmem>>)
    %dma_wait3A_1328 = arith.constant 128 : i32
    %dma_wait3A_1329 = arith.constant 0 : i32
    %dma_wait3A_1330 = tpu.memref_slice %arg8[%dma_wait3A_1328, %dma_wait3A_1329] : memref<312x128xf32, #tpu.memory_space<vmem>> -> memref<128x128xf32, #tpu.memory_space<vmem>>
    %dma_wait3A_1331 = arith.constant 9488 : i32
    %dma_wait3A_1332 = tpu.memref_slice %arg6[%dma_wait3A_1331] : memref<9984xi32, #tpu.memory_space<vmem>> -> memref<128xi32, #tpu.memory_space<vmem>>
    %dma_wait3A_1333 = arith.constant 0 : i32
    %dma_wait3A_1334 = arith.constant 0 : i32
    %dma_wait3A_1335 = tpu.memref_slice %arg9[%dma_wait3A_1333, %dma_wait3A_1334] : memref<10000x128xf32, #tpu.memory_space<vmem_shared>> -> memref<10000x128xf32, #tpu.memory_space<vmem_shared>>
    tpu.wait_indirect_dma semaphore(%arg13 : memref<!tpu.dma_semaphore, #tpu.memory_space<semaphore_mem>>) src(%dma_wait3A_1335 : memref<10000x128xf32, #tpu.memory_space<vmem_shared>>) dst(%dma_wait3A_1330 : memref<128x128xf32, #tpu.memory_space<vmem>>)
    %dma_wait3A_1336 = arith.constant 128 : i32
    %dma_wait3A_1337 = arith.constant 0 : i32
    %dma_wait3A_1338 = tpu.memref_slice %arg8[%dma_wait3A_1336, %dma_wait3A_1337] : memref<312x128xf32, #tpu.memory_space<vmem>> -> memref<128x128xf32, #tpu.memory_space<vmem>>
    %dma_wait3A_1339 = arith.constant 9800 : i32
    %dma_wait3A_1340 = tpu.memref_slice %arg6[%dma_wait3A_1339] : memref<9984xi32, #tpu.memory_space<vmem>> -> memref<128xi32, #tpu.memory_space<vmem>>
    %dma_wait3A_1341 = arith.constant 0 : i32
    %dma_wait3A_1342 = arith.constant 0 : i32
    %dma_wait3A_1343 = tpu.memref_slice %arg9[%dma_wait3A_1341, %dma_wait3A_1342] : memref<10000x128xf32, #tpu.memory_space<vmem_shared>> -> memref<10000x128xf32, #tpu.memory_space<vmem_shared>>
    tpu.wait_indirect_dma semaphore(%arg13 : memref<!tpu.dma_semaphore, #tpu.memory_space<semaphore_mem>>) src(%dma_wait3A_1343 : memref<10000x128xf32, #tpu.memory_space<vmem_shared>>) dst(%dma_wait3A_1338 : memref<128x128xf32, #tpu.memory_space<vmem>>)
    %scan3A_1344 = arith.constant 0 : i32
    %scan3A_1345 = arith.constant 0 : i32
    %scan3A_1346 = arith.constant 128 : i32
    %scan3A_1347 = arith.addi %scan3A_1345, %scan3A_1346 : i32
    %scan3A_1348 = arith.constant 1 : i32
    scf.for %scan3A_1675 = %scan3A_1345 to %scan3A_1347 step %scan3A_1348  : i32 {
      %add3A_1676 = arith.constant 128 : i32
      %add3A_1677 = arith.addi %add3A_1676, %scan3A_1675 : i32
      %get3A = arith.index_cast %add3A_1677 : i32 to index
      %get3A_1678 = arith.constant 0 : index
      %get3A_1679 = tpu.vector_load %arg8[%get3A, %get3A_1678] {strides = array<i32>} : memref<312x128xf32, #tpu.memory_space<vmem>>, vector<1x16xf32>,
      %get3A_1680 = vector.shape_cast %get3A_1679 : vector<1x16xf32> to vector<16xf32>
      %mul3A_1681 = arith.constant 3.125000e-02 : f32
      %mul3A_1682 = vector.broadcast %mul3A_1681 : f32 to vector<16xf32>
      %mul3A_1683 = arith.mulf %get3A_1680, %mul3A_1682 : vector<16xf32>
      %add3A_1684 = arith.constant 128 : i32
      %add3A_1685 = arith.addi %add3A_1684, %scan3A_1675 : i32
      %swap3A = arith.index_cast %add3A_1685 : i32 to index
      %swap3A_1686 = arith.constant 0 : index
      %swap3A_1687 = tpu.vector_load %arg8[%swap3A, %swap3A_1686] {strides = array<i32>} : memref<312x128xf32, #tpu.memory_space<vmem>>, vector<1x16xf32>,
      %swap3A_1688 = vector.shape_cast %swap3A_1687 : vector<1x16xf32> to vector<16xf32>
      %swap3A_1689 = vector.shape_cast %mul3A_1683 : vector<16xf32> to vector<1x16xf32>
      tpu.vector_store %arg8[%swap3A, %swap3A_1686], %swap3A_1689 {strides = array<i32>} : memref<312x128xf32, #tpu.memory_space<vmem>>, vector<1x16xf32>,
      %add3A_1690 = arith.constant 128 : i32
      %add3A_1691 = arith.addi %add3A_1690, %scan3A_1675 : i32
      %get3A_1692 = arith.index_cast %add3A_1691 : i32 to index
      %get3A_1693 = arith.constant 16 : index
      %get3A_1694 = tpu.vector_load %arg8[%get3A_1692, %get3A_1693] {strides = array<i32>} : memref<312x128xf32, #tpu.memory_space<vmem>>, vector<1x16xf32>,
      %get3A_1695 = vector.shape_cast %get3A_1694 : vector<1x16xf32> to vector<16xf32>
      %mul3A_1696 = arith.constant 3.125000e-02 : f32
      %mul3A_1697 = vector.broadcast %mul3A_1696 : f32 to vector<16xf32>
      %mul3A_1698 = arith.mulf %get3A_1695, %mul3A_1697 : vector<16xf32>
      %add3A_1699 = arith.constant 128 : i32
      %add3A_1700 = arith.addi %add3A_1699, %scan3A_1675 : i32
      %swap3A_1701 = arith.index_cast %add3A_1700 : i32 to index
      %swap3A_1702 = arith.constant 16 : index
      %swap3A_1703 = tpu.vector_load %arg8[%swap3A_1701, %swap3A_1702] {strides = array<i32>} : memref<312x128xf32, #tpu.memory_space<vmem>>, vector<1x16xf32>,
      %swap3A_1704 = vector.shape_cast %swap3A_1703 : vector<1x16xf32> to vector<16xf32>
      %swap3A_1705 = vector.shape_cast %mul3A_1698 : vector<16xf32> to vector<1x16xf32>
      tpu.vector_store %arg8[%swap3A_1701, %swap3A_1702], %swap3A_1705 {strides = array<i32>} : memref<312x128xf32, #tpu.memory_space<vmem>>, vector<1x16xf32>,
      %add3A_1706 = arith.constant 128 : i32
      %add3A_1707 = arith.addi %add3A_1706, %scan3A_1675 : i32
      %get3A_1708 = arith.index_cast %add3A_1707 : i32 to index
      %get3A_1709 = arith.constant 32 : index
      %get3A_1710 = tpu.vector_load %arg8[%get3A_1708, %get3A_1709] {strides = array<i32>} : memref<312x128xf32, #tpu.memory_space<vmem>>, vector<1x16xf32>,
      %get3A_1711 = vector.shape_cast %get3A_1710 : vector<1x16xf32> to vector<16xf32>
      %mul3A_1712 = arith.constant 3.125000e-02 : f32
      %mul3A_1713 = vector.broadcast %mul3A_1712 : f32 to vector<16xf32>
      %mul3A_1714 = arith.mulf %get3A_1711, %mul3A_1713 : vector<16xf32>
      %add3A_1715 = arith.constant 128 : i32
      %add3A_1716 = arith.addi %add3A_1715, %scan3A_1675 : i32
      %swap3A_1717 = arith.index_cast %add3A_1716 : i32 to index
      %swap3A_1718 = arith.constant 32 : index
      %swap3A_1719 = tpu.vector_load %arg8[%swap3A_1717, %swap3A_1718] {strides = array<i32>} : memref<312x128xf32, #tpu.memory_space<vmem>>, vector<1x16xf32>,
      %swap3A_1720 = vector.shape_cast %swap3A_1719 : vector<1x16xf32> to vector<16xf32>
      %swap3A_1721 = vector.shape_cast %mul3A_1714 : vector<16xf32> to vector<1x16xf32>
      tpu.vector_store %arg8[%swap3A_1717, %swap3A_1718], %swap3A_1721 {strides = array<i32>} : memref<312x128xf32, #tpu.memory_space<vmem>>, vector<1x16xf32>,
      %add3A_1722 = arith.constant 128 : i32
      %add3A_1723 = arith.addi %add3A_1722, %scan3A_1675 : i32
      %get3A_1724 = arith.index_cast %add3A_1723 : i32 to index
      %get3A_1725 = arith.constant 48 : index
      %get3A_1726 = tpu.vector_load %arg8[%get3A_1724, %get3A_1725] {strides = array<i32>} : memref<312x128xf32, #tpu.memory_space<vmem>>, vector<1x16xf32>,
      %get3A_1727 = vector.shape_cast %get3A_1726 : vector<1x16xf32> to vector<16xf32>
      %mul3A_1728 = arith.constant 3.125000e-02 : f32
      %mul3A_1729 = vector.broadcast %mul3A_1728 : f32 to vector<16xf32>
      %mul3A_1730 = arith.mulf %get3A_1727, %mul3A_1729 : vector<16xf32>
      %add3A_1731 = arith.constant 128 : i32
      %add3A_1732 = arith.addi %add3A_1731, %scan3A_1675 : i32
      %swap3A_1733 = arith.index_cast %add3A_1732 : i32 to index
      %swap3A_1734 = arith.constant 48 : index
      %swap3A_1735 = tpu.vector_load %arg8[%swap3A_1733, %swap3A_1734] {strides = array<i32>} : memref<312x128xf32, #tpu.memory_space<vmem>>, vector<1x16xf32>,
      %swap3A_1736 = vector.shape_cast %swap3A_1735 : vector<1x16xf32> to vector<16xf32>
      %swap3A_1737 = vector.shape_cast %mul3A_1730 : vector<16xf32> to vector<1x16xf32>
      tpu.vector_store %arg8[%swap3A_1733, %swap3A_1734], %swap3A_1737 {strides = array<i32>} : memref<312x128xf32, #tpu.memory_space<vmem>>, vector<1x16xf32>,
      %add3A_1738 = arith.constant 128 : i32
      %add3A_1739 = arith.addi %add3A_1738, %scan3A_1675 : i32
      %get3A_1740 = arith.index_cast %add3A_1739 : i32 to index
      %get3A_1741 = arith.constant 64 : index
      %get3A_1742 = tpu.vector_load %arg8[%get3A_1740, %get3A_1741] {strides = array<i32>} : memref<312x128xf32, #tpu.memory_space<vmem>>, vector<1x16xf32>,
      %get3A_1743 = vector.shape_cast %get3A_1742 : vector<1x16xf32> to vector<16xf32>
      %mul3A_1744 = arith.constant 3.125000e-02 : f32
      %mul3A_1745 = vector.broadcast %mul3A_1744 : f32 to vector<16xf32>
      %mul3A_1746 = arith.mulf %get3A_1743, %mul3A_1745 : vector<16xf32>
      %add3A_1747 = arith.constant 128 : i32
      %add3A_1748 = arith.addi %add3A_1747, %scan3A_1675 : i32
      %swap3A_1749 = arith.index_cast %add3A_1748 : i32 to index
      %swap3A_1750 = arith.constant 64 : index
      %swap3A_1751 = tpu.vector_load %arg8[%swap3A_1749, %swap3A_1750] {strides = array<i32>} : memref<312x128xf32, #tpu.memory_space<vmem>>, vector<1x16xf32>,
      %swap3A_1752 = vector.shape_cast %swap3A_1751 : vector<1x16xf32> to vector<16xf32>
      %swap3A_1753 = vector.shape_cast %mul3A_1746 : vector<16xf32> to vector<1x16xf32>
      tpu.vector_store %arg8[%swap3A_1749, %swap3A_1750], %swap3A_1753 {strides = array<i32>} : memref<312x128xf32, #tpu.memory_space<vmem>>, vector<1x16xf32>,
      %add3A_1754 = arith.constant 128 : i32
      %add3A_1755 = arith.addi %add3A_1754, %scan3A_1675 : i32
      %get3A_1756 = arith.index_cast %add3A_1755 : i32 to index
      %get3A_1757 = arith.constant 80 : index
      %get3A_1758 = tpu.vector_load %arg8[%get3A_1756, %get3A_1757] {strides = array<i32>} : memref<312x128xf32, #tpu.memory_space<vmem>>, vector<1x16xf32>,
      %get3A_1759 = vector.shape_cast %get3A_1758 : vector<1x16xf32> to vector<16xf32>
      %mul3A_1760 = arith.constant 3.125000e-02 : f32
      %mul3A_1761 = vector.broadcast %mul3A_1760 : f32 to vector<16xf32>
      %mul3A_1762 = arith.mulf %get3A_1759, %mul3A_1761 : vector<16xf32>
      %add3A_1763 = arith.constant 128 : i32
      %add3A_1764 = arith.addi %add3A_1763, %scan3A_1675 : i32
      %swap3A_1765 = arith.index_cast %add3A_1764 : i32 to index
      %swap3A_1766 = arith.constant 80 : index
      %swap3A_1767 = tpu.vector_load %arg8[%swap3A_1765, %swap3A_1766] {strides = array<i32>} : memref<312x128xf32, #tpu.memory_space<vmem>>, vector<1x16xf32>,
      %swap3A_1768 = vector.shape_cast %swap3A_1767 : vector<1x16xf32> to vector<16xf32>
      %swap3A_1769 = vector.shape_cast %mul3A_1762 : vector<16xf32> to vector<1x16xf32>
      tpu.vector_store %arg8[%swap3A_1765, %swap3A_1766], %swap3A_1769 {strides = array<i32>} : memref<312x128xf32, #tpu.memory_space<vmem>>, vector<1x16xf32>,
      %add3A_1770 = arith.constant 128 : i32
      %add3A_1771 = arith.addi %add3A_1770, %scan3A_1675 : i32
      %get3A_1772 = arith.index_cast %add3A_1771 : i32 to index
      %get3A_1773 = arith.constant 96 : index
      %get3A_1774 = tpu.vector_load %arg8[%get3A_1772, %get3A_1773] {strides = array<i32>} : memref<312x128xf32, #tpu.memory_space<vmem>>, vector<1x16xf32>,
      %get3A_1775 = vector.shape_cast %get3A_1774 : vector<1x16xf32> to vector<16xf32>
      %mul3A_1776 = arith.constant 3.125000e-02 : f32
      %mul3A_1777 = vector.broadcast %mul3A_1776 : f32 to vector<16xf32>
      %mul3A_1778 = arith.mulf %get3A_1775, %mul3A_1777 : vector<16xf32>
      %add3A_1779 = arith.constant 128 : i32
      %add3A_1780 = arith.addi %add3A_1779, %scan3A_1675 : i32
      %swap3A_1781 = arith.index_cast %add3A_1780 : i32 to index
      %swap3A_1782 = arith.constant 96 : index
      %swap3A_1783 = tpu.vector_load %arg8[%swap3A_1781, %swap3A_1782] {strides = array<i32>} : memref<312x128xf32, #tpu.memory_space<vmem>>, vector<1x16xf32>,
      %swap3A_1784 = vector.shape_cast %swap3A_1783 : vector<1x16xf32> to vector<16xf32>
      %swap3A_1785 = vector.shape_cast %mul3A_1778 : vector<16xf32> to vector<1x16xf32>
      tpu.vector_store %arg8[%swap3A_1781, %swap3A_1782], %swap3A_1785 {strides = array<i32>} : memref<312x128xf32, #tpu.memory_space<vmem>>, vector<1x16xf32>,
      %add3A_1786 = arith.constant 128 : i32
      %add3A_1787 = arith.addi %add3A_1786, %scan3A_1675 : i32
      %get3A_1788 = arith.index_cast %add3A_1787 : i32 to index
      %get3A_1789 = arith.constant 112 : index
      %get3A_1790 = tpu.vector_load %arg8[%get3A_1788, %get3A_1789] {strides = array<i32>} : memref<312x128xf32, #tpu.memory_space<vmem>>, vector<1x16xf32>,
      %get3A_1791 = vector.shape_cast %get3A_1790 : vector<1x16xf32> to vector<16xf32>
      %mul3A_1792 = arith.constant 3.125000e-02 : f32
      %mul3A_1793 = vector.broadcast %mul3A_1792 : f32 to vector<16xf32>
      %mul3A_1794 = arith.mulf %get3A_1791, %mul3A_1793 : vector<16xf32>
      %add3A_1795 = arith.constant 128 : i32
      %add3A_1796 = arith.addi %add3A_1795, %scan3A_1675 : i32
      %swap3A_1797 = arith.index_cast %add3A_1796 : i32 to index
      %swap3A_1798 = arith.constant 112 : index
      %swap3A_1799 = tpu.vector_load %arg8[%swap3A_1797, %swap3A_1798] {strides = array<i32>} : memref<312x128xf32, #tpu.memory_space<vmem>>, vector<1x16xf32>,
      %swap3A_1800 = vector.shape_cast %swap3A_1799 : vector<1x16xf32> to vector<16xf32>
      %swap3A_1801 = vector.shape_cast %mul3A_1794 : vector<16xf32> to vector<1x16xf32>
      tpu.vector_store %arg8[%swap3A_1797, %swap3A_1798], %swap3A_1801 {strides = array<i32>} : memref<312x128xf32, #tpu.memory_space<vmem>>, vector<1x16xf32>,
    }
    %scan3A_1349 = arith.constant 128 : i32
    %add3A_1350 = arith.constant 128 : i32
    %add3A_1351 = arith.addi %mul3A_2, %add3A_1350 : i32
    %dma_start3A_1352 = arith.constant 128 : i32
    %dma_start3A_1353 = arith.constant 0 : i32
    %dma_start3A_1354 = tpu.memref_slice %arg8[%dma_start3A_1352, %dma_start3A_1353] : memref<312x128xf32, #tpu.memory_space<vmem>> -> memref<128x128xf32, #tpu.memory_space<vmem>>
    %dma_start3A_1355 = arith.constant 0 : i32
    %dma_start3A_1356 = tpu.memref_slice %arg5[%add3A_1351, %dma_start3A_1355] : memref<10000x128xf32, #tpu.memory_space<hbm>> -> memref<128x128xf32, #tpu.memory_space<hbm>>
    %dma_start3A_1357 = arith.constant 0 : i32
    %dma_start3A_1358 = tpu.memref_slice %arg5[%add3A_1351, %dma_start3A_1357] : memref<10000x128xf32, #tpu.memory_space<hbm>> -> memref<128x128xf32, #tpu.memory_space<hbm>>
    %dma_start3A_1359 = arith.constant 128 : i32
    %dma_start3A_1360 = arith.constant 0 : i32
    %dma_start3A_1361 = tpu.memref_slice %arg8[%dma_start3A_1359, %dma_start3A_1360] : memref<312x128xf32, #tpu.memory_space<vmem>> -> memref<128x128xf32, #tpu.memory_space<vmem>>
    tpu.enqueue_dma source(%dma_start3A_1361 : memref<128x128xf32, #tpu.memory_space<vmem>>) target(%dma_start3A_1358 : memref<128x128xf32, #tpu.memory_space<hbm>>) target_semaphore(%arg16 : memref<!tpu.dma_semaphore, #tpu.memory_space<semaphore_mem>>)
    %dma_wait3A_1362 = arith.constant 256 : i32
    %dma_wait3A_1363 = arith.constant 0 : i32
    %dma_wait3A_1364 = tpu.memref_slice %arg8[%dma_wait3A_1362, %dma_wait3A_1363] : memref<312x128xf32, #tpu.memory_space<vmem>> -> memref<56x128xf32, #tpu.memory_space<vmem>>
    %dma_wait3A_1365 = arith.constant 256 : i32
    %dma_wait3A_1366 = tpu.memref_slice %arg6[%dma_wait3A_1365] : memref<9984xi32, #tpu.memory_space<vmem>> -> memref<56xi32, #tpu.memory_space<vmem>>
    %dma_wait3A_1367 = arith.constant 0 : i32
    %dma_wait3A_1368 = arith.constant 0 : i32
    %dma_wait3A_1369 = tpu.memref_slice %arg9[%dma_wait3A_1367, %dma_wait3A_1368] : memref<10000x128xf32, #tpu.memory_space<vmem_shared>> -> memref<10000x128xf32, #tpu.memory_space<vmem_shared>>
    tpu.wait_indirect_dma semaphore(%arg14 : memref<!tpu.dma_semaphore, #tpu.memory_space<semaphore_mem>>) src(%dma_wait3A_1369 : memref<10000x128xf32, #tpu.memory_space<vmem_shared>>) dst(%dma_wait3A_1364 : memref<56x128xf32, #tpu.memory_space<vmem>>)
    %dma_wait3A_1370 = arith.constant 256 : i32
    %dma_wait3A_1371 = arith.constant 0 : i32
    %dma_wait3A_1372 = tpu.memref_slice %arg8[%dma_wait3A_1370, %dma_wait3A_1371] : memref<312x128xf32, #tpu.memory_space<vmem>> -> memref<56x128xf32, #tpu.memory_space<vmem>>
    %dma_wait3A_1373 = arith.constant 568 : i32
    %dma_wait3A_1374 = tpu.memref_slice %arg6[%dma_wait3A_1373] : memref<9984xi32, #tpu.memory_space<vmem>> -> memref<56xi32, #tpu.memory_space<vmem>>
    %dma_wait3A_1375 = arith.constant 0 : i32
    %dma_wait3A_1376 = arith.constant 0 : i32
    %dma_wait3A_1377 = tpu.memref_slice %arg9[%dma_wait3A_1375, %dma_wait3A_1376] : memref<10000x128xf32, #tpu.memory_space<vmem_shared>> -> memref<10000x128xf32, #tpu.memory_space<vmem_shared>>
    tpu.wait_indirect_dma semaphore(%arg14 : memref<!tpu.dma_semaphore, #tpu.memory_space<semaphore_mem>>) src(%dma_wait3A_1377 : memref<10000x128xf32, #tpu.memory_space<vmem_shared>>) dst(%dma_wait3A_1372 : memref<56x128xf32, #tpu.memory_space<vmem>>)
    %dma_wait3A_1378 = arith.constant 256 : i32
    %dma_wait3A_1379 = arith.constant 0 : i32
    %dma_wait3A_1380 = tpu.memref_slice %arg8[%dma_wait3A_1378, %dma_wait3A_1379] : memref<312x128xf32, #tpu.memory_space<vmem>> -> memref<56x128xf32, #tpu.memory_space<vmem>>
    %dma_wait3A_1381 = arith.constant 880 : i32
    %dma_wait3A_1382 = tpu.memref_slice %arg6[%dma_wait3A_1381] : memref<9984xi32, #tpu.memory_space<vmem>> -> memref<56xi32, #tpu.memory_space<vmem>>
    %dma_wait3A_1383 = arith.constant 0 : i32
    %dma_wait3A_1384 = arith.constant 0 : i32
    %dma_wait3A_1385 = tpu.memref_slice %arg9[%dma_wait3A_1383, %dma_wait3A_1384] : memref<10000x128xf32, #tpu.memory_space<vmem_shared>> -> memref<10000x128xf32, #tpu.memory_space<vmem_shared>>
    tpu.wait_indirect_dma semaphore(%arg14 : memref<!tpu.dma_semaphore, #tpu.memory_space<semaphore_mem>>) src(%dma_wait3A_1385 : memref<10000x128xf32, #tpu.memory_space<vmem_shared>>) dst(%dma_wait3A_1380 : memref<56x128xf32, #tpu.memory_space<vmem>>)
    %dma_wait3A_1386 = arith.constant 256 : i32
    %dma_wait3A_1387 = arith.constant 0 : i32
    %dma_wait3A_1388 = tpu.memref_slice %arg8[%dma_wait3A_1386, %dma_wait3A_1387] : memref<312x128xf32, #tpu.memory_space<vmem>> -> memref<56x128xf32, #tpu.memory_space<vmem>>
    %dma_wait3A_1389 = arith.constant 1192 : i32
    %dma_wait3A_1390 = tpu.memref_slice %arg6[%dma_wait3A_1389] : memref<9984xi32, #tpu.memory_space<vmem>> -> memref<56xi32, #tpu.memory_space<vmem>>
    %dma_wait3A_1391 = arith.constant 0 : i32
    %dma_wait3A_1392 = arith.constant 0 : i32
    %dma_wait3A_1393 = tpu.memref_slice %arg9[%dma_wait3A_1391, %dma_wait3A_1392] : memref<10000x128xf32, #tpu.memory_space<vmem_shared>> -> memref<10000x128xf32, #tpu.memory_space<vmem_shared>>
    tpu.wait_indirect_dma semaphore(%arg14 : memref<!tpu.dma_semaphore, #tpu.memory_space<semaphore_mem>>) src(%dma_wait3A_1393 : memref<10000x128xf32, #tpu.memory_space<vmem_shared>>) dst(%dma_wait3A_1388 : memref<56x128xf32, #tpu.memory_space<vmem>>)
    %dma_wait3A_1394 = arith.constant 256 : i32
    %dma_wait3A_1395 = arith.constant 0 : i32
    %dma_wait3A_1396 = tpu.memref_slice %arg8[%dma_wait3A_1394, %dma_wait3A_1395] : memref<312x128xf32, #tpu.memory_space<vmem>> -> memref<56x128xf32, #tpu.memory_space<vmem>>
    %dma_wait3A_1397 = arith.constant 1504 : i32
    %dma_wait3A_1398 = tpu.memref_slice %arg6[%dma_wait3A_1397] : memref<9984xi32, #tpu.memory_space<vmem>> -> memref<56xi32, #tpu.memory_space<vmem>>
    %dma_wait3A_1399 = arith.constant 0 : i32
    %dma_wait3A_1400 = arith.constant 0 : i32
    %dma_wait3A_1401 = tpu.memref_slice %arg9[%dma_wait3A_1399, %dma_wait3A_1400] : memref<10000x128xf32, #tpu.memory_space<vmem_shared>> -> memref<10000x128xf32, #tpu.memory_space<vmem_shared>>
    tpu.wait_indirect_dma semaphore(%arg14 : memref<!tpu.dma_semaphore, #tpu.memory_space<semaphore_mem>>) src(%dma_wait3A_1401 : memref<10000x128xf32, #tpu.memory_space<vmem_shared>>) dst(%dma_wait3A_1396 : memref<56x128xf32, #tpu.memory_space<vmem>>)
    %dma_wait3A_1402 = arith.constant 256 : i32
    %dma_wait3A_1403 = arith.constant 0 : i32
    %dma_wait3A_1404 = tpu.memref_slice %arg8[%dma_wait3A_1402, %dma_wait3A_1403] : memref<312x128xf32, #tpu.memory_space<vmem>> -> memref<56x128xf32, #tpu.memory_space<vmem>>
    %dma_wait3A_1405 = arith.constant 1816 : i32
    %dma_wait3A_1406 = tpu.memref_slice %arg6[%dma_wait3A_1405] : memref<9984xi32, #tpu.memory_space<vmem>> -> memref<56xi32, #tpu.memory_space<vmem>>
    %dma_wait3A_1407 = arith.constant 0 : i32
    %dma_wait3A_1408 = arith.constant 0 : i32
    %dma_wait3A_1409 = tpu.memref_slice %arg9[%dma_wait3A_1407, %dma_wait3A_1408] : memref<10000x128xf32, #tpu.memory_space<vmem_shared>> -> memref<10000x128xf32, #tpu.memory_space<vmem_shared>>
    tpu.wait_indirect_dma semaphore(%arg14 : memref<!tpu.dma_semaphore, #tpu.memory_space<semaphore_mem>>) src(%dma_wait3A_1409 : memref<10000x128xf32, #tpu.memory_space<vmem_shared>>) dst(%dma_wait3A_1404 : memref<56x128xf32, #tpu.memory_space<vmem>>)
    %dma_wait3A_1410 = arith.constant 256 : i32
    %dma_wait3A_1411 = arith.constant 0 : i32
    %dma_wait3A_1412 = tpu.memref_slice %arg8[%dma_wait3A_1410, %dma_wait3A_1411] : memref<312x128xf32, #tpu.memory_space<vmem>> -> memref<56x128xf32, #tpu.memory_space<vmem>>
    %dma_wait3A_1413 = arith.constant 2128 : i32
    %dma_wait3A_1414 = tpu.memref_slice %arg6[%dma_wait3A_1413] : memref<9984xi32, #tpu.memory_space<vmem>> -> memref<56xi32, #tpu.memory_space<vmem>>
    %dma_wait3A_1415 = arith.constant 0 : i32
    %dma_wait3A_1416 = arith.constant 0 : i32
    %dma_wait3A_1417 = tpu.memref_slice %arg9[%dma_wait3A_1415, %dma_wait3A_1416] : memref<10000x128xf32, #tpu.memory_space<vmem_shared>> -> memref<10000x128xf32, #tpu.memory_space<vmem_shared>>
    tpu.wait_indirect_dma semaphore(%arg14 : memref<!tpu.dma_semaphore, #tpu.memory_space<semaphore_mem>>) src(%dma_wait3A_1417 : memref<10000x128xf32, #tpu.memory_space<vmem_shared>>) dst(%dma_wait3A_1412 : memref<56x128xf32, #tpu.memory_space<vmem>>)
    %dma_wait3A_1418 = arith.constant 256 : i32
    %dma_wait3A_1419 = arith.constant 0 : i32
    %dma_wait3A_1420 = tpu.memref_slice %arg8[%dma_wait3A_1418, %dma_wait3A_1419] : memref<312x128xf32, #tpu.memory_space<vmem>> -> memref<56x128xf32, #tpu.memory_space<vmem>>
    %dma_wait3A_1421 = arith.constant 2440 : i32
    %dma_wait3A_1422 = tpu.memref_slice %arg6[%dma_wait3A_1421] : memref<9984xi32, #tpu.memory_space<vmem>> -> memref<56xi32, #tpu.memory_space<vmem>>
    %dma_wait3A_1423 = arith.constant 0 : i32
    %dma_wait3A_1424 = arith.constant 0 : i32
    %dma_wait3A_1425 = tpu.memref_slice %arg9[%dma_wait3A_1423, %dma_wait3A_1424] : memref<10000x128xf32, #tpu.memory_space<vmem_shared>> -> memref<10000x128xf32, #tpu.memory_space<vmem_shared>>
    tpu.wait_indirect_dma semaphore(%arg14 : memref<!tpu.dma_semaphore, #tpu.memory_space<semaphore_mem>>) src(%dma_wait3A_1425 : memref<10000x128xf32, #tpu.memory_space<vmem_shared>>) dst(%dma_wait3A_1420 : memref<56x128xf32, #tpu.memory_space<vmem>>)
    %dma_wait3A_1426 = arith.constant 256 : i32
    %dma_wait3A_1427 = arith.constant 0 : i32
    %dma_wait3A_1428 = tpu.memref_slice %arg8[%dma_wait3A_1426, %dma_wait3A_1427] : memref<312x128xf32, #tpu.memory_space<vmem>> -> memref<56x128xf32, #tpu.memory_space<vmem>>
    %dma_wait3A_1429 = arith.constant 2752 : i32
    %dma_wait3A_1430 = tpu.memref_slice %arg6[%dma_wait3A_1429] : memref<9984xi32, #tpu.memory_space<vmem>> -> memref<56xi32, #tpu.memory_space<vmem>>
    %dma_wait3A_1431 = arith.constant 0 : i32
    %dma_wait3A_1432 = arith.constant 0 : i32
    %dma_wait3A_1433 = tpu.memref_slice %arg9[%dma_wait3A_1431, %dma_wait3A_1432] : memref<10000x128xf32, #tpu.memory_space<vmem_shared>> -> memref<10000x128xf32, #tpu.memory_space<vmem_shared>>
    tpu.wait_indirect_dma semaphore(%arg14 : memref<!tpu.dma_semaphore, #tpu.memory_space<semaphore_mem>>) src(%dma_wait3A_1433 : memref<10000x128xf32, #tpu.memory_space<vmem_shared>>) dst(%dma_wait3A_1428 : memref<56x128xf32, #tpu.memory_space<vmem>>)
    %dma_wait3A_1434 = arith.constant 256 : i32
    %dma_wait3A_1435 = arith.constant 0 : i32
    %dma_wait3A_1436 = tpu.memref_slice %arg8[%dma_wait3A_1434, %dma_wait3A_1435] : memref<312x128xf32, #tpu.memory_space<vmem>> -> memref<56x128xf32, #tpu.memory_space<vmem>>
    %dma_wait3A_1437 = arith.constant 3064 : i32
    %dma_wait3A_1438 = tpu.memref_slice %arg6[%dma_wait3A_1437] : memref<9984xi32, #tpu.memory_space<vmem>> -> memref<56xi32, #tpu.memory_space<vmem>>
    %dma_wait3A_1439 = arith.constant 0 : i32
    %dma_wait3A_1440 = arith.constant 0 : i32
    %dma_wait3A_1441 = tpu.memref_slice %arg9[%dma_wait3A_1439, %dma_wait3A_1440] : memref<10000x128xf32, #tpu.memory_space<vmem_shared>> -> memref<10000x128xf32, #tpu.memory_space<vmem_shared>>
    tpu.wait_indirect_dma semaphore(%arg14 : memref<!tpu.dma_semaphore, #tpu.memory_space<semaphore_mem>>) src(%dma_wait3A_1441 : memref<10000x128xf32, #tpu.memory_space<vmem_shared>>) dst(%dma_wait3A_1436 : memref<56x128xf32, #tpu.memory_space<vmem>>)
    %dma_wait3A_1442 = arith.constant 256 : i32
    %dma_wait3A_1443 = arith.constant 0 : i32
    %dma_wait3A_1444 = tpu.memref_slice %arg8[%dma_wait3A_1442, %dma_wait3A_1443] : memref<312x128xf32, #tpu.memory_space<vmem>> -> memref<56x128xf32, #tpu.memory_space<vmem>>
    %dma_wait3A_1445 = arith.constant 3376 : i32
    %dma_wait3A_1446 = tpu.memref_slice %arg6[%dma_wait3A_1445] : memref<9984xi32, #tpu.memory_space<vmem>> -> memref<56xi32, #tpu.memory_space<vmem>>
    %dma_wait3A_1447 = arith.constant 0 : i32
    %dma_wait3A_1448 = arith.constant 0 : i32
    %dma_wait3A_1449 = tpu.memref_slice %arg9[%dma_wait3A_1447, %dma_wait3A_1448] : memref<10000x128xf32, #tpu.memory_space<vmem_shared>> -> memref<10000x128xf32, #tpu.memory_space<vmem_shared>>
    tpu.wait_indirect_dma semaphore(%arg14 : memref<!tpu.dma_semaphore, #tpu.memory_space<semaphore_mem>>) src(%dma_wait3A_1449 : memref<10000x128xf32, #tpu.memory_space<vmem_shared>>) dst(%dma_wait3A_1444 : memref<56x128xf32, #tpu.memory_space<vmem>>)
    %dma_wait3A_1450 = arith.constant 256 : i32
    %dma_wait3A_1451 = arith.constant 0 : i32
    %dma_wait3A_1452 = tpu.memref_slice %arg8[%dma_wait3A_1450, %dma_wait3A_1451] : memref<312x128xf32, #tpu.memory_space<vmem>> -> memref<56x128xf32, #tpu.memory_space<vmem>>
    %dma_wait3A_1453 = arith.constant 3688 : i32
    %dma_wait3A_1454 = tpu.memref_slice %arg6[%dma_wait3A_1453] : memref<9984xi32, #tpu.memory_space<vmem>> -> memref<56xi32, #tpu.memory_space<vmem>>
    %dma_wait3A_1455 = arith.constant 0 : i32
    %dma_wait3A_1456 = arith.constant 0 : i32
    %dma_wait3A_1457 = tpu.memref_slice %arg9[%dma_wait3A_1455, %dma_wait3A_1456] : memref<10000x128xf32, #tpu.memory_space<vmem_shared>> -> memref<10000x128xf32, #tpu.memory_space<vmem_shared>>
    tpu.wait_indirect_dma semaphore(%arg14 : memref<!tpu.dma_semaphore, #tpu.memory_space<semaphore_mem>>) src(%dma_wait3A_1457 : memref<10000x128xf32, #tpu.memory_space<vmem_shared>>) dst(%dma_wait3A_1452 : memref<56x128xf32, #tpu.memory_space<vmem>>)
    %dma_wait3A_1458 = arith.constant 256 : i32
    %dma_wait3A_1459 = arith.constant 0 : i32
    %dma_wait3A_1460 = tpu.memref_slice %arg8[%dma_wait3A_1458, %dma_wait3A_1459] : memref<312x128xf32, #tpu.memory_space<vmem>> -> memref<56x128xf32, #tpu.memory_space<vmem>>
    %dma_wait3A_1461 = arith.constant 4000 : i32
    %dma_wait3A_1462 = tpu.memref_slice %arg6[%dma_wait3A_1461] : memref<9984xi32, #tpu.memory_space<vmem>> -> memref<56xi32, #tpu.memory_space<vmem>>
    %dma_wait3A_1463 = arith.constant 0 : i32
    %dma_wait3A_1464 = arith.constant 0 : i32
    %dma_wait3A_1465 = tpu.memref_slice %arg9[%dma_wait3A_1463, %dma_wait3A_1464] : memref<10000x128xf32, #tpu.memory_space<vmem_shared>> -> memref<10000x128xf32, #tpu.memory_space<vmem_shared>>
    tpu.wait_indirect_dma semaphore(%arg14 : memref<!tpu.dma_semaphore, #tpu.memory_space<semaphore_mem>>) src(%dma_wait3A_1465 : memref<10000x128xf32, #tpu.memory_space<vmem_shared>>) dst(%dma_wait3A_1460 : memref<56x128xf32, #tpu.memory_space<vmem>>)
    %dma_wait3A_1466 = arith.constant 256 : i32
    %dma_wait3A_1467 = arith.constant 0 : i32
    %dma_wait3A_1468 = tpu.memref_slice %arg8[%dma_wait3A_1466, %dma_wait3A_1467] : memref<312x128xf32, #tpu.memory_space<vmem>> -> memref<56x128xf32, #tpu.memory_space<vmem>>
    %dma_wait3A_1469 = arith.constant 4312 : i32
    %dma_wait3A_1470 = tpu.memref_slice %arg6[%dma_wait3A_1469] : memref<9984xi32, #tpu.memory_space<vmem>> -> memref<56xi32, #tpu.memory_space<vmem>>
    %dma_wait3A_1471 = arith.constant 0 : i32
    %dma_wait3A_1472 = arith.constant 0 : i32
    %dma_wait3A_1473 = tpu.memref_slice %arg9[%dma_wait3A_1471, %dma_wait3A_1472] : memref<10000x128xf32, #tpu.memory_space<vmem_shared>> -> memref<10000x128xf32, #tpu.memory_space<vmem_shared>>
    tpu.wait_indirect_dma semaphore(%arg14 : memref<!tpu.dma_semaphore, #tpu.memory_space<semaphore_mem>>) src(%dma_wait3A_1473 : memref<10000x128xf32, #tpu.memory_space<vmem_shared>>) dst(%dma_wait3A_1468 : memref<56x128xf32, #tpu.memory_space<vmem>>)
    %dma_wait3A_1474 = arith.constant 256 : i32
    %dma_wait3A_1475 = arith.constant 0 : i32
    %dma_wait3A_1476 = tpu.memref_slice %arg8[%dma_wait3A_1474, %dma_wait3A_1475] : memref<312x128xf32, #tpu.memory_space<vmem>> -> memref<56x128xf32, #tpu.memory_space<vmem>>
    %dma_wait3A_1477 = arith.constant 4624 : i32
    %dma_wait3A_1478 = tpu.memref_slice %arg6[%dma_wait3A_1477] : memref<9984xi32, #tpu.memory_space<vmem>> -> memref<56xi32, #tpu.memory_space<vmem>>
    %dma_wait3A_1479 = arith.constant 0 : i32
    %dma_wait3A_1480 = arith.constant 0 : i32
    %dma_wait3A_1481 = tpu.memref_slice %arg9[%dma_wait3A_1479, %dma_wait3A_1480] : memref<10000x128xf32, #tpu.memory_space<vmem_shared>> -> memref<10000x128xf32, #tpu.memory_space<vmem_shared>>
    tpu.wait_indirect_dma semaphore(%arg14 : memref<!tpu.dma_semaphore, #tpu.memory_space<semaphore_mem>>) src(%dma_wait3A_1481 : memref<10000x128xf32, #tpu.memory_space<vmem_shared>>) dst(%dma_wait3A_1476 : memref<56x128xf32, #tpu.memory_space<vmem>>)
    %dma_wait3A_1482 = arith.constant 256 : i32
    %dma_wait3A_1483 = arith.constant 0 : i32
    %dma_wait3A_1484 = tpu.memref_slice %arg8[%dma_wait3A_1482, %dma_wait3A_1483] : memref<312x128xf32, #tpu.memory_space<vmem>> -> memref<56x128xf32, #tpu.memory_space<vmem>>
    %dma_wait3A_1485 = arith.constant 4936 : i32
    %dma_wait3A_1486 = tpu.memref_slice %arg6[%dma_wait3A_1485] : memref<9984xi32, #tpu.memory_space<vmem>> -> memref<56xi32, #tpu.memory_space<vmem>>
    %dma_wait3A_1487 = arith.constant 0 : i32
    %dma_wait3A_1488 = arith.constant 0 : i32
    %dma_wait3A_1489 = tpu.memref_slice %arg9[%dma_wait3A_1487, %dma_wait3A_1488] : memref<10000x128xf32, #tpu.memory_space<vmem_shared>> -> memref<10000x128xf32, #tpu.memory_space<vmem_shared>>
    tpu.wait_indirect_dma semaphore(%arg14 : memref<!tpu.dma_semaphore, #tpu.memory_space<semaphore_mem>>) src(%dma_wait3A_1489 : memref<10000x128xf32, #tpu.memory_space<vmem_shared>>) dst(%dma_wait3A_1484 : memref<56x128xf32, #tpu.memory_space<vmem>>)
    %dma_wait3A_1490 = arith.constant 256 : i32
    %dma_wait3A_1491 = arith.constant 0 : i32
    %dma_wait3A_1492 = tpu.memref_slice %arg8[%dma_wait3A_1490, %dma_wait3A_1491] : memref<312x128xf32, #tpu.memory_space<vmem>> -> memref<56x128xf32, #tpu.memory_space<vmem>>
    %dma_wait3A_1493 = arith.constant 5248 : i32
    %dma_wait3A_1494 = tpu.memref_slice %arg6[%dma_wait3A_1493] : memref<9984xi32, #tpu.memory_space<vmem>> -> memref<56xi32, #tpu.memory_space<vmem>>
    %dma_wait3A_1495 = arith.constant 0 : i32
    %dma_wait3A_1496 = arith.constant 0 : i32
    %dma_wait3A_1497 = tpu.memref_slice %arg9[%dma_wait3A_1495, %dma_wait3A_1496] : memref<10000x128xf32, #tpu.memory_space<vmem_shared>> -> memref<10000x128xf32, #tpu.memory_space<vmem_shared>>
    tpu.wait_indirect_dma semaphore(%arg14 : memref<!tpu.dma_semaphore, #tpu.memory_space<semaphore_mem>>) src(%dma_wait3A_1497 : memref<10000x128xf32, #tpu.memory_space<vmem_shared>>) dst(%dma_wait3A_1492 : memref<56x128xf32, #tpu.memory_space<vmem>>)
    %dma_wait3A_1498 = arith.constant 256 : i32
    %dma_wait3A_1499 = arith.constant 0 : i32
    %dma_wait3A_1500 = tpu.memref_slice %arg8[%dma_wait3A_1498, %dma_wait3A_1499] : memref<312x128xf32, #tpu.memory_space<vmem>> -> memref<56x128xf32, #tpu.memory_space<vmem>>
    %dma_wait3A_1501 = arith.constant 5560 : i32
    %dma_wait3A_1502 = tpu.memref_slice %arg6[%dma_wait3A_1501] : memref<9984xi32, #tpu.memory_space<vmem>> -> memref<56xi32, #tpu.memory_space<vmem>>
    %dma_wait3A_1503 = arith.constant 0 : i32
    %dma_wait3A_1504 = arith.constant 0 : i32
    %dma_wait3A_1505 = tpu.memref_slice %arg9[%dma_wait3A_1503, %dma_wait3A_1504] : memref<10000x128xf32, #tpu.memory_space<vmem_shared>> -> memref<10000x128xf32, #tpu.memory_space<vmem_shared>>
    tpu.wait_indirect_dma semaphore(%arg14 : memref<!tpu.dma_semaphore, #tpu.memory_space<semaphore_mem>>) src(%dma_wait3A_1505 : memref<10000x128xf32, #tpu.memory_space<vmem_shared>>) dst(%dma_wait3A_1500 : memref<56x128xf32, #tpu.memory_space<vmem>>)
    %dma_wait3A_1506 = arith.constant 256 : i32
    %dma_wait3A_1507 = arith.constant 0 : i32
    %dma_wait3A_1508 = tpu.memref_slice %arg8[%dma_wait3A_1506, %dma_wait3A_1507] : memref<312x128xf32, #tpu.memory_space<vmem>> -> memref<56x128xf32, #tpu.memory_space<vmem>>
    %dma_wait3A_1509 = arith.constant 5872 : i32
    %dma_wait3A_1510 = tpu.memref_slice %arg6[%dma_wait3A_1509] : memref<9984xi32, #tpu.memory_space<vmem>> -> memref<56xi32, #tpu.memory_space<vmem>>
    %dma_wait3A_1511 = arith.constant 0 : i32
    %dma_wait3A_1512 = arith.constant 0 : i32
    %dma_wait3A_1513 = tpu.memref_slice %arg9[%dma_wait3A_1511, %dma_wait3A_1512] : memref<10000x128xf32, #tpu.memory_space<vmem_shared>> -> memref<10000x128xf32, #tpu.memory_space<vmem_shared>>
    tpu.wait_indirect_dma semaphore(%arg14 : memref<!tpu.dma_semaphore, #tpu.memory_space<semaphore_mem>>) src(%dma_wait3A_1513 : memref<10000x128xf32, #tpu.memory_space<vmem_shared>>) dst(%dma_wait3A_1508 : memref<56x128xf32, #tpu.memory_space<vmem>>)
    %dma_wait3A_1514 = arith.constant 256 : i32
    %dma_wait3A_1515 = arith.constant 0 : i32
    %dma_wait3A_1516 = tpu.memref_slice %arg8[%dma_wait3A_1514, %dma_wait3A_1515] : memref<312x128xf32, #tpu.memory_space<vmem>> -> memref<56x128xf32, #tpu.memory_space<vmem>>
    %dma_wait3A_1517 = arith.constant 6184 : i32
    %dma_wait3A_1518 = tpu.memref_slice %arg6[%dma_wait3A_1517] : memref<9984xi32, #tpu.memory_space<vmem>> -> memref<56xi32, #tpu.memory_space<vmem>>
    %dma_wait3A_1519 = arith.constant 0 : i32
    %dma_wait3A_1520 = arith.constant 0 : i32
    %dma_wait3A_1521 = tpu.memref_slice %arg9[%dma_wait3A_1519, %dma_wait3A_1520] : memref<10000x128xf32, #tpu.memory_space<vmem_shared>> -> memref<10000x128xf32, #tpu.memory_space<vmem_shared>>
    tpu.wait_indirect_dma semaphore(%arg14 : memref<!tpu.dma_semaphore, #tpu.memory_space<semaphore_mem>>) src(%dma_wait3A_1521 : memref<10000x128xf32, #tpu.memory_space<vmem_shared>>) dst(%dma_wait3A_1516 : memref<56x128xf32, #tpu.memory_space<vmem>>)
    %dma_wait3A_1522 = arith.constant 256 : i32
    %dma_wait3A_1523 = arith.constant 0 : i32
    %dma_wait3A_1524 = tpu.memref_slice %arg8[%dma_wait3A_1522, %dma_wait3A_1523] : memref<312x128xf32, #tpu.memory_space<vmem>> -> memref<56x128xf32, #tpu.memory_space<vmem>>
    %dma_wait3A_1525 = arith.constant 6496 : i32
    %dma_wait3A_1526 = tpu.memref_slice %arg6[%dma_wait3A_1525] : memref<9984xi32, #tpu.memory_space<vmem>> -> memref<56xi32, #tpu.memory_space<vmem>>
    %dma_wait3A_1527 = arith.constant 0 : i32
    %dma_wait3A_1528 = arith.constant 0 : i32
    %dma_wait3A_1529 = tpu.memref_slice %arg9[%dma_wait3A_1527, %dma_wait3A_1528] : memref<10000x128xf32, #tpu.memory_space<vmem_shared>> -> memref<10000x128xf32, #tpu.memory_space<vmem_shared>>
    tpu.wait_indirect_dma semaphore(%arg14 : memref<!tpu.dma_semaphore, #tpu.memory_space<semaphore_mem>>) src(%dma_wait3A_1529 : memref<10000x128xf32, #tpu.memory_space<vmem_shared>>) dst(%dma_wait3A_1524 : memref<56x128xf32, #tpu.memory_space<vmem>>)
    %dma_wait3A_1530 = arith.constant 256 : i32
    %dma_wait3A_1531 = arith.constant 0 : i32
    %dma_wait3A_1532 = tpu.memref_slice %arg8[%dma_wait3A_1530, %dma_wait3A_1531] : memref<312x128xf32, #tpu.memory_space<vmem>> -> memref<56x128xf32, #tpu.memory_space<vmem>>
    %dma_wait3A_1533 = arith.constant 6808 : i32
    %dma_wait3A_1534 = tpu.memref_slice %arg6[%dma_wait3A_1533] : memref<9984xi32, #tpu.memory_space<vmem>> -> memref<56xi32, #tpu.memory_space<vmem>>
    %dma_wait3A_1535 = arith.constant 0 : i32
    %dma_wait3A_1536 = arith.constant 0 : i32
    %dma_wait3A_1537 = tpu.memref_slice %arg9[%dma_wait3A_1535, %dma_wait3A_1536] : memref<10000x128xf32, #tpu.memory_space<vmem_shared>> -> memref<10000x128xf32, #tpu.memory_space<vmem_shared>>
    tpu.wait_indirect_dma semaphore(%arg14 : memref<!tpu.dma_semaphore, #tpu.memory_space<semaphore_mem>>) src(%dma_wait3A_1537 : memref<10000x128xf32, #tpu.memory_space<vmem_shared>>) dst(%dma_wait3A_1532 : memref<56x128xf32, #tpu.memory_space<vmem>>)
    %dma_wait3A_1538 = arith.constant 256 : i32
    %dma_wait3A_1539 = arith.constant 0 : i32
    %dma_wait3A_1540 = tpu.memref_slice %arg8[%dma_wait3A_1538, %dma_wait3A_1539] : memref<312x128xf32, #tpu.memory_space<vmem>> -> memref<56x128xf32, #tpu.memory_space<vmem>>
    %dma_wait3A_1541 = arith.constant 7120 : i32
    %dma_wait3A_1542 = tpu.memref_slice %arg6[%dma_wait3A_1541] : memref<9984xi32, #tpu.memory_space<vmem>> -> memref<56xi32, #tpu.memory_space<vmem>>
    %dma_wait3A_1543 = arith.constant 0 : i32
    %dma_wait3A_1544 = arith.constant 0 : i32
    %dma_wait3A_1545 = tpu.memref_slice %arg9[%dma_wait3A_1543, %dma_wait3A_1544] : memref<10000x128xf32, #tpu.memory_space<vmem_shared>> -> memref<10000x128xf32, #tpu.memory_space<vmem_shared>>
    tpu.wait_indirect_dma semaphore(%arg14 : memref<!tpu.dma_semaphore, #tpu.memory_space<semaphore_mem>>) src(%dma_wait3A_1545 : memref<10000x128xf32, #tpu.memory_space<vmem_shared>>) dst(%dma_wait3A_1540 : memref<56x128xf32, #tpu.memory_space<vmem>>)
    %dma_wait3A_1546 = arith.constant 256 : i32
    %dma_wait3A_1547 = arith.constant 0 : i32
    %dma_wait3A_1548 = tpu.memref_slice %arg8[%dma_wait3A_1546, %dma_wait3A_1547] : memref<312x128xf32, #tpu.memory_space<vmem>> -> memref<56x128xf32, #tpu.memory_space<vmem>>
    %dma_wait3A_1549 = arith.constant 7432 : i32
    %dma_wait3A_1550 = tpu.memref_slice %arg6[%dma_wait3A_1549] : memref<9984xi32, #tpu.memory_space<vmem>> -> memref<56xi32, #tpu.memory_space<vmem>>
    %dma_wait3A_1551 = arith.constant 0 : i32
    %dma_wait3A_1552 = arith.constant 0 : i32
    %dma_wait3A_1553 = tpu.memref_slice %arg9[%dma_wait3A_1551, %dma_wait3A_1552] : memref<10000x128xf32, #tpu.memory_space<vmem_shared>> -> memref<10000x128xf32, #tpu.memory_space<vmem_shared>>
    tpu.wait_indirect_dma semaphore(%arg14 : memref<!tpu.dma_semaphore, #tpu.memory_space<semaphore_mem>>) src(%dma_wait3A_1553 : memref<10000x128xf32, #tpu.memory_space<vmem_shared>>) dst(%dma_wait3A_1548 : memref<56x128xf32, #tpu.memory_space<vmem>>)
    %dma_wait3A_1554 = arith.constant 256 : i32
    %dma_wait3A_1555 = arith.constant 0 : i32
    %dma_wait3A_1556 = tpu.memref_slice %arg8[%dma_wait3A_1554, %dma_wait3A_1555] : memref<312x128xf32, #tpu.memory_space<vmem>> -> memref<56x128xf32, #tpu.memory_space<vmem>>
    %dma_wait3A_1557 = arith.constant 7744 : i32
    %dma_wait3A_1558 = tpu.memref_slice %arg6[%dma_wait3A_1557] : memref<9984xi32, #tpu.memory_space<vmem>> -> memref<56xi32, #tpu.memory_space<vmem>>
    %dma_wait3A_1559 = arith.constant 0 : i32
    %dma_wait3A_1560 = arith.constant 0 : i32
    %dma_wait3A_1561 = tpu.memref_slice %arg9[%dma_wait3A_1559, %dma_wait3A_1560] : memref<10000x128xf32, #tpu.memory_space<vmem_shared>> -> memref<10000x128xf32, #tpu.memory_space<vmem_shared>>
    tpu.wait_indirect_dma semaphore(%arg14 : memref<!tpu.dma_semaphore, #tpu.memory_space<semaphore_mem>>) src(%dma_wait3A_1561 : memref<10000x128xf32, #tpu.memory_space<vmem_shared>>) dst(%dma_wait3A_1556 : memref<56x128xf32, #tpu.memory_space<vmem>>)
    %dma_wait3A_1562 = arith.constant 256 : i32
    %dma_wait3A_1563 = arith.constant 0 : i32
    %dma_wait3A_1564 = tpu.memref_slice %arg8[%dma_wait3A_1562, %dma_wait3A_1563] : memref<312x128xf32, #tpu.memory_space<vmem>> -> memref<56x128xf32, #tpu.memory_space<vmem>>
    %dma_wait3A_1565 = arith.constant 8056 : i32
    %dma_wait3A_1566 = tpu.memref_slice %arg6[%dma_wait3A_1565] : memref<9984xi32, #tpu.memory_space<vmem>> -> memref<56xi32, #tpu.memory_space<vmem>>
    %dma_wait3A_1567 = arith.constant 0 : i32
    %dma_wait3A_1568 = arith.constant 0 : i32
    %dma_wait3A_1569 = tpu.memref_slice %arg9[%dma_wait3A_1567, %dma_wait3A_1568] : memref<10000x128xf32, #tpu.memory_space<vmem_shared>> -> memref<10000x128xf32, #tpu.memory_space<vmem_shared>>
    tpu.wait_indirect_dma semaphore(%arg14 : memref<!tpu.dma_semaphore, #tpu.memory_space<semaphore_mem>>) src(%dma_wait3A_1569 : memref<10000x128xf32, #tpu.memory_space<vmem_shared>>) dst(%dma_wait3A_1564 : memref<56x128xf32, #tpu.memory_space<vmem>>)
    %dma_wait3A_1570 = arith.constant 256 : i32
    %dma_wait3A_1571 = arith.constant 0 : i32
    %dma_wait3A_1572 = tpu.memref_slice %arg8[%dma_wait3A_1570, %dma_wait3A_1571] : memref<312x128xf32, #tpu.memory_space<vmem>> -> memref<56x128xf32, #tpu.memory_space<vmem>>
    %dma_wait3A_1573 = arith.constant 8368 : i32
    %dma_wait3A_1574 = tpu.memref_slice %arg6[%dma_wait3A_1573] : memref<9984xi32, #tpu.memory_space<vmem>> -> memref<56xi32, #tpu.memory_space<vmem>>
    %dma_wait3A_1575 = arith.constant 0 : i32
    %dma_wait3A_1576 = arith.constant 0 : i32
    %dma_wait3A_1577 = tpu.memref_slice %arg9[%dma_wait3A_1575, %dma_wait3A_1576] : memref<10000x128xf32, #tpu.memory_space<vmem_shared>> -> memref<10000x128xf32, #tpu.memory_space<vmem_shared>>
    tpu.wait_indirect_dma semaphore(%arg14 : memref<!tpu.dma_semaphore, #tpu.memory_space<semaphore_mem>>) src(%dma_wait3A_1577 : memref<10000x128xf32, #tpu.memory_space<vmem_shared>>) dst(%dma_wait3A_1572 : memref<56x128xf32, #tpu.memory_space<vmem>>)
    %dma_wait3A_1578 = arith.constant 256 : i32
    %dma_wait3A_1579 = arith.constant 0 : i32
    %dma_wait3A_1580 = tpu.memref_slice %arg8[%dma_wait3A_1578, %dma_wait3A_1579] : memref<312x128xf32, #tpu.memory_space<vmem>> -> memref<56x128xf32, #tpu.memory_space<vmem>>
    %dma_wait3A_1581 = arith.constant 8680 : i32
    %dma_wait3A_1582 = tpu.memref_slice %arg6[%dma_wait3A_1581] : memref<9984xi32, #tpu.memory_space<vmem>> -> memref<56xi32, #tpu.memory_space<vmem>>
    %dma_wait3A_1583 = arith.constant 0 : i32
    %dma_wait3A_1584 = arith.constant 0 : i32
    %dma_wait3A_1585 = tpu.memref_slice %arg9[%dma_wait3A_1583, %dma_wait3A_1584] : memref<10000x128xf32, #tpu.memory_space<vmem_shared>> -> memref<10000x128xf32, #tpu.memory_space<vmem_shared>>
    tpu.wait_indirect_dma semaphore(%arg14 : memref<!tpu.dma_semaphore, #tpu.memory_space<semaphore_mem>>) src(%dma_wait3A_1585 : memref<10000x128xf32, #tpu.memory_space<vmem_shared>>) dst(%dma_wait3A_1580 : memref<56x128xf32, #tpu.memory_space<vmem>>)
    %dma_wait3A_1586 = arith.constant 256 : i32
    %dma_wait3A_1587 = arith.constant 0 : i32
    %dma_wait3A_1588 = tpu.memref_slice %arg8[%dma_wait3A_1586, %dma_wait3A_1587] : memref<312x128xf32, #tpu.memory_space<vmem>> -> memref<56x128xf32, #tpu.memory_space<vmem>>
    %dma_wait3A_1589 = arith.constant 8992 : i32
    %dma_wait3A_1590 = tpu.memref_slice %arg6[%dma_wait3A_1589] : memref<9984xi32, #tpu.memory_space<vmem>> -> memref<56xi32, #tpu.memory_space<vmem>>
    %dma_wait3A_1591 = arith.constant 0 : i32
    %dma_wait3A_1592 = arith.constant 0 : i32
    %dma_wait3A_1593 = tpu.memref_slice %arg9[%dma_wait3A_1591, %dma_wait3A_1592] : memref<10000x128xf32, #tpu.memory_space<vmem_shared>> -> memref<10000x128xf32, #tpu.memory_space<vmem_shared>>
    tpu.wait_indirect_dma semaphore(%arg14 : memref<!tpu.dma_semaphore, #tpu.memory_space<semaphore_mem>>) src(%dma_wait3A_1593 : memref<10000x128xf32, #tpu.memory_space<vmem_shared>>) dst(%dma_wait3A_1588 : memref<56x128xf32, #tpu.memory_space<vmem>>)
    %dma_wait3A_1594 = arith.constant 256 : i32
    %dma_wait3A_1595 = arith.constant 0 : i32
    %dma_wait3A_1596 = tpu.memref_slice %arg8[%dma_wait3A_1594, %dma_wait3A_1595] : memref<312x128xf32, #tpu.memory_space<vmem>> -> memref<56x128xf32, #tpu.memory_space<vmem>>
    %dma_wait3A_1597 = arith.constant 9304 : i32
    %dma_wait3A_1598 = tpu.memref_slice %arg6[%dma_wait3A_1597] : memref<9984xi32, #tpu.memory_space<vmem>> -> memref<56xi32, #tpu.memory_space<vmem>>
    %dma_wait3A_1599 = arith.constant 0 : i32
    %dma_wait3A_1600 = arith.constant 0 : i32
    %dma_wait3A_1601 = tpu.memref_slice %arg9[%dma_wait3A_1599, %dma_wait3A_1600] : memref<10000x128xf32, #tpu.memory_space<vmem_shared>> -> memref<10000x128xf32, #tpu.memory_space<vmem_shared>>
    tpu.wait_indirect_dma semaphore(%arg14 : memref<!tpu.dma_semaphore, #tpu.memory_space<semaphore_mem>>) src(%dma_wait3A_1601 : memref<10000x128xf32, #tpu.memory_space<vmem_shared>>) dst(%dma_wait3A_1596 : memref<56x128xf32, #tpu.memory_space<vmem>>)
    %dma_wait3A_1602 = arith.constant 256 : i32
    %dma_wait3A_1603 = arith.constant 0 : i32
    %dma_wait3A_1604 = tpu.memref_slice %arg8[%dma_wait3A_1602, %dma_wait3A_1603] : memref<312x128xf32, #tpu.memory_space<vmem>> -> memref<56x128xf32, #tpu.memory_space<vmem>>
    %dma_wait3A_1605 = arith.constant 9616 : i32
    %dma_wait3A_1606 = tpu.memref_slice %arg6[%dma_wait3A_1605] : memref<9984xi32, #tpu.memory_space<vmem>> -> memref<56xi32, #tpu.memory_space<vmem>>
    %dma_wait3A_1607 = arith.constant 0 : i32
    %dma_wait3A_1608 = arith.constant 0 : i32
    %dma_wait3A_1609 = tpu.memref_slice %arg9[%dma_wait3A_1607, %dma_wait3A_1608] : memref<10000x128xf32, #tpu.memory_space<vmem_shared>> -> memref<10000x128xf32, #tpu.memory_space<vmem_shared>>
    tpu.wait_indirect_dma semaphore(%arg14 : memref<!tpu.dma_semaphore, #tpu.memory_space<semaphore_mem>>) src(%dma_wait3A_1609 : memref<10000x128xf32, #tpu.memory_space<vmem_shared>>) dst(%dma_wait3A_1604 : memref<56x128xf32, #tpu.memory_space<vmem>>)
    %dma_wait3A_1610 = arith.constant 256 : i32
    %dma_wait3A_1611 = arith.constant 0 : i32
    %dma_wait3A_1612 = tpu.memref_slice %arg8[%dma_wait3A_1610, %dma_wait3A_1611] : memref<312x128xf32, #tpu.memory_space<vmem>> -> memref<56x128xf32, #tpu.memory_space<vmem>>
    %dma_wait3A_1613 = arith.constant 9928 : i32
    %dma_wait3A_1614 = tpu.memref_slice %arg6[%dma_wait3A_1613] : memref<9984xi32, #tpu.memory_space<vmem>> -> memref<56xi32, #tpu.memory_space<vmem>>
    %dma_wait3A_1615 = arith.constant 0 : i32
    %dma_wait3A_1616 = arith.constant 0 : i32
    %dma_wait3A_1617 = tpu.memref_slice %arg9[%dma_wait3A_1615, %dma_wait3A_1616] : memref<10000x128xf32, #tpu.memory_space<vmem_shared>> -> memref<10000x128xf32, #tpu.memory_space<vmem_shared>>
    tpu.wait_indirect_dma semaphore(%arg14 : memref<!tpu.dma_semaphore, #tpu.memory_space<semaphore_mem>>) src(%dma_wait3A_1617 : memref<10000x128xf32, #tpu.memory_space<vmem_shared>>) dst(%dma_wait3A_1612 : memref<56x128xf32, #tpu.memory_space<vmem>>)
    %scan3A_1618 = arith.constant 0 : i32
    %scan3A_1619 = arith.constant 0 : i32
    %scan3A_1620 = arith.constant 56 : i32
    %scan3A_1621 = arith.addi %scan3A_1619, %scan3A_1620 : i32
    %scan3A_1622 = arith.constant 1 : i32
    scf.for %scan3A_1675 = %scan3A_1619 to %scan3A_1621 step %scan3A_1622  : i32 {
      %add3A_1676 = arith.constant 256 : i32
      %add3A_1677 = arith.addi %add3A_1676, %scan3A_1675 : i32
      %get3A = arith.index_cast %add3A_1677 : i32 to index
      %get3A_1678 = arith.constant 0 : index
      %get3A_1679 = tpu.vector_load %arg8[%get3A, %get3A_1678] {strides = array<i32>} : memref<312x128xf32, #tpu.memory_space<vmem>>, vector<1x16xf32>,
      %get3A_1680 = vector.shape_cast %get3A_1679 : vector<1x16xf32> to vector<16xf32>
      %mul3A_1681 = arith.constant 3.125000e-02 : f32
      %mul3A_1682 = vector.broadcast %mul3A_1681 : f32 to vector<16xf32>
      %mul3A_1683 = arith.mulf %get3A_1680, %mul3A_1682 : vector<16xf32>
      %add3A_1684 = arith.constant 256 : i32
      %add3A_1685 = arith.addi %add3A_1684, %scan3A_1675 : i32
      %swap3A = arith.index_cast %add3A_1685 : i32 to index
      %swap3A_1686 = arith.constant 0 : index
      %swap3A_1687 = tpu.vector_load %arg8[%swap3A, %swap3A_1686] {strides = array<i32>} : memref<312x128xf32, #tpu.memory_space<vmem>>, vector<1x16xf32>,
      %swap3A_1688 = vector.shape_cast %swap3A_1687 : vector<1x16xf32> to vector<16xf32>
      %swap3A_1689 = vector.shape_cast %mul3A_1683 : vector<16xf32> to vector<1x16xf32>
      tpu.vector_store %arg8[%swap3A, %swap3A_1686], %swap3A_1689 {strides = array<i32>} : memref<312x128xf32, #tpu.memory_space<vmem>>, vector<1x16xf32>,
      %add3A_1690 = arith.constant 256 : i32
      %add3A_1691 = arith.addi %add3A_1690, %scan3A_1675 : i32
      %get3A_1692 = arith.index_cast %add3A_1691 : i32 to index
      %get3A_1693 = arith.constant 16 : index
      %get3A_1694 = tpu.vector_load %arg8[%get3A_1692, %get3A_1693] {strides = array<i32>} : memref<312x128xf32, #tpu.memory_space<vmem>>, vector<1x16xf32>,
      %get3A_1695 = vector.shape_cast %get3A_1694 : vector<1x16xf32> to vector<16xf32>
      %mul3A_1696 = arith.constant 3.125000e-02 : f32
      %mul3A_1697 = vector.broadcast %mul3A_1696 : f32 to vector<16xf32>
      %mul3A_1698 = arith.mulf %get3A_1695, %mul3A_1697 : vector<16xf32>
      %add3A_1699 = arith.constant 256 : i32
      %add3A_1700 = arith.addi %add3A_1699, %scan3A_1675 : i32
      %swap3A_1701 = arith.index_cast %add3A_1700 : i32 to index
      %swap3A_1702 = arith.constant 16 : index
      %swap3A_1703 = tpu.vector_load %arg8[%swap3A_1701, %swap3A_1702] {strides = array<i32>} : memref<312x128xf32, #tpu.memory_space<vmem>>, vector<1x16xf32>,
      %swap3A_1704 = vector.shape_cast %swap3A_1703 : vector<1x16xf32> to vector<16xf32>
      %swap3A_1705 = vector.shape_cast %mul3A_1698 : vector<16xf32> to vector<1x16xf32>
      tpu.vector_store %arg8[%swap3A_1701, %swap3A_1702], %swap3A_1705 {strides = array<i32>} : memref<312x128xf32, #tpu.memory_space<vmem>>, vector<1x16xf32>,
      %add3A_1706 = arith.constant 256 : i32
      %add3A_1707 = arith.addi %add3A_1706, %scan3A_1675 : i32
      %get3A_1708 = arith.index_cast %add3A_1707 : i32 to index
      %get3A_1709 = arith.constant 32 : index
      %get3A_1710 = tpu.vector_load %arg8[%get3A_1708, %get3A_1709] {strides = array<i32>} : memref<312x128xf32, #tpu.memory_space<vmem>>, vector<1x16xf32>,
      %get3A_1711 = vector.shape_cast %get3A_1710 : vector<1x16xf32> to vector<16xf32>
      %mul3A_1712 = arith.constant 3.125000e-02 : f32
      %mul3A_1713 = vector.broadcast %mul3A_1712 : f32 to vector<16xf32>
      %mul3A_1714 = arith.mulf %get3A_1711, %mul3A_1713 : vector<16xf32>
      %add3A_1715 = arith.constant 256 : i32
      %add3A_1716 = arith.addi %add3A_1715, %scan3A_1675 : i32
      %swap3A_1717 = arith.index_cast %add3A_1716 : i32 to index
      %swap3A_1718 = arith.constant 32 : index
      %swap3A_1719 = tpu.vector_load %arg8[%swap3A_1717, %swap3A_1718] {strides = array<i32>} : memref<312x128xf32, #tpu.memory_space<vmem>>, vector<1x16xf32>,
      %swap3A_1720 = vector.shape_cast %swap3A_1719 : vector<1x16xf32> to vector<16xf32>
      %swap3A_1721 = vector.shape_cast %mul3A_1714 : vector<16xf32> to vector<1x16xf32>
      tpu.vector_store %arg8[%swap3A_1717, %swap3A_1718], %swap3A_1721 {strides = array<i32>} : memref<312x128xf32, #tpu.memory_space<vmem>>, vector<1x16xf32>,
      %add3A_1722 = arith.constant 256 : i32
      %add3A_1723 = arith.addi %add3A_1722, %scan3A_1675 : i32
      %get3A_1724 = arith.index_cast %add3A_1723 : i32 to index
      %get3A_1725 = arith.constant 48 : index
      %get3A_1726 = tpu.vector_load %arg8[%get3A_1724, %get3A_1725] {strides = array<i32>} : memref<312x128xf32, #tpu.memory_space<vmem>>, vector<1x16xf32>,
      %get3A_1727 = vector.shape_cast %get3A_1726 : vector<1x16xf32> to vector<16xf32>
      %mul3A_1728 = arith.constant 3.125000e-02 : f32
      %mul3A_1729 = vector.broadcast %mul3A_1728 : f32 to vector<16xf32>
      %mul3A_1730 = arith.mulf %get3A_1727, %mul3A_1729 : vector<16xf32>
      %add3A_1731 = arith.constant 256 : i32
      %add3A_1732 = arith.addi %add3A_1731, %scan3A_1675 : i32
      %swap3A_1733 = arith.index_cast %add3A_1732 : i32 to index
      %swap3A_1734 = arith.constant 48 : index
      %swap3A_1735 = tpu.vector_load %arg8[%swap3A_1733, %swap3A_1734] {strides = array<i32>} : memref<312x128xf32, #tpu.memory_space<vmem>>, vector<1x16xf32>,
      %swap3A_1736 = vector.shape_cast %swap3A_1735 : vector<1x16xf32> to vector<16xf32>
      %swap3A_1737 = vector.shape_cast %mul3A_1730 : vector<16xf32> to vector<1x16xf32>
      tpu.vector_store %arg8[%swap3A_1733, %swap3A_1734], %swap3A_1737 {strides = array<i32>} : memref<312x128xf32, #tpu.memory_space<vmem>>, vector<1x16xf32>,
      %add3A_1738 = arith.constant 256 : i32
      %add3A_1739 = arith.addi %add3A_1738, %scan3A_1675 : i32
      %get3A_1740 = arith.index_cast %add3A_1739 : i32 to index
      %get3A_1741 = arith.constant 64 : index
      %get3A_1742 = tpu.vector_load %arg8[%get3A_1740, %get3A_1741] {strides = array<i32>} : memref<312x128xf32, #tpu.memory_space<vmem>>, vector<1x16xf32>,
      %get3A_1743 = vector.shape_cast %get3A_1742 : vector<1x16xf32> to vector<16xf32>
      %mul3A_1744 = arith.constant 3.125000e-02 : f32
      %mul3A_1745 = vector.broadcast %mul3A_1744 : f32 to vector<16xf32>
      %mul3A_1746 = arith.mulf %get3A_1743, %mul3A_1745 : vector<16xf32>
      %add3A_1747 = arith.constant 256 : i32
      %add3A_1748 = arith.addi %add3A_1747, %scan3A_1675 : i32
      %swap3A_1749 = arith.index_cast %add3A_1748 : i32 to index
      %swap3A_1750 = arith.constant 64 : index
      %swap3A_1751 = tpu.vector_load %arg8[%swap3A_1749, %swap3A_1750] {strides = array<i32>} : memref<312x128xf32, #tpu.memory_space<vmem>>, vector<1x16xf32>,
      %swap3A_1752 = vector.shape_cast %swap3A_1751 : vector<1x16xf32> to vector<16xf32>
      %swap3A_1753 = vector.shape_cast %mul3A_1746 : vector<16xf32> to vector<1x16xf32>
      tpu.vector_store %arg8[%swap3A_1749, %swap3A_1750], %swap3A_1753 {strides = array<i32>} : memref<312x128xf32, #tpu.memory_space<vmem>>, vector<1x16xf32>,
      %add3A_1754 = arith.constant 256 : i32
      %add3A_1755 = arith.addi %add3A_1754, %scan3A_1675 : i32
      %get3A_1756 = arith.index_cast %add3A_1755 : i32 to index
      %get3A_1757 = arith.constant 80 : index
      %get3A_1758 = tpu.vector_load %arg8[%get3A_1756, %get3A_1757] {strides = array<i32>} : memref<312x128xf32, #tpu.memory_space<vmem>>, vector<1x16xf32>,
      %get3A_1759 = vector.shape_cast %get3A_1758 : vector<1x16xf32> to vector<16xf32>
      %mul3A_1760 = arith.constant 3.125000e-02 : f32
      %mul3A_1761 = vector.broadcast %mul3A_1760 : f32 to vector<16xf32>
      %mul3A_1762 = arith.mulf %get3A_1759, %mul3A_1761 : vector<16xf32>
      %add3A_1763 = arith.constant 256 : i32
      %add3A_1764 = arith.addi %add3A_1763, %scan3A_1675 : i32
      %swap3A_1765 = arith.index_cast %add3A_1764 : i32 to index
      %swap3A_1766 = arith.constant 80 : index
      %swap3A_1767 = tpu.vector_load %arg8[%swap3A_1765, %swap3A_1766] {strides = array<i32>} : memref<312x128xf32, #tpu.memory_space<vmem>>, vector<1x16xf32>,
      %swap3A_1768 = vector.shape_cast %swap3A_1767 : vector<1x16xf32> to vector<16xf32>
      %swap3A_1769 = vector.shape_cast %mul3A_1762 : vector<16xf32> to vector<1x16xf32>
      tpu.vector_store %arg8[%swap3A_1765, %swap3A_1766], %swap3A_1769 {strides = array<i32>} : memref<312x128xf32, #tpu.memory_space<vmem>>, vector<1x16xf32>,
      %add3A_1770 = arith.constant 256 : i32
      %add3A_1771 = arith.addi %add3A_1770, %scan3A_1675 : i32
      %get3A_1772 = arith.index_cast %add3A_1771 : i32 to index
      %get3A_1773 = arith.constant 96 : index
      %get3A_1774 = tpu.vector_load %arg8[%get3A_1772, %get3A_1773] {strides = array<i32>} : memref<312x128xf32, #tpu.memory_space<vmem>>, vector<1x16xf32>,
      %get3A_1775 = vector.shape_cast %get3A_1774 : vector<1x16xf32> to vector<16xf32>
      %mul3A_1776 = arith.constant 3.125000e-02 : f32
      %mul3A_1777 = vector.broadcast %mul3A_1776 : f32 to vector<16xf32>
      %mul3A_1778 = arith.mulf %get3A_1775, %mul3A_1777 : vector<16xf32>
      %add3A_1779 = arith.constant 256 : i32
      %add3A_1780 = arith.addi %add3A_1779, %scan3A_1675 : i32
      %swap3A_1781 = arith.index_cast %add3A_1780 : i32 to index
      %swap3A_1782 = arith.constant 96 : index
      %swap3A_1783 = tpu.vector_load %arg8[%swap3A_1781, %swap3A_1782] {strides = array<i32>} : memref<312x128xf32, #tpu.memory_space<vmem>>, vector<1x16xf32>,
      %swap3A_1784 = vector.shape_cast %swap3A_1783 : vector<1x16xf32> to vector<16xf32>
      %swap3A_1785 = vector.shape_cast %mul3A_1778 : vector<16xf32> to vector<1x16xf32>
      tpu.vector_store %arg8[%swap3A_1781, %swap3A_1782], %swap3A_1785 {strides = array<i32>} : memref<312x128xf32, #tpu.memory_space<vmem>>, vector<1x16xf32>,
      %add3A_1786 = arith.constant 256 : i32
      %add3A_1787 = arith.addi %add3A_1786, %scan3A_1675 : i32
      %get3A_1788 = arith.index_cast %add3A_1787 : i32 to index
      %get3A_1789 = arith.constant 112 : index
      %get3A_1790 = tpu.vector_load %arg8[%get3A_1788, %get3A_1789] {strides = array<i32>} : memref<312x128xf32, #tpu.memory_space<vmem>>, vector<1x16xf32>,
      %get3A_1791 = vector.shape_cast %get3A_1790 : vector<1x16xf32> to vector<16xf32>
      %mul3A_1792 = arith.constant 3.125000e-02 : f32
      %mul3A_1793 = vector.broadcast %mul3A_1792 : f32 to vector<16xf32>
      %mul3A_1794 = arith.mulf %get3A_1791, %mul3A_1793 : vector<16xf32>
      %add3A_1795 = arith.constant 256 : i32
      %add3A_1796 = arith.addi %add3A_1795, %scan3A_1675 : i32
      %swap3A_1797 = arith.index_cast %add3A_1796 : i32 to index
      %swap3A_1798 = arith.constant 112 : index
      %swap3A_1799 = tpu.vector_load %arg8[%swap3A_1797, %swap3A_1798] {strides = array<i32>} : memref<312x128xf32, #tpu.memory_space<vmem>>, vector<1x16xf32>,
      %swap3A_1800 = vector.shape_cast %swap3A_1799 : vector<1x16xf32> to vector<16xf32>
      %swap3A_1801 = vector.shape_cast %mul3A_1794 : vector<16xf32> to vector<1x16xf32>
      tpu.vector_store %arg8[%swap3A_1797, %swap3A_1798], %swap3A_1801 {strides = array<i32>} : memref<312x128xf32, #tpu.memory_space<vmem>>, vector<1x16xf32>,
    }
    %scan3A_1623 = arith.constant 56 : i32
    %add3A_1624 = arith.constant 256 : i32
    %add3A_1625 = arith.addi %mul3A_2, %add3A_1624 : i32
    %dma_start3A_1626 = arith.constant 256 : i32
    %dma_start3A_1627 = arith.constant 0 : i32
    %dma_start3A_1628 = tpu.memref_slice %arg8[%dma_start3A_1626, %dma_start3A_1627] : memref<312x128xf32, #tpu.memory_space<vmem>> -> memref<56x128xf32, #tpu.memory_space<vmem>>
    %dma_start3A_1629 = arith.constant 0 : i32
    %dma_start3A_1630 = tpu.memref_slice %arg5[%add3A_1625, %dma_start3A_1629] : memref<10000x128xf32, #tpu.memory_space<hbm>> -> memref<56x128xf32, #tpu.memory_space<hbm>>
    %dma_start3A_1631 = arith.constant 0 : i32
    %dma_start3A_1632 = tpu.memref_slice %arg5[%add3A_1625, %dma_start3A_1631] : memref<10000x128xf32, #tpu.memory_space<hbm>> -> memref<56x128xf32, #tpu.memory_space<hbm>>
    %dma_start3A_1633 = arith.constant 256 : i32
    %dma_start3A_1634 = arith.constant 0 : i32
    %dma_start3A_1635 = tpu.memref_slice %arg8[%dma_start3A_1633, %dma_start3A_1634] : memref<312x128xf32, #tpu.memory_space<vmem>> -> memref<56x128xf32, #tpu.memory_space<vmem>>
    tpu.enqueue_dma source(%dma_start3A_1635 : memref<56x128xf32, #tpu.memory_space<vmem>>) target(%dma_start3A_1632 : memref<56x128xf32, #tpu.memory_space<hbm>>) target_semaphore(%arg16 : memref<!tpu.dma_semaphore, #tpu.memory_space<semaphore_mem>>)
    %add3A_1636 = arith.constant 0 : i32
    %add3A_1637 = arith.addi %mul3A_2, %add3A_1636 : i32
    %dma_wait3A_1638 = arith.constant 0 : i32
    %dma_wait3A_1639 = arith.constant 0 : i32
    %dma_wait3A_1640 = tpu.memref_slice %arg8[%dma_wait3A_1638, %dma_wait3A_1639] : memref<312x128xf32, #tpu.memory_space<vmem>> -> memref<128x128xf32, #tpu.memory_space<vmem>>
    %dma_wait3A_1641 = arith.constant 0 : i32
    %dma_wait3A_1642 = tpu.memref_slice %arg5[%add3A_1637, %dma_wait3A_1641] : memref<10000x128xf32, #tpu.memory_space<hbm>> -> memref<128x128xf32, #tpu.memory_space<hbm>>
    %dma_wait3A_1643 = arith.constant 0 : i32
    %dma_wait3A_1644 = tpu.memref_slice %arg5[%add3A_1637, %dma_wait3A_1643] : memref<10000x128xf32, #tpu.memory_space<hbm>> -> memref<128x128xf32, #tpu.memory_space<hbm>>
    %dma_wait3A_1645 = arith.constant 0 : i32
    %dma_wait3A_1646 = arith.constant 0 : i32
    %dma_wait3A_1647 = tpu.memref_slice %arg8[%dma_wait3A_1645, %dma_wait3A_1646] : memref<312x128xf32, #tpu.memory_space<vmem>> -> memref<128x128xf32, #tpu.memory_space<vmem>>
    tpu.wait_dma2 semaphore(%arg16 : memref<!tpu.dma_semaphore, #tpu.memory_space<semaphore_mem>>) src(%dma_wait3A_1647 : memref<128x128xf32, #tpu.memory_space<vmem>>) dst(%dma_wait3A_1644 : memref<128x128xf32, #tpu.memory_space<hbm>>)
    %add3A_1648 = arith.constant 128 : i32
    %add3A_1649 = arith.addi %mul3A_2, %add3A_1648 : i32
    %dma_wait3A_1650 = arith.constant 128 : i32
    %dma_wait3A_1651 = arith.constant 0 : i32
    %dma_wait3A_1652 = tpu.memref_slice %arg8[%dma_wait3A_1650, %dma_wait3A_1651] : memref<312x128xf32, #tpu.memory_space<vmem>> -> memref<128x128xf32, #tpu.memory_space<vmem>>
    %dma_wait3A_1653 = arith.constant 0 : i32
    %dma_wait3A_1654 = tpu.memref_slice %arg5[%add3A_1649, %dma_wait3A_1653] : memref<10000x128xf32, #tpu.memory_space<hbm>> -> memref<128x128xf32, #tpu.memory_space<hbm>>
    %dma_wait3A_1655 = arith.constant 0 : i32
    %dma_wait3A_1656 = tpu.memref_slice %arg5[%add3A_1649, %dma_wait3A_1655] : memref<10000x128xf32, #tpu.memory_space<hbm>> -> memref<128x128xf32, #tpu.memory_space<hbm>>
    %dma_wait3A_1657 = arith.constant 128 : i32
    %dma_wait3A_1658 = arith.constant 0 : i32
    %dma_wait3A_1659 = tpu.memref_slice %arg8[%dma_wait3A_1657, %dma_wait3A_1658] : memref<312x128xf32, #tpu.memory_space<vmem>> -> memref<128x128xf32, #tpu.memory_space<vmem>>
    tpu.wait_dma2 semaphore(%arg16 : memref<!tpu.dma_semaphore, #tpu.memory_space<semaphore_mem>>) src(%dma_wait3A_1659 : memref<128x128xf32, #tpu.memory_space<vmem>>) dst(%dma_wait3A_1656 : memref<128x128xf32, #tpu.memory_space<hbm>>)
    %add3A_1660 = arith.constant 256 : i32
    %add3A_1661 = arith.addi %mul3A_2, %add3A_1660 : i32
    %dma_wait3A_1662 = arith.constant 256 : i32
    %dma_wait3A_1663 = arith.constant 0 : i32
    %dma_wait3A_1664 = tpu.memref_slice %arg8[%dma_wait3A_1662, %dma_wait3A_1663] : memref<312x128xf32, #tpu.memory_space<vmem>> -> memref<56x128xf32, #tpu.memory_space<vmem>>
    %dma_wait3A_1665 = arith.constant 0 : i32
    %dma_wait3A_1666 = tpu.memref_slice %arg5[%add3A_1661, %dma_wait3A_1665] : memref<10000x128xf32, #tpu.memory_space<hbm>> -> memref<56x128xf32, #tpu.memory_space<hbm>>
    %dma_wait3A_1667 = arith.constant 0 : i32
    %dma_wait3A_1668 = tpu.memref_slice %arg5[%add3A_1661, %dma_wait3A_1667] : memref<10000x128xf32, #tpu.memory_space<hbm>> -> memref<56x128xf32, #tpu.memory_space<hbm>>
    %dma_wait3A_1669 = arith.constant 256 : i32
    %dma_wait3A_1670 = arith.constant 0 : i32
    %dma_wait3A_1671 = tpu.memref_slice %arg8[%dma_wait3A_1669, %dma_wait3A_1670] : memref<312x128xf32, #tpu.memory_space<vmem>> -> memref<56x128xf32, #tpu.memory_space<vmem>>
    tpu.wait_dma2 semaphore(%arg16 : memref<!tpu.dma_semaphore, #tpu.memory_space<semaphore_mem>>) src(%dma_wait3A_1671 : memref<56x128xf32, #tpu.memory_space<vmem>>) dst(%dma_wait3A_1668 : memref<56x128xf32, #tpu.memory_space<hbm>>)
    %convert_element_type3A_1672 = arith.extui %eq3A_3 : i1 to i32
    %cond3A_1673 = arith.constant 0 : i32
    %cond3A_1674 = arith.cmpi ne, %convert_element_type3A_1672, %cond3A_1673 : i32
    scf.if %cond3A_1674 {
      %scan3A_1675 = arith.constant 0 : i32
      %scan3A_1676 = arith.constant 0 : i32
      %scan3A_1677 = arith.constant 16 : i32
      %scan3A_1678 = arith.addi %scan3A_1676, %scan3A_1677 : i32
      %scan3A_1679 = arith.constant 1 : i32
      scf.for %scan3A_2199 = %scan3A_1676 to %scan3A_1678 step %scan3A_1679  : i32 {
        %swap3A = arith.index_cast %scan3A_2199 : i32 to index
        %swap3A_2200 = arith.constant 0 : index
        %swap3A_2201 = tpu.vector_load %arg8[%swap3A, %swap3A_2200] {strides = array<i32>} : memref<312x128xf32, #tpu.memory_space<vmem>>, vector<1x16xf32>,
        %swap3A_2202 = vector.shape_cast %swap3A_2201 : vector<1x16xf32> to vector<16xf32>
        %swap3A_2203 = vector.shape_cast %broadcast_in_dim3A_21 : vector<16xf32> to vector<1x16xf32>
        tpu.vector_store %arg8[%swap3A, %swap3A_2200], %swap3A_2203 {strides = array<i32>} : memref<312x128xf32, #tpu.memory_space<vmem>>, vector<1x16xf32>,
        %swap3A_2204 = arith.index_cast %scan3A_2199 : i32 to index
        %swap3A_2205 = arith.constant 16 : index
        %swap3A_2206 = tpu.vector_load %arg8[%swap3A_2204, %swap3A_2205] {strides = array<i32>} : memref<312x128xf32, #tpu.memory_space<vmem>>, vector<1x16xf32>,
        %swap3A_2207 = vector.shape_cast %swap3A_2206 : vector<1x16xf32> to vector<16xf32>
        %swap3A_2208 = vector.shape_cast %broadcast_in_dim3A_21 : vector<16xf32> to vector<1x16xf32>
        tpu.vector_store %arg8[%swap3A_2204, %swap3A_2205], %swap3A_2208 {strides = array<i32>} : memref<312x128xf32, #tpu.memory_space<vmem>>, vector<1x16xf32>,
        %swap3A_2209 = arith.index_cast %scan3A_2199 : i32 to index
        %swap3A_2210 = arith.constant 32 : index
        %swap3A_2211 = tpu.vector_load %arg8[%swap3A_2209, %swap3A_2210] {strides = array<i32>} : memref<312x128xf32, #tpu.memory_space<vmem>>, vector<1x16xf32>,
        %swap3A_2212 = vector.shape_cast %swap3A_2211 : vector<1x16xf32> to vector<16xf32>
        %swap3A_2213 = vector.shape_cast %broadcast_in_dim3A_21 : vector<16xf32> to vector<1x16xf32>
        tpu.vector_store %arg8[%swap3A_2209, %swap3A_2210], %swap3A_2213 {strides = array<i32>} : memref<312x128xf32, #tpu.memory_space<vmem>>, vector<1x16xf32>,
        %swap3A_2214 = arith.index_cast %scan3A_2199 : i32 to index
        %swap3A_2215 = arith.constant 48 : index
        %swap3A_2216 = tpu.vector_load %arg8[%swap3A_2214, %swap3A_2215] {strides = array<i32>} : memref<312x128xf32, #tpu.memory_space<vmem>>, vector<1x16xf32>,
        %swap3A_2217 = vector.shape_cast %swap3A_2216 : vector<1x16xf32> to vector<16xf32>
        %swap3A_2218 = vector.shape_cast %broadcast_in_dim3A_21 : vector<16xf32> to vector<1x16xf32>
        tpu.vector_store %arg8[%swap3A_2214, %swap3A_2215], %swap3A_2218 {strides = array<i32>} : memref<312x128xf32, #tpu.memory_space<vmem>>, vector<1x16xf32>,
        %swap3A_2219 = arith.index_cast %scan3A_2199 : i32 to index
        %swap3A_2220 = arith.constant 64 : index
        %swap3A_2221 = tpu.vector_load %arg8[%swap3A_2219, %swap3A_2220] {strides = array<i32>} : memref<312x128xf32, #tpu.memory_space<vmem>>, vector<1x16xf32>,
        %swap3A_2222 = vector.shape_cast %swap3A_2221 : vector<1x16xf32> to vector<16xf32>
        %swap3A_2223 = vector.shape_cast %broadcast_in_dim3A_21 : vector<16xf32> to vector<1x16xf32>
        tpu.vector_store %arg8[%swap3A_2219, %swap3A_2220], %swap3A_2223 {strides = array<i32>} : memref<312x128xf32, #tpu.memory_space<vmem>>, vector<1x16xf32>,
        %swap3A_2224 = arith.index_cast %scan3A_2199 : i32 to index
        %swap3A_2225 = arith.constant 80 : index
        %swap3A_2226 = tpu.vector_load %arg8[%swap3A_2224, %swap3A_2225] {strides = array<i32>} : memref<312x128xf32, #tpu.memory_space<vmem>>, vector<1x16xf32>,
        %swap3A_2227 = vector.shape_cast %swap3A_2226 : vector<1x16xf32> to vector<16xf32>
        %swap3A_2228 = vector.shape_cast %broadcast_in_dim3A_21 : vector<16xf32> to vector<1x16xf32>
        tpu.vector_store %arg8[%swap3A_2224, %swap3A_2225], %swap3A_2228 {strides = array<i32>} : memref<312x128xf32, #tpu.memory_space<vmem>>, vector<1x16xf32>,
        %swap3A_2229 = arith.index_cast %scan3A_2199 : i32 to index
        %swap3A_2230 = arith.constant 96 : index
        %swap3A_2231 = tpu.vector_load %arg8[%swap3A_2229, %swap3A_2230] {strides = array<i32>} : memref<312x128xf32, #tpu.memory_space<vmem>>, vector<1x16xf32>,
        %swap3A_2232 = vector.shape_cast %swap3A_2231 : vector<1x16xf32> to vector<16xf32>
        %swap3A_2233 = vector.shape_cast %broadcast_in_dim3A_21 : vector<16xf32> to vector<1x16xf32>
        tpu.vector_store %arg8[%swap3A_2229, %swap3A_2230], %swap3A_2233 {strides = array<i32>} : memref<312x128xf32, #tpu.memory_space<vmem>>, vector<1x16xf32>,
        %swap3A_2234 = arith.index_cast %scan3A_2199 : i32 to index
        %swap3A_2235 = arith.constant 112 : index
        %swap3A_2236 = tpu.vector_load %arg8[%swap3A_2234, %swap3A_2235] {strides = array<i32>} : memref<312x128xf32, #tpu.memory_space<vmem>>, vector<1x16xf32>,
        %swap3A_2237 = vector.shape_cast %swap3A_2236 : vector<1x16xf32> to vector<16xf32>
        %swap3A_2238 = vector.shape_cast %broadcast_in_dim3A_21 : vector<16xf32> to vector<1x16xf32>
        tpu.vector_store %arg8[%swap3A_2234, %swap3A_2235], %swap3A_2238 {strides = array<i32>} : memref<312x128xf32, #tpu.memory_space<vmem>>, vector<1x16xf32>,
      }
      %scan3A_1680 = arith.constant 16 : i32
      %dma_start3A_1681 = arith.constant 0 : i32
      %dma_start3A_1682 = arith.constant 0 : i32
      %dma_start3A_1683 = tpu.memref_slice %arg8[%dma_start3A_1681, %dma_start3A_1682] : memref<312x128xf32, #tpu.memory_space<vmem>> -> memref<16x128xf32, #tpu.memory_space<vmem>>
      %dma_start3A_1684 = arith.constant 0 : i32
      %dma_start3A_1685 = tpu.memref_slice %arg7[%dma_start3A_1684] : memref<512xi32, #tpu.memory_space<vmem>> -> memref<16xi32, #tpu.memory_space<vmem>>
      %dma_start3A_1686 = arith.constant 0 : i32
      %dma_start3A_1687 = arith.constant 0 : i32
      %dma_start3A_1688 = tpu.memref_slice %arg2[%dma_start3A_1686, %dma_start3A_1687] : memref<10000x128xf32, #tpu.memory_space<hbm>> -> memref<10000x128xf32, #tpu.memory_space<hbm>>
      tpu.enqueue_indirect_dma source(%dma_start3A_1688 : memref<10000x128xf32, #tpu.memory_space<hbm>>) target(%dma_start3A_1683 : memref<16x128xf32, #tpu.memory_space<vmem>>) offsets(%dma_start3A_1685 : memref<16xi32, #tpu.memory_space<vmem>>) semaphore(%arg15 : memref<!tpu.dma_semaphore, #tpu.memory_space<semaphore_mem>>) {add = true}
      %dma_start3A_1689 = arith.constant 0 : i32
      %dma_start3A_1690 = arith.constant 0 : i32
      %dma_start3A_1691 = tpu.memref_slice %arg8[%dma_start3A_1689, %dma_start3A_1690] : memref<312x128xf32, #tpu.memory_space<vmem>> -> memref<16x128xf32, #tpu.memory_space<vmem>>
      %dma_start3A_1692 = arith.constant 16 : i32
      %dma_start3A_1693 = tpu.memref_slice %arg7[%dma_start3A_1692] : memref<512xi32, #tpu.memory_space<vmem>> -> memref<16xi32, #tpu.memory_space<vmem>>
      %dma_start3A_1694 = arith.constant 0 : i32
      %dma_start3A_1695 = arith.constant 0 : i32
      %dma_start3A_1696 = tpu.memref_slice %arg2[%dma_start3A_1694, %dma_start3A_1695] : memref<10000x128xf32, #tpu.memory_space<hbm>> -> memref<10000x128xf32, #tpu.memory_space<hbm>>
      tpu.enqueue_indirect_dma source(%dma_start3A_1696 : memref<10000x128xf32, #tpu.memory_space<hbm>>) target(%dma_start3A_1691 : memref<16x128xf32, #tpu.memory_space<vmem>>) offsets(%dma_start3A_1693 : memref<16xi32, #tpu.memory_space<vmem>>) semaphore(%arg15 : memref<!tpu.dma_semaphore, #tpu.memory_space<semaphore_mem>>) {add = true}
      %dma_start3A_1697 = arith.constant 0 : i32
      %dma_start3A_1698 = arith.constant 0 : i32
      %dma_start3A_1699 = tpu.memref_slice %arg8[%dma_start3A_1697, %dma_start3A_1698] : memref<312x128xf32, #tpu.memory_space<vmem>> -> memref<16x128xf32, #tpu.memory_space<vmem>>
      %dma_start3A_1700 = arith.constant 32 : i32
      %dma_start3A_1701 = tpu.memref_slice %arg7[%dma_start3A_1700] : memref<512xi32, #tpu.memory_space<vmem>> -> memref<16xi32, #tpu.memory_space<vmem>>
      %dma_start3A_1702 = arith.constant 0 : i32
      %dma_start3A_1703 = arith.constant 0 : i32
      %dma_start3A_1704 = tpu.memref_slice %arg2[%dma_start3A_1702, %dma_start3A_1703] : memref<10000x128xf32, #tpu.memory_space<hbm>> -> memref<10000x128xf32, #tpu.memory_space<hbm>>
      tpu.enqueue_indirect_dma source(%dma_start3A_1704 : memref<10000x128xf32, #tpu.memory_space<hbm>>) target(%dma_start3A_1699 : memref<16x128xf32, #tpu.memory_space<vmem>>) offsets(%dma_start3A_1701 : memref<16xi32, #tpu.memory_space<vmem>>) semaphore(%arg15 : memref<!tpu.dma_semaphore, #tpu.memory_space<semaphore_mem>>) {add = true}
      %dma_start3A_1705 = arith.constant 0 : i32
      %dma_start3A_1706 = arith.constant 0 : i32
      %dma_start3A_1707 = tpu.memref_slice %arg8[%dma_start3A_1705, %dma_start3A_1706] : memref<312x128xf32, #tpu.memory_space<vmem>> -> memref<16x128xf32, #tpu.memory_space<vmem>>
      %dma_start3A_1708 = arith.constant 48 : i32
      %dma_start3A_1709 = tpu.memref_slice %arg7[%dma_start3A_1708] : memref<512xi32, #tpu.memory_space<vmem>> -> memref<16xi32, #tpu.memory_space<vmem>>
      %dma_start3A_1710 = arith.constant 0 : i32
      %dma_start3A_1711 = arith.constant 0 : i32
      %dma_start3A_1712 = tpu.memref_slice %arg2[%dma_start3A_1710, %dma_start3A_1711] : memref<10000x128xf32, #tpu.memory_space<hbm>> -> memref<10000x128xf32, #tpu.memory_space<hbm>>
      tpu.enqueue_indirect_dma source(%dma_start3A_1712 : memref<10000x128xf32, #tpu.memory_space<hbm>>) target(%dma_start3A_1707 : memref<16x128xf32, #tpu.memory_space<vmem>>) offsets(%dma_start3A_1709 : memref<16xi32, #tpu.memory_space<vmem>>) semaphore(%arg15 : memref<!tpu.dma_semaphore, #tpu.memory_space<semaphore_mem>>) {add = true}
      %dma_start3A_1713 = arith.constant 0 : i32
      %dma_start3A_1714 = arith.constant 0 : i32
      %dma_start3A_1715 = tpu.memref_slice %arg8[%dma_start3A_1713, %dma_start3A_1714] : memref<312x128xf32, #tpu.memory_space<vmem>> -> memref<16x128xf32, #tpu.memory_space<vmem>>
      %dma_start3A_1716 = arith.constant 64 : i32
      %dma_start3A_1717 = tpu.memref_slice %arg7[%dma_start3A_1716] : memref<512xi32, #tpu.memory_space<vmem>> -> memref<16xi32, #tpu.memory_space<vmem>>
      %dma_start3A_1718 = arith.constant 0 : i32
      %dma_start3A_1719 = arith.constant 0 : i32
      %dma_start3A_1720 = tpu.memref_slice %arg2[%dma_start3A_1718, %dma_start3A_1719] : memref<10000x128xf32, #tpu.memory_space<hbm>> -> memref<10000x128xf32, #tpu.memory_space<hbm>>
      tpu.enqueue_indirect_dma source(%dma_start3A_1720 : memref<10000x128xf32, #tpu.memory_space<hbm>>) target(%dma_start3A_1715 : memref<16x128xf32, #tpu.memory_space<vmem>>) offsets(%dma_start3A_1717 : memref<16xi32, #tpu.memory_space<vmem>>) semaphore(%arg15 : memref<!tpu.dma_semaphore, #tpu.memory_space<semaphore_mem>>) {add = true}
      %dma_start3A_1721 = arith.constant 0 : i32
      %dma_start3A_1722 = arith.constant 0 : i32
      %dma_start3A_1723 = tpu.memref_slice %arg8[%dma_start3A_1721, %dma_start3A_1722] : memref<312x128xf32, #tpu.memory_space<vmem>> -> memref<16x128xf32, #tpu.memory_space<vmem>>
      %dma_start3A_1724 = arith.constant 80 : i32
      %dma_start3A_1725 = tpu.memref_slice %arg7[%dma_start3A_1724] : memref<512xi32, #tpu.memory_space<vmem>> -> memref<16xi32, #tpu.memory_space<vmem>>
      %dma_start3A_1726 = arith.constant 0 : i32
      %dma_start3A_1727 = arith.constant 0 : i32
      %dma_start3A_1728 = tpu.memref_slice %arg2[%dma_start3A_1726, %dma_start3A_1727] : memref<10000x128xf32, #tpu.memory_space<hbm>> -> memref<10000x128xf32, #tpu.memory_space<hbm>>
      tpu.enqueue_indirect_dma source(%dma_start3A_1728 : memref<10000x128xf32, #tpu.memory_space<hbm>>) target(%dma_start3A_1723 : memref<16x128xf32, #tpu.memory_space<vmem>>) offsets(%dma_start3A_1725 : memref<16xi32, #tpu.memory_space<vmem>>) semaphore(%arg15 : memref<!tpu.dma_semaphore, #tpu.memory_space<semaphore_mem>>) {add = true}
      %dma_start3A_1729 = arith.constant 0 : i32
      %dma_start3A_1730 = arith.constant 0 : i32
      %dma_start3A_1731 = tpu.memref_slice %arg8[%dma_start3A_1729, %dma_start3A_1730] : memref<312x128xf32, #tpu.memory_space<vmem>> -> memref<16x128xf32, #tpu.memory_space<vmem>>
      %dma_start3A_1732 = arith.constant 96 : i32
      %dma_start3A_1733 = tpu.memref_slice %arg7[%dma_start3A_1732] : memref<512xi32, #tpu.memory_space<vmem>> -> memref<16xi32, #tpu.memory_space<vmem>>
      %dma_start3A_1734 = arith.constant 0 : i32
      %dma_start3A_1735 = arith.constant 0 : i32
      %dma_start3A_1736 = tpu.memref_slice %arg2[%dma_start3A_1734, %dma_start3A_1735] : memref<10000x128xf32, #tpu.memory_space<hbm>> -> memref<10000x128xf32, #tpu.memory_space<hbm>>
      tpu.enqueue_indirect_dma source(%dma_start3A_1736 : memref<10000x128xf32, #tpu.memory_space<hbm>>) target(%dma_start3A_1731 : memref<16x128xf32, #tpu.memory_space<vmem>>) offsets(%dma_start3A_1733 : memref<16xi32, #tpu.memory_space<vmem>>) semaphore(%arg15 : memref<!tpu.dma_semaphore, #tpu.memory_space<semaphore_mem>>) {add = true}
      %dma_start3A_1737 = arith.constant 0 : i32
      %dma_start3A_1738 = arith.constant 0 : i32
      %dma_start3A_1739 = tpu.memref_slice %arg8[%dma_start3A_1737, %dma_start3A_1738] : memref<312x128xf32, #tpu.memory_space<vmem>> -> memref<16x128xf32, #tpu.memory_space<vmem>>
      %dma_start3A_1740 = arith.constant 112 : i32
      %dma_start3A_1741 = tpu.memref_slice %arg7[%dma_start3A_1740] : memref<512xi32, #tpu.memory_space<vmem>> -> memref<16xi32, #tpu.memory_space<vmem>>
      %dma_start3A_1742 = arith.constant 0 : i32
      %dma_start3A_1743 = arith.constant 0 : i32
      %dma_start3A_1744 = tpu.memref_slice %arg2[%dma_start3A_1742, %dma_start3A_1743] : memref<10000x128xf32, #tpu.memory_space<hbm>> -> memref<10000x128xf32, #tpu.memory_space<hbm>>
      tpu.enqueue_indirect_dma source(%dma_start3A_1744 : memref<10000x128xf32, #tpu.memory_space<hbm>>) target(%dma_start3A_1739 : memref<16x128xf32, #tpu.memory_space<vmem>>) offsets(%dma_start3A_1741 : memref<16xi32, #tpu.memory_space<vmem>>) semaphore(%arg15 : memref<!tpu.dma_semaphore, #tpu.memory_space<semaphore_mem>>) {add = true}
      %dma_start3A_1745 = arith.constant 0 : i32
      %dma_start3A_1746 = arith.constant 0 : i32
      %dma_start3A_1747 = tpu.memref_slice %arg8[%dma_start3A_1745, %dma_start3A_1746] : memref<312x128xf32, #tpu.memory_space<vmem>> -> memref<16x128xf32, #tpu.memory_space<vmem>>
      %dma_start3A_1748 = arith.constant 128 : i32
      %dma_start3A_1749 = tpu.memref_slice %arg7[%dma_start3A_1748] : memref<512xi32, #tpu.memory_space<vmem>> -> memref<16xi32, #tpu.memory_space<vmem>>
      %dma_start3A_1750 = arith.constant 0 : i32
      %dma_start3A_1751 = arith.constant 0 : i32
      %dma_start3A_1752 = tpu.memref_slice %arg2[%dma_start3A_1750, %dma_start3A_1751] : memref<10000x128xf32, #tpu.memory_space<hbm>> -> memref<10000x128xf32, #tpu.memory_space<hbm>>
      tpu.enqueue_indirect_dma source(%dma_start3A_1752 : memref<10000x128xf32, #tpu.memory_space<hbm>>) target(%dma_start3A_1747 : memref<16x128xf32, #tpu.memory_space<vmem>>) offsets(%dma_start3A_1749 : memref<16xi32, #tpu.memory_space<vmem>>) semaphore(%arg15 : memref<!tpu.dma_semaphore, #tpu.memory_space<semaphore_mem>>) {add = true}
      %dma_start3A_1753 = arith.constant 0 : i32
      %dma_start3A_1754 = arith.constant 0 : i32
      %dma_start3A_1755 = tpu.memref_slice %arg8[%dma_start3A_1753, %dma_start3A_1754] : memref<312x128xf32, #tpu.memory_space<vmem>> -> memref<16x128xf32, #tpu.memory_space<vmem>>
      %dma_start3A_1756 = arith.constant 144 : i32
      %dma_start3A_1757 = tpu.memref_slice %arg7[%dma_start3A_1756] : memref<512xi32, #tpu.memory_space<vmem>> -> memref<16xi32, #tpu.memory_space<vmem>>
      %dma_start3A_1758 = arith.constant 0 : i32
      %dma_start3A_1759 = arith.constant 0 : i32
      %dma_start3A_1760 = tpu.memref_slice %arg2[%dma_start3A_1758, %dma_start3A_1759] : memref<10000x128xf32, #tpu.memory_space<hbm>> -> memref<10000x128xf32, #tpu.memory_space<hbm>>
      tpu.enqueue_indirect_dma source(%dma_start3A_1760 : memref<10000x128xf32, #tpu.memory_space<hbm>>) target(%dma_start3A_1755 : memref<16x128xf32, #tpu.memory_space<vmem>>) offsets(%dma_start3A_1757 : memref<16xi32, #tpu.memory_space<vmem>>) semaphore(%arg15 : memref<!tpu.dma_semaphore, #tpu.memory_space<semaphore_mem>>) {add = true}
      %dma_start3A_1761 = arith.constant 0 : i32
      %dma_start3A_1762 = arith.constant 0 : i32
      %dma_start3A_1763 = tpu.memref_slice %arg8[%dma_start3A_1761, %dma_start3A_1762] : memref<312x128xf32, #tpu.memory_space<vmem>> -> memref<16x128xf32, #tpu.memory_space<vmem>>
      %dma_start3A_1764 = arith.constant 160 : i32
      %dma_start3A_1765 = tpu.memref_slice %arg7[%dma_start3A_1764] : memref<512xi32, #tpu.memory_space<vmem>> -> memref<16xi32, #tpu.memory_space<vmem>>
      %dma_start3A_1766 = arith.constant 0 : i32
      %dma_start3A_1767 = arith.constant 0 : i32
      %dma_start3A_1768 = tpu.memref_slice %arg2[%dma_start3A_1766, %dma_start3A_1767] : memref<10000x128xf32, #tpu.memory_space<hbm>> -> memref<10000x128xf32, #tpu.memory_space<hbm>>
      tpu.enqueue_indirect_dma source(%dma_start3A_1768 : memref<10000x128xf32, #tpu.memory_space<hbm>>) target(%dma_start3A_1763 : memref<16x128xf32, #tpu.memory_space<vmem>>) offsets(%dma_start3A_1765 : memref<16xi32, #tpu.memory_space<vmem>>) semaphore(%arg15 : memref<!tpu.dma_semaphore, #tpu.memory_space<semaphore_mem>>) {add = true}
      %dma_start3A_1769 = arith.constant 0 : i32
      %dma_start3A_1770 = arith.constant 0 : i32
      %dma_start3A_1771 = tpu.memref_slice %arg8[%dma_start3A_1769, %dma_start3A_1770] : memref<312x128xf32, #tpu.memory_space<vmem>> -> memref<16x128xf32, #tpu.memory_space<vmem>>
      %dma_start3A_1772 = arith.constant 176 : i32
      %dma_start3A_1773 = tpu.memref_slice %arg7[%dma_start3A_1772] : memref<512xi32, #tpu.memory_space<vmem>> -> memref<16xi32, #tpu.memory_space<vmem>>
      %dma_start3A_1774 = arith.constant 0 : i32
      %dma_start3A_1775 = arith.constant 0 : i32
      %dma_start3A_1776 = tpu.memref_slice %arg2[%dma_start3A_1774, %dma_start3A_1775] : memref<10000x128xf32, #tpu.memory_space<hbm>> -> memref<10000x128xf32, #tpu.memory_space<hbm>>
      tpu.enqueue_indirect_dma source(%dma_start3A_1776 : memref<10000x128xf32, #tpu.memory_space<hbm>>) target(%dma_start3A_1771 : memref<16x128xf32, #tpu.memory_space<vmem>>) offsets(%dma_start3A_1773 : memref<16xi32, #tpu.memory_space<vmem>>) semaphore(%arg15 : memref<!tpu.dma_semaphore, #tpu.memory_space<semaphore_mem>>) {add = true}
      %dma_start3A_1777 = arith.constant 0 : i32
      %dma_start3A_1778 = arith.constant 0 : i32
      %dma_start3A_1779 = tpu.memref_slice %arg8[%dma_start3A_1777, %dma_start3A_1778] : memref<312x128xf32, #tpu.memory_space<vmem>> -> memref<16x128xf32, #tpu.memory_space<vmem>>
      %dma_start3A_1780 = arith.constant 192 : i32
      %dma_start3A_1781 = tpu.memref_slice %arg7[%dma_start3A_1780] : memref<512xi32, #tpu.memory_space<vmem>> -> memref<16xi32, #tpu.memory_space<vmem>>
      %dma_start3A_1782 = arith.constant 0 : i32
      %dma_start3A_1783 = arith.constant 0 : i32
      %dma_start3A_1784 = tpu.memref_slice %arg2[%dma_start3A_1782, %dma_start3A_1783] : memref<10000x128xf32, #tpu.memory_space<hbm>> -> memref<10000x128xf32, #tpu.memory_space<hbm>>
      tpu.enqueue_indirect_dma source(%dma_start3A_1784 : memref<10000x128xf32, #tpu.memory_space<hbm>>) target(%dma_start3A_1779 : memref<16x128xf32, #tpu.memory_space<vmem>>) offsets(%dma_start3A_1781 : memref<16xi32, #tpu.memory_space<vmem>>) semaphore(%arg15 : memref<!tpu.dma_semaphore, #tpu.memory_space<semaphore_mem>>) {add = true}
      %dma_start3A_1785 = arith.constant 0 : i32
      %dma_start3A_1786 = arith.constant 0 : i32
      %dma_start3A_1787 = tpu.memref_slice %arg8[%dma_start3A_1785, %dma_start3A_1786] : memref<312x128xf32, #tpu.memory_space<vmem>> -> memref<16x128xf32, #tpu.memory_space<vmem>>
      %dma_start3A_1788 = arith.constant 208 : i32
      %dma_start3A_1789 = tpu.memref_slice %arg7[%dma_start3A_1788] : memref<512xi32, #tpu.memory_space<vmem>> -> memref<16xi32, #tpu.memory_space<vmem>>
      %dma_start3A_1790 = arith.constant 0 : i32
      %dma_start3A_1791 = arith.constant 0 : i32
      %dma_start3A_1792 = tpu.memref_slice %arg2[%dma_start3A_1790, %dma_start3A_1791] : memref<10000x128xf32, #tpu.memory_space<hbm>> -> memref<10000x128xf32, #tpu.memory_space<hbm>>
      tpu.enqueue_indirect_dma source(%dma_start3A_1792 : memref<10000x128xf32, #tpu.memory_space<hbm>>) target(%dma_start3A_1787 : memref<16x128xf32, #tpu.memory_space<vmem>>) offsets(%dma_start3A_1789 : memref<16xi32, #tpu.memory_space<vmem>>) semaphore(%arg15 : memref<!tpu.dma_semaphore, #tpu.memory_space<semaphore_mem>>) {add = true}
      %dma_start3A_1793 = arith.constant 0 : i32
      %dma_start3A_1794 = arith.constant 0 : i32
      %dma_start3A_1795 = tpu.memref_slice %arg8[%dma_start3A_1793, %dma_start3A_1794] : memref<312x128xf32, #tpu.memory_space<vmem>> -> memref<16x128xf32, #tpu.memory_space<vmem>>
      %dma_start3A_1796 = arith.constant 224 : i32
      %dma_start3A_1797 = tpu.memref_slice %arg7[%dma_start3A_1796] : memref<512xi32, #tpu.memory_space<vmem>> -> memref<16xi32, #tpu.memory_space<vmem>>
      %dma_start3A_1798 = arith.constant 0 : i32
      %dma_start3A_1799 = arith.constant 0 : i32
      %dma_start3A_1800 = tpu.memref_slice %arg2[%dma_start3A_1798, %dma_start3A_1799] : memref<10000x128xf32, #tpu.memory_space<hbm>> -> memref<10000x128xf32, #tpu.memory_space<hbm>>
      tpu.enqueue_indirect_dma source(%dma_start3A_1800 : memref<10000x128xf32, #tpu.memory_space<hbm>>) target(%dma_start3A_1795 : memref<16x128xf32, #tpu.memory_space<vmem>>) offsets(%dma_start3A_1797 : memref<16xi32, #tpu.memory_space<vmem>>) semaphore(%arg15 : memref<!tpu.dma_semaphore, #tpu.memory_space<semaphore_mem>>) {add = true}
      %dma_start3A_1801 = arith.constant 0 : i32
      %dma_start3A_1802 = arith.constant 0 : i32
      %dma_start3A_1803 = tpu.memref_slice %arg8[%dma_start3A_1801, %dma_start3A_1802] : memref<312x128xf32, #tpu.memory_space<vmem>> -> memref<16x128xf32, #tpu.memory_space<vmem>>
      %dma_start3A_1804 = arith.constant 240 : i32
      %dma_start3A_1805 = tpu.memref_slice %arg7[%dma_start3A_1804] : memref<512xi32, #tpu.memory_space<vmem>> -> memref<16xi32, #tpu.memory_space<vmem>>
      %dma_start3A_1806 = arith.constant 0 : i32
      %dma_start3A_1807 = arith.constant 0 : i32
      %dma_start3A_1808 = tpu.memref_slice %arg2[%dma_start3A_1806, %dma_start3A_1807] : memref<10000x128xf32, #tpu.memory_space<hbm>> -> memref<10000x128xf32, #tpu.memory_space<hbm>>
      tpu.enqueue_indirect_dma source(%dma_start3A_1808 : memref<10000x128xf32, #tpu.memory_space<hbm>>) target(%dma_start3A_1803 : memref<16x128xf32, #tpu.memory_space<vmem>>) offsets(%dma_start3A_1805 : memref<16xi32, #tpu.memory_space<vmem>>) semaphore(%arg15 : memref<!tpu.dma_semaphore, #tpu.memory_space<semaphore_mem>>) {add = true}
      %dma_start3A_1809 = arith.constant 0 : i32
      %dma_start3A_1810 = arith.constant 0 : i32
      %dma_start3A_1811 = tpu.memref_slice %arg8[%dma_start3A_1809, %dma_start3A_1810] : memref<312x128xf32, #tpu.memory_space<vmem>> -> memref<16x128xf32, #tpu.memory_space<vmem>>
      %dma_start3A_1812 = arith.constant 256 : i32
      %dma_start3A_1813 = tpu.memref_slice %arg7[%dma_start3A_1812] : memref<512xi32, #tpu.memory_space<vmem>> -> memref<16xi32, #tpu.memory_space<vmem>>
      %dma_start3A_1814 = arith.constant 0 : i32
      %dma_start3A_1815 = arith.constant 0 : i32
      %dma_start3A_1816 = tpu.memref_slice %arg2[%dma_start3A_1814, %dma_start3A_1815] : memref<10000x128xf32, #tpu.memory_space<hbm>> -> memref<10000x128xf32, #tpu.memory_space<hbm>>
      tpu.enqueue_indirect_dma source(%dma_start3A_1816 : memref<10000x128xf32, #tpu.memory_space<hbm>>) target(%dma_start3A_1811 : memref<16x128xf32, #tpu.memory_space<vmem>>) offsets(%dma_start3A_1813 : memref<16xi32, #tpu.memory_space<vmem>>) semaphore(%arg15 : memref<!tpu.dma_semaphore, #tpu.memory_space<semaphore_mem>>) {add = true}
      %dma_start3A_1817 = arith.constant 0 : i32
      %dma_start3A_1818 = arith.constant 0 : i32
      %dma_start3A_1819 = tpu.memref_slice %arg8[%dma_start3A_1817, %dma_start3A_1818] : memref<312x128xf32, #tpu.memory_space<vmem>> -> memref<16x128xf32, #tpu.memory_space<vmem>>
      %dma_start3A_1820 = arith.constant 272 : i32
      %dma_start3A_1821 = tpu.memref_slice %arg7[%dma_start3A_1820] : memref<512xi32, #tpu.memory_space<vmem>> -> memref<16xi32, #tpu.memory_space<vmem>>
      %dma_start3A_1822 = arith.constant 0 : i32
      %dma_start3A_1823 = arith.constant 0 : i32
      %dma_start3A_1824 = tpu.memref_slice %arg2[%dma_start3A_1822, %dma_start3A_1823] : memref<10000x128xf32, #tpu.memory_space<hbm>> -> memref<10000x128xf32, #tpu.memory_space<hbm>>
      tpu.enqueue_indirect_dma source(%dma_start3A_1824 : memref<10000x128xf32, #tpu.memory_space<hbm>>) target(%dma_start3A_1819 : memref<16x128xf32, #tpu.memory_space<vmem>>) offsets(%dma_start3A_1821 : memref<16xi32, #tpu.memory_space<vmem>>) semaphore(%arg15 : memref<!tpu.dma_semaphore, #tpu.memory_space<semaphore_mem>>) {add = true}
      %dma_start3A_1825 = arith.constant 0 : i32
      %dma_start3A_1826 = arith.constant 0 : i32
      %dma_start3A_1827 = tpu.memref_slice %arg8[%dma_start3A_1825, %dma_start3A_1826] : memref<312x128xf32, #tpu.memory_space<vmem>> -> memref<16x128xf32, #tpu.memory_space<vmem>>
      %dma_start3A_1828 = arith.constant 288 : i32
      %dma_start3A_1829 = tpu.memref_slice %arg7[%dma_start3A_1828] : memref<512xi32, #tpu.memory_space<vmem>> -> memref<16xi32, #tpu.memory_space<vmem>>
      %dma_start3A_1830 = arith.constant 0 : i32
      %dma_start3A_1831 = arith.constant 0 : i32
      %dma_start3A_1832 = tpu.memref_slice %arg2[%dma_start3A_1830, %dma_start3A_1831] : memref<10000x128xf32, #tpu.memory_space<hbm>> -> memref<10000x128xf32, #tpu.memory_space<hbm>>
      tpu.enqueue_indirect_dma source(%dma_start3A_1832 : memref<10000x128xf32, #tpu.memory_space<hbm>>) target(%dma_start3A_1827 : memref<16x128xf32, #tpu.memory_space<vmem>>) offsets(%dma_start3A_1829 : memref<16xi32, #tpu.memory_space<vmem>>) semaphore(%arg15 : memref<!tpu.dma_semaphore, #tpu.memory_space<semaphore_mem>>) {add = true}
      %dma_start3A_1833 = arith.constant 0 : i32
      %dma_start3A_1834 = arith.constant 0 : i32
      %dma_start3A_1835 = tpu.memref_slice %arg8[%dma_start3A_1833, %dma_start3A_1834] : memref<312x128xf32, #tpu.memory_space<vmem>> -> memref<16x128xf32, #tpu.memory_space<vmem>>
      %dma_start3A_1836 = arith.constant 304 : i32
      %dma_start3A_1837 = tpu.memref_slice %arg7[%dma_start3A_1836] : memref<512xi32, #tpu.memory_space<vmem>> -> memref<16xi32, #tpu.memory_space<vmem>>
      %dma_start3A_1838 = arith.constant 0 : i32
      %dma_start3A_1839 = arith.constant 0 : i32
      %dma_start3A_1840 = tpu.memref_slice %arg2[%dma_start3A_1838, %dma_start3A_1839] : memref<10000x128xf32, #tpu.memory_space<hbm>> -> memref<10000x128xf32, #tpu.memory_space<hbm>>
      tpu.enqueue_indirect_dma source(%dma_start3A_1840 : memref<10000x128xf32, #tpu.memory_space<hbm>>) target(%dma_start3A_1835 : memref<16x128xf32, #tpu.memory_space<vmem>>) offsets(%dma_start3A_1837 : memref<16xi32, #tpu.memory_space<vmem>>) semaphore(%arg15 : memref<!tpu.dma_semaphore, #tpu.memory_space<semaphore_mem>>) {add = true}
      %dma_start3A_1841 = arith.constant 0 : i32
      %dma_start3A_1842 = arith.constant 0 : i32
      %dma_start3A_1843 = tpu.memref_slice %arg8[%dma_start3A_1841, %dma_start3A_1842] : memref<312x128xf32, #tpu.memory_space<vmem>> -> memref<16x128xf32, #tpu.memory_space<vmem>>
      %dma_start3A_1844 = arith.constant 320 : i32
      %dma_start3A_1845 = tpu.memref_slice %arg7[%dma_start3A_1844] : memref<512xi32, #tpu.memory_space<vmem>> -> memref<16xi32, #tpu.memory_space<vmem>>
      %dma_start3A_1846 = arith.constant 0 : i32
      %dma_start3A_1847 = arith.constant 0 : i32
      %dma_start3A_1848 = tpu.memref_slice %arg2[%dma_start3A_1846, %dma_start3A_1847] : memref<10000x128xf32, #tpu.memory_space<hbm>> -> memref<10000x128xf32, #tpu.memory_space<hbm>>
      tpu.enqueue_indirect_dma source(%dma_start3A_1848 : memref<10000x128xf32, #tpu.memory_space<hbm>>) target(%dma_start3A_1843 : memref<16x128xf32, #tpu.memory_space<vmem>>) offsets(%dma_start3A_1845 : memref<16xi32, #tpu.memory_space<vmem>>) semaphore(%arg15 : memref<!tpu.dma_semaphore, #tpu.memory_space<semaphore_mem>>) {add = true}
      %dma_start3A_1849 = arith.constant 0 : i32
      %dma_start3A_1850 = arith.constant 0 : i32
      %dma_start3A_1851 = tpu.memref_slice %arg8[%dma_start3A_1849, %dma_start3A_1850] : memref<312x128xf32, #tpu.memory_space<vmem>> -> memref<16x128xf32, #tpu.memory_space<vmem>>
      %dma_start3A_1852 = arith.constant 336 : i32
      %dma_start3A_1853 = tpu.memref_slice %arg7[%dma_start3A_1852] : memref<512xi32, #tpu.memory_space<vmem>> -> memref<16xi32, #tpu.memory_space<vmem>>
      %dma_start3A_1854 = arith.constant 0 : i32
      %dma_start3A_1855 = arith.constant 0 : i32
      %dma_start3A_1856 = tpu.memref_slice %arg2[%dma_start3A_1854, %dma_start3A_1855] : memref<10000x128xf32, #tpu.memory_space<hbm>> -> memref<10000x128xf32, #tpu.memory_space<hbm>>
      tpu.enqueue_indirect_dma source(%dma_start3A_1856 : memref<10000x128xf32, #tpu.memory_space<hbm>>) target(%dma_start3A_1851 : memref<16x128xf32, #tpu.memory_space<vmem>>) offsets(%dma_start3A_1853 : memref<16xi32, #tpu.memory_space<vmem>>) semaphore(%arg15 : memref<!tpu.dma_semaphore, #tpu.memory_space<semaphore_mem>>) {add = true}
      %dma_start3A_1857 = arith.constant 0 : i32
      %dma_start3A_1858 = arith.constant 0 : i32
      %dma_start3A_1859 = tpu.memref_slice %arg8[%dma_start3A_1857, %dma_start3A_1858] : memref<312x128xf32, #tpu.memory_space<vmem>> -> memref<16x128xf32, #tpu.memory_space<vmem>>
      %dma_start3A_1860 = arith.constant 352 : i32
      %dma_start3A_1861 = tpu.memref_slice %arg7[%dma_start3A_1860] : memref<512xi32, #tpu.memory_space<vmem>> -> memref<16xi32, #tpu.memory_space<vmem>>
      %dma_start3A_1862 = arith.constant 0 : i32
      %dma_start3A_1863 = arith.constant 0 : i32
      %dma_start3A_1864 = tpu.memref_slice %arg2[%dma_start3A_1862, %dma_start3A_1863] : memref<10000x128xf32, #tpu.memory_space<hbm>> -> memref<10000x128xf32, #tpu.memory_space<hbm>>
      tpu.enqueue_indirect_dma source(%dma_start3A_1864 : memref<10000x128xf32, #tpu.memory_space<hbm>>) target(%dma_start3A_1859 : memref<16x128xf32, #tpu.memory_space<vmem>>) offsets(%dma_start3A_1861 : memref<16xi32, #tpu.memory_space<vmem>>) semaphore(%arg15 : memref<!tpu.dma_semaphore, #tpu.memory_space<semaphore_mem>>) {add = true}
      %dma_start3A_1865 = arith.constant 0 : i32
      %dma_start3A_1866 = arith.constant 0 : i32
      %dma_start3A_1867 = tpu.memref_slice %arg8[%dma_start3A_1865, %dma_start3A_1866] : memref<312x128xf32, #tpu.memory_space<vmem>> -> memref<16x128xf32, #tpu.memory_space<vmem>>
      %dma_start3A_1868 = arith.constant 368 : i32
      %dma_start3A_1869 = tpu.memref_slice %arg7[%dma_start3A_1868] : memref<512xi32, #tpu.memory_space<vmem>> -> memref<16xi32, #tpu.memory_space<vmem>>
      %dma_start3A_1870 = arith.constant 0 : i32
      %dma_start3A_1871 = arith.constant 0 : i32
      %dma_start3A_1872 = tpu.memref_slice %arg2[%dma_start3A_1870, %dma_start3A_1871] : memref<10000x128xf32, #tpu.memory_space<hbm>> -> memref<10000x128xf32, #tpu.memory_space<hbm>>
      tpu.enqueue_indirect_dma source(%dma_start3A_1872 : memref<10000x128xf32, #tpu.memory_space<hbm>>) target(%dma_start3A_1867 : memref<16x128xf32, #tpu.memory_space<vmem>>) offsets(%dma_start3A_1869 : memref<16xi32, #tpu.memory_space<vmem>>) semaphore(%arg15 : memref<!tpu.dma_semaphore, #tpu.memory_space<semaphore_mem>>) {add = true}
      %dma_start3A_1873 = arith.constant 0 : i32
      %dma_start3A_1874 = arith.constant 0 : i32
      %dma_start3A_1875 = tpu.memref_slice %arg8[%dma_start3A_1873, %dma_start3A_1874] : memref<312x128xf32, #tpu.memory_space<vmem>> -> memref<16x128xf32, #tpu.memory_space<vmem>>
      %dma_start3A_1876 = arith.constant 384 : i32
      %dma_start3A_1877 = tpu.memref_slice %arg7[%dma_start3A_1876] : memref<512xi32, #tpu.memory_space<vmem>> -> memref<16xi32, #tpu.memory_space<vmem>>
      %dma_start3A_1878 = arith.constant 0 : i32
      %dma_start3A_1879 = arith.constant 0 : i32
      %dma_start3A_1880 = tpu.memref_slice %arg2[%dma_start3A_1878, %dma_start3A_1879] : memref<10000x128xf32, #tpu.memory_space<hbm>> -> memref<10000x128xf32, #tpu.memory_space<hbm>>
      tpu.enqueue_indirect_dma source(%dma_start3A_1880 : memref<10000x128xf32, #tpu.memory_space<hbm>>) target(%dma_start3A_1875 : memref<16x128xf32, #tpu.memory_space<vmem>>) offsets(%dma_start3A_1877 : memref<16xi32, #tpu.memory_space<vmem>>) semaphore(%arg15 : memref<!tpu.dma_semaphore, #tpu.memory_space<semaphore_mem>>) {add = true}
      %dma_start3A_1881 = arith.constant 0 : i32
      %dma_start3A_1882 = arith.constant 0 : i32
      %dma_start3A_1883 = tpu.memref_slice %arg8[%dma_start3A_1881, %dma_start3A_1882] : memref<312x128xf32, #tpu.memory_space<vmem>> -> memref<16x128xf32, #tpu.memory_space<vmem>>
      %dma_start3A_1884 = arith.constant 400 : i32
      %dma_start3A_1885 = tpu.memref_slice %arg7[%dma_start3A_1884] : memref<512xi32, #tpu.memory_space<vmem>> -> memref<16xi32, #tpu.memory_space<vmem>>
      %dma_start3A_1886 = arith.constant 0 : i32
      %dma_start3A_1887 = arith.constant 0 : i32
      %dma_start3A_1888 = tpu.memref_slice %arg2[%dma_start3A_1886, %dma_start3A_1887] : memref<10000x128xf32, #tpu.memory_space<hbm>> -> memref<10000x128xf32, #tpu.memory_space<hbm>>
      tpu.enqueue_indirect_dma source(%dma_start3A_1888 : memref<10000x128xf32, #tpu.memory_space<hbm>>) target(%dma_start3A_1883 : memref<16x128xf32, #tpu.memory_space<vmem>>) offsets(%dma_start3A_1885 : memref<16xi32, #tpu.memory_space<vmem>>) semaphore(%arg15 : memref<!tpu.dma_semaphore, #tpu.memory_space<semaphore_mem>>) {add = true}
      %dma_start3A_1889 = arith.constant 0 : i32
      %dma_start3A_1890 = arith.constant 0 : i32
      %dma_start3A_1891 = tpu.memref_slice %arg8[%dma_start3A_1889, %dma_start3A_1890] : memref<312x128xf32, #tpu.memory_space<vmem>> -> memref<16x128xf32, #tpu.memory_space<vmem>>
      %dma_start3A_1892 = arith.constant 416 : i32
      %dma_start3A_1893 = tpu.memref_slice %arg7[%dma_start3A_1892] : memref<512xi32, #tpu.memory_space<vmem>> -> memref<16xi32, #tpu.memory_space<vmem>>
      %dma_start3A_1894 = arith.constant 0 : i32
      %dma_start3A_1895 = arith.constant 0 : i32
      %dma_start3A_1896 = tpu.memref_slice %arg2[%dma_start3A_1894, %dma_start3A_1895] : memref<10000x128xf32, #tpu.memory_space<hbm>> -> memref<10000x128xf32, #tpu.memory_space<hbm>>
      tpu.enqueue_indirect_dma source(%dma_start3A_1896 : memref<10000x128xf32, #tpu.memory_space<hbm>>) target(%dma_start3A_1891 : memref<16x128xf32, #tpu.memory_space<vmem>>) offsets(%dma_start3A_1893 : memref<16xi32, #tpu.memory_space<vmem>>) semaphore(%arg15 : memref<!tpu.dma_semaphore, #tpu.memory_space<semaphore_mem>>) {add = true}
      %dma_start3A_1897 = arith.constant 0 : i32
      %dma_start3A_1898 = arith.constant 0 : i32
      %dma_start3A_1899 = tpu.memref_slice %arg8[%dma_start3A_1897, %dma_start3A_1898] : memref<312x128xf32, #tpu.memory_space<vmem>> -> memref<16x128xf32, #tpu.memory_space<vmem>>
      %dma_start3A_1900 = arith.constant 432 : i32
      %dma_start3A_1901 = tpu.memref_slice %arg7[%dma_start3A_1900] : memref<512xi32, #tpu.memory_space<vmem>> -> memref<16xi32, #tpu.memory_space<vmem>>
      %dma_start3A_1902 = arith.constant 0 : i32
      %dma_start3A_1903 = arith.constant 0 : i32
      %dma_start3A_1904 = tpu.memref_slice %arg2[%dma_start3A_1902, %dma_start3A_1903] : memref<10000x128xf32, #tpu.memory_space<hbm>> -> memref<10000x128xf32, #tpu.memory_space<hbm>>
      tpu.enqueue_indirect_dma source(%dma_start3A_1904 : memref<10000x128xf32, #tpu.memory_space<hbm>>) target(%dma_start3A_1899 : memref<16x128xf32, #tpu.memory_space<vmem>>) offsets(%dma_start3A_1901 : memref<16xi32, #tpu.memory_space<vmem>>) semaphore(%arg15 : memref<!tpu.dma_semaphore, #tpu.memory_space<semaphore_mem>>) {add = true}
      %dma_start3A_1905 = arith.constant 0 : i32
      %dma_start3A_1906 = arith.constant 0 : i32
      %dma_start3A_1907 = tpu.memref_slice %arg8[%dma_start3A_1905, %dma_start3A_1906] : memref<312x128xf32, #tpu.memory_space<vmem>> -> memref<16x128xf32, #tpu.memory_space<vmem>>
      %dma_start3A_1908 = arith.constant 448 : i32
      %dma_start3A_1909 = tpu.memref_slice %arg7[%dma_start3A_1908] : memref<512xi32, #tpu.memory_space<vmem>> -> memref<16xi32, #tpu.memory_space<vmem>>
      %dma_start3A_1910 = arith.constant 0 : i32
      %dma_start3A_1911 = arith.constant 0 : i32
      %dma_start3A_1912 = tpu.memref_slice %arg2[%dma_start3A_1910, %dma_start3A_1911] : memref<10000x128xf32, #tpu.memory_space<hbm>> -> memref<10000x128xf32, #tpu.memory_space<hbm>>
      tpu.enqueue_indirect_dma source(%dma_start3A_1912 : memref<10000x128xf32, #tpu.memory_space<hbm>>) target(%dma_start3A_1907 : memref<16x128xf32, #tpu.memory_space<vmem>>) offsets(%dma_start3A_1909 : memref<16xi32, #tpu.memory_space<vmem>>) semaphore(%arg15 : memref<!tpu.dma_semaphore, #tpu.memory_space<semaphore_mem>>) {add = true}
      %dma_start3A_1913 = arith.constant 0 : i32
      %dma_start3A_1914 = arith.constant 0 : i32
      %dma_start3A_1915 = tpu.memref_slice %arg8[%dma_start3A_1913, %dma_start3A_1914] : memref<312x128xf32, #tpu.memory_space<vmem>> -> memref<16x128xf32, #tpu.memory_space<vmem>>
      %dma_start3A_1916 = arith.constant 464 : i32
      %dma_start3A_1917 = tpu.memref_slice %arg7[%dma_start3A_1916] : memref<512xi32, #tpu.memory_space<vmem>> -> memref<16xi32, #tpu.memory_space<vmem>>
      %dma_start3A_1918 = arith.constant 0 : i32
      %dma_start3A_1919 = arith.constant 0 : i32
      %dma_start3A_1920 = tpu.memref_slice %arg2[%dma_start3A_1918, %dma_start3A_1919] : memref<10000x128xf32, #tpu.memory_space<hbm>> -> memref<10000x128xf32, #tpu.memory_space<hbm>>
      tpu.enqueue_indirect_dma source(%dma_start3A_1920 : memref<10000x128xf32, #tpu.memory_space<hbm>>) target(%dma_start3A_1915 : memref<16x128xf32, #tpu.memory_space<vmem>>) offsets(%dma_start3A_1917 : memref<16xi32, #tpu.memory_space<vmem>>) semaphore(%arg15 : memref<!tpu.dma_semaphore, #tpu.memory_space<semaphore_mem>>) {add = true}
      %dma_start3A_1921 = arith.constant 0 : i32
      %dma_start3A_1922 = arith.constant 0 : i32
      %dma_start3A_1923 = tpu.memref_slice %arg8[%dma_start3A_1921, %dma_start3A_1922] : memref<312x128xf32, #tpu.memory_space<vmem>> -> memref<16x128xf32, #tpu.memory_space<vmem>>
      %dma_start3A_1924 = arith.constant 480 : i32
      %dma_start3A_1925 = tpu.memref_slice %arg7[%dma_start3A_1924] : memref<512xi32, #tpu.memory_space<vmem>> -> memref<16xi32, #tpu.memory_space<vmem>>
      %dma_start3A_1926 = arith.constant 0 : i32
      %dma_start3A_1927 = arith.constant 0 : i32
      %dma_start3A_1928 = tpu.memref_slice %arg2[%dma_start3A_1926, %dma_start3A_1927] : memref<10000x128xf32, #tpu.memory_space<hbm>> -> memref<10000x128xf32, #tpu.memory_space<hbm>>
      tpu.enqueue_indirect_dma source(%dma_start3A_1928 : memref<10000x128xf32, #tpu.memory_space<hbm>>) target(%dma_start3A_1923 : memref<16x128xf32, #tpu.memory_space<vmem>>) offsets(%dma_start3A_1925 : memref<16xi32, #tpu.memory_space<vmem>>) semaphore(%arg15 : memref<!tpu.dma_semaphore, #tpu.memory_space<semaphore_mem>>) {add = true}
      %dma_start3A_1929 = arith.constant 0 : i32
      %dma_start3A_1930 = arith.constant 0 : i32
      %dma_start3A_1931 = tpu.memref_slice %arg8[%dma_start3A_1929, %dma_start3A_1930] : memref<312x128xf32, #tpu.memory_space<vmem>> -> memref<16x128xf32, #tpu.memory_space<vmem>>
      %dma_start3A_1932 = arith.constant 496 : i32
      %dma_start3A_1933 = tpu.memref_slice %arg7[%dma_start3A_1932] : memref<512xi32, #tpu.memory_space<vmem>> -> memref<16xi32, #tpu.memory_space<vmem>>
      %dma_start3A_1934 = arith.constant 0 : i32
      %dma_start3A_1935 = arith.constant 0 : i32
      %dma_start3A_1936 = tpu.memref_slice %arg2[%dma_start3A_1934, %dma_start3A_1935] : memref<10000x128xf32, #tpu.memory_space<hbm>> -> memref<10000x128xf32, #tpu.memory_space<hbm>>
      tpu.enqueue_indirect_dma source(%dma_start3A_1936 : memref<10000x128xf32, #tpu.memory_space<hbm>>) target(%dma_start3A_1931 : memref<16x128xf32, #tpu.memory_space<vmem>>) offsets(%dma_start3A_1933 : memref<16xi32, #tpu.memory_space<vmem>>) semaphore(%arg15 : memref<!tpu.dma_semaphore, #tpu.memory_space<semaphore_mem>>) {add = true}
      %dma_wait3A_1937 = arith.constant 0 : i32
      %dma_wait3A_1938 = arith.constant 0 : i32
      %dma_wait3A_1939 = tpu.memref_slice %arg8[%dma_wait3A_1937, %dma_wait3A_1938] : memref<312x128xf32, #tpu.memory_space<vmem>> -> memref<16x128xf32, #tpu.memory_space<vmem>>
      %dma_wait3A_1940 = arith.constant 0 : i32
      %dma_wait3A_1941 = tpu.memref_slice %arg7[%dma_wait3A_1940] : memref<512xi32, #tpu.memory_space<vmem>> -> memref<16xi32, #tpu.memory_space<vmem>>
      %dma_wait3A_1942 = arith.constant 0 : i32
      %dma_wait3A_1943 = arith.constant 0 : i32
      %dma_wait3A_1944 = tpu.memref_slice %arg2[%dma_wait3A_1942, %dma_wait3A_1943] : memref<10000x128xf32, #tpu.memory_space<hbm>> -> memref<10000x128xf32, #tpu.memory_space<hbm>>
      tpu.wait_indirect_dma semaphore(%arg15 : memref<!tpu.dma_semaphore, #tpu.memory_space<semaphore_mem>>) src(%dma_wait3A_1944 : memref<10000x128xf32, #tpu.memory_space<hbm>>) dst(%dma_wait3A_1939 : memref<16x128xf32, #tpu.memory_space<vmem>>)
      %dma_wait3A_1945 = arith.constant 0 : i32
      %dma_wait3A_1946 = arith.constant 0 : i32
      %dma_wait3A_1947 = tpu.memref_slice %arg8[%dma_wait3A_1945, %dma_wait3A_1946] : memref<312x128xf32, #tpu.memory_space<vmem>> -> memref<16x128xf32, #tpu.memory_space<vmem>>
      %dma_wait3A_1948 = arith.constant 16 : i32
      %dma_wait3A_1949 = tpu.memref_slice %arg7[%dma_wait3A_1948] : memref<512xi32, #tpu.memory_space<vmem>> -> memref<16xi32, #tpu.memory_space<vmem>>
      %dma_wait3A_1950 = arith.constant 0 : i32
      %dma_wait3A_1951 = arith.constant 0 : i32
      %dma_wait3A_1952 = tpu.memref_slice %arg2[%dma_wait3A_1950, %dma_wait3A_1951] : memref<10000x128xf32, #tpu.memory_space<hbm>> -> memref<10000x128xf32, #tpu.memory_space<hbm>>
      tpu.wait_indirect_dma semaphore(%arg15 : memref<!tpu.dma_semaphore, #tpu.memory_space<semaphore_mem>>) src(%dma_wait3A_1952 : memref<10000x128xf32, #tpu.memory_space<hbm>>) dst(%dma_wait3A_1947 : memref<16x128xf32, #tpu.memory_space<vmem>>)
      %dma_wait3A_1953 = arith.constant 0 : i32
      %dma_wait3A_1954 = arith.constant 0 : i32
      %dma_wait3A_1955 = tpu.memref_slice %arg8[%dma_wait3A_1953, %dma_wait3A_1954] : memref<312x128xf32, #tpu.memory_space<vmem>> -> memref<16x128xf32, #tpu.memory_space<vmem>>
      %dma_wait3A_1956 = arith.constant 32 : i32
      %dma_wait3A_1957 = tpu.memref_slice %arg7[%dma_wait3A_1956] : memref<512xi32, #tpu.memory_space<vmem>> -> memref<16xi32, #tpu.memory_space<vmem>>
      %dma_wait3A_1958 = arith.constant 0 : i32
      %dma_wait3A_1959 = arith.constant 0 : i32
      %dma_wait3A_1960 = tpu.memref_slice %arg2[%dma_wait3A_1958, %dma_wait3A_1959] : memref<10000x128xf32, #tpu.memory_space<hbm>> -> memref<10000x128xf32, #tpu.memory_space<hbm>>
      tpu.wait_indirect_dma semaphore(%arg15 : memref<!tpu.dma_semaphore, #tpu.memory_space<semaphore_mem>>) src(%dma_wait3A_1960 : memref<10000x128xf32, #tpu.memory_space<hbm>>) dst(%dma_wait3A_1955 : memref<16x128xf32, #tpu.memory_space<vmem>>)
      %dma_wait3A_1961 = arith.constant 0 : i32
      %dma_wait3A_1962 = arith.constant 0 : i32
      %dma_wait3A_1963 = tpu.memref_slice %arg8[%dma_wait3A_1961, %dma_wait3A_1962] : memref<312x128xf32, #tpu.memory_space<vmem>> -> memref<16x128xf32, #tpu.memory_space<vmem>>
      %dma_wait3A_1964 = arith.constant 48 : i32
      %dma_wait3A_1965 = tpu.memref_slice %arg7[%dma_wait3A_1964] : memref<512xi32, #tpu.memory_space<vmem>> -> memref<16xi32, #tpu.memory_space<vmem>>
      %dma_wait3A_1966 = arith.constant 0 : i32
      %dma_wait3A_1967 = arith.constant 0 : i32
      %dma_wait3A_1968 = tpu.memref_slice %arg2[%dma_wait3A_1966, %dma_wait3A_1967] : memref<10000x128xf32, #tpu.memory_space<hbm>> -> memref<10000x128xf32, #tpu.memory_space<hbm>>
      tpu.wait_indirect_dma semaphore(%arg15 : memref<!tpu.dma_semaphore, #tpu.memory_space<semaphore_mem>>) src(%dma_wait3A_1968 : memref<10000x128xf32, #tpu.memory_space<hbm>>) dst(%dma_wait3A_1963 : memref<16x128xf32, #tpu.memory_space<vmem>>)
      %dma_wait3A_1969 = arith.constant 0 : i32
      %dma_wait3A_1970 = arith.constant 0 : i32
      %dma_wait3A_1971 = tpu.memref_slice %arg8[%dma_wait3A_1969, %dma_wait3A_1970] : memref<312x128xf32, #tpu.memory_space<vmem>> -> memref<16x128xf32, #tpu.memory_space<vmem>>
      %dma_wait3A_1972 = arith.constant 64 : i32
      %dma_wait3A_1973 = tpu.memref_slice %arg7[%dma_wait3A_1972] : memref<512xi32, #tpu.memory_space<vmem>> -> memref<16xi32, #tpu.memory_space<vmem>>
      %dma_wait3A_1974 = arith.constant 0 : i32
      %dma_wait3A_1975 = arith.constant 0 : i32
      %dma_wait3A_1976 = tpu.memref_slice %arg2[%dma_wait3A_1974, %dma_wait3A_1975] : memref<10000x128xf32, #tpu.memory_space<hbm>> -> memref<10000x128xf32, #tpu.memory_space<hbm>>
      tpu.wait_indirect_dma semaphore(%arg15 : memref<!tpu.dma_semaphore, #tpu.memory_space<semaphore_mem>>) src(%dma_wait3A_1976 : memref<10000x128xf32, #tpu.memory_space<hbm>>) dst(%dma_wait3A_1971 : memref<16x128xf32, #tpu.memory_space<vmem>>)
      %dma_wait3A_1977 = arith.constant 0 : i32
      %dma_wait3A_1978 = arith.constant 0 : i32
      %dma_wait3A_1979 = tpu.memref_slice %arg8[%dma_wait3A_1977, %dma_wait3A_1978] : memref<312x128xf32, #tpu.memory_space<vmem>> -> memref<16x128xf32, #tpu.memory_space<vmem>>
      %dma_wait3A_1980 = arith.constant 80 : i32
      %dma_wait3A_1981 = tpu.memref_slice %arg7[%dma_wait3A_1980] : memref<512xi32, #tpu.memory_space<vmem>> -> memref<16xi32, #tpu.memory_space<vmem>>
      %dma_wait3A_1982 = arith.constant 0 : i32
      %dma_wait3A_1983 = arith.constant 0 : i32
      %dma_wait3A_1984 = tpu.memref_slice %arg2[%dma_wait3A_1982, %dma_wait3A_1983] : memref<10000x128xf32, #tpu.memory_space<hbm>> -> memref<10000x128xf32, #tpu.memory_space<hbm>>
      tpu.wait_indirect_dma semaphore(%arg15 : memref<!tpu.dma_semaphore, #tpu.memory_space<semaphore_mem>>) src(%dma_wait3A_1984 : memref<10000x128xf32, #tpu.memory_space<hbm>>) dst(%dma_wait3A_1979 : memref<16x128xf32, #tpu.memory_space<vmem>>)
      %dma_wait3A_1985 = arith.constant 0 : i32
      %dma_wait3A_1986 = arith.constant 0 : i32
      %dma_wait3A_1987 = tpu.memref_slice %arg8[%dma_wait3A_1985, %dma_wait3A_1986] : memref<312x128xf32, #tpu.memory_space<vmem>> -> memref<16x128xf32, #tpu.memory_space<vmem>>
      %dma_wait3A_1988 = arith.constant 96 : i32
      %dma_wait3A_1989 = tpu.memref_slice %arg7[%dma_wait3A_1988] : memref<512xi32, #tpu.memory_space<vmem>> -> memref<16xi32, #tpu.memory_space<vmem>>
      %dma_wait3A_1990 = arith.constant 0 : i32
      %dma_wait3A_1991 = arith.constant 0 : i32
      %dma_wait3A_1992 = tpu.memref_slice %arg2[%dma_wait3A_1990, %dma_wait3A_1991] : memref<10000x128xf32, #tpu.memory_space<hbm>> -> memref<10000x128xf32, #tpu.memory_space<hbm>>
      tpu.wait_indirect_dma semaphore(%arg15 : memref<!tpu.dma_semaphore, #tpu.memory_space<semaphore_mem>>) src(%dma_wait3A_1992 : memref<10000x128xf32, #tpu.memory_space<hbm>>) dst(%dma_wait3A_1987 : memref<16x128xf32, #tpu.memory_space<vmem>>)
      %dma_wait3A_1993 = arith.constant 0 : i32
      %dma_wait3A_1994 = arith.constant 0 : i32
      %dma_wait3A_1995 = tpu.memref_slice %arg8[%dma_wait3A_1993, %dma_wait3A_1994] : memref<312x128xf32, #tpu.memory_space<vmem>> -> memref<16x128xf32, #tpu.memory_space<vmem>>
      %dma_wait3A_1996 = arith.constant 112 : i32
      %dma_wait3A_1997 = tpu.memref_slice %arg7[%dma_wait3A_1996] : memref<512xi32, #tpu.memory_space<vmem>> -> memref<16xi32, #tpu.memory_space<vmem>>
      %dma_wait3A_1998 = arith.constant 0 : i32
      %dma_wait3A_1999 = arith.constant 0 : i32
      %dma_wait3A_2000 = tpu.memref_slice %arg2[%dma_wait3A_1998, %dma_wait3A_1999] : memref<10000x128xf32, #tpu.memory_space<hbm>> -> memref<10000x128xf32, #tpu.memory_space<hbm>>
      tpu.wait_indirect_dma semaphore(%arg15 : memref<!tpu.dma_semaphore, #tpu.memory_space<semaphore_mem>>) src(%dma_wait3A_2000 : memref<10000x128xf32, #tpu.memory_space<hbm>>) dst(%dma_wait3A_1995 : memref<16x128xf32, #tpu.memory_space<vmem>>)
      %dma_wait3A_2001 = arith.constant 0 : i32
      %dma_wait3A_2002 = arith.constant 0 : i32
      %dma_wait3A_2003 = tpu.memref_slice %arg8[%dma_wait3A_2001, %dma_wait3A_2002] : memref<312x128xf32, #tpu.memory_space<vmem>> -> memref<16x128xf32, #tpu.memory_space<vmem>>
      %dma_wait3A_2004 = arith.constant 128 : i32
      %dma_wait3A_2005 = tpu.memref_slice %arg7[%dma_wait3A_2004] : memref<512xi32, #tpu.memory_space<vmem>> -> memref<16xi32, #tpu.memory_space<vmem>>
      %dma_wait3A_2006 = arith.constant 0 : i32
      %dma_wait3A_2007 = arith.constant 0 : i32
      %dma_wait3A_2008 = tpu.memref_slice %arg2[%dma_wait3A_2006, %dma_wait3A_2007] : memref<10000x128xf32, #tpu.memory_space<hbm>> -> memref<10000x128xf32, #tpu.memory_space<hbm>>
      tpu.wait_indirect_dma semaphore(%arg15 : memref<!tpu.dma_semaphore, #tpu.memory_space<semaphore_mem>>) src(%dma_wait3A_2008 : memref<10000x128xf32, #tpu.memory_space<hbm>>) dst(%dma_wait3A_2003 : memref<16x128xf32, #tpu.memory_space<vmem>>)
      %dma_wait3A_2009 = arith.constant 0 : i32
      %dma_wait3A_2010 = arith.constant 0 : i32
      %dma_wait3A_2011 = tpu.memref_slice %arg8[%dma_wait3A_2009, %dma_wait3A_2010] : memref<312x128xf32, #tpu.memory_space<vmem>> -> memref<16x128xf32, #tpu.memory_space<vmem>>
      %dma_wait3A_2012 = arith.constant 144 : i32
      %dma_wait3A_2013 = tpu.memref_slice %arg7[%dma_wait3A_2012] : memref<512xi32, #tpu.memory_space<vmem>> -> memref<16xi32, #tpu.memory_space<vmem>>
      %dma_wait3A_2014 = arith.constant 0 : i32
      %dma_wait3A_2015 = arith.constant 0 : i32
      %dma_wait3A_2016 = tpu.memref_slice %arg2[%dma_wait3A_2014, %dma_wait3A_2015] : memref<10000x128xf32, #tpu.memory_space<hbm>> -> memref<10000x128xf32, #tpu.memory_space<hbm>>
      tpu.wait_indirect_dma semaphore(%arg15 : memref<!tpu.dma_semaphore, #tpu.memory_space<semaphore_mem>>) src(%dma_wait3A_2016 : memref<10000x128xf32, #tpu.memory_space<hbm>>) dst(%dma_wait3A_2011 : memref<16x128xf32, #tpu.memory_space<vmem>>)
      %dma_wait3A_2017 = arith.constant 0 : i32
      %dma_wait3A_2018 = arith.constant 0 : i32
      %dma_wait3A_2019 = tpu.memref_slice %arg8[%dma_wait3A_2017, %dma_wait3A_2018] : memref<312x128xf32, #tpu.memory_space<vmem>> -> memref<16x128xf32, #tpu.memory_space<vmem>>
      %dma_wait3A_2020 = arith.constant 160 : i32
      %dma_wait3A_2021 = tpu.memref_slice %arg7[%dma_wait3A_2020] : memref<512xi32, #tpu.memory_space<vmem>> -> memref<16xi32, #tpu.memory_space<vmem>>
      %dma_wait3A_2022 = arith.constant 0 : i32
      %dma_wait3A_2023 = arith.constant 0 : i32
      %dma_wait3A_2024 = tpu.memref_slice %arg2[%dma_wait3A_2022, %dma_wait3A_2023] : memref<10000x128xf32, #tpu.memory_space<hbm>> -> memref<10000x128xf32, #tpu.memory_space<hbm>>
      tpu.wait_indirect_dma semaphore(%arg15 : memref<!tpu.dma_semaphore, #tpu.memory_space<semaphore_mem>>) src(%dma_wait3A_2024 : memref<10000x128xf32, #tpu.memory_space<hbm>>) dst(%dma_wait3A_2019 : memref<16x128xf32, #tpu.memory_space<vmem>>)
      %dma_wait3A_2025 = arith.constant 0 : i32
      %dma_wait3A_2026 = arith.constant 0 : i32
      %dma_wait3A_2027 = tpu.memref_slice %arg8[%dma_wait3A_2025, %dma_wait3A_2026] : memref<312x128xf32, #tpu.memory_space<vmem>> -> memref<16x128xf32, #tpu.memory_space<vmem>>
      %dma_wait3A_2028 = arith.constant 176 : i32
      %dma_wait3A_2029 = tpu.memref_slice %arg7[%dma_wait3A_2028] : memref<512xi32, #tpu.memory_space<vmem>> -> memref<16xi32, #tpu.memory_space<vmem>>
      %dma_wait3A_2030 = arith.constant 0 : i32
      %dma_wait3A_2031 = arith.constant 0 : i32
      %dma_wait3A_2032 = tpu.memref_slice %arg2[%dma_wait3A_2030, %dma_wait3A_2031] : memref<10000x128xf32, #tpu.memory_space<hbm>> -> memref<10000x128xf32, #tpu.memory_space<hbm>>
      tpu.wait_indirect_dma semaphore(%arg15 : memref<!tpu.dma_semaphore, #tpu.memory_space<semaphore_mem>>) src(%dma_wait3A_2032 : memref<10000x128xf32, #tpu.memory_space<hbm>>) dst(%dma_wait3A_2027 : memref<16x128xf32, #tpu.memory_space<vmem>>)
      %dma_wait3A_2033 = arith.constant 0 : i32
      %dma_wait3A_2034 = arith.constant 0 : i32
      %dma_wait3A_2035 = tpu.memref_slice %arg8[%dma_wait3A_2033, %dma_wait3A_2034] : memref<312x128xf32, #tpu.memory_space<vmem>> -> memref<16x128xf32, #tpu.memory_space<vmem>>
      %dma_wait3A_2036 = arith.constant 192 : i32
      %dma_wait3A_2037 = tpu.memref_slice %arg7[%dma_wait3A_2036] : memref<512xi32, #tpu.memory_space<vmem>> -> memref<16xi32, #tpu.memory_space<vmem>>
      %dma_wait3A_2038 = arith.constant 0 : i32
      %dma_wait3A_2039 = arith.constant 0 : i32
      %dma_wait3A_2040 = tpu.memref_slice %arg2[%dma_wait3A_2038, %dma_wait3A_2039] : memref<10000x128xf32, #tpu.memory_space<hbm>> -> memref<10000x128xf32, #tpu.memory_space<hbm>>
      tpu.wait_indirect_dma semaphore(%arg15 : memref<!tpu.dma_semaphore, #tpu.memory_space<semaphore_mem>>) src(%dma_wait3A_2040 : memref<10000x128xf32, #tpu.memory_space<hbm>>) dst(%dma_wait3A_2035 : memref<16x128xf32, #tpu.memory_space<vmem>>)
      %dma_wait3A_2041 = arith.constant 0 : i32
      %dma_wait3A_2042 = arith.constant 0 : i32
      %dma_wait3A_2043 = tpu.memref_slice %arg8[%dma_wait3A_2041, %dma_wait3A_2042] : memref<312x128xf32, #tpu.memory_space<vmem>> -> memref<16x128xf32, #tpu.memory_space<vmem>>
      %dma_wait3A_2044 = arith.constant 208 : i32
      %dma_wait3A_2045 = tpu.memref_slice %arg7[%dma_wait3A_2044] : memref<512xi32, #tpu.memory_space<vmem>> -> memref<16xi32, #tpu.memory_space<vmem>>
      %dma_wait3A_2046 = arith.constant 0 : i32
      %dma_wait3A_2047 = arith.constant 0 : i32
      %dma_wait3A_2048 = tpu.memref_slice %arg2[%dma_wait3A_2046, %dma_wait3A_2047] : memref<10000x128xf32, #tpu.memory_space<hbm>> -> memref<10000x128xf32, #tpu.memory_space<hbm>>
      tpu.wait_indirect_dma semaphore(%arg15 : memref<!tpu.dma_semaphore, #tpu.memory_space<semaphore_mem>>) src(%dma_wait3A_2048 : memref<10000x128xf32, #tpu.memory_space<hbm>>) dst(%dma_wait3A_2043 : memref<16x128xf32, #tpu.memory_space<vmem>>)
      %dma_wait3A_2049 = arith.constant 0 : i32
      %dma_wait3A_2050 = arith.constant 0 : i32
      %dma_wait3A_2051 = tpu.memref_slice %arg8[%dma_wait3A_2049, %dma_wait3A_2050] : memref<312x128xf32, #tpu.memory_space<vmem>> -> memref<16x128xf32, #tpu.memory_space<vmem>>
      %dma_wait3A_2052 = arith.constant 224 : i32
      %dma_wait3A_2053 = tpu.memref_slice %arg7[%dma_wait3A_2052] : memref<512xi32, #tpu.memory_space<vmem>> -> memref<16xi32, #tpu.memory_space<vmem>>
      %dma_wait3A_2054 = arith.constant 0 : i32
      %dma_wait3A_2055 = arith.constant 0 : i32
      %dma_wait3A_2056 = tpu.memref_slice %arg2[%dma_wait3A_2054, %dma_wait3A_2055] : memref<10000x128xf32, #tpu.memory_space<hbm>> -> memref<10000x128xf32, #tpu.memory_space<hbm>>
      tpu.wait_indirect_dma semaphore(%arg15 : memref<!tpu.dma_semaphore, #tpu.memory_space<semaphore_mem>>) src(%dma_wait3A_2056 : memref<10000x128xf32, #tpu.memory_space<hbm>>) dst(%dma_wait3A_2051 : memref<16x128xf32, #tpu.memory_space<vmem>>)
      %dma_wait3A_2057 = arith.constant 0 : i32
      %dma_wait3A_2058 = arith.constant 0 : i32
      %dma_wait3A_2059 = tpu.memref_slice %arg8[%dma_wait3A_2057, %dma_wait3A_2058] : memref<312x128xf32, #tpu.memory_space<vmem>> -> memref<16x128xf32, #tpu.memory_space<vmem>>
      %dma_wait3A_2060 = arith.constant 240 : i32
      %dma_wait3A_2061 = tpu.memref_slice %arg7[%dma_wait3A_2060] : memref<512xi32, #tpu.memory_space<vmem>> -> memref<16xi32, #tpu.memory_space<vmem>>
      %dma_wait3A_2062 = arith.constant 0 : i32
      %dma_wait3A_2063 = arith.constant 0 : i32
      %dma_wait3A_2064 = tpu.memref_slice %arg2[%dma_wait3A_2062, %dma_wait3A_2063] : memref<10000x128xf32, #tpu.memory_space<hbm>> -> memref<10000x128xf32, #tpu.memory_space<hbm>>
      tpu.wait_indirect_dma semaphore(%arg15 : memref<!tpu.dma_semaphore, #tpu.memory_space<semaphore_mem>>) src(%dma_wait3A_2064 : memref<10000x128xf32, #tpu.memory_space<hbm>>) dst(%dma_wait3A_2059 : memref<16x128xf32, #tpu.memory_space<vmem>>)
      %dma_wait3A_2065 = arith.constant 0 : i32
      %dma_wait3A_2066 = arith.constant 0 : i32
      %dma_wait3A_2067 = tpu.memref_slice %arg8[%dma_wait3A_2065, %dma_wait3A_2066] : memref<312x128xf32, #tpu.memory_space<vmem>> -> memref<16x128xf32, #tpu.memory_space<vmem>>
      %dma_wait3A_2068 = arith.constant 256 : i32
      %dma_wait3A_2069 = tpu.memref_slice %arg7[%dma_wait3A_2068] : memref<512xi32, #tpu.memory_space<vmem>> -> memref<16xi32, #tpu.memory_space<vmem>>
      %dma_wait3A_2070 = arith.constant 0 : i32
      %dma_wait3A_2071 = arith.constant 0 : i32
      %dma_wait3A_2072 = tpu.memref_slice %arg2[%dma_wait3A_2070, %dma_wait3A_2071] : memref<10000x128xf32, #tpu.memory_space<hbm>> -> memref<10000x128xf32, #tpu.memory_space<hbm>>
      tpu.wait_indirect_dma semaphore(%arg15 : memref<!tpu.dma_semaphore, #tpu.memory_space<semaphore_mem>>) src(%dma_wait3A_2072 : memref<10000x128xf32, #tpu.memory_space<hbm>>) dst(%dma_wait3A_2067 : memref<16x128xf32, #tpu.memory_space<vmem>>)
      %dma_wait3A_2073 = arith.constant 0 : i32
      %dma_wait3A_2074 = arith.constant 0 : i32
      %dma_wait3A_2075 = tpu.memref_slice %arg8[%dma_wait3A_2073, %dma_wait3A_2074] : memref<312x128xf32, #tpu.memory_space<vmem>> -> memref<16x128xf32, #tpu.memory_space<vmem>>
      %dma_wait3A_2076 = arith.constant 272 : i32
      %dma_wait3A_2077 = tpu.memref_slice %arg7[%dma_wait3A_2076] : memref<512xi32, #tpu.memory_space<vmem>> -> memref<16xi32, #tpu.memory_space<vmem>>
      %dma_wait3A_2078 = arith.constant 0 : i32
      %dma_wait3A_2079 = arith.constant 0 : i32
      %dma_wait3A_2080 = tpu.memref_slice %arg2[%dma_wait3A_2078, %dma_wait3A_2079] : memref<10000x128xf32, #tpu.memory_space<hbm>> -> memref<10000x128xf32, #tpu.memory_space<hbm>>
      tpu.wait_indirect_dma semaphore(%arg15 : memref<!tpu.dma_semaphore, #tpu.memory_space<semaphore_mem>>) src(%dma_wait3A_2080 : memref<10000x128xf32, #tpu.memory_space<hbm>>) dst(%dma_wait3A_2075 : memref<16x128xf32, #tpu.memory_space<vmem>>)
      %dma_wait3A_2081 = arith.constant 0 : i32
      %dma_wait3A_2082 = arith.constant 0 : i32
      %dma_wait3A_2083 = tpu.memref_slice %arg8[%dma_wait3A_2081, %dma_wait3A_2082] : memref<312x128xf32, #tpu.memory_space<vmem>> -> memref<16x128xf32, #tpu.memory_space<vmem>>
      %dma_wait3A_2084 = arith.constant 288 : i32
      %dma_wait3A_2085 = tpu.memref_slice %arg7[%dma_wait3A_2084] : memref<512xi32, #tpu.memory_space<vmem>> -> memref<16xi32, #tpu.memory_space<vmem>>
      %dma_wait3A_2086 = arith.constant 0 : i32
      %dma_wait3A_2087 = arith.constant 0 : i32
      %dma_wait3A_2088 = tpu.memref_slice %arg2[%dma_wait3A_2086, %dma_wait3A_2087] : memref<10000x128xf32, #tpu.memory_space<hbm>> -> memref<10000x128xf32, #tpu.memory_space<hbm>>
      tpu.wait_indirect_dma semaphore(%arg15 : memref<!tpu.dma_semaphore, #tpu.memory_space<semaphore_mem>>) src(%dma_wait3A_2088 : memref<10000x128xf32, #tpu.memory_space<hbm>>) dst(%dma_wait3A_2083 : memref<16x128xf32, #tpu.memory_space<vmem>>)
      %dma_wait3A_2089 = arith.constant 0 : i32
      %dma_wait3A_2090 = arith.constant 0 : i32
      %dma_wait3A_2091 = tpu.memref_slice %arg8[%dma_wait3A_2089, %dma_wait3A_2090] : memref<312x128xf32, #tpu.memory_space<vmem>> -> memref<16x128xf32, #tpu.memory_space<vmem>>
      %dma_wait3A_2092 = arith.constant 304 : i32
      %dma_wait3A_2093 = tpu.memref_slice %arg7[%dma_wait3A_2092] : memref<512xi32, #tpu.memory_space<vmem>> -> memref<16xi32, #tpu.memory_space<vmem>>
      %dma_wait3A_2094 = arith.constant 0 : i32
      %dma_wait3A_2095 = arith.constant 0 : i32
      %dma_wait3A_2096 = tpu.memref_slice %arg2[%dma_wait3A_2094, %dma_wait3A_2095] : memref<10000x128xf32, #tpu.memory_space<hbm>> -> memref<10000x128xf32, #tpu.memory_space<hbm>>
      tpu.wait_indirect_dma semaphore(%arg15 : memref<!tpu.dma_semaphore, #tpu.memory_space<semaphore_mem>>) src(%dma_wait3A_2096 : memref<10000x128xf32, #tpu.memory_space<hbm>>) dst(%dma_wait3A_2091 : memref<16x128xf32, #tpu.memory_space<vmem>>)
      %dma_wait3A_2097 = arith.constant 0 : i32
      %dma_wait3A_2098 = arith.constant 0 : i32
      %dma_wait3A_2099 = tpu.memref_slice %arg8[%dma_wait3A_2097, %dma_wait3A_2098] : memref<312x128xf32, #tpu.memory_space<vmem>> -> memref<16x128xf32, #tpu.memory_space<vmem>>
      %dma_wait3A_2100 = arith.constant 320 : i32
      %dma_wait3A_2101 = tpu.memref_slice %arg7[%dma_wait3A_2100] : memref<512xi32, #tpu.memory_space<vmem>> -> memref<16xi32, #tpu.memory_space<vmem>>
      %dma_wait3A_2102 = arith.constant 0 : i32
      %dma_wait3A_2103 = arith.constant 0 : i32
      %dma_wait3A_2104 = tpu.memref_slice %arg2[%dma_wait3A_2102, %dma_wait3A_2103] : memref<10000x128xf32, #tpu.memory_space<hbm>> -> memref<10000x128xf32, #tpu.memory_space<hbm>>
      tpu.wait_indirect_dma semaphore(%arg15 : memref<!tpu.dma_semaphore, #tpu.memory_space<semaphore_mem>>) src(%dma_wait3A_2104 : memref<10000x128xf32, #tpu.memory_space<hbm>>) dst(%dma_wait3A_2099 : memref<16x128xf32, #tpu.memory_space<vmem>>)
      %dma_wait3A_2105 = arith.constant 0 : i32
      %dma_wait3A_2106 = arith.constant 0 : i32
      %dma_wait3A_2107 = tpu.memref_slice %arg8[%dma_wait3A_2105, %dma_wait3A_2106] : memref<312x128xf32, #tpu.memory_space<vmem>> -> memref<16x128xf32, #tpu.memory_space<vmem>>
      %dma_wait3A_2108 = arith.constant 336 : i32
      %dma_wait3A_2109 = tpu.memref_slice %arg7[%dma_wait3A_2108] : memref<512xi32, #tpu.memory_space<vmem>> -> memref<16xi32, #tpu.memory_space<vmem>>
      %dma_wait3A_2110 = arith.constant 0 : i32
      %dma_wait3A_2111 = arith.constant 0 : i32
      %dma_wait3A_2112 = tpu.memref_slice %arg2[%dma_wait3A_2110, %dma_wait3A_2111] : memref<10000x128xf32, #tpu.memory_space<hbm>> -> memref<10000x128xf32, #tpu.memory_space<hbm>>
      tpu.wait_indirect_dma semaphore(%arg15 : memref<!tpu.dma_semaphore, #tpu.memory_space<semaphore_mem>>) src(%dma_wait3A_2112 : memref<10000x128xf32, #tpu.memory_space<hbm>>) dst(%dma_wait3A_2107 : memref<16x128xf32, #tpu.memory_space<vmem>>)
      %dma_wait3A_2113 = arith.constant 0 : i32
      %dma_wait3A_2114 = arith.constant 0 : i32
      %dma_wait3A_2115 = tpu.memref_slice %arg8[%dma_wait3A_2113, %dma_wait3A_2114] : memref<312x128xf32, #tpu.memory_space<vmem>> -> memref<16x128xf32, #tpu.memory_space<vmem>>
      %dma_wait3A_2116 = arith.constant 352 : i32
      %dma_wait3A_2117 = tpu.memref_slice %arg7[%dma_wait3A_2116] : memref<512xi32, #tpu.memory_space<vmem>> -> memref<16xi32, #tpu.memory_space<vmem>>
      %dma_wait3A_2118 = arith.constant 0 : i32
      %dma_wait3A_2119 = arith.constant 0 : i32
      %dma_wait3A_2120 = tpu.memref_slice %arg2[%dma_wait3A_2118, %dma_wait3A_2119] : memref<10000x128xf32, #tpu.memory_space<hbm>> -> memref<10000x128xf32, #tpu.memory_space<hbm>>
      tpu.wait_indirect_dma semaphore(%arg15 : memref<!tpu.dma_semaphore, #tpu.memory_space<semaphore_mem>>) src(%dma_wait3A_2120 : memref<10000x128xf32, #tpu.memory_space<hbm>>) dst(%dma_wait3A_2115 : memref<16x128xf32, #tpu.memory_space<vmem>>)
      %dma_wait3A_2121 = arith.constant 0 : i32
      %dma_wait3A_2122 = arith.constant 0 : i32
      %dma_wait3A_2123 = tpu.memref_slice %arg8[%dma_wait3A_2121, %dma_wait3A_2122] : memref<312x128xf32, #tpu.memory_space<vmem>> -> memref<16x128xf32, #tpu.memory_space<vmem>>
      %dma_wait3A_2124 = arith.constant 368 : i32
      %dma_wait3A_2125 = tpu.memref_slice %arg7[%dma_wait3A_2124] : memref<512xi32, #tpu.memory_space<vmem>> -> memref<16xi32, #tpu.memory_space<vmem>>
      %dma_wait3A_2126 = arith.constant 0 : i32
      %dma_wait3A_2127 = arith.constant 0 : i32
      %dma_wait3A_2128 = tpu.memref_slice %arg2[%dma_wait3A_2126, %dma_wait3A_2127] : memref<10000x128xf32, #tpu.memory_space<hbm>> -> memref<10000x128xf32, #tpu.memory_space<hbm>>
      tpu.wait_indirect_dma semaphore(%arg15 : memref<!tpu.dma_semaphore, #tpu.memory_space<semaphore_mem>>) src(%dma_wait3A_2128 : memref<10000x128xf32, #tpu.memory_space<hbm>>) dst(%dma_wait3A_2123 : memref<16x128xf32, #tpu.memory_space<vmem>>)
      %dma_wait3A_2129 = arith.constant 0 : i32
      %dma_wait3A_2130 = arith.constant 0 : i32
      %dma_wait3A_2131 = tpu.memref_slice %arg8[%dma_wait3A_2129, %dma_wait3A_2130] : memref<312x128xf32, #tpu.memory_space<vmem>> -> memref<16x128xf32, #tpu.memory_space<vmem>>
      %dma_wait3A_2132 = arith.constant 384 : i32
      %dma_wait3A_2133 = tpu.memref_slice %arg7[%dma_wait3A_2132] : memref<512xi32, #tpu.memory_space<vmem>> -> memref<16xi32, #tpu.memory_space<vmem>>
      %dma_wait3A_2134 = arith.constant 0 : i32
      %dma_wait3A_2135 = arith.constant 0 : i32
      %dma_wait3A_2136 = tpu.memref_slice %arg2[%dma_wait3A_2134, %dma_wait3A_2135] : memref<10000x128xf32, #tpu.memory_space<hbm>> -> memref<10000x128xf32, #tpu.memory_space<hbm>>
      tpu.wait_indirect_dma semaphore(%arg15 : memref<!tpu.dma_semaphore, #tpu.memory_space<semaphore_mem>>) src(%dma_wait3A_2136 : memref<10000x128xf32, #tpu.memory_space<hbm>>) dst(%dma_wait3A_2131 : memref<16x128xf32, #tpu.memory_space<vmem>>)
      %dma_wait3A_2137 = arith.constant 0 : i32
      %dma_wait3A_2138 = arith.constant 0 : i32
      %dma_wait3A_2139 = tpu.memref_slice %arg8[%dma_wait3A_2137, %dma_wait3A_2138] : memref<312x128xf32, #tpu.memory_space<vmem>> -> memref<16x128xf32, #tpu.memory_space<vmem>>
      %dma_wait3A_2140 = arith.constant 400 : i32
      %dma_wait3A_2141 = tpu.memref_slice %arg7[%dma_wait3A_2140] : memref<512xi32, #tpu.memory_space<vmem>> -> memref<16xi32, #tpu.memory_space<vmem>>
      %dma_wait3A_2142 = arith.constant 0 : i32
      %dma_wait3A_2143 = arith.constant 0 : i32
      %dma_wait3A_2144 = tpu.memref_slice %arg2[%dma_wait3A_2142, %dma_wait3A_2143] : memref<10000x128xf32, #tpu.memory_space<hbm>> -> memref<10000x128xf32, #tpu.memory_space<hbm>>
      tpu.wait_indirect_dma semaphore(%arg15 : memref<!tpu.dma_semaphore, #tpu.memory_space<semaphore_mem>>) src(%dma_wait3A_2144 : memref<10000x128xf32, #tpu.memory_space<hbm>>) dst(%dma_wait3A_2139 : memref<16x128xf32, #tpu.memory_space<vmem>>)
      %dma_wait3A_2145 = arith.constant 0 : i32
      %dma_wait3A_2146 = arith.constant 0 : i32
      %dma_wait3A_2147 = tpu.memref_slice %arg8[%dma_wait3A_2145, %dma_wait3A_2146] : memref<312x128xf32, #tpu.memory_space<vmem>> -> memref<16x128xf32, #tpu.memory_space<vmem>>
      %dma_wait3A_2148 = arith.constant 416 : i32
      %dma_wait3A_2149 = tpu.memref_slice %arg7[%dma_wait3A_2148] : memref<512xi32, #tpu.memory_space<vmem>> -> memref<16xi32, #tpu.memory_space<vmem>>
      %dma_wait3A_2150 = arith.constant 0 : i32
      %dma_wait3A_2151 = arith.constant 0 : i32
      %dma_wait3A_2152 = tpu.memref_slice %arg2[%dma_wait3A_2150, %dma_wait3A_2151] : memref<10000x128xf32, #tpu.memory_space<hbm>> -> memref<10000x128xf32, #tpu.memory_space<hbm>>
      tpu.wait_indirect_dma semaphore(%arg15 : memref<!tpu.dma_semaphore, #tpu.memory_space<semaphore_mem>>) src(%dma_wait3A_2152 : memref<10000x128xf32, #tpu.memory_space<hbm>>) dst(%dma_wait3A_2147 : memref<16x128xf32, #tpu.memory_space<vmem>>)
      %dma_wait3A_2153 = arith.constant 0 : i32
      %dma_wait3A_2154 = arith.constant 0 : i32
      %dma_wait3A_2155 = tpu.memref_slice %arg8[%dma_wait3A_2153, %dma_wait3A_2154] : memref<312x128xf32, #tpu.memory_space<vmem>> -> memref<16x128xf32, #tpu.memory_space<vmem>>
      %dma_wait3A_2156 = arith.constant 432 : i32
      %dma_wait3A_2157 = tpu.memref_slice %arg7[%dma_wait3A_2156] : memref<512xi32, #tpu.memory_space<vmem>> -> memref<16xi32, #tpu.memory_space<vmem>>
      %dma_wait3A_2158 = arith.constant 0 : i32
      %dma_wait3A_2159 = arith.constant 0 : i32
      %dma_wait3A_2160 = tpu.memref_slice %arg2[%dma_wait3A_2158, %dma_wait3A_2159] : memref<10000x128xf32, #tpu.memory_space<hbm>> -> memref<10000x128xf32, #tpu.memory_space<hbm>>
      tpu.wait_indirect_dma semaphore(%arg15 : memref<!tpu.dma_semaphore, #tpu.memory_space<semaphore_mem>>) src(%dma_wait3A_2160 : memref<10000x128xf32, #tpu.memory_space<hbm>>) dst(%dma_wait3A_2155 : memref<16x128xf32, #tpu.memory_space<vmem>>)
      %dma_wait3A_2161 = arith.constant 0 : i32
      %dma_wait3A_2162 = arith.constant 0 : i32
      %dma_wait3A_2163 = tpu.memref_slice %arg8[%dma_wait3A_2161, %dma_wait3A_2162] : memref<312x128xf32, #tpu.memory_space<vmem>> -> memref<16x128xf32, #tpu.memory_space<vmem>>
      %dma_wait3A_2164 = arith.constant 448 : i32
      %dma_wait3A_2165 = tpu.memref_slice %arg7[%dma_wait3A_2164] : memref<512xi32, #tpu.memory_space<vmem>> -> memref<16xi32, #tpu.memory_space<vmem>>
      %dma_wait3A_2166 = arith.constant 0 : i32
      %dma_wait3A_2167 = arith.constant 0 : i32
      %dma_wait3A_2168 = tpu.memref_slice %arg2[%dma_wait3A_2166, %dma_wait3A_2167] : memref<10000x128xf32, #tpu.memory_space<hbm>> -> memref<10000x128xf32, #tpu.memory_space<hbm>>
      tpu.wait_indirect_dma semaphore(%arg15 : memref<!tpu.dma_semaphore, #tpu.memory_space<semaphore_mem>>) src(%dma_wait3A_2168 : memref<10000x128xf32, #tpu.memory_space<hbm>>) dst(%dma_wait3A_2163 : memref<16x128xf32, #tpu.memory_space<vmem>>)
      %dma_wait3A_2169 = arith.constant 0 : i32
      %dma_wait3A_2170 = arith.constant 0 : i32
      %dma_wait3A_2171 = tpu.memref_slice %arg8[%dma_wait3A_2169, %dma_wait3A_2170] : memref<312x128xf32, #tpu.memory_space<vmem>> -> memref<16x128xf32, #tpu.memory_space<vmem>>
      %dma_wait3A_2172 = arith.constant 464 : i32
      %dma_wait3A_2173 = tpu.memref_slice %arg7[%dma_wait3A_2172] : memref<512xi32, #tpu.memory_space<vmem>> -> memref<16xi32, #tpu.memory_space<vmem>>
      %dma_wait3A_2174 = arith.constant 0 : i32
      %dma_wait3A_2175 = arith.constant 0 : i32
      %dma_wait3A_2176 = tpu.memref_slice %arg2[%dma_wait3A_2174, %dma_wait3A_2175] : memref<10000x128xf32, #tpu.memory_space<hbm>> -> memref<10000x128xf32, #tpu.memory_space<hbm>>
      tpu.wait_indirect_dma semaphore(%arg15 : memref<!tpu.dma_semaphore, #tpu.memory_space<semaphore_mem>>) src(%dma_wait3A_2176 : memref<10000x128xf32, #tpu.memory_space<hbm>>) dst(%dma_wait3A_2171 : memref<16x128xf32, #tpu.memory_space<vmem>>)
      %dma_wait3A_2177 = arith.constant 0 : i32
      %dma_wait3A_2178 = arith.constant 0 : i32
      %dma_wait3A_2179 = tpu.memref_slice %arg8[%dma_wait3A_2177, %dma_wait3A_2178] : memref<312x128xf32, #tpu.memory_space<vmem>> -> memref<16x128xf32, #tpu.memory_space<vmem>>
      %dma_wait3A_2180 = arith.constant 480 : i32
      %dma_wait3A_2181 = tpu.memref_slice %arg7[%dma_wait3A_2180] : memref<512xi32, #tpu.memory_space<vmem>> -> memref<16xi32, #tpu.memory_space<vmem>>
      %dma_wait3A_2182 = arith.constant 0 : i32
      %dma_wait3A_2183 = arith.constant 0 : i32
      %dma_wait3A_2184 = tpu.memref_slice %arg2[%dma_wait3A_2182, %dma_wait3A_2183] : memref<10000x128xf32, #tpu.memory_space<hbm>> -> memref<10000x128xf32, #tpu.memory_space<hbm>>
      tpu.wait_indirect_dma semaphore(%arg15 : memref<!tpu.dma_semaphore, #tpu.memory_space<semaphore_mem>>) src(%dma_wait3A_2184 : memref<10000x128xf32, #tpu.memory_space<hbm>>) dst(%dma_wait3A_2179 : memref<16x128xf32, #tpu.memory_space<vmem>>)
      %dma_wait3A_2185 = arith.constant 0 : i32
      %dma_wait3A_2186 = arith.constant 0 : i32
      %dma_wait3A_2187 = tpu.memref_slice %arg8[%dma_wait3A_2185, %dma_wait3A_2186] : memref<312x128xf32, #tpu.memory_space<vmem>> -> memref<16x128xf32, #tpu.memory_space<vmem>>
      %dma_wait3A_2188 = arith.constant 496 : i32
      %dma_wait3A_2189 = tpu.memref_slice %arg7[%dma_wait3A_2188] : memref<512xi32, #tpu.memory_space<vmem>> -> memref<16xi32, #tpu.memory_space<vmem>>
      %dma_wait3A_2190 = arith.constant 0 : i32
      %dma_wait3A_2191 = arith.constant 0 : i32
      %dma_wait3A_2192 = tpu.memref_slice %arg2[%dma_wait3A_2190, %dma_wait3A_2191] : memref<10000x128xf32, #tpu.memory_space<hbm>> -> memref<10000x128xf32, #tpu.memory_space<hbm>>
      tpu.wait_indirect_dma semaphore(%arg15 : memref<!tpu.dma_semaphore, #tpu.memory_space<semaphore_mem>>) src(%dma_wait3A_2192 : memref<10000x128xf32, #tpu.memory_space<hbm>>) dst(%dma_wait3A_2187 : memref<16x128xf32, #tpu.memory_space<vmem>>)
      %scan3A_2193 = arith.constant 0 : i32
      %scan3A_2194 = arith.constant 0 : i32
      %scan3A_2195 = arith.constant 16 : i32
      %scan3A_2196 = arith.addi %scan3A_2194, %scan3A_2195 : i32
      %scan3A_2197 = arith.constant 1 : i32
      scf.for %scan3A_2199 = %scan3A_2194 to %scan3A_2196 step %scan3A_2197  : i32 {
        %get3A = arith.index_cast %scan3A_2199 : i32 to index
        %get3A_2200 = arith.constant 0 : index
        %get3A_2201 = tpu.vector_load %arg8[%get3A, %get3A_2200] {strides = array<i32>} : memref<312x128xf32, #tpu.memory_space<vmem>>, vector<1x16xf32>,
        %get3A_2202 = vector.shape_cast %get3A_2201 : vector<1x16xf32> to vector<16xf32>
        %mul3A_2203 = arith.constant 3.125000e-02 : f32
        %mul3A_2204 = vector.broadcast %mul3A_2203 : f32 to vector<16xf32>
        %mul3A_2205 = arith.mulf %get3A_2202, %mul3A_2204 : vector<16xf32>
        %swap3A = arith.index_cast %scan3A_2199 : i32 to index
        %swap3A_2206 = arith.constant 0 : index
        %swap3A_2207 = tpu.vector_load %arg8[%swap3A, %swap3A_2206] {strides = array<i32>} : memref<312x128xf32, #tpu.memory_space<vmem>>, vector<1x16xf32>,
        %swap3A_2208 = vector.shape_cast %swap3A_2207 : vector<1x16xf32> to vector<16xf32>
        %swap3A_2209 = vector.shape_cast %mul3A_2205 : vector<16xf32> to vector<1x16xf32>
        tpu.vector_store %arg8[%swap3A, %swap3A_2206], %swap3A_2209 {strides = array<i32>} : memref<312x128xf32, #tpu.memory_space<vmem>>, vector<1x16xf32>,
        %get3A_2210 = arith.index_cast %scan3A_2199 : i32 to index
        %get3A_2211 = arith.constant 16 : index
        %get3A_2212 = tpu.vector_load %arg8[%get3A_2210, %get3A_2211] {strides = array<i32>} : memref<312x128xf32, #tpu.memory_space<vmem>>, vector<1x16xf32>,
        %get3A_2213 = vector.shape_cast %get3A_2212 : vector<1x16xf32> to vector<16xf32>
        %mul3A_2214 = arith.constant 3.125000e-02 : f32
        %mul3A_2215 = vector.broadcast %mul3A_2214 : f32 to vector<16xf32>
        %mul3A_2216 = arith.mulf %get3A_2213, %mul3A_2215 : vector<16xf32>
        %swap3A_2217 = arith.index_cast %scan3A_2199 : i32 to index
        %swap3A_2218 = arith.constant 16 : index
        %swap3A_2219 = tpu.vector_load %arg8[%swap3A_2217, %swap3A_2218] {strides = array<i32>} : memref<312x128xf32, #tpu.memory_space<vmem>>, vector<1x16xf32>,
        %swap3A_2220 = vector.shape_cast %swap3A_2219 : vector<1x16xf32> to vector<16xf32>
        %swap3A_2221 = vector.shape_cast %mul3A_2216 : vector<16xf32> to vector<1x16xf32>
        tpu.vector_store %arg8[%swap3A_2217, %swap3A_2218], %swap3A_2221 {strides = array<i32>} : memref<312x128xf32, #tpu.memory_space<vmem>>, vector<1x16xf32>,
        %get3A_2222 = arith.index_cast %scan3A_2199 : i32 to index
        %get3A_2223 = arith.constant 32 : index
        %get3A_2224 = tpu.vector_load %arg8[%get3A_2222, %get3A_2223] {strides = array<i32>} : memref<312x128xf32, #tpu.memory_space<vmem>>, vector<1x16xf32>,
        %get3A_2225 = vector.shape_cast %get3A_2224 : vector<1x16xf32> to vector<16xf32>
        %mul3A_2226 = arith.constant 3.125000e-02 : f32
        %mul3A_2227 = vector.broadcast %mul3A_2226 : f32 to vector<16xf32>
        %mul3A_2228 = arith.mulf %get3A_2225, %mul3A_2227 : vector<16xf32>
        %swap3A_2229 = arith.index_cast %scan3A_2199 : i32 to index
        %swap3A_2230 = arith.constant 32 : index
        %swap3A_2231 = tpu.vector_load %arg8[%swap3A_2229, %swap3A_2230] {strides = array<i32>} : memref<312x128xf32, #tpu.memory_space<vmem>>, vector<1x16xf32>,
        %swap3A_2232 = vector.shape_cast %swap3A_2231 : vector<1x16xf32> to vector<16xf32>
        %swap3A_2233 = vector.shape_cast %mul3A_2228 : vector<16xf32> to vector<1x16xf32>
        tpu.vector_store %arg8[%swap3A_2229, %swap3A_2230], %swap3A_2233 {strides = array<i32>} : memref<312x128xf32, #tpu.memory_space<vmem>>, vector<1x16xf32>,
        %get3A_2234 = arith.index_cast %scan3A_2199 : i32 to index
        %get3A_2235 = arith.constant 48 : index
        %get3A_2236 = tpu.vector_load %arg8[%get3A_2234, %get3A_2235] {strides = array<i32>} : memref<312x128xf32, #tpu.memory_space<vmem>>, vector<1x16xf32>,
        %get3A_2237 = vector.shape_cast %get3A_2236 : vector<1x16xf32> to vector<16xf32>
        %mul3A_2238 = arith.constant 3.125000e-02 : f32
        %mul3A_2239 = vector.broadcast %mul3A_2238 : f32 to vector<16xf32>
        %mul3A_2240 = arith.mulf %get3A_2237, %mul3A_2239 : vector<16xf32>
        %swap3A_2241 = arith.index_cast %scan3A_2199 : i32 to index
        %swap3A_2242 = arith.constant 48 : index
        %swap3A_2243 = tpu.vector_load %arg8[%swap3A_2241, %swap3A_2242] {strides = array<i32>} : memref<312x128xf32, #tpu.memory_space<vmem>>, vector<1x16xf32>,
        %swap3A_2244 = vector.shape_cast %swap3A_2243 : vector<1x16xf32> to vector<16xf32>
        %swap3A_2245 = vector.shape_cast %mul3A_2240 : vector<16xf32> to vector<1x16xf32>
        tpu.vector_store %arg8[%swap3A_2241, %swap3A_2242], %swap3A_2245 {strides = array<i32>} : memref<312x128xf32, #tpu.memory_space<vmem>>, vector<1x16xf32>,
        %get3A_2246 = arith.index_cast %scan3A_2199 : i32 to index
        %get3A_2247 = arith.constant 64 : index
        %get3A_2248 = tpu.vector_load %arg8[%get3A_2246, %get3A_2247] {strides = array<i32>} : memref<312x128xf32, #tpu.memory_space<vmem>>, vector<1x16xf32>,
        %get3A_2249 = vector.shape_cast %get3A_2248 : vector<1x16xf32> to vector<16xf32>
        %mul3A_2250 = arith.constant 3.125000e-02 : f32
        %mul3A_2251 = vector.broadcast %mul3A_2250 : f32 to vector<16xf32>
        %mul3A_2252 = arith.mulf %get3A_2249, %mul3A_2251 : vector<16xf32>
        %swap3A_2253 = arith.index_cast %scan3A_2199 : i32 to index
        %swap3A_2254 = arith.constant 64 : index
        %swap3A_2255 = tpu.vector_load %arg8[%swap3A_2253, %swap3A_2254] {strides = array<i32>} : memref<312x128xf32, #tpu.memory_space<vmem>>, vector<1x16xf32>,
        %swap3A_2256 = vector.shape_cast %swap3A_2255 : vector<1x16xf32> to vector<16xf32>
        %swap3A_2257 = vector.shape_cast %mul3A_2252 : vector<16xf32> to vector<1x16xf32>
        tpu.vector_store %arg8[%swap3A_2253, %swap3A_2254], %swap3A_2257 {strides = array<i32>} : memref<312x128xf32, #tpu.memory_space<vmem>>, vector<1x16xf32>,
        %get3A_2258 = arith.index_cast %scan3A_2199 : i32 to index
        %get3A_2259 = arith.constant 80 : index
        %get3A_2260 = tpu.vector_load %arg8[%get3A_2258, %get3A_2259] {strides = array<i32>} : memref<312x128xf32, #tpu.memory_space<vmem>>, vector<1x16xf32>,
        %get3A_2261 = vector.shape_cast %get3A_2260 : vector<1x16xf32> to vector<16xf32>
        %mul3A_2262 = arith.constant 3.125000e-02 : f32
        %mul3A_2263 = vector.broadcast %mul3A_2262 : f32 to vector<16xf32>
        %mul3A_2264 = arith.mulf %get3A_2261, %mul3A_2263 : vector<16xf32>
        %swap3A_2265 = arith.index_cast %scan3A_2199 : i32 to index
        %swap3A_2266 = arith.constant 80 : index
        %swap3A_2267 = tpu.vector_load %arg8[%swap3A_2265, %swap3A_2266] {strides = array<i32>} : memref<312x128xf32, #tpu.memory_space<vmem>>, vector<1x16xf32>,
        %swap3A_2268 = vector.shape_cast %swap3A_2267 : vector<1x16xf32> to vector<16xf32>
        %swap3A_2269 = vector.shape_cast %mul3A_2264 : vector<16xf32> to vector<1x16xf32>
        tpu.vector_store %arg8[%swap3A_2265, %swap3A_2266], %swap3A_2269 {strides = array<i32>} : memref<312x128xf32, #tpu.memory_space<vmem>>, vector<1x16xf32>,
        %get3A_2270 = arith.index_cast %scan3A_2199 : i32 to index
        %get3A_2271 = arith.constant 96 : index
        %get3A_2272 = tpu.vector_load %arg8[%get3A_2270, %get3A_2271] {strides = array<i32>} : memref<312x128xf32, #tpu.memory_space<vmem>>, vector<1x16xf32>,
        %get3A_2273 = vector.shape_cast %get3A_2272 : vector<1x16xf32> to vector<16xf32>
        %mul3A_2274 = arith.constant 3.125000e-02 : f32
        %mul3A_2275 = vector.broadcast %mul3A_2274 : f32 to vector<16xf32>
        %mul3A_2276 = arith.mulf %get3A_2273, %mul3A_2275 : vector<16xf32>
        %swap3A_2277 = arith.index_cast %scan3A_2199 : i32 to index
        %swap3A_2278 = arith.constant 96 : index
        %swap3A_2279 = tpu.vector_load %arg8[%swap3A_2277, %swap3A_2278] {strides = array<i32>} : memref<312x128xf32, #tpu.memory_space<vmem>>, vector<1x16xf32>,
        %swap3A_2280 = vector.shape_cast %swap3A_2279 : vector<1x16xf32> to vector<16xf32>
        %swap3A_2281 = vector.shape_cast %mul3A_2276 : vector<16xf32> to vector<1x16xf32>
        tpu.vector_store %arg8[%swap3A_2277, %swap3A_2278], %swap3A_2281 {strides = array<i32>} : memref<312x128xf32, #tpu.memory_space<vmem>>, vector<1x16xf32>,
        %get3A_2282 = arith.index_cast %scan3A_2199 : i32 to index
        %get3A_2283 = arith.constant 112 : index
        %get3A_2284 = tpu.vector_load %arg8[%get3A_2282, %get3A_2283] {strides = array<i32>} : memref<312x128xf32, #tpu.memory_space<vmem>>, vector<1x16xf32>,
        %get3A_2285 = vector.shape_cast %get3A_2284 : vector<1x16xf32> to vector<16xf32>
        %mul3A_2286 = arith.constant 3.125000e-02 : f32
        %mul3A_2287 = vector.broadcast %mul3A_2286 : f32 to vector<16xf32>
        %mul3A_2288 = arith.mulf %get3A_2285, %mul3A_2287 : vector<16xf32>
        %swap3A_2289 = arith.index_cast %scan3A_2199 : i32 to index
        %swap3A_2290 = arith.constant 112 : index
        %swap3A_2291 = tpu.vector_load %arg8[%swap3A_2289, %swap3A_2290] {strides = array<i32>} : memref<312x128xf32, #tpu.memory_space<vmem>>, vector<1x16xf32>,
        %swap3A_2292 = vector.shape_cast %swap3A_2291 : vector<1x16xf32> to vector<16xf32>
        %swap3A_2293 = vector.shape_cast %mul3A_2288 : vector<16xf32> to vector<1x16xf32>
        tpu.vector_store %arg8[%swap3A_2289, %swap3A_2290], %swap3A_2293 {strides = array<i32>} : memref<312x128xf32, #tpu.memory_space<vmem>>, vector<1x16xf32>,
      }
      %scan3A_2198 = arith.constant 16 : i32
      "tpu.region"() ({
        %run_scoped3A = tpu.sem_alloc : memref<!tpu.dma_semaphore, #tpu.memory_space<semaphore_mem>>
        %dma_start3A_2199 = arith.constant 0 : i32
        %dma_start3A_2200 = arith.constant 0 : i32
        %dma_start3A_2201 = tpu.memref_slice %arg8[%dma_start3A_2199, %dma_start3A_2200] : memref<312x128xf32, #tpu.memory_space<vmem>> -> memref<16x128xf32, #tpu.memory_space<vmem>>
        %dma_start3A_2202 = arith.constant 9984 : i32
        %dma_start3A_2203 = arith.constant 0 : i32
        %dma_start3A_2204 = tpu.memref_slice %arg5[%dma_start3A_2202, %dma_start3A_2203] : memref<10000x128xf32, #tpu.memory_space<hbm>> -> memref<16x128xf32, #tpu.memory_space<hbm>>
        %dma_start3A_2205 = arith.constant 9984 : i32
        %dma_start3A_2206 = arith.constant 0 : i32
        %dma_start3A_2207 = tpu.memref_slice %arg5[%dma_start3A_2205, %dma_start3A_2206] : memref<10000x128xf32, #tpu.memory_space<hbm>> -> memref<16x128xf32, #tpu.memory_space<hbm>>
        %dma_start3A_2208 = arith.constant 0 : i32
        %dma_start3A_2209 = arith.constant 0 : i32
        %dma_start3A_2210 = tpu.memref_slice %arg8[%dma_start3A_2208, %dma_start3A_2209] : memref<312x128xf32, #tpu.memory_space<vmem>> -> memref<16x128xf32, #tpu.memory_space<vmem>>
        tpu.enqueue_dma source(%dma_start3A_2210 : memref<16x128xf32, #tpu.memory_space<vmem>>) target(%dma_start3A_2207 : memref<16x128xf32, #tpu.memory_space<hbm>>) target_semaphore(%run_scoped3A : memref<!tpu.dma_semaphore, #tpu.memory_space<semaphore_mem>>)
        %dma_wait3A_2211 = arith.constant 0 : i32
        %dma_wait3A_2212 = arith.constant 0 : i32
        %dma_wait3A_2213 = tpu.memref_slice %arg8[%dma_wait3A_2211, %dma_wait3A_2212] : memref<312x128xf32, #tpu.memory_space<vmem>> -> memref<16x128xf32, #tpu.memory_space<vmem>>
        %dma_wait3A_2214 = arith.constant 9984 : i32
        %dma_wait3A_2215 = arith.constant 0 : i32
        %dma_wait3A_2216 = tpu.memref_slice %arg5[%dma_wait3A_2214, %dma_wait3A_2215] : memref<10000x128xf32, #tpu.memory_space<hbm>> -> memref<16x128xf32, #tpu.memory_space<hbm>>
        %dma_wait3A_2217 = arith.constant 9984 : i32
        %dma_wait3A_2218 = arith.constant 0 : i32
        %dma_wait3A_2219 = tpu.memref_slice %arg5[%dma_wait3A_2217, %dma_wait3A_2218] : memref<10000x128xf32, #tpu.memory_space<hbm>> -> memref<16x128xf32, #tpu.memory_space<hbm>>
        %dma_wait3A_2220 = arith.constant 0 : i32
        %dma_wait3A_2221 = arith.constant 0 : i32
        %dma_wait3A_2222 = tpu.memref_slice %arg8[%dma_wait3A_2220, %dma_wait3A_2221] : memref<312x128xf32, #tpu.memory_space<vmem>> -> memref<16x128xf32, #tpu.memory_space<vmem>>
        tpu.wait_dma2 semaphore(%run_scoped3A : memref<!tpu.dma_semaphore, #tpu.memory_space<semaphore_mem>>) src(%dma_wait3A_2222 : memref<16x128xf32, #tpu.memory_space<vmem>>) dst(%dma_wait3A_2219 : memref<16x128xf32, #tpu.memory_space<hbm>>)
        tpu.yield
      }) : () -> ()
    } else {
    }
    return
  }
}

</mosaic_0001>

<sc_bundles>
// kernel: kernel.3.cloned.1.call-start
scs
__scs_entry_jumppad:
0x0: {  	(pc) =	sbr.rel $0x88, $3  }
0x1: {  	(tag) =	ssettag $0x0;
	lr =	simm.s32 $0x1  }
0x2: {  	[smem:$0x3F9F] =	sst lr;
	_ =	strace $0xD0000000  }
0x3: {  	_ = 	snop  }
0x4: {  	_ = 	snop  }
0x5: {  	_ = 	snop  }
0x6: {  	_ = 	snop  }
0x7: {  	_ = 	snop  }
__scs_overlays_trampoline_lowered:
0x8: {  	[smem:$0x3FAE] =	sst s0  }
0x9: {  	[smem:$0x3FAF] =	sst s1  }
0xa: {  	[smem:$0x3FB0] =	sst s2  }
0xb: {  	[smem:$0x3FB1] =	sst s3  }
0xc: {  	[smem:$0x3FB2] =	sst s4  }
0xd: {  	[smem:$0x3FB3] =	sst s5  }
0xe: {  	[smem:$0x3FB4] =	sst s6  }
0xf: {  	[smem:$0x3FB5] =	sst s7  }
0x10: {  	[smem:$0x3FB6] =	sst s8  }
0x11: {  	[smem:$0x3FB7] =	sst s9;
	s0 =	simm.s32 @!p0 $0x0  }
0x12: {  	s1 =	sld [smem:$0x3F9D];
	s0 =	simm.s32 @p0 $0x1  }
0x13: {  	[smem:$0x3FB8] =	sst s0;
	s0 =	simm.s32 @!p1 $0x0  }
0x14: {  	s2 =	sld [smem:$0x3F9C];
	s0 =	simm.s32 @p1 $0x1  }
0x15: {  	[smem:$0x3FB9] =	sst s0;
	s0 =	simm.s32 @!p2 $0x0  }
0x16: {  	s3 =	sld [smem:$0x3FDB];
	s0 =	simm.s32 @p2 $0x1  }
0x17: {  	s4 =	simm.s32 $0x1BF5;
	[smem:$0x3FBB] =	sst s0  }
0x18: {  	s0 =	sld [smem:$0x3F9E];
	_ =	swait.ge [sflag:s4], $0x0  }
0x19: {  	s7 =	sld [smem:$0x3F9F]  }
0x1a: {  	s8 =	sadd.s32 $0xFFFFE003, lr  }
0x1b: {  	s9 =	sadd.s32 $0xFFFFFEF7, lr;
	s5 =	simm.s32 $0xFFFFFFFF;
	p2 =	slt.u32 s8, $0xFFFFF086  }
0x1c: {  	p1 =	slt.u32 s9, $0xF7A;
	s5 =	simm.s32 @!p2 $0x0  }
0x1d: {  	s5 =	simm.s32 @p1 $0x1;
	p0 =	seq.s32 s7, s2  }
0x1e: {  	s7 =	smul.u32 @!p0 $0xF7A, s2;
	p2 =	seq.s32 @!p0 s5, $0x0  }
0x1f: {  	s9 =	smul.u32 $0xF7A, s1;
	s8 =	simm.s32 @!p0 $0x1BF5;
	p2 =	por !p2, p0  }
0x20: {  	[sflag:s8] =	ssyncset.s32 @!p0 $0xFFFFF086;
	s6 =	sadd.s32 @!p0 s3, s7;
	s7 =	simm.s32 @!p0 $0x108  }
0x21: {  	s3 =	sadd.s32 s3, s9;
	s6 =	sadd.s32 @!p0 $0x88, s6;
	s7 =	simm.s32 @p2 $0x1082  }
0x22: {  	[simem:s7], [sflag:s8] =	dma.local @!p0 [hbm:s6], $0xF7A  }
0x23: {  	s9 =	sor.u32 $0xD0000000, s2;
	s6 =	simm.s32 $0x108;
	_ =	swait.ge @!p0 [sflag:s8], $0x0  }
0x24: {  	s3 =	sadd.s32 $0x88, s3;
	s6 =	simm.s32 @!p1 $0x1082;
	[sflag:s4] =	ssyncset.s32 $0xFFFFF086  }
0x25: {  	[simem:s6], [sflag:s4] =	dma.local [hbm:s3], $0xF7A  }
0x26: {  	[smem:$0x3F9F] =	sst s1;
	(tag) =	ssettag s2;
	_ =	strace s9  }
0x27: {  	s1 =	sld [smem:$0x3FAF]  }
0x28: {  	s2 =	sld [smem:$0x3FB0]  }
0x29: {  	s4 =	sld [smem:$0x3FB2]  }
0x2a: {  	p0 =	seq.s32 s5, $0x0;
	s5 =	sld [smem:$0x3FB3]  }
0x2b: {  	s6 =	sld [smem:$0x3FB4]  }
0x2c: {  	s7 =	sld [smem:$0x3FB5]  }
0x2d: {  	s3 =	simm.s32 $0x108;
	s8 =	sld [smem:$0x3FB6]  }
0x2e: {  	s3 =	simm.s32 @!p0 $0x1082;
	s9 =	sld [smem:$0x3FB7]  }
0x2f: {  	lr =	sadd.s32 s0, s3;
	s0 =	sld [smem:$0x3FAE]  }
0x30: {  	s3 =	sld [smem:$0x3FB1]  }
0x31: {  	[smem:$0x3FBA] =	sst s10  }
0x32: {  	s10 =	sld [smem:$0x3FB8];
	_ =	sdelay $0x3  }
0x33: {  	p0 =	seq.s32 s10, $0x1;
	s10 =	sld [smem:$0x3FBA];
	_ =	sdelay $0x3  }
0x34: {  	[smem:$0x3FBA] =	sst s10  }
0x35: {  	s10 =	sld [smem:$0x3FB9];
	_ =	sdelay $0x3  }
0x36: {  	p1 =	seq.s32 s10, $0x1;
	s10 =	sld [smem:$0x3FBA];
	_ =	sdelay $0x3  }
0x37: {  	[smem:$0x3FBA] =	sst s10  }
0x38: {  	s10 =	sld [smem:$0x3FBB]  }
0x39: {  	_ = 	snop;
	(pc) =	sbr.ind lr, $3  }
0x3a: {  	_ = 	snop  }
0x3b: {  	_ = 	snop  }
0x3c: {  	p2 =	seq.s32 s10, $0x1;
	s10 =	sld [smem:$0x3FBA]  }
0x3d: {  	_ =	shalt  }
0x3e: {  	_ =	shalt  }
0x3f: {  	_ =	shalt  }
0x40: {  	_ =	shalt  }
0x41: {  	_ =	shalt  }
0x42: {  	_ =	shalt  }
0x43: {  	_ =	shalt  }
0x44: {  	_ =	shalt  }
0x45: {  	_ =	shalt  }
0x46: {  	_ =	shalt  }
0x47: {  	_ =	shalt  }
0x48: {  	_ =	shalt  }
0x49: {  	_ =	shalt  }
0x4a: {  	_ =	shalt  }
0x4b: {  	_ =	shalt  }
0x4c: {  	_ =	shalt  }
0x4d: {  	_ =	shalt  }
0x4e: {  	_ =	shalt  }
0x4f: {  	_ =	shalt  }
0x50: {  	_ =	shalt  }
0x51: {  	_ =	shalt  }
0x52: {  	_ =	shalt  }
0x53: {  	_ =	shalt  }
0x54: {  	_ =	shalt  }
0x55: {  	_ =	shalt  }
0x56: {  	_ =	shalt  }
0x57: {  	_ =	shalt  }
0x58: {  	_ =	shalt  }
0x59: {  	_ =	shalt  }
0x5a: {  	_ =	shalt  }
0x5b: {  	_ =	shalt  }
0x5c: {  	_ =	shalt  }
0x5d: {  	_ =	shalt  }
0x5e: {  	_ =	shalt  }
0x5f: {  	_ =	shalt  }
0x60: {  	_ =	shalt  }
0x61: {  	_ =	shalt  }
0x62: {  	_ =	shalt  }
0x63: {  	_ =	shalt  }
0x64: {  	_ =	shalt  }
0x65: {  	_ =	shalt  }
0x66: {  	_ =	shalt  }
0x67: {  	_ =	shalt  }
0x68: {  	_ =	shalt  }
0x69: {  	_ =	shalt  }
0x6a: {  	_ =	shalt  }
0x6b: {  	_ =	shalt  }
0x6c: {  	_ =	shalt  }
0x6d: {  	_ =	shalt  }
0x6e: {  	_ =	shalt  }
0x6f: {  	_ =	shalt  }
0x70: {  	_ =	shalt  }
0x71: {  	_ =	shalt  }
0x72: {  	_ =	shalt  }
0x73: {  	_ =	shalt  }
0x74: {  	_ =	shalt  }
0x75: {  	_ =	shalt  }
0x76: {  	_ =	shalt  }
0x77: {  	_ =	shalt  }
0x78: {  	_ =	shalt  }
0x79: {  	_ =	shalt  }
0x7a: {  	_ =	shalt  }
0x7b: {  	_ =	shalt  }
0x7c: {  	_ =	shalt  }
0x7d: {  	_ =	shalt  }
0x7e: {  	_ =	shalt  }
0x7f: {  	_ =	shalt  }
0x80: {  	_ =	shalt  }
0x81: {  	_ =	shalt  }
0x82: {  	_ =	shalt  }
0x83: {  	_ =	shalt  }
0x84: {  	_ =	shalt  }
0x85: {  	_ =	shalt  }
0x86: {  	_ =	shalt  }
0x87: {  	_ =	shalt  }
.Lfunc_end0:
.L_simem_size_0:
called_computation_lowered:
.L_overlay_start_0:
0x88: {  	s2 =	sld [smem:$0x3FD9]  }
0x89: {  	s3 =	sld [smem:$0x3FFE];
	_ =	sdelay $0x1  }
0x8a: {  	s1 =	srdreg.scid  }
0x8b: {  	s0 =	sand.u32 $0x1, s1  }
0x8c: {  	s17 =	sshll.u32 s0, $0xA;
	s2 =	sadd.s32 s3, s2  }
0x8d: {  	s2 =	sadd.s32 s2, s17  }
0x8e: {  	[smem:$0x3FC6] =	sst s2  }
0x8f: {  	_ = 	snop  }
0x90: {  	s2 =	sld [smem:$0x3FC9]  }
0x91: {  	s18 =	sld [smem:$0x3FD0];
	(tm) =	ssettm $0x1  }
0x92: {  	s4 =	sld [smem:$0x3FFB];
	_ =	sdelay $0x3  }
0x93: {  	_ =	strace s4  }
0x94: {  	s4 =	sld [smem:$0x3FFC];
	_ =	sdelay $0x3  }
0x95: {  	_ =	strace s4  }
0x96: {  	s4 =	sld [smem:$0x3FFD];
	_ =	sdelay $0x3  }
0x97: {  	_ =	strace s4  }
0x98: {  	_ =	strace $0x8FFFFFFF  }
0x99: {  	s19 =	sld [smem:$0x3FDB];
	_ =	sdelay $0x1  }
0x9a: {  	s5 =	simm.s32 $_scs_section_size  }
0x9b: {  	s6 =	simm.s32 $_size__tile_overlayer_lowered;
	s7 =	simm.s32 $_tile_overlayer_lowered  }
0x9c: {  	s22 =	simm.s32 $0x1BFF;
	s21 =	sshll.u32 s7, $0x1;
	s4 =	sadd.s32 s5, s19  }
0x9d: {  	s8 =	simm.s32 $0x0;
	s20 =	sshll.u32 s6, $0x1;
	s6 =	sadd.s32 s21, s4  }
0x9e: {  	[timem:s8], [sflag:s22] =	dma.local [hbm:s6], s20  }
0x9f: {  	_ =	swait.ge [sflag:s22], s20  }
0xa0: {  	s5 =	ssub.s32 $0x0, s20;
	[sflag:s22] =	ssyncset.done $0x0  }
0xa1: {  	[sflag:s22] =	ssyncadd.s32 s5;
	_ =	sdelay $0x1  }
0xa2: {  	s23 =	simm.s32 $0x1B8B  }
0xa3: {  	_ =	swait.ge [sflag:s23], $0x1  }
0xa4: {  	[sflag:s23] =	ssyncset.done $0x0  }
0xa5: {  	s25 =	simm.s32 $0x1B8E;
	s24 =	sld [smem:$0x3FFE];
	[sflag:s23] =	ssyncadd.s32 $0xFFFFFFFF  }
0xa6: {  	s26 =	simm.s32 $execute0_lowered;
	[smem:$0x3FD2] =	sst s25  }
0xa7: {  	s6 =	sshll.u32 s26, $0x1;
	_ =	strace $0x80000046;
	[dreg:$0x1] =	wrdreg $0xFFFFFFFF  }
0xa8: {  	s28 =	simm.s32 $_size_execute0_lowered;
	s4 =	sadd.s32 s4, s6;
	[dreg:$0x0] =	wrdreg $0x0  }
0xa9: {  	s6 =	sshll.u32 s28, $0x1;
	[dreg:$0x2] =	wrdreg s4  }
0xaa: {  	[dreg:$0x3] =	wrdreg s6  }
0xab: {  	[dreg:$0x4] =	wrdreg $0xC0  }
0xac: {  	_ =	task [dreg:s8], $0x5FFFF  }
0xad: {  	[dreg:$0x1] =	wrdreg $0xFFFFFFFF  }
0xae: {  	[dreg:$0x0] =	wrdreg $0x60  }
0xaf: {  	[dreg:$0x2] =	wrdreg s2  }
0xb0: {  	[dreg:$0x3] =	wrdreg s24  }
0xb1: {  	[dreg:$0x4] =	wrdreg s18  }
0xb2: {  	[dreg:$0x5] =	wrdreg $0xC5000  }
0xb3: {  	[dreg:$0x6] =	wrdreg $0x9  }
0xb4: {  	_ =	task.clear_ibuf [dreg:s8], $0x7FFFF;
	_ =	strace $0x90000046  }
0xb5: {  	s29 =	simm.s32 $0x9;
	_ =	strace $0x80000048  }
0xb6: {  	_ =	swait.ge [sflag:s29], $0x1  }
0xb7: {  	[sflag:s29] =	ssyncadd.s32 $0xFFFFFFFF  }
0xb8: {  	_ =	strace $0x90000048  }
0xb9: {  	_ =	sfence  }
0xba: {  	s30 =	sld [smem:$0x0];
	_ =	sdelay $0x2  }
0xbb: {  	s31 =	sshll.u32 s1, $0xD;
	s1 =	sshrl.u32 s1, $0x2  }
0xbc: {  	s3 =	sand.u32 $0x4000, s31;
	s1 =	sadd.s32 s1, s30  }
0xbd: {  	s0 =	sor.u32 s3, s0;
	s1 =	sshll.u32 s1, $0x11  }
0xbe: {  	s0 =	sor.u32 s1, s0  }
0xbf: {  	s0 =	sadd.s32 $0x8F2B, s0  }
0xc0: {  	[sflag:s0] =	ssyncadd.remote.s32 $0x1  }
0xc1: {  	_ =	sfence.sel $0xFFFF  }
0xc2: {  	[dreg:$0x0] =	wrdreg $0xFFFFFFFF;
	(pc) =	sbr.abs _section_cstart, $3  }
0xc3: {  	[dreg:$0x1] =	wrdreg $0xFFFFFFFF  }
0xc4: {  	_ =	task.clear_ibuf [dreg:s8], $0x2FFFF;
	_ =	strace $0x9FFFFFFF  }
0xc5: {  	(tm) =	ssettm $0x7FFFFFFF  }
tec
execute0_lowered:
.L_overlay_start_1:
0x0: {  	(tag) =	ssettag $0x1  }
0x1: {  	s1 =	rddreg [dreg:$0x0]  }
0x2: {  	s0 =	rddreg [dreg:$0x1]  }
0x3: {  	s2 =	rddreg [dreg:$0x2];
	s4 =	srdreg.scid  }
0x4: {  	s17 =	stileid.u32;
	s3 =	rddreg [dreg:$0x3]  }
0x5: {  	s18 =	simm.s32 $0x80;
	s19 =	simm.s32 $0x2900;
	s20 =	simm.s32 $0x38  }
0x6: {  	s28 =	simm.s32 $0x4;
	s29 =	simm.s32 $0x5;
	s30 =	simm.s32 $0x7  }
0x7: {  	s31 =	simm.s32 $0x6;
	s5 =	sand.u32 $0x1, s4;
	s8 =	smul.u32 $0x4E000, s17  }
0x8: {  	s6 =	sshll.u32 s17, $0x1;
	s4 =	simm.s32 $0x0;
	s24 =	smul.u32 $0x2700, s17  }
0x9: {  	s26 =	sshll.u32 s17, $0x6;
	s16 =	sadd.s32 $0x138000, s3;
	p0 =	sne.s32 s17, $0xF  }
0xa: {  	s17 =	simm.s32 $0x2;
	s13 =	sor.u32 s5, s6;
	[smem:$0x7FF] =	sst s4  }
0xb: {  	s7 =	ssub.s32 $0x2, s5;
	s5 =	sadd.s32 $0x800, s0;
	s6 =	smul.u32 $0x4E0, s13  }
0xc: {  	s16 =	sshrl.u32 @!p0 s16, $0x3;
	_ =	strace $0x80000047;
	s10 =	smul.u32 $0x9C00, s13  }
0xd: {  	s22 =	sshrl.u32 s7, $0x1;
	s25 =	sshrl.u32 s8, $0x2;
	s11 =	smul.u32 $0x1380, s13  }
0xe: {  	s8 =	sadd.s32 $0x27000, s1;
	p1 =	sne.s32 s13, $0x1F;
	s13 =	simm.s32 $0x10  }
0xf: {  	s23 =	ssub.s32 s7, s22;
	s15 =	sadd.s32 s25, s3;
	s7 =	sor.u32 $0x1C01, s26  }
0x10: {  	s25 =	simm.s32 $0x1;
	s26 =	simm.s32 $0x6900;
	s22 =	simm.s32 $0xA900  }
.Ltmp0:
0x11: {  	s9 =	sadd.s32 s6, s0;
	s6 =	sadd.s32 s1, s24;
	(pc) =	sbr.rel .LBB2_1-.Ltmp0, $4  }
0x12: {  	s10 =	sshrl.u32 s10, $0x3;
	s14 =	smax.u32 s23, $0x1;
	s15 =	sshrl.u32 s15, $0x3  }
0x13: {  	s24 =	simm.s32 $0x3;
	s0 =	simm.s32 $0x0;
	s9 =	sadd.s32 $0xA00, s9  }
0x14: {  	s12 =	sadd.s32 s2, s10;
	s10 =	sadd.s32 s2, s11;
	s2 =	sadd.s32 $0x27000, s2  }
0x15: {  	v0 =	vimm.f32 $0.0e+00;
	s11 =	sadd.s32 $0x800, s12;
	s12 =	sadd.s32 $0x1000, s12;
	[dreg:$0x5] =	wrdreg s2  }
.LBB2_14:
0x16: {  	[tilespmem:s21+$0x2900] =	vst v7;
	v5 =	vmul.f32 $3.125000000e-02, v5;
	v63 =	vld [tilespmem:s21+$0x2970]  }
0x17: {  	[tilespmem:s21+$0x2910] =	vst v6;
	v3 =	vmul.f32 $3.125000000e-02, v3  }
0x18: {  	v1 =	vmul.f32 $3.125000000e-02, v1;
	[tilespmem:s21+$0x2920] =	vst v5  }
0x19: {  	v2 =	vmul.f32 $3.125000000e-02, v2;
	[tilespmem:s21+$0x2930] =	vst v3  }
0x1a: {  	[tilespmem:s21+$0x2940] =	vst v1;
	v1 =	vmul.f32 $3.125000000e-02, v4  }
0x1b: {  	[tilespmem:s21+$0x2950] =	vst v2;
	v2 =	vmul.f32 $3.125000000e-02, v63  }
0x1c: {  	[tilespmem:s21+$0x2960] =	vst v1  }
0x1d: {  	s2 =	rddreg [dreg:$0x5];
	s23 =	simm.s32 $0x8;
	[tilespmem:s21+$0x2970] =	vst v2  }
0x1e: {  	[hbm4b:s2+s4] =	stream.linear.scatter [tilespmem:s19], [sflag:$0x8], $0x800, $0x38;
	[tilespmem:$0x1FD80] =	vst v63  }
0x1f: {  	_ =	swait.ge [sflag:s23], $0x800  }
0x20: {  	[sflag:s23] =	ssyncset.done $0x0  }
0x21: {  	[sflag:s23] =	ssyncadd.s32 $0xFFFFF800  }
.LBB2_15:
0x22: {  	s0 =	sadd.s32 $0x1, s0  }
0x23: {  	p2 =	sne.s32 s0, s14  }
.Ltmp1:
0x24: {  	_ = 	snop;
	(pc) =	sbr.rel @!p2 .LBB2_16-.Ltmp1, $1  }
0x25: {  	_ =	sdelay $0x3  }
.LBB2_1:
0x26: {  	[spmem:s15], [sflag:s7] =	dma.local [hbm:s6], $0x2700  }
0x27: {  	[spmem:s16], [sflag:s7] =	dma.local @!p0 [hbm:s8], $0x100  }
0x28: {  	[tilespmem:s4], [sflag:$0x2] =	stream.linear.gather [hbm4b:s9+s4], $0x2700, $0x38;
	[tilespmem:$0x1FD80] =	vst v63  }
0x29: {  	s21 =	simm.s32 @!p1 $0x0;
	s23 =	simm.s32 @!p1 $0x2700  }
0x2a: {  	[tilespmem:s23], [sflag:$0x2] =	stream.linear.gather @!p1 [hbm4b:s5+s21], $0x200, $0x38;
	[tilespmem:$0x1FD80] =	vst v63  }
0x2b: {  	s21 =	simm.s32 $0x0;
	s23 =	simm.s32 $0x200  }
.LBB2_2:
0x2c: {  	p2 =	sne.s32 s23, $0x26E00;
	[tilespmem:s21+$0x2970] =	vst v0  }
0x2d: {  	[tilespmem:s21+$0x2900] =	vst v0  }
0x2e: {  	[tilespmem:s21+$0x2910] =	vst v0  }
.Ltmp2:
0x2f: {  	[tilespmem:s21+$0x2920] =	vst v0;
	(pc) =	sbr.rel @p2 .LBB2_2-.Ltmp2, $4  }
0x30: {  	[tilespmem:s21+$0x2930] =	vst v0  }
0x31: {  	[tilespmem:s21+$0x2940] =	vst v0  }
0x32: {  	[tilespmem:s21+$0x2950] =	vst v0  }
0x33: {  	[tilespmem:s21+$0x2960] =	vst v0;
	s21 =	sshra.s32 s23, $0x2;
	s23 =	sadd.s32 $0x200, s23  }
0x34: {  	[tilespmem:s21+$0x2970] =	vst v0  }
0x35: {  	[tilespmem:s21+$0x2900] =	vst v0  }
0x36: {  	[tilespmem:s21+$0x2910] =	vst v0  }
0x37: {  	[tilespmem:s21+$0x2920] =	vst v0  }
0x38: {  	[tilespmem:s21+$0x2930] =	vst v0  }
0x39: {  	[tilespmem:s21+$0x2940] =	vst v0  }
0x3a: {  	[tilespmem:s21+$0x2950] =	vst v0  }
0x3b: {  	[tilespmem:s21+$0x2960] =	vst v0  }
0x3c: {  	_ =	swait.ge [sflag:s17], $0x2700  }
0x3d: {  	[sflag:s17] =	ssyncset.done $0x0  }
0x3e: {  	s21 =	simm.s32 @!p1 $0x2;
	[sflag:s17] =	ssyncadd.s32 $0xFFFFD900  }
0x3f: {  	_ =	swait.ge @!p1 [sflag:s21], $0x200  }
0x40: {  	[sflag:s21] =	ssyncset.done @!p1 $0x0  }
0x41: {  	[sflag:s21] =	ssyncadd.s32 @!p1 $0xFFFFFE00  }
0x42: {  	[tilespmem:s19], [sflag:$0x3] =	stream.indirect.gather.add.f32 [hbm:s1], $0x80, s4, s18, $0xb8;
	[tilespmem:$0x1FD80] =	vst v63  }
0x43: {  	s2 =	simm.s32 $0x138  }
0x44: {  	[tilespmem:s19], [sflag:$0x3] =	stream.indirect.gather.add.f32 [hbm:s1], $0x80, s2, s18, $0xb8;
	[tilespmem:$0x1FD80] =	vst v63  }
0x45: {  	s23 =	simm.s32 $0x270  }
0x46: {  	[tilespmem:s19], [sflag:$0x3] =	stream.indirect.gather.add.f32 [hbm:s1], $0x80, s23, s18, $0xb8;
	[tilespmem:$0x1FD80] =	vst v63  }
0x47: {  	s21 =	simm.s32 $0x3A8  }
0x48: {  	[tilespmem:s19], [sflag:$0x3] =	stream.indirect.gather.add.f32 [hbm:s1], $0x80, s21, s18, $0xb8;
	[tilespmem:$0x1FD80] =	vst v63  }
0x49: {  	s23 =	simm.s32 $0x4E0  }
0x4a: {  	[tilespmem:s19], [sflag:$0x3] =	stream.indirect.gather.add.f32 [hbm:s1], $0x80, s23, s18, $0xb8;
	[tilespmem:$0x1FD80] =	vst v63  }
0x4b: {  	s21 =	simm.s32 $0x618  }
0x4c: {  	[tilespmem:s19], [sflag:$0x3] =	stream.indirect.gather.add.f32 [hbm:s1], $0x80, s21, s18, $0xb8;
	[tilespmem:$0x1FD80] =	vst v63  }
0x4d: {  	s23 =	simm.s32 $0x750  }
0x4e: {  	[tilespmem:s19], [sflag:$0x3] =	stream.indirect.gather.add.f32 [hbm:s1], $0x80, s23, s18, $0xb8;
	[tilespmem:$0x1FD80] =	vst v63  }
0x4f: {  	s21 =	simm.s32 $0x888  }
0x50: {  	[tilespmem:s19], [sflag:$0x3] =	stream.indirect.gather.add.f32 [hbm:s1], $0x80, s21, s18, $0xb8;
	[tilespmem:$0x1FD80] =	vst v63  }
0x51: {  	s23 =	simm.s32 $0x9C0  }
0x52: {  	[tilespmem:s19], [sflag:$0x3] =	stream.indirect.gather.add.f32 [hbm:s1], $0x80, s23, s18, $0xb8;
	[tilespmem:$0x1FD80] =	vst v63  }
0x53: {  	s21 =	simm.s32 $0xAF8  }
0x54: {  	[tilespmem:s19], [sflag:$0x3] =	stream.indirect.gather.add.f32 [hbm:s1], $0x80, s21, s18, $0xb8;
	[tilespmem:$0x1FD80] =	vst v63  }
0x55: {  	s23 =	simm.s32 $0xC30  }
0x56: {  	[tilespmem:s19], [sflag:$0x3] =	stream.indirect.gather.add.f32 [hbm:s1], $0x80, s23, s18, $0xb8;
	[tilespmem:$0x1FD80] =	vst v63  }
0x57: {  	s21 =	simm.s32 $0xD68  }
0x58: {  	[tilespmem:s19], [sflag:$0x3] =	stream.indirect.gather.add.f32 [hbm:s1], $0x80, s21, s18, $0xb8;
	[tilespmem:$0x1FD80] =	vst v63  }
0x59: {  	s23 =	simm.s32 $0xEA0  }
0x5a: {  	[tilespmem:s19], [sflag:$0x3] =	stream.indirect.gather.add.f32 [hbm:s1], $0x80, s23, s18, $0xb8;
	[tilespmem:$0x1FD80] =	vst v63  }
0x5b: {  	s21 =	simm.s32 $0xFD8  }
0x5c: {  	[tilespmem:s19], [sflag:$0x3] =	stream.indirect.gather.add.f32 [hbm:s1], $0x80, s21, s18, $0xb8;
	[tilespmem:$0x1FD80] =	vst v63  }
0x5d: {  	s23 =	simm.s32 $0x1110  }
0x5e: {  	[tilespmem:s19], [sflag:$0x3] =	stream.indirect.gather.add.f32 [hbm:s1], $0x80, s23, s18, $0xb8;
	[tilespmem:$0x1FD80] =	vst v63  }
0x5f: {  	s21 =	simm.s32 $0x1248  }
0x60: {  	[tilespmem:s19], [sflag:$0x3] =	stream.indirect.gather.add.f32 [hbm:s1], $0x80, s21, s18, $0xb8;
	[tilespmem:$0x1FD80] =	vst v63  }
0x61: {  	s23 =	simm.s32 $0x1380  }
0x62: {  	[tilespmem:s19], [sflag:$0x3] =	stream.indirect.gather.add.f32 [hbm:s1], $0x80, s23, s18, $0xb8;
	[tilespmem:$0x1FD80] =	vst v63  }
0x63: {  	s21 =	simm.s32 $0x14B8  }
0x64: {  	[tilespmem:s19], [sflag:$0x3] =	stream.indirect.gather.add.f32 [hbm:s1], $0x80, s21, s18, $0xb8;
	[tilespmem:$0x1FD80] =	vst v63  }
0x65: {  	s23 =	simm.s32 $0x15F0  }
0x66: {  	[tilespmem:s19], [sflag:$0x3] =	stream.indirect.gather.add.f32 [hbm:s1], $0x80, s23, s18, $0xb8;
	[tilespmem:$0x1FD80] =	vst v63  }
0x67: {  	s21 =	simm.s32 $0x1728  }
0x68: {  	[tilespmem:s19], [sflag:$0x3] =	stream.indirect.gather.add.f32 [hbm:s1], $0x80, s21, s18, $0xb8;
	[tilespmem:$0x1FD80] =	vst v63  }
0x69: {  	s23 =	simm.s32 $0x1860  }
0x6a: {  	[tilespmem:s19], [sflag:$0x3] =	stream.indirect.gather.add.f32 [hbm:s1], $0x80, s23, s18, $0xb8;
	[tilespmem:$0x1FD80] =	vst v63  }
0x6b: {  	s21 =	simm.s32 $0x1998  }
0x6c: {  	[tilespmem:s19], [sflag:$0x3] =	stream.indirect.gather.add.f32 [hbm:s1], $0x80, s21, s18, $0xb8;
	[tilespmem:$0x1FD80] =	vst v63  }
0x6d: {  	s23 =	simm.s32 $0x1AD0  }
0x6e: {  	[tilespmem:s19], [sflag:$0x3] =	stream.indirect.gather.add.f32 [hbm:s1], $0x80, s23, s18, $0xb8;
	[tilespmem:$0x1FD80] =	vst v63  }
0x6f: {  	s21 =	simm.s32 $0x1C08  }
0x70: {  	[tilespmem:s19], [sflag:$0x3] =	stream.indirect.gather.add.f32 [hbm:s1], $0x80, s21, s18, $0xb8;
	[tilespmem:$0x1FD80] =	vst v63  }
0x71: {  	s23 =	simm.s32 $0x1D40  }
0x72: {  	[tilespmem:s19], [sflag:$0x3] =	stream.indirect.gather.add.f32 [hbm:s1], $0x80, s23, s18, $0xb8;
	[tilespmem:$0x1FD80] =	vst v63  }
0x73: {  	s21 =	simm.s32 $0x1E78  }
0x74: {  	[tilespmem:s19], [sflag:$0x3] =	stream.indirect.gather.add.f32 [hbm:s1], $0x80, s21, s18, $0xb8;
	[tilespmem:$0x1FD80] =	vst v63  }
0x75: {  	s23 =	simm.s32 $0x1FB0  }
0x76: {  	[tilespmem:s19], [sflag:$0x3] =	stream.indirect.gather.add.f32 [hbm:s1], $0x80, s23, s18, $0xb8;
	[tilespmem:$0x1FD80] =	vst v63  }
0x77: {  	s21 =	simm.s32 $0x20E8  }
0x78: {  	[tilespmem:s19], [sflag:$0x3] =	stream.indirect.gather.add.f32 [hbm:s1], $0x80, s21, s18, $0xb8;
	[tilespmem:$0x1FD80] =	vst v63  }
0x79: {  	s23 =	simm.s32 $0x2220  }
0x7a: {  	[tilespmem:s19], [sflag:$0x3] =	stream.indirect.gather.add.f32 [hbm:s1], $0x80, s23, s18, $0xb8;
	[tilespmem:$0x1FD80] =	vst v63  }
0x7b: {  	s21 =	simm.s32 $0x2358  }
0x7c: {  	[tilespmem:s19], [sflag:$0x3] =	stream.indirect.gather.add.f32 [hbm:s1], $0x80, s21, s18, $0xb8;
	[tilespmem:$0x1FD80] =	vst v63  }
0x7d: {  	s23 =	simm.s32 $0x2490  }
0x7e: {  	[tilespmem:s19], [sflag:$0x3] =	stream.indirect.gather.add.f32 [hbm:s1], $0x80, s23, s18, $0xb8;
	[tilespmem:$0x1FD80] =	vst v63  }
0x7f: {  	s21 =	simm.s32 $0x25C8  }
0x80: {  	[tilespmem:s19], [sflag:$0x3] =	stream.indirect.gather.add.f32 [hbm:s1], $0x80, s21, s18, $0xb8;
	[tilespmem:$0x1FD80] =	vst v63  }
0x81: {  	_ =	swait.ge [sflag:s25], $0x2700  }
0x82: {  	[sflag:s25] =	ssyncset.done $0x0  }
0x83: {  	s21 =	simm.s32 @!p0 $0x1;
	[sflag:s25] =	ssyncadd.s32 $0xFFFFD900  }
0x84: {  	_ =	swait.ge @!p0 [sflag:s21], $0x100  }
0x85: {  	[sflag:s21] =	ssyncset.done @!p0 $0x0  }
0x86: {  	[sflag:s21] =	ssyncadd.s32 @!p0 $0xFFFFFF00  }
0x87: {  	[bflag:$0x0] =	sbarrier.arrive $0xFFFF  }
0x88: {  	[tilespmem:s26], [sflag:$0x4] =	stream.indirect.gather.add.f32 [spmem:s3], $0x80, s18, s18, $0xb8;
	[tilespmem:$0x1FD80] =	vst v63  }
0x89: {  	s23 =	simm.s32 $0x1B8  }
0x8a: {  	[tilespmem:s26], [sflag:$0x4] =	stream.indirect.gather.add.f32 [spmem:s3], $0x80, s23, s18, $0xb8;
	[tilespmem:$0x1FD80] =	vst v63  }
0x8b: {  	s21 =	simm.s32 $0x2F0  }
0x8c: {  	[tilespmem:s26], [sflag:$0x4] =	stream.indirect.gather.add.f32 [spmem:s3], $0x80, s21, s18, $0xb8;
	[tilespmem:$0x1FD80] =	vst v63  }
0x8d: {  	s23 =	simm.s32 $0x428  }
0x8e: {  	[tilespmem:s26], [sflag:$0x4] =	stream.indirect.gather.add.f32 [spmem:s3], $0x80, s23, s18, $0xb8;
	[tilespmem:$0x1FD80] =	vst v63  }
0x8f: {  	s21 =	simm.s32 $0x560  }
0x90: {  	[tilespmem:s26], [sflag:$0x4] =	stream.indirect.gather.add.f32 [spmem:s3], $0x80, s21, s18, $0xb8;
	[tilespmem:$0x1FD80] =	vst v63  }
0x91: {  	s23 =	simm.s32 $0x698  }
0x92: {  	[tilespmem:s26], [sflag:$0x4] =	stream.indirect.gather.add.f32 [spmem:s3], $0x80, s23, s18, $0xb8;
	[tilespmem:$0x1FD80] =	vst v63  }
0x93: {  	s21 =	simm.s32 $0x7D0  }
0x94: {  	[tilespmem:s26], [sflag:$0x4] =	stream.indirect.gather.add.f32 [spmem:s3], $0x80, s21, s18, $0xb8;
	[tilespmem:$0x1FD80] =	vst v63  }
0x95: {  	s23 =	simm.s32 $0x908  }
0x96: {  	[tilespmem:s26], [sflag:$0x4] =	stream.indirect.gather.add.f32 [spmem:s3], $0x80, s23, s18, $0xb8;
	[tilespmem:$0x1FD80] =	vst v63  }
0x97: {  	s21 =	simm.s32 $0xA40  }
0x98: {  	[tilespmem:s26], [sflag:$0x4] =	stream.indirect.gather.add.f32 [spmem:s3], $0x80, s21, s18, $0xb8;
	[tilespmem:$0x1FD80] =	vst v63  }
0x99: {  	s23 =	simm.s32 $0xB78  }
0x9a: {  	[tilespmem:s26], [sflag:$0x4] =	stream.indirect.gather.add.f32 [spmem:s3], $0x80, s23, s18, $0xb8;
	[tilespmem:$0x1FD80] =	vst v63  }
0x9b: {  	s21 =	simm.s32 $0xCB0  }
0x9c: {  	[tilespmem:s26], [sflag:$0x4] =	stream.indirect.gather.add.f32 [spmem:s3], $0x80, s21, s18, $0xb8;
	[tilespmem:$0x1FD80] =	vst v63  }
0x9d: {  	s23 =	simm.s32 $0xDE8  }
0x9e: {  	[tilespmem:s26], [sflag:$0x4] =	stream.indirect.gather.add.f32 [spmem:s3], $0x80, s23, s18, $0xb8;
	[tilespmem:$0x1FD80] =	vst v63  }
0x9f: {  	s21 =	simm.s32 $0xF20  }
0xa0: {  	[tilespmem:s26], [sflag:$0x4] =	stream.indirect.gather.add.f32 [spmem:s3], $0x80, s21, s18, $0xb8;
	[tilespmem:$0x1FD80] =	vst v63  }
0xa1: {  	s23 =	simm.s32 $0x1058  }
0xa2: {  	[tilespmem:s26], [sflag:$0x4] =	stream.indirect.gather.add.f32 [spmem:s3], $0x80, s23, s18, $0xb8;
	[tilespmem:$0x1FD80] =	vst v63  }
0xa3: {  	s21 =	simm.s32 $0x1190  }
0xa4: {  	[tilespmem:s26], [sflag:$0x4] =	stream.indirect.gather.add.f32 [spmem:s3], $0x80, s21, s18, $0xb8;
	[tilespmem:$0x1FD80] =	vst v63  }
0xa5: {  	s23 =	simm.s32 $0x12C8  }
0xa6: {  	[tilespmem:s26], [sflag:$0x4] =	stream.indirect.gather.add.f32 [spmem:s3], $0x80, s23, s18, $0xb8;
	[tilespmem:$0x1FD80] =	vst v63  }
0xa7: {  	s21 =	simm.s32 $0x1400  }
0xa8: {  	[tilespmem:s26], [sflag:$0x4] =	stream.indirect.gather.add.f32 [spmem:s3], $0x80, s21, s18, $0xb8;
	[tilespmem:$0x1FD80] =	vst v63  }
0xa9: {  	s23 =	simm.s32 $0x1538  }
0xaa: {  	[tilespmem:s26], [sflag:$0x4] =	stream.indirect.gather.add.f32 [spmem:s3], $0x80, s23, s18, $0xb8;
	[tilespmem:$0x1FD80] =	vst v63  }
0xab: {  	s21 =	simm.s32 $0x1670  }
0xac: {  	[tilespmem:s26], [sflag:$0x4] =	stream.indirect.gather.add.f32 [spmem:s3], $0x80, s21, s18, $0xb8;
	[tilespmem:$0x1FD80] =	vst v63  }
0xad: {  	s23 =	simm.s32 $0x17A8  }
0xae: {  	[tilespmem:s26], [sflag:$0x4] =	stream.indirect.gather.add.f32 [spmem:s3], $0x80, s23, s18, $0xb8;
	[tilespmem:$0x1FD80] =	vst v63  }
0xaf: {  	s21 =	simm.s32 $0x18E0  }
0xb0: {  	[tilespmem:s26], [sflag:$0x4] =	stream.indirect.gather.add.f32 [spmem:s3], $0x80, s21, s18, $0xb8;
	[tilespmem:$0x1FD80] =	vst v63  }
0xb1: {  	s23 =	simm.s32 $0x1A18  }
0xb2: {  	[tilespmem:s26], [sflag:$0x4] =	stream.indirect.gather.add.f32 [spmem:s3], $0x80, s23, s18, $0xb8;
	[tilespmem:$0x1FD80] =	vst v63  }
0xb3: {  	s21 =	simm.s32 $0x1B50  }
0xb4: {  	[tilespmem:s26], [sflag:$0x4] =	stream.indirect.gather.add.f32 [spmem:s3], $0x80, s21, s18, $0xb8;
	[tilespmem:$0x1FD80] =	vst v63  }
0xb5: {  	s23 =	simm.s32 $0x1C88  }
0xb6: {  	[tilespmem:s26], [sflag:$0x4] =	stream.indirect.gather.add.f32 [spmem:s3], $0x80, s23, s18, $0xb8;
	[tilespmem:$0x1FD80] =	vst v63  }
0xb7: {  	s21 =	simm.s32 $0x1DC0  }
0xb8: {  	[tilespmem:s26], [sflag:$0x4] =	stream.indirect.gather.add.f32 [spmem:s3], $0x80, s21, s18, $0xb8;
	[tilespmem:$0x1FD80] =	vst v63  }
0xb9: {  	s23 =	simm.s32 $0x1EF8  }
0xba: {  	[tilespmem:s26], [sflag:$0x4] =	stream.indirect.gather.add.f32 [spmem:s3], $0x80, s23, s18, $0xb8;
	[tilespmem:$0x1FD80] =	vst v63  }
0xbb: {  	s21 =	simm.s32 $0x2030  }
0xbc: {  	[tilespmem:s26], [sflag:$0x4] =	stream.indirect.gather.add.f32 [spmem:s3], $0x80, s21, s18, $0xb8;
	[tilespmem:$0x1FD80] =	vst v63  }
0xbd: {  	s23 =	simm.s32 $0x2168  }
0xbe: {  	[tilespmem:s26], [sflag:$0x4] =	stream.indirect.gather.add.f32 [spmem:s3], $0x80, s23, s18, $0xb8;
	[tilespmem:$0x1FD80] =	vst v63  }
0xbf: {  	s21 =	simm.s32 $0x22A0  }
0xc0: {  	[tilespmem:s26], [sflag:$0x4] =	stream.indirect.gather.add.f32 [spmem:s3], $0x80, s21, s18, $0xb8;
	[tilespmem:$0x1FD80] =	vst v63  }
0xc1: {  	s23 =	simm.s32 $0x23D8  }
0xc2: {  	[tilespmem:s26], [sflag:$0x4] =	stream.indirect.gather.add.f32 [spmem:s3], $0x80, s23, s18, $0xb8;
	[tilespmem:$0x1FD80] =	vst v63  }
0xc3: {  	s21 =	simm.s32 $0x2510  }
0xc4: {  	[tilespmem:s26], [sflag:$0x4] =	stream.indirect.gather.add.f32 [spmem:s3], $0x80, s21, s18, $0xb8;
	[tilespmem:$0x1FD80] =	vst v63  }
0xc5: {  	s23 =	simm.s32 $0x2648  }
0xc6: {  	[tilespmem:s26], [sflag:$0x4] =	stream.indirect.gather.add.f32 [spmem:s3], $0x80, s23, s18, $0xb8;
	[tilespmem:$0x1FD80] =	vst v63  }
0xc7: {  	s21 =	simm.s32 $0x100  }
0xc8: {  	[tilespmem:s22], [sflag:$0x5] =	stream.indirect.gather.add.f32 [spmem:s3], $0x80, s21, s20, $0xb8;
	[tilespmem:$0x1FD80] =	vst v63  }
0xc9: {  	s23 =	simm.s32 $0x238  }
0xca: {  	[tilespmem:s22], [sflag:$0x5] =	stream.indirect.gather.add.f32 [spmem:s3], $0x80, s23, s20, $0xb8;
	[tilespmem:$0x1FD80] =	vst v63  }
0xcb: {  	s21 =	simm.s32 $0x370  }
0xcc: {  	[tilespmem:s22], [sflag:$0x5] =	stream.indirect.gather.add.f32 [spmem:s3], $0x80, s21, s20, $0xb8;
	[tilespmem:$0x1FD80] =	vst v63  }
0xcd: {  	s23 =	simm.s32 $0x4A8  }
0xce: {  	[tilespmem:s22], [sflag:$0x5] =	stream.indirect.gather.add.f32 [spmem:s3], $0x80, s23, s20, $0xb8;
	[tilespmem:$0x1FD80] =	vst v63  }
0xcf: {  	s21 =	simm.s32 $0x5E0  }
0xd0: {  	[tilespmem:s22], [sflag:$0x5] =	stream.indirect.gather.add.f32 [spmem:s3], $0x80, s21, s20, $0xb8;
	[tilespmem:$0x1FD80] =	vst v63  }
0xd1: {  	s23 =	simm.s32 $0x718  }
0xd2: {  	[tilespmem:s22], [sflag:$0x5] =	stream.indirect.gather.add.f32 [spmem:s3], $0x80, s23, s20, $0xb8;
	[tilespmem:$0x1FD80] =	vst v63  }
0xd3: {  	s21 =	simm.s32 $0x850  }
0xd4: {  	[tilespmem:s22], [sflag:$0x5] =	stream.indirect.gather.add.f32 [spmem:s3], $0x80, s21, s20, $0xb8;
	[tilespmem:$0x1FD80] =	vst v63  }
0xd5: {  	s23 =	simm.s32 $0x988  }
0xd6: {  	[tilespmem:s22], [sflag:$0x5] =	stream.indirect.gather.add.f32 [spmem:s3], $0x80, s23, s20, $0xb8;
	[tilespmem:$0x1FD80] =	vst v63  }
0xd7: {  	s21 =	simm.s32 $0xAC0  }
0xd8: {  	[tilespmem:s22], [sflag:$0x5] =	stream.indirect.gather.add.f32 [spmem:s3], $0x80, s21, s20, $0xb8;
	[tilespmem:$0x1FD80] =	vst v63  }
0xd9: {  	s23 =	simm.s32 $0xBF8  }
0xda: {  	[tilespmem:s22], [sflag:$0x5] =	stream.indirect.gather.add.f32 [spmem:s3], $0x80, s23, s20, $0xb8;
	[tilespmem:$0x1FD80] =	vst v63  }
0xdb: {  	s21 =	simm.s32 $0xD30  }
0xdc: {  	[tilespmem:s22], [sflag:$0x5] =	stream.indirect.gather.add.f32 [spmem:s3], $0x80, s21, s20, $0xb8;
	[tilespmem:$0x1FD80] =	vst v63  }
0xdd: {  	s23 =	simm.s32 $0xE68  }
0xde: {  	[tilespmem:s22], [sflag:$0x5] =	stream.indirect.gather.add.f32 [spmem:s3], $0x80, s23, s20, $0xb8;
	[tilespmem:$0x1FD80] =	vst v63  }
0xdf: {  	s21 =	simm.s32 $0xFA0  }
0xe0: {  	[tilespmem:s22], [sflag:$0x5] =	stream.indirect.gather.add.f32 [spmem:s3], $0x80, s21, s20, $0xb8;
	[tilespmem:$0x1FD80] =	vst v63  }
0xe1: {  	s23 =	simm.s32 $0x10D8  }
0xe2: {  	[tilespmem:s22], [sflag:$0x5] =	stream.indirect.gather.add.f32 [spmem:s3], $0x80, s23, s20, $0xb8;
	[tilespmem:$0x1FD80] =	vst v63  }
0xe3: {  	s21 =	simm.s32 $0x1210  }
0xe4: {  	[tilespmem:s22], [sflag:$0x5] =	stream.indirect.gather.add.f32 [spmem:s3], $0x80, s21, s20, $0xb8;
	[tilespmem:$0x1FD80] =	vst v63  }
0xe5: {  	s23 =	simm.s32 $0x1348  }
0xe6: {  	[tilespmem:s22], [sflag:$0x5] =	stream.indirect.gather.add.f32 [spmem:s3], $0x80, s23, s20, $0xb8;
	[tilespmem:$0x1FD80] =	vst v63  }
0xe7: {  	s21 =	simm.s32 $0x1480  }
0xe8: {  	[tilespmem:s22], [sflag:$0x5] =	stream.indirect.gather.add.f32 [spmem:s3], $0x80, s21, s20, $0xb8;
	[tilespmem:$0x1FD80] =	vst v63  }
0xe9: {  	s23 =	simm.s32 $0x15B8  }
0xea: {  	[tilespmem:s22], [sflag:$0x5] =	stream.indirect.gather.add.f32 [spmem:s3], $0x80, s23, s20, $0xb8;
	[tilespmem:$0x1FD80] =	vst v63  }
0xeb: {  	s21 =	simm.s32 $0x16F0  }
0xec: {  	[tilespmem:s22], [sflag:$0x5] =	stream.indirect.gather.add.f32 [spmem:s3], $0x80, s21, s20, $0xb8;
	[tilespmem:$0x1FD80] =	vst v63  }
0xed: {  	s23 =	simm.s32 $0x1828  }
0xee: {  	[tilespmem:s22], [sflag:$0x5] =	stream.indirect.gather.add.f32 [spmem:s3], $0x80, s23, s20, $0xb8;
	[tilespmem:$0x1FD80] =	vst v63  }
0xef: {  	s21 =	simm.s32 $0x1960  }
0xf0: {  	[tilespmem:s22], [sflag:$0x5] =	stream.indirect.gather.add.f32 [spmem:s3], $0x80, s21, s20, $0xb8;
	[tilespmem:$0x1FD80] =	vst v63  }
0xf1: {  	s23 =	simm.s32 $0x1A98  }
0xf2: {  	[tilespmem:s22], [sflag:$0x5] =	stream.indirect.gather.add.f32 [spmem:s3], $0x80, s23, s20, $0xb8;
	[tilespmem:$0x1FD80] =	vst v63  }
0xf3: {  	s21 =	simm.s32 $0x1BD0  }
0xf4: {  	[tilespmem:s22], [sflag:$0x5] =	stream.indirect.gather.add.f32 [spmem:s3], $0x80, s21, s20, $0xb8;
	[tilespmem:$0x1FD80] =	vst v63  }
0xf5: {  	s23 =	simm.s32 $0x1D08  }
0xf6: {  	[tilespmem:s22], [sflag:$0x5] =	stream.indirect.gather.add.f32 [spmem:s3], $0x80, s23, s20, $0xb8;
	[tilespmem:$0x1FD80] =	vst v63  }
0xf7: {  	s21 =	simm.s32 $0x1E40  }
0xf8: {  	[tilespmem:s22], [sflag:$0x5] =	stream.indirect.gather.add.f32 [spmem:s3], $0x80, s21, s20, $0xb8;
	[tilespmem:$0x1FD80] =	vst v63  }
0xf9: {  	s23 =	simm.s32 $0x1F78  }
0xfa: {  	[tilespmem:s22], [sflag:$0x5] =	stream.indirect.gather.add.f32 [spmem:s3], $0x80, s23, s20, $0xb8;
	[tilespmem:$0x1FD80] =	vst v63  }
0xfb: {  	s21 =	simm.s32 $0x20B0  }
0xfc: {  	[tilespmem:s22], [sflag:$0x5] =	stream.indirect.gather.add.f32 [spmem:s3], $0x80, s21, s20, $0xb8;
	[tilespmem:$0x1FD80] =	vst v63  }
0xfd: {  	s23 =	simm.s32 $0x21E8  }
0xfe: {  	[tilespmem:s22], [sflag:$0x5] =	stream.indirect.gather.add.f32 [spmem:s3], $0x80, s23, s20, $0xb8;
	[tilespmem:$0x1FD80] =	vst v63  }
0xff: {  	s21 =	simm.s32 $0x2320  }
0x100: {  	[tilespmem:s22], [sflag:$0x5] =	stream.indirect.gather.add.f32 [spmem:s3], $0x80, s21, s20, $0xb8;
	[tilespmem:$0x1FD80] =	vst v63  }
0x101: {  	s23 =	simm.s32 $0x2458  }
0x102: {  	[tilespmem:s22], [sflag:$0x5] =	stream.indirect.gather.add.f32 [spmem:s3], $0x80, s23, s20, $0xb8;
	[tilespmem:$0x1FD80] =	vst v63  }
0x103: {  	s21 =	simm.s32 $0x2590  }
0x104: {  	[tilespmem:s22], [sflag:$0x5] =	stream.indirect.gather.add.f32 [spmem:s3], $0x80, s21, s20, $0xb8;
	[tilespmem:$0x1FD80] =	vst v63  }
0x105: {  	s23 =	simm.s32 $0x26C8  }
0x106: {  	[tilespmem:s22], [sflag:$0x5] =	stream.indirect.gather.add.f32 [spmem:s3], $0x80, s23, s20, $0xb8;
	[tilespmem:$0x1FD80] =	vst v63  }
0x107: {  	_ =	swait.ge [sflag:s24], $0x4000  }
0x108: {  	[sflag:s24] =	ssyncset.done $0x0  }
0x109: {  	[sflag:s24] =	ssyncadd.s32 $0xFFFFC000  }
0x10a: {  	_ =	swait.ge [sflag:s24], $0x4000  }
0x10b: {  	[sflag:s24] =	ssyncset.done $0x0  }
0x10c: {  	[sflag:s24] =	ssyncadd.s32 $0xFFFFC000  }
0x10d: {  	_ =	swait.ge [sflag:s24], $0x4000  }
0x10e: {  	[sflag:s24] =	ssyncset.done $0x0  }
0x10f: {  	[sflag:s24] =	ssyncadd.s32 $0xFFFFC000  }
0x110: {  	_ =	swait.ge [sflag:s24], $0x4000  }
0x111: {  	[sflag:s24] =	ssyncset.done $0x0  }
0x112: {  	[sflag:s24] =	ssyncadd.s32 $0xFFFFC000  }
0x113: {  	_ =	swait.ge [sflag:s24], $0x4000  }
0x114: {  	[sflag:s24] =	ssyncset.done $0x0  }
0x115: {  	[sflag:s24] =	ssyncadd.s32 $0xFFFFC000  }
0x116: {  	_ =	swait.ge [sflag:s24], $0x4000  }
0x117: {  	[sflag:s24] =	ssyncset.done $0x0  }
0x118: {  	[sflag:s24] =	ssyncadd.s32 $0xFFFFC000  }
0x119: {  	_ =	swait.ge [sflag:s24], $0x4000  }
0x11a: {  	[sflag:s24] =	ssyncset.done $0x0  }
0x11b: {  	[sflag:s24] =	ssyncadd.s32 $0xFFFFC000  }
0x11c: {  	_ =	swait.ge [sflag:s24], $0x4000  }
0x11d: {  	[sflag:s24] =	ssyncset.done $0x0  }
0x11e: {  	[sflag:s24] =	ssyncadd.s32 $0xFFFFC000  }
0x11f: {  	_ =	swait.ge [sflag:s24], $0x4000  }
0x120: {  	[sflag:s24] =	ssyncset.done $0x0  }
0x121: {  	[sflag:s24] =	ssyncadd.s32 $0xFFFFC000  }
0x122: {  	_ =	swait.ge [sflag:s24], $0x4000  }
0x123: {  	[sflag:s24] =	ssyncset.done $0x0  }
0x124: {  	[sflag:s24] =	ssyncadd.s32 $0xFFFFC000  }
0x125: {  	_ =	swait.ge [sflag:s24], $0x4000  }
0x126: {  	[sflag:s24] =	ssyncset.done $0x0  }
0x127: {  	[sflag:s24] =	ssyncadd.s32 $0xFFFFC000  }
0x128: {  	_ =	swait.ge [sflag:s24], $0x4000  }
0x129: {  	[sflag:s24] =	ssyncset.done $0x0  }
0x12a: {  	[sflag:s24] =	ssyncadd.s32 $0xFFFFC000  }
0x12b: {  	_ =	swait.ge [sflag:s24], $0x4000  }
0x12c: {  	[sflag:s24] =	ssyncset.done $0x0  }
0x12d: {  	[sflag:s24] =	ssyncadd.s32 $0xFFFFC000  }
0x12e: {  	_ =	swait.ge [sflag:s24], $0x4000  }
0x12f: {  	[sflag:s24] =	ssyncset.done $0x0  }
0x130: {  	[sflag:s24] =	ssyncadd.s32 $0xFFFFC000  }
0x131: {  	_ =	swait.ge [sflag:s24], $0x4000  }
0x132: {  	[sflag:s24] =	ssyncset.done $0x0  }
0x133: {  	[sflag:s24] =	ssyncadd.s32 $0xFFFFC000  }
0x134: {  	_ =	swait.ge [sflag:s24], $0x4000  }
0x135: {  	[sflag:s24] =	ssyncset.done $0x0  }
0x136: {  	[sflag:s24] =	ssyncadd.s32 $0xFFFFC000  }
0x137: {  	_ =	swait.ge [sflag:s24], $0x4000  }
0x138: {  	[sflag:s24] =	ssyncset.done $0x0  }
0x139: {  	[sflag:s24] =	ssyncadd.s32 $0xFFFFC000  }
0x13a: {  	_ =	swait.ge [sflag:s24], $0x4000  }
0x13b: {  	[sflag:s24] =	ssyncset.done $0x0  }
0x13c: {  	[sflag:s24] =	ssyncadd.s32 $0xFFFFC000  }
0x13d: {  	_ =	swait.ge [sflag:s24], $0x4000  }
0x13e: {  	[sflag:s24] =	ssyncset.done $0x0  }
0x13f: {  	[sflag:s24] =	ssyncadd.s32 $0xFFFFC000  }
0x140: {  	_ =	swait.ge [sflag:s24], $0x4000  }
0x141: {  	[sflag:s24] =	ssyncset.done $0x0  }
0x142: {  	[sflag:s24] =	ssyncadd.s32 $0xFFFFC000  }
0x143: {  	_ =	swait.ge [sflag:s24], $0x4000  }
0x144: {  	[sflag:s24] =	ssyncset.done $0x0  }
0x145: {  	[sflag:s24] =	ssyncadd.s32 $0xFFFFC000  }
0x146: {  	_ =	swait.ge [sflag:s24], $0x4000  }
0x147: {  	[sflag:s24] =	ssyncset.done $0x0  }
0x148: {  	[sflag:s24] =	ssyncadd.s32 $0xFFFFC000  }
0x149: {  	_ =	swait.ge [sflag:s24], $0x4000  }
0x14a: {  	[sflag:s24] =	ssyncset.done $0x0  }
0x14b: {  	[sflag:s24] =	ssyncadd.s32 $0xFFFFC000  }
0x14c: {  	_ =	swait.ge [sflag:s24], $0x4000  }
0x14d: {  	[sflag:s24] =	ssyncset.done $0x0  }
0x14e: {  	[sflag:s24] =	ssyncadd.s32 $0xFFFFC000  }
0x14f: {  	_ =	swait.ge [sflag:s24], $0x4000  }
0x150: {  	[sflag:s24] =	ssyncset.done $0x0  }
0x151: {  	[sflag:s24] =	ssyncadd.s32 $0xFFFFC000  }
0x152: {  	_ =	swait.ge [sflag:s24], $0x4000  }
0x153: {  	[sflag:s24] =	ssyncset.done $0x0  }
0x154: {  	[sflag:s24] =	ssyncadd.s32 $0xFFFFC000  }
0x155: {  	_ =	swait.ge [sflag:s24], $0x4000  }
0x156: {  	[sflag:s24] =	ssyncset.done $0x0  }
0x157: {  	[sflag:s24] =	ssyncadd.s32 $0xFFFFC000  }
0x158: {  	_ =	swait.ge [sflag:s24], $0x4000  }
0x159: {  	[sflag:s24] =	ssyncset.done $0x0  }
0x15a: {  	[sflag:s24] =	ssyncadd.s32 $0xFFFFC000  }
0x15b: {  	_ =	swait.ge [sflag:s24], $0x4000  }
0x15c: {  	[sflag:s24] =	ssyncset.done $0x0  }
0x15d: {  	[sflag:s24] =	ssyncadd.s32 $0xFFFFC000  }
0x15e: {  	_ =	swait.ge [sflag:s24], $0x4000  }
0x15f: {  	[sflag:s24] =	ssyncset.done $0x0  }
0x160: {  	[sflag:s24] =	ssyncadd.s32 $0xFFFFC000  }
0x161: {  	_ =	swait.ge [sflag:s24], $0x4000  }
0x162: {  	[sflag:s24] =	ssyncset.done $0x0  }
0x163: {  	[sflag:s24] =	ssyncadd.s32 $0xFFFFC000  }
0x164: {  	_ =	swait.ge [sflag:s24], $0x4000  }
0x165: {  	[sflag:s24] =	ssyncset.done $0x0  }
0x166: {  	s21 =	simm.s32 $0x0;
	[sflag:s24] =	ssyncadd.s32 $0xFFFFC000  }
0x167: {  	v4 =	vld [tilespmem:s21+$0x2900]  }
0x168: {  	v6 =	vld [tilespmem:s21+$0x2910]  }
0x169: {  	v5 =	vld [tilespmem:s21+$0x2920]  }
0x16a: {  	v3 =	vld [tilespmem:s21+$0x2930]  }
0x16b: {  	v1 =	vld [tilespmem:s21+$0x2940]  }
0x16c: {  	v2 =	vld [tilespmem:s21+$0x2950];
	v7 =	vmul.f32 $3.125000000e-02, v4  }
0x16d: {  	s23 =	simm.s32 $0x200;
	v6 =	vmul.f32 $3.125000000e-02, v6;
	v4 =	vld [tilespmem:s21+$0x2960]  }
.LBB2_4:
0x16e: {  	s2 =	sshra.s32 s23, $0x2;
	p2 =	sne.s32 s23, $0xFE00;
	[tilespmem:s21+$0x2900] =	vst v7;
	v5 =	vmul.f32 $3.125000000e-02, v5;
	v7 =	vld [tilespmem:s21+$0x2970]  }
0x16f: {  	v8 =	vld [tilespmem:s2+$0x2900];
	[tilespmem:s21+$0x2910] =	vst v6;
	v3 =	vmul.f32 $3.125000000e-02, v3  }
0x170: {  	v6 =	vld [tilespmem:s2+$0x2910];
	[tilespmem:s21+$0x2920] =	vst v5;
	v1 =	vmul.f32 $3.125000000e-02, v1  }
.Ltmp3:
0x171: {  	v5 =	vld [tilespmem:s2+$0x2920];
	[tilespmem:s21+$0x2930] =	vst v3;
	v2 =	vmul.f32 $3.125000000e-02, v2;
	(pc) =	sbr.rel @p2 .LBB2_4-.Ltmp3, $4  }
0x172: {  	v3 =	vld [tilespmem:s2+$0x2930];
	[tilespmem:s21+$0x2940] =	vst v1;
	v4 =	vmul.f32 $3.125000000e-02, v4  }
0x173: {  	v1 =	vld [tilespmem:s2+$0x2940];
	[tilespmem:s21+$0x2950] =	vst v2;
	v9 =	vmul.f32 $3.125000000e-02, v7  }
0x174: {  	v7 =	vmul.f32 $3.125000000e-02, v8;
	v2 =	vld [tilespmem:s2+$0x2950];
	[tilespmem:s21+$0x2960] =	vst v4  }
0x175: {  	s23 =	sadd.s32 $0x200, s23;
	v6 =	vmul.f32 $3.125000000e-02, v6;
	v4 =	vld [tilespmem:s2+$0x2960];
	[tilespmem:s21+$0x2970] =	vst v9;
	s21 =	smov.u32 s2  }
0x176: {  	[tilespmem:s21+$0x2900] =	vst v7;
	v5 =	vmul.f32 $3.125000000e-02, v5;
	v7 =	vld [tilespmem:s21+$0x2970]  }
0x177: {  	[tilespmem:s21+$0x2910] =	vst v6;
	v3 =	vmul.f32 $3.125000000e-02, v3  }
0x178: {  	[tilespmem:s21+$0x2920] =	vst v5;
	v1 =	vmul.f32 $3.125000000e-02, v1  }
0x179: {  	[tilespmem:s21+$0x2930] =	vst v3;
	v2 =	vmul.f32 $3.125000000e-02, v2  }
0x17a: {  	[tilespmem:s21+$0x2940] =	vst v1;
	v1 =	vmul.f32 $3.125000000e-02, v4  }
0x17b: {  	[tilespmem:s21+$0x2950] =	vst v2;
	v2 =	vmul.f32 $3.125000000e-02, v7  }
0x17c: {  	[tilespmem:s21+$0x2960] =	vst v1  }
0x17d: {  	s2 =	simm.s32 $0x0;
	[tilespmem:s21+$0x2970] =	vst v2  }
0x17e: {  	[hbm4b:s10+s2] =	stream.linear.scatter [tilespmem:s19], [sflag:$0x7], $0x4000, $0x38;
	[tilespmem:$0x1FD80] =	vst v63  }
0x17f: {  	_ =	swait.ge [sflag:s28], $0x4000  }
0x180: {  	[sflag:s28] =	ssyncset.done $0x0  }
0x181: {  	[sflag:s28] =	ssyncadd.s32 $0xFFFFC000  }
0x182: {  	_ =	swait.ge [sflag:s28], $0x4000  }
0x183: {  	[sflag:s28] =	ssyncset.done $0x0  }
0x184: {  	[sflag:s28] =	ssyncadd.s32 $0xFFFFC000  }
0x185: {  	_ =	swait.ge [sflag:s28], $0x4000  }
0x186: {  	[sflag:s28] =	ssyncset.done $0x0  }
0x187: {  	[sflag:s28] =	ssyncadd.s32 $0xFFFFC000  }
0x188: {  	_ =	swait.ge [sflag:s28], $0x4000  }
0x189: {  	[sflag:s28] =	ssyncset.done $0x0  }
0x18a: {  	[sflag:s28] =	ssyncadd.s32 $0xFFFFC000  }
0x18b: {  	_ =	swait.ge [sflag:s28], $0x4000  }
0x18c: {  	[sflag:s28] =	ssyncset.done $0x0  }
0x18d: {  	[sflag:s28] =	ssyncadd.s32 $0xFFFFC000  }
0x18e: {  	_ =	swait.ge [sflag:s28], $0x4000  }
0x18f: {  	[sflag:s28] =	ssyncset.done $0x0  }
0x190: {  	[sflag:s28] =	ssyncadd.s32 $0xFFFFC000  }
0x191: {  	_ =	swait.ge [sflag:s28], $0x4000  }
0x192: {  	[sflag:s28] =	ssyncset.done $0x0  }
0x193: {  	[sflag:s28] =	ssyncadd.s32 $0xFFFFC000  }
0x194: {  	_ =	swait.ge [sflag:s28], $0x4000  }
0x195: {  	[sflag:s28] =	ssyncset.done $0x0  }
0x196: {  	[sflag:s28] =	ssyncadd.s32 $0xFFFFC000  }
0x197: {  	_ =	swait.ge [sflag:s28], $0x4000  }
0x198: {  	[sflag:s28] =	ssyncset.done $0x0  }
0x199: {  	[sflag:s28] =	ssyncadd.s32 $0xFFFFC000  }
0x19a: {  	_ =	swait.ge [sflag:s28], $0x4000  }
0x19b: {  	[sflag:s28] =	ssyncset.done $0x0  }
0x19c: {  	[sflag:s28] =	ssyncadd.s32 $0xFFFFC000  }
0x19d: {  	_ =	swait.ge [sflag:s28], $0x4000  }
0x19e: {  	[sflag:s28] =	ssyncset.done $0x0  }
0x19f: {  	[sflag:s28] =	ssyncadd.s32 $0xFFFFC000  }
0x1a0: {  	_ =	swait.ge [sflag:s28], $0x4000  }
0x1a1: {  	[sflag:s28] =	ssyncset.done $0x0  }
0x1a2: {  	[sflag:s28] =	ssyncadd.s32 $0xFFFFC000  }
0x1a3: {  	_ =	swait.ge [sflag:s28], $0x4000  }
0x1a4: {  	[sflag:s28] =	ssyncset.done $0x0  }
0x1a5: {  	[sflag:s28] =	ssyncadd.s32 $0xFFFFC000  }
0x1a6: {  	_ =	swait.ge [sflag:s28], $0x4000  }
0x1a7: {  	[sflag:s28] =	ssyncset.done $0x0  }
0x1a8: {  	[sflag:s28] =	ssyncadd.s32 $0xFFFFC000  }
0x1a9: {  	_ =	swait.ge [sflag:s28], $0x4000  }
0x1aa: {  	[sflag:s28] =	ssyncset.done $0x0  }
0x1ab: {  	[sflag:s28] =	ssyncadd.s32 $0xFFFFC000  }
0x1ac: {  	_ =	swait.ge [sflag:s28], $0x4000  }
0x1ad: {  	[sflag:s28] =	ssyncset.done $0x0  }
0x1ae: {  	[sflag:s28] =	ssyncadd.s32 $0xFFFFC000  }
0x1af: {  	_ =	swait.ge [sflag:s28], $0x4000  }
0x1b0: {  	[sflag:s28] =	ssyncset.done $0x0  }
0x1b1: {  	[sflag:s28] =	ssyncadd.s32 $0xFFFFC000  }
0x1b2: {  	_ =	swait.ge [sflag:s28], $0x4000  }
0x1b3: {  	[sflag:s28] =	ssyncset.done $0x0  }
0x1b4: {  	[sflag:s28] =	ssyncadd.s32 $0xFFFFC000  }
0x1b5: {  	_ =	swait.ge [sflag:s28], $0x4000  }
0x1b6: {  	[sflag:s28] =	ssyncset.done $0x0  }
0x1b7: {  	[sflag:s28] =	ssyncadd.s32 $0xFFFFC000  }
0x1b8: {  	_ =	swait.ge [sflag:s28], $0x4000  }
0x1b9: {  	[sflag:s28] =	ssyncset.done $0x0  }
0x1ba: {  	[sflag:s28] =	ssyncadd.s32 $0xFFFFC000  }
0x1bb: {  	_ =	swait.ge [sflag:s28], $0x4000  }
0x1bc: {  	[sflag:s28] =	ssyncset.done $0x0  }
0x1bd: {  	[sflag:s28] =	ssyncadd.s32 $0xFFFFC000  }
0x1be: {  	_ =	swait.ge [sflag:s28], $0x4000  }
0x1bf: {  	[sflag:s28] =	ssyncset.done $0x0  }
0x1c0: {  	[sflag:s28] =	ssyncadd.s32 $0xFFFFC000  }
0x1c1: {  	_ =	swait.ge [sflag:s28], $0x4000  }
0x1c2: {  	[sflag:s28] =	ssyncset.done $0x0  }
0x1c3: {  	[sflag:s28] =	ssyncadd.s32 $0xFFFFC000  }
0x1c4: {  	_ =	swait.ge [sflag:s28], $0x4000  }
0x1c5: {  	[sflag:s28] =	ssyncset.done $0x0  }
0x1c6: {  	[sflag:s28] =	ssyncadd.s32 $0xFFFFC000  }
0x1c7: {  	_ =	swait.ge [sflag:s28], $0x4000  }
0x1c8: {  	[sflag:s28] =	ssyncset.done $0x0  }
0x1c9: {  	[sflag:s28] =	ssyncadd.s32 $0xFFFFC000  }
0x1ca: {  	_ =	swait.ge [sflag:s28], $0x4000  }
0x1cb: {  	[sflag:s28] =	ssyncset.done $0x0  }
0x1cc: {  	[sflag:s28] =	ssyncadd.s32 $0xFFFFC000  }
0x1cd: {  	_ =	swait.ge [sflag:s28], $0x4000  }
0x1ce: {  	[sflag:s28] =	ssyncset.done $0x0  }
0x1cf: {  	[sflag:s28] =	ssyncadd.s32 $0xFFFFC000  }
0x1d0: {  	_ =	swait.ge [sflag:s28], $0x4000  }
0x1d1: {  	[sflag:s28] =	ssyncset.done $0x0  }
0x1d2: {  	[sflag:s28] =	ssyncadd.s32 $0xFFFFC000  }
0x1d3: {  	_ =	swait.ge [sflag:s28], $0x4000  }
0x1d4: {  	[sflag:s28] =	ssyncset.done $0x0  }
0x1d5: {  	[sflag:s28] =	ssyncadd.s32 $0xFFFFC000  }
0x1d6: {  	_ =	swait.ge [sflag:s28], $0x4000  }
0x1d7: {  	[sflag:s28] =	ssyncset.done $0x0  }
0x1d8: {  	[sflag:s28] =	ssyncadd.s32 $0xFFFFC000  }
0x1d9: {  	_ =	swait.ge [sflag:s28], $0x4000  }
0x1da: {  	[sflag:s28] =	ssyncset.done $0x0  }
0x1db: {  	[sflag:s28] =	ssyncadd.s32 $0xFFFFC000  }
0x1dc: {  	_ =	swait.ge [sflag:s28], $0x4000  }
0x1dd: {  	[sflag:s28] =	ssyncset.done $0x0  }
0x1de: {  	s21 =	simm.s32 $0x0;
	[sflag:s28] =	ssyncadd.s32 $0xFFFFC000  }
0x1df: {  	v4 =	vld [tilespmem:s21+$0x6900]  }
0x1e0: {  	v6 =	vld [tilespmem:s21+$0x6910]  }
0x1e1: {  	v5 =	vld [tilespmem:s21+$0x6920]  }
0x1e2: {  	v3 =	vld [tilespmem:s21+$0x6930]  }
0x1e3: {  	v1 =	vld [tilespmem:s21+$0x6940]  }
0x1e4: {  	v2 =	vld [tilespmem:s21+$0x6950];
	v7 =	vmul.f32 $3.125000000e-02, v4  }
0x1e5: {  	s23 =	simm.s32 $0x200;
	v6 =	vmul.f32 $3.125000000e-02, v6;
	v4 =	vld [tilespmem:s21+$0x6960]  }
.LBB2_6:
0x1e6: {  	s2 =	sshra.s32 s23, $0x2;
	p2 =	sne.s32 s23, $0xFE00;
	[tilespmem:s21+$0x6900] =	vst v7;
	v5 =	vmul.f32 $3.125000000e-02, v5;
	v7 =	vld [tilespmem:s21+$0x6970]  }
0x1e7: {  	v8 =	vld [tilespmem:s2+$0x6900];
	[tilespmem:s21+$0x6910] =	vst v6;
	v3 =	vmul.f32 $3.125000000e-02, v3  }
0x1e8: {  	v6 =	vld [tilespmem:s2+$0x6910];
	[tilespmem:s21+$0x6920] =	vst v5;
	v1 =	vmul.f32 $3.125000000e-02, v1  }
.Ltmp4:
0x1e9: {  	v5 =	vld [tilespmem:s2+$0x6920];
	[tilespmem:s21+$0x6930] =	vst v3;
	v2 =	vmul.f32 $3.125000000e-02, v2;
	(pc) =	sbr.rel @p2 .LBB2_6-.Ltmp4, $4  }
0x1ea: {  	v3 =	vld [tilespmem:s2+$0x6930];
	[tilespmem:s21+$0x6940] =	vst v1;
	v4 =	vmul.f32 $3.125000000e-02, v4  }
0x1eb: {  	v1 =	vld [tilespmem:s2+$0x6940];
	[tilespmem:s21+$0x6950] =	vst v2;
	v9 =	vmul.f32 $3.125000000e-02, v7  }
0x1ec: {  	v7 =	vmul.f32 $3.125000000e-02, v8;
	v2 =	vld [tilespmem:s2+$0x6950];
	[tilespmem:s21+$0x6960] =	vst v4  }
0x1ed: {  	s23 =	sadd.s32 $0x200, s23;
	v6 =	vmul.f32 $3.125000000e-02, v6;
	v4 =	vld [tilespmem:s2+$0x6960];
	[tilespmem:s21+$0x6970] =	vst v9;
	s21 =	smov.u32 s2  }
0x1ee: {  	[tilespmem:s21+$0x6900] =	vst v7;
	v5 =	vmul.f32 $3.125000000e-02, v5;
	v7 =	vld [tilespmem:s21+$0x6970]  }
0x1ef: {  	[tilespmem:s21+$0x6910] =	vst v6;
	v3 =	vmul.f32 $3.125000000e-02, v3  }
0x1f0: {  	[tilespmem:s21+$0x6920] =	vst v5;
	v1 =	vmul.f32 $3.125000000e-02, v1  }
0x1f1: {  	[tilespmem:s21+$0x6930] =	vst v3;
	v2 =	vmul.f32 $3.125000000e-02, v2  }
0x1f2: {  	[tilespmem:s21+$0x6940] =	vst v1;
	v1 =	vmul.f32 $3.125000000e-02, v4  }
0x1f3: {  	[tilespmem:s21+$0x6950] =	vst v2;
	v2 =	vmul.f32 $3.125000000e-02, v7  }
0x1f4: {  	[tilespmem:s21+$0x6960] =	vst v1  }
0x1f5: {  	s2 =	simm.s32 $0x0;
	[tilespmem:s21+$0x6970] =	vst v2  }
0x1f6: {  	[hbm4b:s11+s2] =	stream.linear.scatter [tilespmem:s26], [sflag:$0x7], $0x4000, $0x38;
	[tilespmem:$0x1FD80] =	vst v63  }
0x1f7: {  	_ =	swait.ge [sflag:s29], $0x1C00  }
0x1f8: {  	[sflag:s29] =	ssyncset.done $0x0  }
0x1f9: {  	[sflag:s29] =	ssyncadd.s32 $0xFFFFE400  }
0x1fa: {  	_ =	swait.ge [sflag:s29], $0x1C00  }
0x1fb: {  	[sflag:s29] =	ssyncset.done $0x0  }
0x1fc: {  	[sflag:s29] =	ssyncadd.s32 $0xFFFFE400  }
0x1fd: {  	_ =	swait.ge [sflag:s29], $0x1C00  }
0x1fe: {  	[sflag:s29] =	ssyncset.done $0x0  }
0x1ff: {  	[sflag:s29] =	ssyncadd.s32 $0xFFFFE400  }
0x200: {  	_ =	swait.ge [sflag:s29], $0x1C00  }
0x201: {  	[sflag:s29] =	ssyncset.done $0x0  }
0x202: {  	[sflag:s29] =	ssyncadd.s32 $0xFFFFE400  }
0x203: {  	_ =	swait.ge [sflag:s29], $0x1C00  }
0x204: {  	[sflag:s29] =	ssyncset.done $0x0  }
0x205: {  	[sflag:s29] =	ssyncadd.s32 $0xFFFFE400  }
0x206: {  	_ =	swait.ge [sflag:s29], $0x1C00  }
0x207: {  	[sflag:s29] =	ssyncset.done $0x0  }
0x208: {  	[sflag:s29] =	ssyncadd.s32 $0xFFFFE400  }
0x209: {  	_ =	swait.ge [sflag:s29], $0x1C00  }
0x20a: {  	[sflag:s29] =	ssyncset.done $0x0  }
0x20b: {  	[sflag:s29] =	ssyncadd.s32 $0xFFFFE400  }
0x20c: {  	_ =	swait.ge [sflag:s29], $0x1C00  }
0x20d: {  	[sflag:s29] =	ssyncset.done $0x0  }
0x20e: {  	[sflag:s29] =	ssyncadd.s32 $0xFFFFE400  }
0x20f: {  	_ =	swait.ge [sflag:s29], $0x1C00  }
0x210: {  	[sflag:s29] =	ssyncset.done $0x0  }
0x211: {  	[sflag:s29] =	ssyncadd.s32 $0xFFFFE400  }
0x212: {  	_ =	swait.ge [sflag:s29], $0x1C00  }
0x213: {  	[sflag:s29] =	ssyncset.done $0x0  }
0x214: {  	[sflag:s29] =	ssyncadd.s32 $0xFFFFE400  }
0x215: {  	_ =	swait.ge [sflag:s29], $0x1C00  }
0x216: {  	[sflag:s29] =	ssyncset.done $0x0  }
0x217: {  	[sflag:s29] =	ssyncadd.s32 $0xFFFFE400  }
0x218: {  	_ =	swait.ge [sflag:s29], $0x1C00  }
0x219: {  	[sflag:s29] =	ssyncset.done $0x0  }
0x21a: {  	[sflag:s29] =	ssyncadd.s32 $0xFFFFE400  }
0x21b: {  	_ =	swait.ge [sflag:s29], $0x1C00  }
0x21c: {  	[sflag:s29] =	ssyncset.done $0x0  }
0x21d: {  	[sflag:s29] =	ssyncadd.s32 $0xFFFFE400  }
0x21e: {  	_ =	swait.ge [sflag:s29], $0x1C00  }
0x21f: {  	[sflag:s29] =	ssyncset.done $0x0  }
0x220: {  	[sflag:s29] =	ssyncadd.s32 $0xFFFFE400  }
0x221: {  	_ =	swait.ge [sflag:s29], $0x1C00  }
0x222: {  	[sflag:s29] =	ssyncset.done $0x0  }
0x223: {  	[sflag:s29] =	ssyncadd.s32 $0xFFFFE400  }
0x224: {  	_ =	swait.ge [sflag:s29], $0x1C00  }
0x225: {  	[sflag:s29] =	ssyncset.done $0x0  }
0x226: {  	[sflag:s29] =	ssyncadd.s32 $0xFFFFE400  }
0x227: {  	_ =	swait.ge [sflag:s29], $0x1C00  }
0x228: {  	[sflag:s29] =	ssyncset.done $0x0  }
0x229: {  	[sflag:s29] =	ssyncadd.s32 $0xFFFFE400  }
0x22a: {  	_ =	swait.ge [sflag:s29], $0x1C00  }
0x22b: {  	[sflag:s29] =	ssyncset.done $0x0  }
0x22c: {  	[sflag:s29] =	ssyncadd.s32 $0xFFFFE400  }
0x22d: {  	_ =	swait.ge [sflag:s29], $0x1C00  }
0x22e: {  	[sflag:s29] =	ssyncset.done $0x0  }
0x22f: {  	[sflag:s29] =	ssyncadd.s32 $0xFFFFE400  }
0x230: {  	_ =	swait.ge [sflag:s29], $0x1C00  }
0x231: {  	[sflag:s29] =	ssyncset.done $0x0  }
0x232: {  	[sflag:s29] =	ssyncadd.s32 $0xFFFFE400  }
0x233: {  	_ =	swait.ge [sflag:s29], $0x1C00  }
0x234: {  	[sflag:s29] =	ssyncset.done $0x0  }
0x235: {  	[sflag:s29] =	ssyncadd.s32 $0xFFFFE400  }
0x236: {  	_ =	swait.ge [sflag:s29], $0x1C00  }
0x237: {  	[sflag:s29] =	ssyncset.done $0x0  }
0x238: {  	[sflag:s29] =	ssyncadd.s32 $0xFFFFE400  }
0x239: {  	_ =	swait.ge [sflag:s29], $0x1C00  }
0x23a: {  	[sflag:s29] =	ssyncset.done $0x0  }
0x23b: {  	[sflag:s29] =	ssyncadd.s32 $0xFFFFE400  }
0x23c: {  	_ =	swait.ge [sflag:s29], $0x1C00  }
0x23d: {  	[sflag:s29] =	ssyncset.done $0x0  }
0x23e: {  	[sflag:s29] =	ssyncadd.s32 $0xFFFFE400  }
0x23f: {  	_ =	swait.ge [sflag:s29], $0x1C00  }
0x240: {  	[sflag:s29] =	ssyncset.done $0x0  }
0x241: {  	[sflag:s29] =	ssyncadd.s32 $0xFFFFE400  }
0x242: {  	_ =	swait.ge [sflag:s29], $0x1C00  }
0x243: {  	[sflag:s29] =	ssyncset.done $0x0  }
0x244: {  	[sflag:s29] =	ssyncadd.s32 $0xFFFFE400  }
0x245: {  	_ =	swait.ge [sflag:s29], $0x1C00  }
0x246: {  	[sflag:s29] =	ssyncset.done $0x0  }
0x247: {  	[sflag:s29] =	ssyncadd.s32 $0xFFFFE400  }
0x248: {  	_ =	swait.ge [sflag:s29], $0x1C00  }
0x249: {  	[sflag:s29] =	ssyncset.done $0x0  }
0x24a: {  	[sflag:s29] =	ssyncadd.s32 $0xFFFFE400  }
0x24b: {  	_ =	swait.ge [sflag:s29], $0x1C00  }
0x24c: {  	[sflag:s29] =	ssyncset.done $0x0  }
0x24d: {  	[sflag:s29] =	ssyncadd.s32 $0xFFFFE400  }
0x24e: {  	_ =	swait.ge [sflag:s29], $0x1C00  }
0x24f: {  	[sflag:s29] =	ssyncset.done $0x0  }
0x250: {  	[sflag:s29] =	ssyncadd.s32 $0xFFFFE400  }
0x251: {  	_ =	swait.ge [sflag:s29], $0x1C00  }
0x252: {  	[sflag:s29] =	ssyncset.done $0x0  }
0x253: {  	[sflag:s29] =	ssyncadd.s32 $0xFFFFE400  }
0x254: {  	_ =	swait.ge [sflag:s29], $0x1C00  }
0x255: {  	[sflag:s29] =	ssyncset.done $0x0  }
0x256: {  	s21 =	simm.s32 $0x0;
	[sflag:s29] =	ssyncadd.s32 $0xFFFFE400  }
0x257: {  	v4 =	vld [tilespmem:s21+$0xA900]  }
0x258: {  	v6 =	vld [tilespmem:s21+$0xA910]  }
0x259: {  	v5 =	vld [tilespmem:s21+$0xA920]  }
0x25a: {  	v3 =	vld [tilespmem:s21+$0xA930]  }
0x25b: {  	v1 =	vld [tilespmem:s21+$0xA940]  }
0x25c: {  	v2 =	vld [tilespmem:s21+$0xA950];
	v7 =	vmul.f32 $3.125000000e-02, v4  }
0x25d: {  	s23 =	simm.s32 $0x200;
	v6 =	vmul.f32 $3.125000000e-02, v6;
	v4 =	vld [tilespmem:s21+$0xA960]  }
.LBB2_8:
0x25e: {  	s2 =	sshra.s32 s23, $0x2;
	p2 =	sne.s32 s23, $0x6E00;
	[tilespmem:s21+$0xA900] =	vst v7;
	v5 =	vmul.f32 $3.125000000e-02, v5;
	v7 =	vld [tilespmem:s21+$0xA970]  }
0x25f: {  	v8 =	vld [tilespmem:s2+$0xA900];
	[tilespmem:s21+$0xA910] =	vst v6;
	v3 =	vmul.f32 $3.125000000e-02, v3  }
0x260: {  	v6 =	vld [tilespmem:s2+$0xA910];
	[tilespmem:s21+$0xA920] =	vst v5;
	v1 =	vmul.f32 $3.125000000e-02, v1  }
.Ltmp5:
0x261: {  	v5 =	vld [tilespmem:s2+$0xA920];
	[tilespmem:s21+$0xA930] =	vst v3;
	v2 =	vmul.f32 $3.125000000e-02, v2;
	(pc) =	sbr.rel @p2 .LBB2_8-.Ltmp5, $4  }
0x262: {  	v3 =	vld [tilespmem:s2+$0xA930];
	[tilespmem:s21+$0xA940] =	vst v1;
	v4 =	vmul.f32 $3.125000000e-02, v4  }
0x263: {  	v1 =	vld [tilespmem:s2+$0xA940];
	[tilespmem:s21+$0xA950] =	vst v2;
	v9 =	vmul.f32 $3.125000000e-02, v7  }
0x264: {  	v7 =	vmul.f32 $3.125000000e-02, v8;
	v2 =	vld [tilespmem:s2+$0xA950];
	[tilespmem:s21+$0xA960] =	vst v4  }
0x265: {  	s23 =	sadd.s32 $0x200, s23;
	v6 =	vmul.f32 $3.125000000e-02, v6;
	v4 =	vld [tilespmem:s2+$0xA960];
	[tilespmem:s21+$0xA970] =	vst v9;
	s21 =	smov.u32 s2  }
0x266: {  	[tilespmem:s21+$0xA900] =	vst v7;
	v5 =	vmul.f32 $3.125000000e-02, v5;
	v63 =	vld [tilespmem:s21+$0xA970]  }
0x267: {  	[tilespmem:s21+$0xA910] =	vst v6;
	v3 =	vmul.f32 $3.125000000e-02, v3  }
0x268: {  	[tilespmem:s21+$0xA920] =	vst v5;
	v1 =	vmul.f32 $3.125000000e-02, v1  }
0x269: {  	[tilespmem:s21+$0xA930] =	vst v3;
	v2 =	vmul.f32 $3.125000000e-02, v2  }
0x26a: {  	[tilespmem:s21+$0xA940] =	vst v1;
	v1 =	vmul.f32 $3.125000000e-02, v4  }
0x26b: {  	[tilespmem:s21+$0xA950] =	vst v2;
	v2 =	vmul.f32 $3.125000000e-02, v63  }
0x26c: {  	[tilespmem:s21+$0xA960] =	vst v1  }
0x26d: {  	s23 =	simm.s32 $0x0;
	[tilespmem:s21+$0xA970] =	vst v2  }
0x26e: {  	[hbm4b:s12+s23] =	stream.linear.scatter [tilespmem:s22], [sflag:$0x7], $0x1C00, $0x38;
	[tilespmem:$0x1FD80] =	vst v63  }
0x26f: {  	_ =	swait.ge [sflag:s30], $0x4000  }
0x270: {  	[sflag:s30] =	ssyncset.done $0x0  }
0x271: {  	[sflag:s30] =	ssyncadd.s32 $0xFFFFC000  }
0x272: {  	_ =	swait.ge [sflag:s30], $0x4000  }
.Ltmp6:
0x273: {  	[sflag:s30] =	ssyncset.done $0x0;
	(pc) =	sbr.rel @p1 .LBB2_15-.Ltmp6, $4  }
0x274: {  	[sflag:s30] =	ssyncadd.s32 $0xFFFFC000  }
0x275: {  	_ =	swait.ge [sflag:s30], $0x1C00  }
0x276: {  	[sflag:s30] =	ssyncset.done $0x0  }
0x277: {  	[sflag:s30] =	ssyncadd.s32 $0xFFFFE400  }
0x278: {  	s21 =	sshra.s32 s23, $0x2;
	s23 =	sadd.s32 $0x200, s23  }
.LBB2_11:
0x279: {  	p2 =	sne.s32 s23, $0x1E00;
	[tilespmem:s21+$0x2970] =	vst v0  }
0x27a: {  	[tilespmem:s21+$0x2900] =	vst v0  }
0x27b: {  	[tilespmem:s21+$0x2910] =	vst v0  }
.Ltmp7:
0x27c: {  	[tilespmem:s21+$0x2920] =	vst v0;
	(pc) =	sbr.rel @p2 .LBB2_11-.Ltmp7, $4  }
0x27d: {  	[tilespmem:s21+$0x2930] =	vst v0  }
0x27e: {  	[tilespmem:s21+$0x2940] =	vst v0  }
0x27f: {  	[tilespmem:s21+$0x2950] =	vst v0  }
0x280: {  	[tilespmem:s21+$0x2960] =	vst v0;
	s21 =	sshra.s32 s23, $0x2;
	s23 =	sadd.s32 $0x200, s23  }
0x281: {  	[tilespmem:s21+$0x2970] =	vst v0  }
0x282: {  	[tilespmem:s21+$0x2900] =	vst v0  }
0x283: {  	[tilespmem:s21+$0x2910] =	vst v0  }
0x284: {  	[tilespmem:s21+$0x2920] =	vst v0  }
0x285: {  	[tilespmem:s21+$0x2930] =	vst v0  }
0x286: {  	[tilespmem:s21+$0x2940] =	vst v0  }
0x287: {  	[tilespmem:s21+$0x2950] =	vst v0  }
0x288: {  	[tilespmem:s21+$0x2960] =	vst v0;
	s2 =	simm.s32 $0x2700  }
0x289: {  	[tilespmem:s19], [sflag:$0x6] =	stream.indirect.gather.add.f32 [hbm:s1], $0x80, s2, s13, $0xb8;
	[tilespmem:$0x1FD80] =	vst v63  }
0x28a: {  	s23 =	simm.s32 $0x2710  }
0x28b: {  	[tilespmem:s19], [sflag:$0x6] =	stream.indirect.gather.add.f32 [hbm:s1], $0x80, s23, s13, $0xb8;
	[tilespmem:$0x1FD80] =	vst v63  }
0x28c: {  	s21 =	simm.s32 $0x2720  }
0x28d: {  	[tilespmem:s19], [sflag:$0x6] =	stream.indirect.gather.add.f32 [hbm:s1], $0x80, s21, s13, $0xb8;
	[tilespmem:$0x1FD80] =	vst v63  }
0x28e: {  	s23 =	simm.s32 $0x2730  }
0x28f: {  	[tilespmem:s19], [sflag:$0x6] =	stream.indirect.gather.add.f32 [hbm:s1], $0x80, s23, s13, $0xb8;
	[tilespmem:$0x1FD80] =	vst v63  }
0x290: {  	s21 =	simm.s32 $0x2740  }
0x291: {  	[tilespmem:s19], [sflag:$0x6] =	stream.indirect.gather.add.f32 [hbm:s1], $0x80, s21, s13, $0xb8;
	[tilespmem:$0x1FD80] =	vst v63  }
0x292: {  	s23 =	simm.s32 $0x2750  }
0x293: {  	[tilespmem:s19], [sflag:$0x6] =	stream.indirect.gather.add.f32 [hbm:s1], $0x80, s23, s13, $0xb8;
	[tilespmem:$0x1FD80] =	vst v63  }
0x294: {  	s21 =	simm.s32 $0x2760  }
0x295: {  	[tilespmem:s19], [sflag:$0x6] =	stream.indirect.gather.add.f32 [hbm:s1], $0x80, s21, s13, $0xb8;
	[tilespmem:$0x1FD80] =	vst v63  }
0x296: {  	s23 =	simm.s32 $0x2770  }
0x297: {  	[tilespmem:s19], [sflag:$0x6] =	stream.indirect.gather.add.f32 [hbm:s1], $0x80, s23, s13, $0xb8;
	[tilespmem:$0x1FD80] =	vst v63  }
0x298: {  	s21 =	simm.s32 $0x2780  }
0x299: {  	[tilespmem:s19], [sflag:$0x6] =	stream.indirect.gather.add.f32 [hbm:s1], $0x80, s21, s13, $0xb8;
	[tilespmem:$0x1FD80] =	vst v63  }
0x29a: {  	s23 =	simm.s32 $0x2790  }
0x29b: {  	[tilespmem:s19], [sflag:$0x6] =	stream.indirect.gather.add.f32 [hbm:s1], $0x80, s23, s13, $0xb8;
	[tilespmem:$0x1FD80] =	vst v63  }
0x29c: {  	s21 =	simm.s32 $0x27A0  }
0x29d: {  	[tilespmem:s19], [sflag:$0x6] =	stream.indirect.gather.add.f32 [hbm:s1], $0x80, s21, s13, $0xb8;
	[tilespmem:$0x1FD80] =	vst v63  }
0x29e: {  	s23 =	simm.s32 $0x27B0  }
0x29f: {  	[tilespmem:s19], [sflag:$0x6] =	stream.indirect.gather.add.f32 [hbm:s1], $0x80, s23, s13, $0xb8;
	[tilespmem:$0x1FD80] =	vst v63  }
0x2a0: {  	s21 =	simm.s32 $0x27C0  }
0x2a1: {  	[tilespmem:s19], [sflag:$0x6] =	stream.indirect.gather.add.f32 [hbm:s1], $0x80, s21, s13, $0xb8;
	[tilespmem:$0x1FD80] =	vst v63  }
0x2a2: {  	s23 =	simm.s32 $0x27D0  }
0x2a3: {  	[tilespmem:s19], [sflag:$0x6] =	stream.indirect.gather.add.f32 [hbm:s1], $0x80, s23, s13, $0xb8;
	[tilespmem:$0x1FD80] =	vst v63  }
0x2a4: {  	s21 =	simm.s32 $0x27E0  }
0x2a5: {  	[tilespmem:s19], [sflag:$0x6] =	stream.indirect.gather.add.f32 [hbm:s1], $0x80, s21, s13, $0xb8;
	[tilespmem:$0x1FD80] =	vst v63  }
0x2a6: {  	s23 =	simm.s32 $0x27F0  }
0x2a7: {  	[tilespmem:s19], [sflag:$0x6] =	stream.indirect.gather.add.f32 [hbm:s1], $0x80, s23, s13, $0xb8;
	[tilespmem:$0x1FD80] =	vst v63  }
0x2a8: {  	s21 =	simm.s32 $0x2800  }
0x2a9: {  	[tilespmem:s19], [sflag:$0x6] =	stream.indirect.gather.add.f32 [hbm:s1], $0x80, s21, s13, $0xb8;
	[tilespmem:$0x1FD80] =	vst v63  }
0x2aa: {  	s23 =	simm.s32 $0x2810  }
0x2ab: {  	[tilespmem:s19], [sflag:$0x6] =	stream.indirect.gather.add.f32 [hbm:s1], $0x80, s23, s13, $0xb8;
	[tilespmem:$0x1FD80] =	vst v63  }
0x2ac: {  	s21 =	simm.s32 $0x2820  }
0x2ad: {  	[tilespmem:s19], [sflag:$0x6] =	stream.indirect.gather.add.f32 [hbm:s1], $0x80, s21, s13, $0xb8;
	[tilespmem:$0x1FD80] =	vst v63  }
0x2ae: {  	s23 =	simm.s32 $0x2830  }
0x2af: {  	[tilespmem:s19], [sflag:$0x6] =	stream.indirect.gather.add.f32 [hbm:s1], $0x80, s23, s13, $0xb8;
	[tilespmem:$0x1FD80] =	vst v63  }
0x2b0: {  	s21 =	simm.s32 $0x2840  }
0x2b1: {  	[tilespmem:s19], [sflag:$0x6] =	stream.indirect.gather.add.f32 [hbm:s1], $0x80, s21, s13, $0xb8;
	[tilespmem:$0x1FD80] =	vst v63  }
0x2b2: {  	s23 =	simm.s32 $0x2850  }
0x2b3: {  	[tilespmem:s19], [sflag:$0x6] =	stream.indirect.gather.add.f32 [hbm:s1], $0x80, s23, s13, $0xb8;
	[tilespmem:$0x1FD80] =	vst v63  }
0x2b4: {  	s21 =	simm.s32 $0x2860  }
0x2b5: {  	[tilespmem:s19], [sflag:$0x6] =	stream.indirect.gather.add.f32 [hbm:s1], $0x80, s21, s13, $0xb8;
	[tilespmem:$0x1FD80] =	vst v63  }
0x2b6: {  	s23 =	simm.s32 $0x2870  }
0x2b7: {  	[tilespmem:s19], [sflag:$0x6] =	stream.indirect.gather.add.f32 [hbm:s1], $0x80, s23, s13, $0xb8;
	[tilespmem:$0x1FD80] =	vst v63  }
0x2b8: {  	s21 =	simm.s32 $0x2880  }
0x2b9: {  	[tilespmem:s19], [sflag:$0x6] =	stream.indirect.gather.add.f32 [hbm:s1], $0x80, s21, s13, $0xb8;
	[tilespmem:$0x1FD80] =	vst v63  }
0x2ba: {  	s23 =	simm.s32 $0x2890  }
0x2bb: {  	[tilespmem:s19], [sflag:$0x6] =	stream.indirect.gather.add.f32 [hbm:s1], $0x80, s23, s13, $0xb8;
	[tilespmem:$0x1FD80] =	vst v63  }
0x2bc: {  	s21 =	simm.s32 $0x28A0  }
0x2bd: {  	[tilespmem:s19], [sflag:$0x6] =	stream.indirect.gather.add.f32 [hbm:s1], $0x80, s21, s13, $0xb8;
	[tilespmem:$0x1FD80] =	vst v63  }
0x2be: {  	s23 =	simm.s32 $0x28B0  }
0x2bf: {  	[tilespmem:s19], [sflag:$0x6] =	stream.indirect.gather.add.f32 [hbm:s1], $0x80, s23, s13, $0xb8;
	[tilespmem:$0x1FD80] =	vst v63  }
0x2c0: {  	s21 =	simm.s32 $0x28C0  }
0x2c1: {  	[tilespmem:s19], [sflag:$0x6] =	stream.indirect.gather.add.f32 [hbm:s1], $0x80, s21, s13, $0xb8;
	[tilespmem:$0x1FD80] =	vst v63  }
0x2c2: {  	s23 =	simm.s32 $0x28D0  }
0x2c3: {  	[tilespmem:s19], [sflag:$0x6] =	stream.indirect.gather.add.f32 [hbm:s1], $0x80, s23, s13, $0xb8;
	[tilespmem:$0x1FD80] =	vst v63  }
0x2c4: {  	s21 =	simm.s32 $0x28E0  }
0x2c5: {  	[tilespmem:s19], [sflag:$0x6] =	stream.indirect.gather.add.f32 [hbm:s1], $0x80, s21, s13, $0xb8;
	[tilespmem:$0x1FD80] =	vst v63  }
0x2c6: {  	s23 =	simm.s32 $0x28F0  }
0x2c7: {  	[tilespmem:s19], [sflag:$0x6] =	stream.indirect.gather.add.f32 [hbm:s1], $0x80, s23, s13, $0xb8;
	[tilespmem:$0x1FD80] =	vst v63  }
0x2c8: {  	_ =	swait.ge [sflag:s31], $0x800  }
0x2c9: {  	[sflag:s31] =	ssyncset.done $0x0  }
0x2ca: {  	[sflag:s31] =	ssyncadd.s32 $0xFFFFF800  }
0x2cb: {  	_ =	swait.ge [sflag:s31], $0x800  }
0x2cc: {  	[sflag:s31] =	ssyncset.done $0x0  }
0x2cd: {  	[sflag:s31] =	ssyncadd.s32 $0xFFFFF800  }
0x2ce: {  	_ =	swait.ge [sflag:s31], $0x800  }
0x2cf: {  	[sflag:s31] =	ssyncset.done $0x0  }
0x2d0: {  	[sflag:s31] =	ssyncadd.s32 $0xFFFFF800  }
0x2d1: {  	_ =	swait.ge [sflag:s31], $0x800  }
0x2d2: {  	[sflag:s31] =	ssyncset.done $0x0  }
0x2d3: {  	[sflag:s31] =	ssyncadd.s32 $0xFFFFF800  }
0x2d4: {  	_ =	swait.ge [sflag:s31], $0x800  }
0x2d5: {  	[sflag:s31] =	ssyncset.done $0x0  }
0x2d6: {  	[sflag:s31] =	ssyncadd.s32 $0xFFFFF800  }
0x2d7: {  	_ =	swait.ge [sflag:s31], $0x800  }
0x2d8: {  	[sflag:s31] =	ssyncset.done $0x0  }
0x2d9: {  	[sflag:s31] =	ssyncadd.s32 $0xFFFFF800  }
0x2da: {  	_ =	swait.ge [sflag:s31], $0x800  }
0x2db: {  	[sflag:s31] =	ssyncset.done $0x0  }
0x2dc: {  	[sflag:s31] =	ssyncadd.s32 $0xFFFFF800  }
0x2dd: {  	_ =	swait.ge [sflag:s31], $0x800  }
0x2de: {  	[sflag:s31] =	ssyncset.done $0x0  }
0x2df: {  	[sflag:s31] =	ssyncadd.s32 $0xFFFFF800  }
0x2e0: {  	_ =	swait.ge [sflag:s31], $0x800  }
0x2e1: {  	[sflag:s31] =	ssyncset.done $0x0  }
0x2e2: {  	[sflag:s31] =	ssyncadd.s32 $0xFFFFF800  }
0x2e3: {  	_ =	swait.ge [sflag:s31], $0x800  }
0x2e4: {  	[sflag:s31] =	ssyncset.done $0x0  }
0x2e5: {  	[sflag:s31] =	ssyncadd.s32 $0xFFFFF800  }
0x2e6: {  	_ =	swait.ge [sflag:s31], $0x800  }
0x2e7: {  	[sflag:s31] =	ssyncset.done $0x0  }
0x2e8: {  	[sflag:s31] =	ssyncadd.s32 $0xFFFFF800  }
0x2e9: {  	_ =	swait.ge [sflag:s31], $0x800  }
0x2ea: {  	[sflag:s31] =	ssyncset.done $0x0  }
0x2eb: {  	[sflag:s31] =	ssyncadd.s32 $0xFFFFF800  }
0x2ec: {  	_ =	swait.ge [sflag:s31], $0x800  }
0x2ed: {  	[sflag:s31] =	ssyncset.done $0x0  }
0x2ee: {  	[sflag:s31] =	ssyncadd.s32 $0xFFFFF800  }
0x2ef: {  	_ =	swait.ge [sflag:s31], $0x800  }
0x2f0: {  	[sflag:s31] =	ssyncset.done $0x0  }
0x2f1: {  	[sflag:s31] =	ssyncadd.s32 $0xFFFFF800  }
0x2f2: {  	_ =	swait.ge [sflag:s31], $0x800  }
0x2f3: {  	[sflag:s31] =	ssyncset.done $0x0  }
0x2f4: {  	[sflag:s31] =	ssyncadd.s32 $0xFFFFF800  }
0x2f5: {  	_ =	swait.ge [sflag:s31], $0x800  }
0x2f6: {  	[sflag:s31] =	ssyncset.done $0x0  }
0x2f7: {  	[sflag:s31] =	ssyncadd.s32 $0xFFFFF800  }
0x2f8: {  	_ =	swait.ge [sflag:s31], $0x800  }
0x2f9: {  	[sflag:s31] =	ssyncset.done $0x0  }
0x2fa: {  	[sflag:s31] =	ssyncadd.s32 $0xFFFFF800  }
0x2fb: {  	_ =	swait.ge [sflag:s31], $0x800  }
0x2fc: {  	[sflag:s31] =	ssyncset.done $0x0  }
0x2fd: {  	[sflag:s31] =	ssyncadd.s32 $0xFFFFF800  }
0x2fe: {  	_ =	swait.ge [sflag:s31], $0x800  }
0x2ff: {  	[sflag:s31] =	ssyncset.done $0x0  }
0x300: {  	[sflag:s31] =	ssyncadd.s32 $0xFFFFF800  }
0x301: {  	_ =	swait.ge [sflag:s31], $0x800  }
0x302: {  	[sflag:s31] =	ssyncset.done $0x0  }
0x303: {  	[sflag:s31] =	ssyncadd.s32 $0xFFFFF800  }
0x304: {  	_ =	swait.ge [sflag:s31], $0x800  }
0x305: {  	[sflag:s31] =	ssyncset.done $0x0  }
0x306: {  	[sflag:s31] =	ssyncadd.s32 $0xFFFFF800  }
0x307: {  	_ =	swait.ge [sflag:s31], $0x800  }
0x308: {  	[sflag:s31] =	ssyncset.done $0x0  }
0x309: {  	[sflag:s31] =	ssyncadd.s32 $0xFFFFF800  }
0x30a: {  	_ =	swait.ge [sflag:s31], $0x800  }
0x30b: {  	[sflag:s31] =	ssyncset.done $0x0  }
0x30c: {  	[sflag:s31] =	ssyncadd.s32 $0xFFFFF800  }
0x30d: {  	_ =	swait.ge [sflag:s31], $0x800  }
0x30e: {  	[sflag:s31] =	ssyncset.done $0x0  }
0x30f: {  	[sflag:s31] =	ssyncadd.s32 $0xFFFFF800  }
0x310: {  	_ =	swait.ge [sflag:s31], $0x800  }
0x311: {  	[sflag:s31] =	ssyncset.done $0x0  }
0x312: {  	[sflag:s31] =	ssyncadd.s32 $0xFFFFF800  }
0x313: {  	_ =	swait.ge [sflag:s31], $0x800  }
0x314: {  	[sflag:s31] =	ssyncset.done $0x0  }
0x315: {  	[sflag:s31] =	ssyncadd.s32 $0xFFFFF800  }
0x316: {  	_ =	swait.ge [sflag:s31], $0x800  }
0x317: {  	[sflag:s31] =	ssyncset.done $0x0  }
0x318: {  	[sflag:s31] =	ssyncadd.s32 $0xFFFFF800  }
0x319: {  	_ =	swait.ge [sflag:s31], $0x800  }
0x31a: {  	[sflag:s31] =	ssyncset.done $0x0  }
0x31b: {  	[sflag:s31] =	ssyncadd.s32 $0xFFFFF800  }
0x31c: {  	_ =	swait.ge [sflag:s31], $0x800  }
0x31d: {  	[sflag:s31] =	ssyncset.done $0x0  }
0x31e: {  	[sflag:s31] =	ssyncadd.s32 $0xFFFFF800  }
0x31f: {  	_ =	swait.ge [sflag:s31], $0x800  }
0x320: {  	[sflag:s31] =	ssyncset.done $0x0  }
0x321: {  	[sflag:s31] =	ssyncadd.s32 $0xFFFFF800  }
0x322: {  	_ =	swait.ge [sflag:s31], $0x800  }
0x323: {  	[sflag:s31] =	ssyncset.done $0x0  }
0x324: {  	[sflag:s31] =	ssyncadd.s32 $0xFFFFF800  }
0x325: {  	_ =	swait.ge [sflag:s31], $0x800  }
0x326: {  	[sflag:s31] =	ssyncset.done $0x0  }
0x327: {  	s21 =	simm.s32 $0x0;
	[sflag:s31] =	ssyncadd.s32 $0xFFFFF800  }
0x328: {  	v4 =	vld [tilespmem:s21+$0x2900]  }
0x329: {  	v6 =	vld [tilespmem:s21+$0x2910]  }
0x32a: {  	v5 =	vld [tilespmem:s21+$0x2920]  }
0x32b: {  	v3 =	vld [tilespmem:s21+$0x2930]  }
0x32c: {  	v1 =	vld [tilespmem:s21+$0x2940]  }
0x32d: {  	v2 =	vld [tilespmem:s21+$0x2950];
	v7 =	vmul.f32 $3.125000000e-02, v4  }
0x32e: {  	s23 =	simm.s32 $0x200;
	v6 =	vmul.f32 $3.125000000e-02, v6;
	v4 =	vld [tilespmem:s21+$0x2960]  }
.LBB2_13:
0x32f: {  	s2 =	sshra.s32 s23, $0x2;
	p2 =	sne.s32 s23, $0x1E00;
	[tilespmem:s21+$0x2900] =	vst v7;
	v5 =	vmul.f32 $3.125000000e-02, v5;
	v7 =	vld [tilespmem:s21+$0x2970]  }
0x330: {  	v3 =	vmul.f32 $3.125000000e-02, v3;
	v8 =	vld [tilespmem:s2+$0x2900];
	[tilespmem:s21+$0x2910] =	vst v6  }
0x331: {  	v1 =	vmul.f32 $3.125000000e-02, v1;
	v6 =	vld [tilespmem:s2+$0x2910];
	[tilespmem:s21+$0x2920] =	vst v5  }
.Ltmp8:
0x332: {  	v2 =	vmul.f32 $3.125000000e-02, v2;
	v5 =	vld [tilespmem:s2+$0x2920];
	[tilespmem:s21+$0x2930] =	vst v3;
	(pc) =	sbr.rel @p2 .LBB2_13-.Ltmp8, $4  }
0x333: {  	v4 =	vmul.f32 $3.125000000e-02, v4;
	v3 =	vld [tilespmem:s2+$0x2930];
	[tilespmem:s21+$0x2940] =	vst v1  }
0x334: {  	v1 =	vld [tilespmem:s2+$0x2940];
	[tilespmem:s21+$0x2950] =	vst v2;
	v9 =	vmul.f32 $3.125000000e-02, v7  }
0x335: {  	v7 =	vmul.f32 $3.125000000e-02, v8;
	v2 =	vld [tilespmem:s2+$0x2950];
	[tilespmem:s21+$0x2960] =	vst v4  }
0x336: {  	s23 =	sadd.s32 $0x200, s23;
	v6 =	vmul.f32 $3.125000000e-02, v6;
	v4 =	vld [tilespmem:s2+$0x2960];
	[tilespmem:s21+$0x2970] =	vst v9;
	s21 =	smov.u32 s2  }
.Ltmp9:
0x337: {  	_ = 	snop;
	(pc) =	sbr.rel .LBB2_14-.Ltmp9, $1  }
0x338: {  	_ =	sdelay $0x3  }
.LBB2_16:
0x339: {  	_ =	sfence.sel $0x180000  }
0x33a: {  	[bflag:$0x0] =	sbarrier.arrive $0xFFFF  }
0x33b: {  	_ =	strace $0x90000047  }
0x33c: {  	s0 =	stileid.u32;
	[bflag:$0x2] =	sbarrier.arrive $0xFFFF  }
0x33d: {  	p0 =	sne.s32 s0, $0x0;
	s0 =	rddreg [dreg:$0x4]  }
0x33e: {  	s0 =	sadd.s32 @!p0 $0x100000, s0  }
0x33f: {  	[sflag:s0] =	ssyncadd.tile.s32 @!p0 $0x1;
	_ =	shalt  }
.Lfunc_end2:
_tile_overlayer_lowered:
.L_overlay_start_2:
0x340: {  	(tag) =	ssettag $0x2  }
0x341: {  	s0 =	rddreg [dreg:$0x0];
	s2 =	stileid.u32  }
0x342: {  	s1 =	rddreg [dreg:$0x1];
	p0 =	sne.s32 s2, $0x0  }
0x343: {  	s3 =	rddreg [dreg:$0x2];
	[bflag:$0x3] =	sbarrier.arrive $0xFFFF;
	s2 =	simm.s32 @!p0 $0x1C08  }
0x344: {  	[timem:s3], [sflag:s2] =	dma.local @!p0 [hbm:s0], s1  }
0x345: {  	s0 =	simm.s32 @!p0 $0x8  }
0x346: {  	_ =	swait.ge @!p0 [sflag:s0], s1  }
0x347: {  	s1 =	ssub.s32 @!p0 $0x0, s1;
	[sflag:s0] =	ssyncset.done @!p0 $0x0  }
0x348: {  	[sflag:s0] =	ssyncadd.s32 @!p0 s1  }
0x349: {  	[bflag:$0x3] =	sbarrier.arrive $0xFFFF  }
0x34a: {  	_ =	shalt  }

</sc_bundles>
